<compile_context>
chip_gen: v7x
topology: tpu7x:2x2x1
jax: 0.10.2.dev20260603
libtpu: 0.0.44.dev20260713+nightly
codegen_flags: <defaults>
</compile_context>

<pallas_src>
import functools

import jax
import jax.numpy as jnp
from jax import lax
from jax.experimental import pallas as pl
from jax.experimental.pallas import tpu as pltpu
from jax.experimental.pallas import tpu_sc as plsc

_INTERP = False

XPAD = 16


def _silu(v):
    return v * jax.nn.sigmoid(v)



def _proj_body(h_ref, x_ref, wat_ref, wbt_ref, p_ref, q_ref):
    hblk = h_ref[...]
    hdim = wat_ref.shape[1]
    xblk = jnp.pad(x_ref[...], ((0, 0), (0, hdim - x_ref.shape[1])))
    p_ref[:, :hdim] = jnp.dot(hblk, wat_ref[...], preferred_element_type=jnp.float32)
    p_ref[:, hdim:] = xblk
    q_ref[:, :hdim] = jnp.dot(hblk, wbt_ref[...], preferred_element_type=jnp.float32)
    q_ref[:, hdim:] = xblk


def _node_proj(h, x, wat, wbt):
    n, d = h.shape
    hdim = wat.shape[1]
    bn = 1000
    grid = (n // bn,)
    return pl.pallas_call(
        _proj_body,
        grid=grid,
        in_specs=[
            pl.BlockSpec((bn, d), lambda i: (i, 0)),
            pl.BlockSpec((bn, 3), lambda i: (i, 0)),
            pl.BlockSpec((d, hdim), lambda i: (0, 0)),
            pl.BlockSpec((d, hdim), lambda i: (0, 0)),
        ],
        out_specs=[
            pl.BlockSpec((bn, 2 * hdim), lambda i: (i, 0)),
            pl.BlockSpec((bn, 2 * hdim), lambda i: (i, 0)),
        ],
        out_shape=[
            jax.ShapeDtypeStruct((n, 2 * hdim), jnp.float32),
            jax.ShapeDtypeStruct((n, 2 * hdim), jnp.float32),
        ],
        interpret=_INTERP,
    )(h, x, wat, wbt)



def _edge_body(pq_ref, ea_ref, wd16_ref, wet_ref,
               b1_ref, w2t_ref, b2_ref, cw1t_ref, cb1_ref, cw2_ref,
               mout_ref, tout_ref):
    hdim = wd16_ref.shape[1]
    diff = pq_ref[:, hdim:hdim + XPAD]
    m1 = (pq_ref[:, :hdim]
          + jnp.dot(diff * diff, wd16_ref[...], preferred_element_type=jnp.float32)
          + jnp.dot(ea_ref[...], wet_ref[...], preferred_element_type=jnp.float32)
          + b1_ref[...])
    m = _silu(m1)
    m_ij = _silu(jnp.dot(m, w2t_ref[...], preferred_element_type=jnp.float32)
                 + b2_ref[...])
    c = _silu(jnp.dot(m_ij, cw1t_ref[...], preferred_element_type=jnp.float32)
              + cb1_ref[...])
    coef = jnp.sum(c * cw2_ref[...], axis=1, keepdims=True)
    mout_ref[...] = m_ij
    tout_ref[...] = jnp.pad(diff * coef, ((0, 0), (0, hdim - diff.shape[1])))


def _edge_mlp(pq_rows, ea, wd16, wet, b1, w2t, b2, cw1t, cb1, cw2):
    e, w2 = pq_rows.shape
    hdim = w2 // 2
    de = ea.shape[1]
    be = 2000
    grid = (e // be,)
    full = lambda i: (0, 0)
    return pl.pallas_call(
        _edge_body,
        grid=grid,
        in_specs=[
            pl.BlockSpec((be, w2), lambda i: (i, 0)),
            pl.BlockSpec((be, de), lambda i: (i, 0)),
            pl.BlockSpec((XPAD, hdim), full),
            pl.BlockSpec((de, hdim), full),
            pl.BlockSpec((1, hdim), full),
            pl.BlockSpec((hdim, hdim), full),
            pl.BlockSpec((1, hdim), full),
            pl.BlockSpec((hdim, hdim), full),
            pl.BlockSpec((1, hdim), full),
            pl.BlockSpec((1, hdim), full),
        ],
        out_specs=[
            pl.BlockSpec((be, hdim), lambda i: (i, 0)),
            pl.BlockSpec((be, hdim), lambda i: (i, 0)),
        ],
        out_shape=[
            jax.ShapeDtypeStruct((e, hdim), jnp.float32),
            jax.ShapeDtypeStruct((e, hdim), jnp.float32),
        ],
        interpret=_INTERP,
    )(pq_rows, ea, wd16, wet, b1, w2t, b2, cw1t, cb1, cw2)



def _node_body(h_ref, x_ref, m0_ref, t0_ref, m1_ref, t1_ref,
               w1at_ref, w1bt_ref, nb1_ref,
               w2t_ref, nb2_ref, g_ref, b_ref, ho_ref, xo_ref):
    m_i = m0_ref[...] + m1_ref[...]
    x_agg = (t0_ref[...] + t1_ref[...])[:, :3]
    xo_ref[...] = x_ref[...] + x_agg
    hblk = h_ref[...]
    hh = _silu(jnp.dot(hblk, w1at_ref[...], preferred_element_type=jnp.float32)
               + jnp.dot(m_i, w1bt_ref[...], preferred_element_type=jnp.float32)
               + nb1_ref[...])
    ho = hblk + jnp.dot(hh, w2t_ref[...], preferred_element_type=jnp.float32) + nb2_ref[...]
    mu = jnp.mean(ho, axis=1, keepdims=True)
    ctr = ho - mu
    var = jnp.mean(ctr * ctr, axis=1, keepdims=True)
    ho_ref[...] = ctr * lax.rsqrt(var + 1e-5) * g_ref[...] + b_ref[...]


def _node_update(h, x, m0, t0, m1, t1, w1at, w1bt, nb1, w2t, nb2, g, b):
    n, d = h.shape
    hdim = w1bt.shape[0]
    bn = 1000
    grid = (n // bn,)
    full = lambda i: (0, 0)
    return pl.pallas_call(
        _node_body,
        grid=grid,
        in_specs=[
            pl.BlockSpec((bn, d), lambda i: (i, 0)),
            pl.BlockSpec((bn, 3), lambda i: (i, 0)),
            pl.BlockSpec((bn, hdim), lambda i: (i, 0)),
            pl.BlockSpec((bn, hdim), lambda i: (i, 0)),
            pl.BlockSpec((bn, hdim), lambda i: (i, 0)),
            pl.BlockSpec((bn, hdim), lambda i: (i, 0)),
            pl.BlockSpec((d, hdim), full),
            pl.BlockSpec((hdim, hdim), full),
            pl.BlockSpec((1, hdim), full),
            pl.BlockSpec((hdim, d), full),
            pl.BlockSpec((1, d), full),
            pl.BlockSpec((1, d), full),
            pl.BlockSpec((1, d), full),
        ],
        out_specs=[
            pl.BlockSpec((bn, d), lambda i: (i, 0)),
            pl.BlockSpec((bn, 3), lambda i: (i, 0)),
        ],
        out_shape=[
            jax.ShapeDtypeStruct((n, d), jnp.float32),
            jax.ShapeDtypeStruct((n, 3), jnp.float32),
        ],
        interpret=_INTERP,
    )(h, x, m0, t0, m1, t1, w1at, w1bt, nb1, w2t, nb2, g, b)



def _pick_ch(ipe):
    for c in range(128, 7, -8):
        if ipe % c == 0:
            return c
    raise ValueError(ipe)


def _edge_gather(p, q, row, col):
    e = row.shape[0]
    w2 = p.shape[1]
    nw = 32
    ipe = e // nw
    ch = _pick_ch(ipe)
    ipw = ipe // ch
    hdim = w2 // 2
    mesh = plsc.VectorSubcoreMesh(core_axis_name="c", subcore_axis_name="s")

    @functools.partial(
        pl.kernel,
        out_type=jax.ShapeDtypeStruct((e, w2), jnp.float32),
        mesh=mesh,
        scratch_types=[
            pltpu.VMEM((ipe,), jnp.int32),
            pltpu.VMEM((ipe,), jnp.int32),
            pltpu.VMEM((ch, w2), jnp.float32),
            pltpu.VMEM((ch, w2), jnp.float32),
            pltpu.VMEM((ch, w2), jnp.float32),
            pltpu.VMEM((ch, w2), jnp.float32),
            pltpu.SemaphoreType.DMA,
            pltpu.SemaphoreType.DMA,
            pltpu.SemaphoreType.DMA,
            pltpu.SemaphoreType.DMA,
            pltpu.SemaphoreType.DMA,
            pltpu.SemaphoreType.DMA,
        ],
    )
    def gather_kernel(p_hbm, q_hbm, row_hbm, col_hbm, po,
                      ir_all, ic_all, pv0, qv0, pv1, qv1,
                      sp0, sq0, sp1, sq1, sw0, sw1):
        cid = lax.axis_index("c")
        sid = lax.axis_index("s")
        wid = sid * 2 + cid
        e0 = wid * ipe
        pltpu.sync_copy(row_hbm.at[pl.ds(e0, ipe)], ir_all)
        pltpu.sync_copy(col_hbm.at[pl.ds(e0, ipe)], ic_all)
        pvs = (pv0, pv1)
        qvs = (qv0, qv1)
        sps = (sp0, sp1)
        sqs = (sq0, sq1)
        sws = (sw0, sw1)

        def issue(j, s):
            lb = j * ch
            pltpu.async_copy(p_hbm.at[ir_all.at[pl.ds(lb, ch)]], pvs[s], sps[s])
            pltpu.async_copy(q_hbm.at[ic_all.at[pl.ds(lb, ch)]], qvs[s], sqs[s])

        issue(0, 0)

        def pair(i, carry):
            for b in (0, 1):
                j = 2 * i + b
                jn = j + 1

                @pl.when(jn < ipw)
                def _():
                    @pl.when(j >= 1)
                    def _():
                        pltpu.make_async_copy(
                            pvs[1 - b], po.at[pl.ds(e0 + (j - 1) * ch, ch)],
                            sws[1 - b]).wait()

                    issue(jn, 1 - b)

                @pl.when(j < ipw)
                def _():
                    lb = j * ch
                    pltpu.make_async_copy(
                        p_hbm.at[ir_all.at[pl.ds(lb, ch)]], pvs[b], sps[b]).wait()
                    pltpu.make_async_copy(
                        q_hbm.at[ic_all.at[pl.ds(lb, ch)]], qvs[b], sqs[b]).wait()
                    p_v = pvs[b]
                    q_v = qvs[b]

                    @plsc.parallel_loop(0, ch, step=1, unroll=4)
                    def crow(r):
                        for k in range(hdim // 16):
                            sl = pl.ds(k * 16, 16)
                            p_v[r, sl] = p_v[r, sl] + q_v[r, sl]
                        dsl = pl.ds(hdim, 16)
                        p_v[r, dsl] = p_v[r, dsl] - q_v[r, dsl]

                    pltpu.async_copy(p_v, po.at[pl.ds(e0 + lb, ch)], sws[b])

            return carry

        lax.fori_loop(0, (ipw + 1) // 2, pair, 0)
        for jl in (ipw - 1, ipw - 2):
            pltpu.make_async_copy(
                pvs[jl % 2], po.at[pl.ds(e0 + jl * ch, ch)], sws[jl % 2]).wait()

    return gather_kernel(p, q, row, col)



def _edge_scatter(mupd, tupd, row, zm):
    e, hdim = mupd.shape
    n = zm.shape[0]
    npc = 16
    ipe = e // npc
    ch = _pick_ch(ipe)
    while (n // 16) % ch:
        ch //= 2
    ipw = ipe // ch
    rows_per_tile = n // 16
    stage_steps = rows_per_tile // ch
    mesh = plsc.VectorSubcoreMesh(core_axis_name="c", subcore_axis_name="s")

    @functools.partial(
        pl.kernel,
        out_type=[
            jax.ShapeDtypeStruct((n, hdim), jnp.float32),
            jax.ShapeDtypeStruct((n, hdim), jnp.float32),
        ],
        mesh=mesh,
        scratch_types=[
            pltpu.VMEM((ch,), jnp.int32),
            pltpu.VMEM((ch,), jnp.int32),
            pltpu.VMEM((ch, hdim), jnp.float32),
            pltpu.VMEM((ch, hdim), jnp.float32),
            pltpu.VMEM_SHARED((n, hdim), jnp.float32),
            pltpu.SemaphoreType.DMA,
            pltpu.SemaphoreType.DMA,
            pltpu.SemaphoreType.DMA,
            pltpu.SemaphoreType.DMA,
        ],
    )
    def scatter_kernel(m_hbm, t_hbm, row_hbm, zm_hbm, macc, tacc,
                       iv0, iv1, uv0, uv1, acc_sh, su0, su1, si0, si1):
        cid = lax.axis_index("c")
        sid = lax.axis_index("s")
        r0 = sid * rows_per_tile
        e0 = sid * ipe
        ivs = (iv0, iv1)
        uvs = (uv0, uv1)
        sus = (su0, su1)
        sis = (si0, si1)

        def zstep(j, carry):
            rb = r0 + j * ch
            pltpu.sync_copy(zm_hbm.at[pl.ds(rb, ch)], uv0)
            pltpu.sync_copy(uv0, acc_sh.at[pl.ds(rb, ch)])
            return carry

        lax.fori_loop(0, stage_steps, zstep, 0)
        plsc.subcore_barrier()

        def make_loop(src_hbm):
            def issue(j, s):
                base = e0 + j * ch
                pltpu.async_copy(row_hbm.at[pl.ds(base, ch)], ivs[s], sis[s])
                pltpu.async_copy(src_hbm.at[pl.ds(base, ch)], uvs[s], sus[s])

            issue(0, 0)

            def pair(i, carry):
                for b in (0, 1):
                    j = 2 * i + b
                    jn = j + 1

                    @pl.when(jn < ipw)
                    def _():
                        issue(jn, 1 - b)

                    @pl.when(j < ipw)
                    def _():
                        base = e0 + j * ch
                        pltpu.make_async_copy(
                            row_hbm.at[pl.ds(base, ch)], ivs[b], sis[b]).wait()
                        pltpu.make_async_copy(
                            src_hbm.at[pl.ds(base, ch)], uvs[b], sus[b]).wait()
                        pltpu.sync_copy(uvs[b], acc_sh.at[ivs[b]], add=True)

                return carry

            lax.fori_loop(0, (ipw + 1) // 2, pair, 0)

        @pl.when(cid == 0)
        def _():
            make_loop(m_hbm)

        @pl.when(cid == 1)
        def _():
            make_loop(t_hbm)

        plsc.subcore_barrier()

        def dstep(j, carry):
            rb = r0 + j * ch
            pltpu.sync_copy(acc_sh.at[pl.ds(rb, ch)], uv0)

            @pl.when(cid == 0)
            def _():
                pltpu.sync_copy(uv0, macc.at[pl.ds(rb, ch)])

            @pl.when(cid == 1)
            def _():
                pltpu.sync_copy(uv0, tacc.at[pl.ds(rb, ch)])

            return carry

        lax.fori_loop(0, stage_steps, dstep, 0)

    return scatter_kernel(mupd, tupd, row, zm)



def kernel(h, x, edge_index, edge_attr, msg_w1, msg_b1, msg_w2, msg_b2,
           node_w1, node_b1, node_w2, node_b2, coord_w1, coord_b1, coord_w2,
           ln_g, ln_b):
    n, d = h.shape
    e = edge_index.shape[1]
    hdim = msg_w2.shape[0]
    de = edge_attr.shape[1]

    row = edge_index[0]
    col = edge_index[1]

    wat = msg_w1[:, :d].T
    wbt = msg_w1[:, d:2 * d].T
    wd = msg_w1[:, 2 * d]
    wet = msg_w1[:, 2 * d + 1:].T
    b1_eff = (msg_b1 + 1e-8 * wd)[None, :]
    wd16 = jnp.broadcast_to(wd[None, :], (XPAD, hdim))
    w2t = msg_w2.T
    b2 = msg_b2[None, :]
    cw1t = coord_w1.T
    cb1 = coord_b1[None, :]
    cw2 = coord_w2
    w1at = node_w1[:, :d].T
    w1bt = node_w1[:, d:].T
    nb1 = node_b1[None, :]
    nw2t = node_w2.T
    nb2 = node_b2[None, :]
    g = ln_g[None, :]
    b = ln_b[None, :]

    p, q = _node_proj(h, x, wat, wbt)

    n_pad = -(-n // 2048) * 2048
    zm = jnp.zeros((n_pad, hdim), dtype=jnp.float32)
    nslice = 2
    es = e // nslice
    parts = []
    for k in range(nslice):
        sl = slice(k * es, (k + 1) * es)
        pq_rows = _edge_gather(p, q, row[sl], col[sl])
        mout, tout = _edge_mlp(pq_rows, edge_attr[sl],
                               wd16, wet, b1_eff, w2t, b2, cw1t, cb1, cw2)
        parts.extend(_edge_scatter(mout, tout, row[sl], zm))

    h_out, x_out = _node_update(h, x, *parts,
                                w1at, w1bt, nb1, nw2t, nb2, g, b)
    return (h_out, x_out)

# --- scband reference (transcript-rebuilt; emitter-appended) ---
"""Pipeline reference for scband-egnnlayer-28613072126360 (READ-ONLY COPY).

The authoritative reference and input builder live on the scoring server;
editing this copy changes nothing except your own understanding.
"""

import jax, jax.numpy as jnp
import numpy as np

N = 10000
E = 320000
D = 128
DE = 16
H = 128


def silu(v):
    return v * jax.nn.sigmoid(v)


def setup_inputs(seed: int = 0) -> dict:
    key = jax.random.key(seed)
    ks = jax.random.split(key, 20)
    inp = {}
    inp["h"] = jax.random.normal(ks[0], (N, D), dtype=jnp.float32)
    inp["x"] = jax.random.normal(ks[1], (N, 3), dtype=jnp.float32)
    inp["edge_index"] = jax.random.randint(ks[2], (2, E), 0, N, dtype=jnp.int32)
    inp["edge_attr"] = jax.random.normal(ks[3], (E, DE), dtype=jnp.float32)
    s = 0.05
    inp["msg_w1"] = jax.random.normal(ks[4], (H, 2 * D + 1 + DE), dtype=jnp.float32) * s
    inp["msg_b1"] = jnp.zeros((H,), dtype=jnp.float32)
    inp["msg_w2"] = jax.random.normal(ks[5], (H, H), dtype=jnp.float32) * s
    inp["msg_b2"] = jnp.zeros((H,), dtype=jnp.float32)
    inp["node_w1"] = jax.random.normal(ks[6], (H, D + H), dtype=jnp.float32) * s
    inp["node_b1"] = jnp.zeros((H,), dtype=jnp.float32)
    inp["node_w2"] = jax.random.normal(ks[7], (D, H), dtype=jnp.float32) * s
    inp["node_b2"] = jnp.zeros((D,), dtype=jnp.float32)
    inp["coord_w1"] = jax.random.normal(ks[8], (H, H), dtype=jnp.float32) * s
    inp["coord_b1"] = jnp.zeros((H,), dtype=jnp.float32)
    inp["coord_w2"] = jax.random.normal(ks[9], (1, H), dtype=jnp.float32) * s
    inp["ln_g"] = jnp.ones((D,), dtype=jnp.float32)
    inp["ln_b"] = jnp.zeros((D,), dtype=jnp.float32)
    return inp


def layer_norm(v, g, b, eps=1e-5):
    mu = jnp.mean(v, axis=-1, keepdims=True)
    var = jnp.var(v, axis=-1, keepdims=True)
    return (v - mu) / jnp.sqrt(var + eps) * g + b


def reference(h, x, edge_index, edge_attr, msg_w1, msg_b1, msg_w2, msg_b2,
              node_w1, node_b1, node_w2, node_b2, coord_w1, coord_b1, coord_w2,
              ln_g, ln_b):
    row = edge_index[0]
    col = edge_index[1]
    diff = x[row] - x[col]
    dist_sq = jnp.sum(diff ** 2, axis=-1, keepdims=True) + 1e-08
    edge_input = jnp.concatenate([h[row], h[col], dist_sq, edge_attr], axis=-1)
    m = silu(edge_input @ msg_w1.T + msg_b1)
    m_ij = silu(m @ msg_w2.T + msg_b2)
    m_i = jax.ops.segment_sum(m_ij, row, num_segments=N)
    c = silu(m_ij @ coord_w1.T + coord_b1)
    coef = c @ coord_w2.T
    trans = diff * coef
    x_agg = jax.ops.segment_sum(trans, row, num_segments=N)
    x_out = x + x_agg
    h_input = jnp.concatenate([h, m_i], axis=-1)
    hh = silu(h_input @ node_w1.T + node_b1)
    h_out = h + (hh @ node_w2.T + node_b2)
    h_out = layer_norm(h_out, ln_g, ln_b)
    return (h_out, x_out)

if __name__ == "__main__":
    import jax
    _d = setup_inputs()
    print(jax.jit(kernel)(*tuple(_d.values())))

</pallas_src>

<mosaic_0001>
#map = affine_map<(d0, d1) -> (0, 0)>
#map1 = affine_map<(d0, d1) -> (0)>
module attributes {stable_mosaic.version = 14 : i64} {
  func.func @gather_kernel(%arg0: i32, %arg1: i32, %arg2: memref<10000x256xf32, #tpu.memory_space<hbm>>, %arg3: memref<10000x256xf32, #tpu.memory_space<hbm>>, %arg4: memref<160000xi32, #tpu.memory_space<hbm>>, %arg5: memref<160000xi32, #tpu.memory_space<hbm>>, %arg6: memref<160000x256xf32, #tpu.memory_space<hbm>>, %arg7: memref<5000xi32, #tpu.memory_space<vmem>>, %arg8: memref<5000xi32, #tpu.memory_space<vmem>>, %arg9: memref<40x256xf32, #tpu.memory_space<vmem>>, %arg10: memref<40x256xf32, #tpu.memory_space<vmem>>, %arg11: memref<40x256xf32, #tpu.memory_space<vmem>>, %arg12: memref<40x256xf32, #tpu.memory_space<vmem>>, %arg13: memref<!tpu.dma_semaphore, #tpu.memory_space<semaphore_mem>>, %arg14: memref<!tpu.dma_semaphore, #tpu.memory_space<semaphore_mem>>, %arg15: memref<!tpu.dma_semaphore, #tpu.memory_space<semaphore_mem>>, %arg16: memref<!tpu.dma_semaphore, #tpu.memory_space<semaphore_mem>>, %arg17: memref<!tpu.dma_semaphore, #tpu.memory_space<semaphore_mem>>, %arg18: memref<!tpu.dma_semaphore, #tpu.memory_space<semaphore_mem>>) attributes {dimension_semantics = [#tpu.dimension_semantics<core_parallel>, #tpu.dimension_semantics<subcore_parallel>], iteration_bounds = array<i64: 2, 16>, scalar_prefetch = 0 : i64, scratch_operands = 12 : i64, tpu.core_type = #tpu.core_type<sc_vector_subcore>, window_params = [{transform_indices = #map}, {transform_indices = #map}, {transform_indices = #map1}, {transform_indices = #map1}, {transform_indices = #map}]} {
    %mul3A = arith.constant 2 : i32
    %mul3A_0 = arith.muli %arg1, %mul3A : i32
    %add3A = arith.addi %mul3A_0, %arg0 : i32
    %mul3A_1 = arith.constant 5000 : i32
    %mul3A_2 = arith.muli %add3A, %mul3A_1 : i32
    "tpu.region"() ({
      %run_scoped3A = tpu.sem_alloc : memref<!tpu.dma_semaphore, #tpu.memory_space<semaphore_mem>>
      %dma_start3A_28 = tpu.memref_slice %arg4[%mul3A_2] : memref<160000xi32, #tpu.memory_space<hbm>> -> memref<5000xi32, #tpu.memory_space<hbm>>
      %dma_start3A_29 = tpu.memref_slice %arg4[%mul3A_2] : memref<160000xi32, #tpu.memory_space<hbm>> -> memref<5000xi32, #tpu.memory_space<hbm>>
      tpu.enqueue_dma source(%dma_start3A_29 : memref<5000xi32, #tpu.memory_space<hbm>>) target(%arg7 : memref<5000xi32, #tpu.memory_space<vmem>>) target_semaphore(%run_scoped3A : memref<!tpu.dma_semaphore, #tpu.memory_space<semaphore_mem>>)
      %dma_wait3A_30 = tpu.memref_slice %arg4[%mul3A_2] : memref<160000xi32, #tpu.memory_space<hbm>> -> memref<5000xi32, #tpu.memory_space<hbm>>
      %dma_wait3A_31 = tpu.memref_slice %arg4[%mul3A_2] : memref<160000xi32, #tpu.memory_space<hbm>> -> memref<5000xi32, #tpu.memory_space<hbm>>
      tpu.wait_dma2 semaphore(%run_scoped3A : memref<!tpu.dma_semaphore, #tpu.memory_space<semaphore_mem>>) src(%dma_wait3A_31 : memref<5000xi32, #tpu.memory_space<hbm>>) dst(%arg7 : memref<5000xi32, #tpu.memory_space<vmem>>)
      tpu.yield
    }) : () -> ()
    "tpu.region"() ({
      %run_scoped3A = tpu.sem_alloc : memref<!tpu.dma_semaphore, #tpu.memory_space<semaphore_mem>>
      %dma_start3A_28 = tpu.memref_slice %arg5[%mul3A_2] : memref<160000xi32, #tpu.memory_space<hbm>> -> memref<5000xi32, #tpu.memory_space<hbm>>
      %dma_start3A_29 = tpu.memref_slice %arg5[%mul3A_2] : memref<160000xi32, #tpu.memory_space<hbm>> -> memref<5000xi32, #tpu.memory_space<hbm>>
      tpu.enqueue_dma source(%dma_start3A_29 : memref<5000xi32, #tpu.memory_space<hbm>>) target(%arg8 : memref<5000xi32, #tpu.memory_space<vmem>>) target_semaphore(%run_scoped3A : memref<!tpu.dma_semaphore, #tpu.memory_space<semaphore_mem>>)
      %dma_wait3A_30 = tpu.memref_slice %arg5[%mul3A_2] : memref<160000xi32, #tpu.memory_space<hbm>> -> memref<5000xi32, #tpu.memory_space<hbm>>
      %dma_wait3A_31 = tpu.memref_slice %arg5[%mul3A_2] : memref<160000xi32, #tpu.memory_space<hbm>> -> memref<5000xi32, #tpu.memory_space<hbm>>
      tpu.wait_dma2 semaphore(%run_scoped3A : memref<!tpu.dma_semaphore, #tpu.memory_space<semaphore_mem>>) src(%dma_wait3A_31 : memref<5000xi32, #tpu.memory_space<hbm>>) dst(%arg8 : memref<5000xi32, #tpu.memory_space<vmem>>)
      tpu.yield
    }) : () -> ()
    %dma_start3A = arith.constant 0 : i32
    %dma_start3A_3 = tpu.memref_slice %arg7[%dma_start3A] : memref<5000xi32, #tpu.memory_space<vmem>> -> memref<40xi32, #tpu.memory_space<vmem>>
    %dma_start3A_4 = arith.constant 0 : i32
    %dma_start3A_5 = arith.constant 0 : i32
    %dma_start3A_6 = tpu.memref_slice %arg2[%dma_start3A_4, %dma_start3A_5] : memref<10000x256xf32, #tpu.memory_space<hbm>> -> memref<10000x256xf32, #tpu.memory_space<hbm>>
    tpu.enqueue_indirect_dma source(%dma_start3A_6 : memref<10000x256xf32, #tpu.memory_space<hbm>>) target(%arg9 : memref<40x256xf32, #tpu.memory_space<vmem>>) offsets(%dma_start3A_3 : memref<40xi32, #tpu.memory_space<vmem>>) semaphore(%arg13 : memref<!tpu.dma_semaphore, #tpu.memory_space<semaphore_mem>>)
    %dma_start3A_7 = arith.constant 0 : i32
    %dma_start3A_8 = tpu.memref_slice %arg8[%dma_start3A_7] : memref<5000xi32, #tpu.memory_space<vmem>> -> memref<40xi32, #tpu.memory_space<vmem>>
    %dma_start3A_9 = arith.constant 0 : i32
    %dma_start3A_10 = arith.constant 0 : i32
    %dma_start3A_11 = tpu.memref_slice %arg3[%dma_start3A_9, %dma_start3A_10] : memref<10000x256xf32, #tpu.memory_space<hbm>> -> memref<10000x256xf32, #tpu.memory_space<hbm>>
    tpu.enqueue_indirect_dma source(%dma_start3A_11 : memref<10000x256xf32, #tpu.memory_space<hbm>>) target(%arg10 : memref<40x256xf32, #tpu.memory_space<vmem>>) offsets(%dma_start3A_8 : memref<40xi32, #tpu.memory_space<vmem>>) semaphore(%arg14 : memref<!tpu.dma_semaphore, #tpu.memory_space<semaphore_mem>>)
    %scan3A = arith.constant 0 : i32
    %scan3A_12 = arith.constant 0 : i32
    %scan3A_13 = arith.constant 63 : i32
    %scan3A_14 = arith.addi %scan3A_12, %scan3A_13 : i32
    %scan3A_15 = arith.constant 1 : i32
    scf.for %scan3A_28 = %scan3A_12 to %scan3A_14 step %scan3A_15  : i32 {
      %mul3A_29 = arith.constant 2 : i32
      %mul3A_30 = arith.muli %mul3A_29, %scan3A_28 : i32
      %add3A_31 = arith.constant 0 : i32
      %add3A_32 = arith.addi %mul3A_30, %add3A_31 : i32
      %add3A_33 = arith.constant 1 : i32
      %add3A_34 = arith.addi %add3A_32, %add3A_33 : i32
      %lt3A = arith.constant 125 : i32
      %lt3A_35 = arith.cmpi slt, %add3A_34, %lt3A : i32
      %convert_element_type3A = arith.extui %lt3A_35 : i1 to i32
      %cond3A = arith.constant 0 : i32
      %cond3A_36 = arith.cmpi ne, %convert_element_type3A, %cond3A : i32
      scf.if %cond3A_36 {
        %ge3A = arith.constant 1 : i32
        %ge3A_58 = arith.cmpi sge, %add3A_32, %ge3A : i32
        %convert_element_type3A_59 = arith.extui %ge3A_58 : i1 to i32
        %cond3A_60 = arith.constant 0 : i32
        %cond3A_61 = arith.cmpi ne, %convert_element_type3A_59, %cond3A_60 : i32
        scf.if %cond3A_61 {
          %sub3A = arith.constant 1 : i32
          %sub3A_72 = arith.subi %add3A_32, %sub3A : i32
          %mul3A_73 = arith.constant 40 : i32
          %mul3A_74 = arith.muli %sub3A_72, %mul3A_73 : i32
          %add3A_75 = arith.addi %mul3A_2, %mul3A_74 : i32
          %dma_wait3A_76 = arith.constant 0 : i32
          %dma_wait3A_77 = tpu.memref_slice %arg6[%add3A_75, %dma_wait3A_76] : memref<160000x256xf32, #tpu.memory_space<hbm>> -> memref<40x256xf32, #tpu.memory_space<hbm>>
          %dma_wait3A_78 = arith.constant 0 : i32
          %dma_wait3A_79 = tpu.memref_slice %arg6[%add3A_75, %dma_wait3A_78] : memref<160000x256xf32, #tpu.memory_space<hbm>> -> memref<40x256xf32, #tpu.memory_space<hbm>>
          tpu.wait_dma2 semaphore(%arg18 : memref<!tpu.dma_semaphore, #tpu.memory_space<semaphore_mem>>) src(%arg11 : memref<40x256xf32, #tpu.memory_space<vmem>>) dst(%dma_wait3A_79 : memref<40x256xf32, #tpu.memory_space<hbm>>)
        } else {
        }
        %mul3A_62 = arith.constant 40 : i32
        %mul3A_63 = arith.muli %add3A_34, %mul3A_62 : i32
        %dma_start3A_64 = tpu.memref_slice %arg7[%mul3A_63] : memref<5000xi32, #tpu.memory_space<vmem>> -> memref<40xi32, #tpu.memory_space<vmem>>
        %dma_start3A_65 = arith.constant 0 : i32
        %dma_start3A_66 = arith.constant 0 : i32
        %dma_start3A_67 = tpu.memref_slice %arg2[%dma_start3A_65, %dma_start3A_66] : memref<10000x256xf32, #tpu.memory_space<hbm>> -> memref<10000x256xf32, #tpu.memory_space<hbm>>
        tpu.enqueue_indirect_dma source(%dma_start3A_67 : memref<10000x256xf32, #tpu.memory_space<hbm>>) target(%arg11 : memref<40x256xf32, #tpu.memory_space<vmem>>) offsets(%dma_start3A_64 : memref<40xi32, #tpu.memory_space<vmem>>) semaphore(%arg15 : memref<!tpu.dma_semaphore, #tpu.memory_space<semaphore_mem>>)
        %dma_start3A_68 = tpu.memref_slice %arg8[%mul3A_63] : memref<5000xi32, #tpu.memory_space<vmem>> -> memref<40xi32, #tpu.memory_space<vmem>>
        %dma_start3A_69 = arith.constant 0 : i32
        %dma_start3A_70 = arith.constant 0 : i32
        %dma_start3A_71 = tpu.memref_slice %arg3[%dma_start3A_69, %dma_start3A_70] : memref<10000x256xf32, #tpu.memory_space<hbm>> -> memref<10000x256xf32, #tpu.memory_space<hbm>>
        tpu.enqueue_indirect_dma source(%dma_start3A_71 : memref<10000x256xf32, #tpu.memory_space<hbm>>) target(%arg12 : memref<40x256xf32, #tpu.memory_space<vmem>>) offsets(%dma_start3A_68 : memref<40xi32, #tpu.memory_space<vmem>>) semaphore(%arg16 : memref<!tpu.dma_semaphore, #tpu.memory_space<semaphore_mem>>)
      } else {
      }
      %lt3A_37 = arith.constant 125 : i32
      %lt3A_38 = arith.cmpi slt, %add3A_32, %lt3A_37 : i32
      %convert_element_type3A_39 = arith.extui %lt3A_38 : i1 to i32
      %cond3A_40 = arith.constant 0 : i32
      %cond3A_41 = arith.cmpi ne, %convert_element_type3A_39, %cond3A_40 : i32
      scf.if %cond3A_41 {
        %mul3A_58 = arith.constant 40 : i32
        %mul3A_59 = arith.muli %add3A_32, %mul3A_58 : i32
        %dma_wait3A_60 = tpu.memref_slice %arg7[%mul3A_59] : memref<5000xi32, #tpu.memory_space<vmem>> -> memref<40xi32, #tpu.memory_space<vmem>>
        %dma_wait3A_61 = arith.constant 0 : i32
        %dma_wait3A_62 = arith.constant 0 : i32
        %dma_wait3A_63 = tpu.memref_slice %arg2[%dma_wait3A_61, %dma_wait3A_62] : memref<10000x256xf32, #tpu.memory_space<hbm>> -> memref<10000x256xf32, #tpu.memory_space<hbm>>
        tpu.wait_indirect_dma semaphore(%arg13 : memref<!tpu.dma_semaphore, #tpu.memory_space<semaphore_mem>>) src(%dma_wait3A_63 : memref<10000x256xf32, #tpu.memory_space<hbm>>) dst(%arg9 : memref<40x256xf32, #tpu.memory_space<vmem>>)
        %dma_wait3A_64 = tpu.memref_slice %arg8[%mul3A_59] : memref<5000xi32, #tpu.memory_space<vmem>> -> memref<40xi32, #tpu.memory_space<vmem>>
        %dma_wait3A_65 = arith.constant 0 : i32
        %dma_wait3A_66 = arith.constant 0 : i32
        %dma_wait3A_67 = tpu.memref_slice %arg3[%dma_wait3A_65, %dma_wait3A_66] : memref<10000x256xf32, #tpu.memory_space<hbm>> -> memref<10000x256xf32, #tpu.memory_space<hbm>>
        tpu.wait_indirect_dma semaphore(%arg14 : memref<!tpu.dma_semaphore, #tpu.memory_space<semaphore_mem>>) src(%dma_wait3A_67 : memref<10000x256xf32, #tpu.memory_space<hbm>>) dst(%arg10 : memref<40x256xf32, #tpu.memory_space<vmem>>)
        %parallel_loop3A = arith.constant 0 : i32
        %parallel_loop3A_68 = arith.constant 40 : i32
        %parallel_loop3A_69 = arith.constant 1 : i32
        scf.for %parallel_loop3A_75 = %parallel_loop3A to %parallel_loop3A_68 step %parallel_loop3A_69  : i32 {
          %parallel_loop3A_76 = arith.index_cast %parallel_loop3A_75 : i32 to index
          %parallel_loop3A_77 = arith.constant 0 : index
          %parallel_loop3A_78 = tpu.vector_load %arg9[%parallel_loop3A_76, %parallel_loop3A_77] {strides = array<i32>} : memref<40x256xf32, #tpu.memory_space<vmem>>, vector<1x16xf32>,
          %parallel_loop3A_79 = vector.shape_cast %parallel_loop3A_78 : vector<1x16xf32> to vector<16xf32>
          %parallel_loop3A_80 = arith.index_cast %parallel_loop3A_75 : i32 to index
          %parallel_loop3A_81 = arith.constant 0 : index
          %parallel_loop3A_82 = tpu.vector_load %arg10[%parallel_loop3A_80, %parallel_loop3A_81] {strides = array<i32>} : memref<40x256xf32, #tpu.memory_space<vmem>>, vector<1x16xf32>,
          %parallel_loop3A_83 = vector.shape_cast %parallel_loop3A_82 : vector<1x16xf32> to vector<16xf32>
          %parallel_loop3A_84 = arith.addf %parallel_loop3A_79, %parallel_loop3A_83 : vector<16xf32>
          %parallel_loop3A_85 = arith.index_cast %parallel_loop3A_75 : i32 to index
          %parallel_loop3A_86 = arith.constant 0 : index
          %parallel_loop3A_87 = tpu.vector_load %arg9[%parallel_loop3A_85, %parallel_loop3A_86] {strides = array<i32>} : memref<40x256xf32, #tpu.memory_space<vmem>>, vector<1x16xf32>,
          %parallel_loop3A_88 = vector.shape_cast %parallel_loop3A_87 : vector<1x16xf32> to vector<16xf32>
          %parallel_loop3A_89 = vector.shape_cast %parallel_loop3A_84 : vector<16xf32> to vector<1x16xf32>
          tpu.vector_store %arg9[%parallel_loop3A_85, %parallel_loop3A_86], %parallel_loop3A_89 {strides = array<i32>} : memref<40x256xf32, #tpu.memory_space<vmem>>, vector<1x16xf32>,
          %parallel_loop3A_90 = arith.index_cast %parallel_loop3A_75 : i32 to index
          %parallel_loop3A_91 = arith.constant 16 : index
          %parallel_loop3A_92 = tpu.vector_load %arg9[%parallel_loop3A_90, %parallel_loop3A_91] {strides = array<i32>} : memref<40x256xf32, #tpu.memory_space<vmem>>, vector<1x16xf32>,
          %parallel_loop3A_93 = vector.shape_cast %parallel_loop3A_92 : vector<1x16xf32> to vector<16xf32>
          %parallel_loop3A_94 = arith.index_cast %parallel_loop3A_75 : i32 to index
          %parallel_loop3A_95 = arith.constant 16 : index
          %parallel_loop3A_96 = tpu.vector_load %arg10[%parallel_loop3A_94, %parallel_loop3A_95] {strides = array<i32>} : memref<40x256xf32, #tpu.memory_space<vmem>>, vector<1x16xf32>,
          %parallel_loop3A_97 = vector.shape_cast %parallel_loop3A_96 : vector<1x16xf32> to vector<16xf32>
          %parallel_loop3A_98 = arith.addf %parallel_loop3A_93, %parallel_loop3A_97 : vector<16xf32>
          %parallel_loop3A_99 = arith.index_cast %parallel_loop3A_75 : i32 to index
          %parallel_loop3A_100 = arith.constant 16 : index
          %parallel_loop3A_101 = tpu.vector_load %arg9[%parallel_loop3A_99, %parallel_loop3A_100] {strides = array<i32>} : memref<40x256xf32, #tpu.memory_space<vmem>>, vector<1x16xf32>,
          %parallel_loop3A_102 = vector.shape_cast %parallel_loop3A_101 : vector<1x16xf32> to vector<16xf32>
          %parallel_loop3A_103 = vector.shape_cast %parallel_loop3A_98 : vector<16xf32> to vector<1x16xf32>
          tpu.vector_store %arg9[%parallel_loop3A_99, %parallel_loop3A_100], %parallel_loop3A_103 {strides = array<i32>} : memref<40x256xf32, #tpu.memory_space<vmem>>, vector<1x16xf32>,
          %parallel_loop3A_104 = arith.index_cast %parallel_loop3A_75 : i32 to index
          %parallel_loop3A_105 = arith.constant 32 : index
          %parallel_loop3A_106 = tpu.vector_load %arg9[%parallel_loop3A_104, %parallel_loop3A_105] {strides = array<i32>} : memref<40x256xf32, #tpu.memory_space<vmem>>, vector<1x16xf32>,
          %parallel_loop3A_107 = vector.shape_cast %parallel_loop3A_106 : vector<1x16xf32> to vector<16xf32>
          %parallel_loop3A_108 = arith.index_cast %parallel_loop3A_75 : i32 to index
          %parallel_loop3A_109 = arith.constant 32 : index
          %parallel_loop3A_110 = tpu.vector_load %arg10[%parallel_loop3A_108, %parallel_loop3A_109] {strides = array<i32>} : memref<40x256xf32, #tpu.memory_space<vmem>>, vector<1x16xf32>,
          %parallel_loop3A_111 = vector.shape_cast %parallel_loop3A_110 : vector<1x16xf32> to vector<16xf32>
          %parallel_loop3A_112 = arith.addf %parallel_loop3A_107, %parallel_loop3A_111 : vector<16xf32>
          %parallel_loop3A_113 = arith.index_cast %parallel_loop3A_75 : i32 to index
          %parallel_loop3A_114 = arith.constant 32 : index
          %parallel_loop3A_115 = tpu.vector_load %arg9[%parallel_loop3A_113, %parallel_loop3A_114] {strides = array<i32>} : memref<40x256xf32, #tpu.memory_space<vmem>>, vector<1x16xf32>,
          %parallel_loop3A_116 = vector.shape_cast %parallel_loop3A_115 : vector<1x16xf32> to vector<16xf32>
          %parallel_loop3A_117 = vector.shape_cast %parallel_loop3A_112 : vector<16xf32> to vector<1x16xf32>
          tpu.vector_store %arg9[%parallel_loop3A_113, %parallel_loop3A_114], %parallel_loop3A_117 {strides = array<i32>} : memref<40x256xf32, #tpu.memory_space<vmem>>, vector<1x16xf32>,
          %parallel_loop3A_118 = arith.index_cast %parallel_loop3A_75 : i32 to index
          %parallel_loop3A_119 = arith.constant 48 : index
          %parallel_loop3A_120 = tpu.vector_load %arg9[%parallel_loop3A_118, %parallel_loop3A_119] {strides = array<i32>} : memref<40x256xf32, #tpu.memory_space<vmem>>, vector<1x16xf32>,
          %parallel_loop3A_121 = vector.shape_cast %parallel_loop3A_120 : vector<1x16xf32> to vector<16xf32>
          %parallel_loop3A_122 = arith.index_cast %parallel_loop3A_75 : i32 to index
          %parallel_loop3A_123 = arith.constant 48 : index
          %parallel_loop3A_124 = tpu.vector_load %arg10[%parallel_loop3A_122, %parallel_loop3A_123] {strides = array<i32>} : memref<40x256xf32, #tpu.memory_space<vmem>>, vector<1x16xf32>,
          %parallel_loop3A_125 = vector.shape_cast %parallel_loop3A_124 : vector<1x16xf32> to vector<16xf32>
          %parallel_loop3A_126 = arith.addf %parallel_loop3A_121, %parallel_loop3A_125 : vector<16xf32>
          %parallel_loop3A_127 = arith.index_cast %parallel_loop3A_75 : i32 to index
          %parallel_loop3A_128 = arith.constant 48 : index
          %parallel_loop3A_129 = tpu.vector_load %arg9[%parallel_loop3A_127, %parallel_loop3A_128] {strides = array<i32>} : memref<40x256xf32, #tpu.memory_space<vmem>>, vector<1x16xf32>,
          %parallel_loop3A_130 = vector.shape_cast %parallel_loop3A_129 : vector<1x16xf32> to vector<16xf32>
          %parallel_loop3A_131 = vector.shape_cast %parallel_loop3A_126 : vector<16xf32> to vector<1x16xf32>
          tpu.vector_store %arg9[%parallel_loop3A_127, %parallel_loop3A_128], %parallel_loop3A_131 {strides = array<i32>} : memref<40x256xf32, #tpu.memory_space<vmem>>, vector<1x16xf32>,
          %parallel_loop3A_132 = arith.index_cast %parallel_loop3A_75 : i32 to index
          %parallel_loop3A_133 = arith.constant 64 : index
          %parallel_loop3A_134 = tpu.vector_load %arg9[%parallel_loop3A_132, %parallel_loop3A_133] {strides = array<i32>} : memref<40x256xf32, #tpu.memory_space<vmem>>, vector<1x16xf32>,
          %parallel_loop3A_135 = vector.shape_cast %parallel_loop3A_134 : vector<1x16xf32> to vector<16xf32>
          %parallel_loop3A_136 = arith.index_cast %parallel_loop3A_75 : i32 to index
          %parallel_loop3A_137 = arith.constant 64 : index
          %parallel_loop3A_138 = tpu.vector_load %arg10[%parallel_loop3A_136, %parallel_loop3A_137] {strides = array<i32>} : memref<40x256xf32, #tpu.memory_space<vmem>>, vector<1x16xf32>,
          %parallel_loop3A_139 = vector.shape_cast %parallel_loop3A_138 : vector<1x16xf32> to vector<16xf32>
          %parallel_loop3A_140 = arith.addf %parallel_loop3A_135, %parallel_loop3A_139 : vector<16xf32>
          %parallel_loop3A_141 = arith.index_cast %parallel_loop3A_75 : i32 to index
          %parallel_loop3A_142 = arith.constant 64 : index
          %parallel_loop3A_143 = tpu.vector_load %arg9[%parallel_loop3A_141, %parallel_loop3A_142] {strides = array<i32>} : memref<40x256xf32, #tpu.memory_space<vmem>>, vector<1x16xf32>,
          %parallel_loop3A_144 = vector.shape_cast %parallel_loop3A_143 : vector<1x16xf32> to vector<16xf32>
          %parallel_loop3A_145 = vector.shape_cast %parallel_loop3A_140 : vector<16xf32> to vector<1x16xf32>
          tpu.vector_store %arg9[%parallel_loop3A_141, %parallel_loop3A_142], %parallel_loop3A_145 {strides = array<i32>} : memref<40x256xf32, #tpu.memory_space<vmem>>, vector<1x16xf32>,
          %parallel_loop3A_146 = arith.index_cast %parallel_loop3A_75 : i32 to index
          %parallel_loop3A_147 = arith.constant 80 : index
          %parallel_loop3A_148 = tpu.vector_load %arg9[%parallel_loop3A_146, %parallel_loop3A_147] {strides = array<i32>} : memref<40x256xf32, #tpu.memory_space<vmem>>, vector<1x16xf32>,
          %parallel_loop3A_149 = vector.shape_cast %parallel_loop3A_148 : vector<1x16xf32> to vector<16xf32>
          %parallel_loop3A_150 = arith.index_cast %parallel_loop3A_75 : i32 to index
          %parallel_loop3A_151 = arith.constant 80 : index
          %parallel_loop3A_152 = tpu.vector_load %arg10[%parallel_loop3A_150, %parallel_loop3A_151] {strides = array<i32>} : memref<40x256xf32, #tpu.memory_space<vmem>>, vector<1x16xf32>,
          %parallel_loop3A_153 = vector.shape_cast %parallel_loop3A_152 : vector<1x16xf32> to vector<16xf32>
          %parallel_loop3A_154 = arith.addf %parallel_loop3A_149, %parallel_loop3A_153 : vector<16xf32>
          %parallel_loop3A_155 = arith.index_cast %parallel_loop3A_75 : i32 to index
          %parallel_loop3A_156 = arith.constant 80 : index
          %parallel_loop3A_157 = tpu.vector_load %arg9[%parallel_loop3A_155, %parallel_loop3A_156] {strides = array<i32>} : memref<40x256xf32, #tpu.memory_space<vmem>>, vector<1x16xf32>,
          %parallel_loop3A_158 = vector.shape_cast %parallel_loop3A_157 : vector<1x16xf32> to vector<16xf32>
          %parallel_loop3A_159 = vector.shape_cast %parallel_loop3A_154 : vector<16xf32> to vector<1x16xf32>
          tpu.vector_store %arg9[%parallel_loop3A_155, %parallel_loop3A_156], %parallel_loop3A_159 {strides = array<i32>} : memref<40x256xf32, #tpu.memory_space<vmem>>, vector<1x16xf32>,
          %parallel_loop3A_160 = arith.index_cast %parallel_loop3A_75 : i32 to index
          %parallel_loop3A_161 = arith.constant 96 : index
          %parallel_loop3A_162 = tpu.vector_load %arg9[%parallel_loop3A_160, %parallel_loop3A_161] {strides = array<i32>} : memref<40x256xf32, #tpu.memory_space<vmem>>, vector<1x16xf32>,
          %parallel_loop3A_163 = vector.shape_cast %parallel_loop3A_162 : vector<1x16xf32> to vector<16xf32>
          %parallel_loop3A_164 = arith.index_cast %parallel_loop3A_75 : i32 to index
          %parallel_loop3A_165 = arith.constant 96 : index
          %parallel_loop3A_166 = tpu.vector_load %arg10[%parallel_loop3A_164, %parallel_loop3A_165] {strides = array<i32>} : memref<40x256xf32, #tpu.memory_space<vmem>>, vector<1x16xf32>,
          %parallel_loop3A_167 = vector.shape_cast %parallel_loop3A_166 : vector<1x16xf32> to vector<16xf32>
          %parallel_loop3A_168 = arith.addf %parallel_loop3A_163, %parallel_loop3A_167 : vector<16xf32>
          %parallel_loop3A_169 = arith.index_cast %parallel_loop3A_75 : i32 to index
          %parallel_loop3A_170 = arith.constant 96 : index
          %parallel_loop3A_171 = tpu.vector_load %arg9[%parallel_loop3A_169, %parallel_loop3A_170] {strides = array<i32>} : memref<40x256xf32, #tpu.memory_space<vmem>>, vector<1x16xf32>,
          %parallel_loop3A_172 = vector.shape_cast %parallel_loop3A_171 : vector<1x16xf32> to vector<16xf32>
          %parallel_loop3A_173 = vector.shape_cast %parallel_loop3A_168 : vector<16xf32> to vector<1x16xf32>
          tpu.vector_store %arg9[%parallel_loop3A_169, %parallel_loop3A_170], %parallel_loop3A_173 {strides = array<i32>} : memref<40x256xf32, #tpu.memory_space<vmem>>, vector<1x16xf32>,
          %parallel_loop3A_174 = arith.index_cast %parallel_loop3A_75 : i32 to index
          %parallel_loop3A_175 = arith.constant 112 : index
          %parallel_loop3A_176 = tpu.vector_load %arg9[%parallel_loop3A_174, %parallel_loop3A_175] {strides = array<i32>} : memref<40x256xf32, #tpu.memory_space<vmem>>, vector<1x16xf32>,
          %parallel_loop3A_177 = vector.shape_cast %parallel_loop3A_176 : vector<1x16xf32> to vector<16xf32>
          %parallel_loop3A_178 = arith.index_cast %parallel_loop3A_75 : i32 to index
          %parallel_loop3A_179 = arith.constant 112 : index
          %parallel_loop3A_180 = tpu.vector_load %arg10[%parallel_loop3A_178, %parallel_loop3A_179] {strides = array<i32>} : memref<40x256xf32, #tpu.memory_space<vmem>>, vector<1x16xf32>,
          %parallel_loop3A_181 = vector.shape_cast %parallel_loop3A_180 : vector<1x16xf32> to vector<16xf32>
          %parallel_loop3A_182 = arith.addf %parallel_loop3A_177, %parallel_loop3A_181 : vector<16xf32>
          %parallel_loop3A_183 = arith.index_cast %parallel_loop3A_75 : i32 to index
          %parallel_loop3A_184 = arith.constant 112 : index
          %parallel_loop3A_185 = tpu.vector_load %arg9[%parallel_loop3A_183, %parallel_loop3A_184] {strides = array<i32>} : memref<40x256xf32, #tpu.memory_space<vmem>>, vector<1x16xf32>,
          %parallel_loop3A_186 = vector.shape_cast %parallel_loop3A_185 : vector<1x16xf32> to vector<16xf32>
          %parallel_loop3A_187 = vector.shape_cast %parallel_loop3A_182 : vector<16xf32> to vector<1x16xf32>
          tpu.vector_store %arg9[%parallel_loop3A_183, %parallel_loop3A_184], %parallel_loop3A_187 {strides = array<i32>} : memref<40x256xf32, #tpu.memory_space<vmem>>, vector<1x16xf32>,
          %parallel_loop3A_188 = arith.index_cast %parallel_loop3A_75 : i32 to index
          %parallel_loop3A_189 = arith.constant 128 : index
          %parallel_loop3A_190 = tpu.vector_load %arg9[%parallel_loop3A_188, %parallel_loop3A_189] {strides = array<i32>} : memref<40x256xf32, #tpu.memory_space<vmem>>, vector<1x16xf32>,
          %parallel_loop3A_191 = vector.shape_cast %parallel_loop3A_190 : vector<1x16xf32> to vector<16xf32>
          %parallel_loop3A_192 = arith.index_cast %parallel_loop3A_75 : i32 to index
          %parallel_loop3A_193 = arith.constant 128 : index
          %parallel_loop3A_194 = tpu.vector_load %arg10[%parallel_loop3A_192, %parallel_loop3A_193] {strides = array<i32>} : memref<40x256xf32, #tpu.memory_space<vmem>>, vector<1x16xf32>,
          %parallel_loop3A_195 = vector.shape_cast %parallel_loop3A_194 : vector<1x16xf32> to vector<16xf32>
          %parallel_loop3A_196 = arith.subf %parallel_loop3A_191, %parallel_loop3A_195 : vector<16xf32>
          %parallel_loop3A_197 = arith.index_cast %parallel_loop3A_75 : i32 to index
          %parallel_loop3A_198 = arith.constant 128 : index
          %parallel_loop3A_199 = tpu.vector_load %arg9[%parallel_loop3A_197, %parallel_loop3A_198] {strides = array<i32>} : memref<40x256xf32, #tpu.memory_space<vmem>>, vector<1x16xf32>,
          %parallel_loop3A_200 = vector.shape_cast %parallel_loop3A_199 : vector<1x16xf32> to vector<16xf32>
          %parallel_loop3A_201 = vector.shape_cast %parallel_loop3A_196 : vector<16xf32> to vector<1x16xf32>
          tpu.vector_store %arg9[%parallel_loop3A_197, %parallel_loop3A_198], %parallel_loop3A_201 {strides = array<i32>} : memref<40x256xf32, #tpu.memory_space<vmem>>, vector<1x16xf32>,
        } {sc.loop_unroll_factor = 4 : i64, sc.parallel_access}
        %add3A_70 = arith.addi %mul3A_2, %mul3A_59 : i32
        %dma_start3A_71 = arith.constant 0 : i32
        %dma_start3A_72 = tpu.memref_slice %arg6[%add3A_70, %dma_start3A_71] : memref<160000x256xf32, #tpu.memory_space<hbm>> -> memref<40x256xf32, #tpu.memory_space<hbm>>
        %dma_start3A_73 = arith.constant 0 : i32
        %dma_start3A_74 = tpu.memref_slice %arg6[%add3A_70, %dma_start3A_73] : memref<160000x256xf32, #tpu.memory_space<hbm>> -> memref<40x256xf32, #tpu.memory_space<hbm>>
        tpu.enqueue_dma source(%arg9 : memref<40x256xf32, #tpu.memory_space<vmem>>) target(%dma_start3A_74 : memref<40x256xf32, #tpu.memory_space<hbm>>) target_semaphore(%arg17 : memref<!tpu.dma_semaphore, #tpu.memory_space<semaphore_mem>>)
      } else {
      }
      %mul3A_42 = arith.constant 2 : i32
      %mul3A_43 = arith.muli %mul3A_42, %scan3A_28 : i32
      %add3A_44 = arith.constant 1 : i32
      %add3A_45 = arith.addi %mul3A_43, %add3A_44 : i32
      %add3A_46 = arith.constant 1 : i32
      %add3A_47 = arith.addi %add3A_45, %add3A_46 : i32
      %lt3A_48 = arith.constant 125 : i32
      %lt3A_49 = arith.cmpi slt, %add3A_47, %lt3A_48 : i32
      %convert_element_type3A_50 = arith.extui %lt3A_49 : i1 to i32
      %cond3A_51 = arith.constant 0 : i32
      %cond3A_52 = arith.cmpi ne, %convert_element_type3A_50, %cond3A_51 : i32
      scf.if %cond3A_52 {
        %ge3A = arith.constant 1 : i32
        %ge3A_58 = arith.cmpi sge, %add3A_45, %ge3A : i32
        %convert_element_type3A_59 = arith.extui %ge3A_58 : i1 to i32
        %cond3A_60 = arith.constant 0 : i32
        %cond3A_61 = arith.cmpi ne, %convert_element_type3A_59, %cond3A_60 : i32
        scf.if %cond3A_61 {
          %sub3A = arith.constant 1 : i32
          %sub3A_72 = arith.subi %add3A_45, %sub3A : i32
          %mul3A_73 = arith.constant 40 : i32
          %mul3A_74 = arith.muli %sub3A_72, %mul3A_73 : i32
          %add3A_75 = arith.addi %mul3A_2, %mul3A_74 : i32
          %dma_wait3A_76 = arith.constant 0 : i32
          %dma_wait3A_77 = tpu.memref_slice %arg6[%add3A_75, %dma_wait3A_76] : memref<160000x256xf32, #tpu.memory_space<hbm>> -> memref<40x256xf32, #tpu.memory_space<hbm>>
          %dma_wait3A_78 = arith.constant 0 : i32
          %dma_wait3A_79 = tpu.memref_slice %arg6[%add3A_75, %dma_wait3A_78] : memref<160000x256xf32, #tpu.memory_space<hbm>> -> memref<40x256xf32, #tpu.memory_space<hbm>>
          tpu.wait_dma2 semaphore(%arg17 : memref<!tpu.dma_semaphore, #tpu.memory_space<semaphore_mem>>) src(%arg9 : memref<40x256xf32, #tpu.memory_space<vmem>>) dst(%dma_wait3A_79 : memref<40x256xf32, #tpu.memory_space<hbm>>)
        } else {
        }
        %mul3A_62 = arith.constant 40 : i32
        %mul3A_63 = arith.muli %add3A_47, %mul3A_62 : i32
        %dma_start3A_64 = tpu.memref_slice %arg7[%mul3A_63] : memref<5000xi32, #tpu.memory_space<vmem>> -> memref<40xi32, #tpu.memory_space<vmem>>
        %dma_start3A_65 = arith.constant 0 : i32
        %dma_start3A_66 = arith.constant 0 : i32
        %dma_start3A_67 = tpu.memref_slice %arg2[%dma_start3A_65, %dma_start3A_66] : memref<10000x256xf32, #tpu.memory_space<hbm>> -> memref<10000x256xf32, #tpu.memory_space<hbm>>
        tpu.enqueue_indirect_dma source(%dma_start3A_67 : memref<10000x256xf32, #tpu.memory_space<hbm>>) target(%arg9 : memref<40x256xf32, #tpu.memory_space<vmem>>) offsets(%dma_start3A_64 : memref<40xi32, #tpu.memory_space<vmem>>) semaphore(%arg13 : memref<!tpu.dma_semaphore, #tpu.memory_space<semaphore_mem>>)
        %dma_start3A_68 = tpu.memref_slice %arg8[%mul3A_63] : memref<5000xi32, #tpu.memory_space<vmem>> -> memref<40xi32, #tpu.memory_space<vmem>>
        %dma_start3A_69 = arith.constant 0 : i32
        %dma_start3A_70 = arith.constant 0 : i32
        %dma_start3A_71 = tpu.memref_slice %arg3[%dma_start3A_69, %dma_start3A_70] : memref<10000x256xf32, #tpu.memory_space<hbm>> -> memref<10000x256xf32, #tpu.memory_space<hbm>>
        tpu.enqueue_indirect_dma source(%dma_start3A_71 : memref<10000x256xf32, #tpu.memory_space<hbm>>) target(%arg10 : memref<40x256xf32, #tpu.memory_space<vmem>>) offsets(%dma_start3A_68 : memref<40xi32, #tpu.memory_space<vmem>>) semaphore(%arg14 : memref<!tpu.dma_semaphore, #tpu.memory_space<semaphore_mem>>)
      } else {
      }
      %lt3A_53 = arith.constant 125 : i32
      %lt3A_54 = arith.cmpi slt, %add3A_45, %lt3A_53 : i32
      %convert_element_type3A_55 = arith.extui %lt3A_54 : i1 to i32
      %cond3A_56 = arith.constant 0 : i32
      %cond3A_57 = arith.cmpi ne, %convert_element_type3A_55, %cond3A_56 : i32
      scf.if %cond3A_57 {
        %mul3A_58 = arith.constant 40 : i32
        %mul3A_59 = arith.muli %add3A_45, %mul3A_58 : i32
        %dma_wait3A_60 = tpu.memref_slice %arg7[%mul3A_59] : memref<5000xi32, #tpu.memory_space<vmem>> -> memref<40xi32, #tpu.memory_space<vmem>>
        %dma_wait3A_61 = arith.constant 0 : i32
        %dma_wait3A_62 = arith.constant 0 : i32
        %dma_wait3A_63 = tpu.memref_slice %arg2[%dma_wait3A_61, %dma_wait3A_62] : memref<10000x256xf32, #tpu.memory_space<hbm>> -> memref<10000x256xf32, #tpu.memory_space<hbm>>
        tpu.wait_indirect_dma semaphore(%arg15 : memref<!tpu.dma_semaphore, #tpu.memory_space<semaphore_mem>>) src(%dma_wait3A_63 : memref<10000x256xf32, #tpu.memory_space<hbm>>) dst(%arg11 : memref<40x256xf32, #tpu.memory_space<vmem>>)
        %dma_wait3A_64 = tpu.memref_slice %arg8[%mul3A_59] : memref<5000xi32, #tpu.memory_space<vmem>> -> memref<40xi32, #tpu.memory_space<vmem>>
        %dma_wait3A_65 = arith.constant 0 : i32
        %dma_wait3A_66 = arith.constant 0 : i32
        %dma_wait3A_67 = tpu.memref_slice %arg3[%dma_wait3A_65, %dma_wait3A_66] : memref<10000x256xf32, #tpu.memory_space<hbm>> -> memref<10000x256xf32, #tpu.memory_space<hbm>>
        tpu.wait_indirect_dma semaphore(%arg16 : memref<!tpu.dma_semaphore, #tpu.memory_space<semaphore_mem>>) src(%dma_wait3A_67 : memref<10000x256xf32, #tpu.memory_space<hbm>>) dst(%arg12 : memref<40x256xf32, #tpu.memory_space<vmem>>)
        %parallel_loop3A = arith.constant 0 : i32
        %parallel_loop3A_68 = arith.constant 40 : i32
        %parallel_loop3A_69 = arith.constant 1 : i32
        scf.for %parallel_loop3A_75 = %parallel_loop3A to %parallel_loop3A_68 step %parallel_loop3A_69  : i32 {
          %parallel_loop3A_76 = arith.index_cast %parallel_loop3A_75 : i32 to index
          %parallel_loop3A_77 = arith.constant 0 : index
          %parallel_loop3A_78 = tpu.vector_load %arg11[%parallel_loop3A_76, %parallel_loop3A_77] {strides = array<i32>} : memref<40x256xf32, #tpu.memory_space<vmem>>, vector<1x16xf32>,
          %parallel_loop3A_79 = vector.shape_cast %parallel_loop3A_78 : vector<1x16xf32> to vector<16xf32>
          %parallel_loop3A_80 = arith.index_cast %parallel_loop3A_75 : i32 to index
          %parallel_loop3A_81 = arith.constant 0 : index
          %parallel_loop3A_82 = tpu.vector_load %arg12[%parallel_loop3A_80, %parallel_loop3A_81] {strides = array<i32>} : memref<40x256xf32, #tpu.memory_space<vmem>>, vector<1x16xf32>,
          %parallel_loop3A_83 = vector.shape_cast %parallel_loop3A_82 : vector<1x16xf32> to vector<16xf32>
          %parallel_loop3A_84 = arith.addf %parallel_loop3A_79, %parallel_loop3A_83 : vector<16xf32>
          %parallel_loop3A_85 = arith.index_cast %parallel_loop3A_75 : i32 to index
          %parallel_loop3A_86 = arith.constant 0 : index
          %parallel_loop3A_87 = tpu.vector_load %arg11[%parallel_loop3A_85, %parallel_loop3A_86] {strides = array<i32>} : memref<40x256xf32, #tpu.memory_space<vmem>>, vector<1x16xf32>,
          %parallel_loop3A_88 = vector.shape_cast %parallel_loop3A_87 : vector<1x16xf32> to vector<16xf32>
          %parallel_loop3A_89 = vector.shape_cast %parallel_loop3A_84 : vector<16xf32> to vector<1x16xf32>
          tpu.vector_store %arg11[%parallel_loop3A_85, %parallel_loop3A_86], %parallel_loop3A_89 {strides = array<i32>} : memref<40x256xf32, #tpu.memory_space<vmem>>, vector<1x16xf32>,
          %parallel_loop3A_90 = arith.index_cast %parallel_loop3A_75 : i32 to index
          %parallel_loop3A_91 = arith.constant 16 : index
          %parallel_loop3A_92 = tpu.vector_load %arg11[%parallel_loop3A_90, %parallel_loop3A_91] {strides = array<i32>} : memref<40x256xf32, #tpu.memory_space<vmem>>, vector<1x16xf32>,
          %parallel_loop3A_93 = vector.shape_cast %parallel_loop3A_92 : vector<1x16xf32> to vector<16xf32>
          %parallel_loop3A_94 = arith.index_cast %parallel_loop3A_75 : i32 to index
          %parallel_loop3A_95 = arith.constant 16 : index
          %parallel_loop3A_96 = tpu.vector_load %arg12[%parallel_loop3A_94, %parallel_loop3A_95] {strides = array<i32>} : memref<40x256xf32, #tpu.memory_space<vmem>>, vector<1x16xf32>,
          %parallel_loop3A_97 = vector.shape_cast %parallel_loop3A_96 : vector<1x16xf32> to vector<16xf32>
          %parallel_loop3A_98 = arith.addf %parallel_loop3A_93, %parallel_loop3A_97 : vector<16xf32>
          %parallel_loop3A_99 = arith.index_cast %parallel_loop3A_75 : i32 to index
          %parallel_loop3A_100 = arith.constant 16 : index
          %parallel_loop3A_101 = tpu.vector_load %arg11[%parallel_loop3A_99, %parallel_loop3A_100] {strides = array<i32>} : memref<40x256xf32, #tpu.memory_space<vmem>>, vector<1x16xf32>,
          %parallel_loop3A_102 = vector.shape_cast %parallel_loop3A_101 : vector<1x16xf32> to vector<16xf32>
          %parallel_loop3A_103 = vector.shape_cast %parallel_loop3A_98 : vector<16xf32> to vector<1x16xf32>
          tpu.vector_store %arg11[%parallel_loop3A_99, %parallel_loop3A_100], %parallel_loop3A_103 {strides = array<i32>} : memref<40x256xf32, #tpu.memory_space<vmem>>, vector<1x16xf32>,
          %parallel_loop3A_104 = arith.index_cast %parallel_loop3A_75 : i32 to index
          %parallel_loop3A_105 = arith.constant 32 : index
          %parallel_loop3A_106 = tpu.vector_load %arg11[%parallel_loop3A_104, %parallel_loop3A_105] {strides = array<i32>} : memref<40x256xf32, #tpu.memory_space<vmem>>, vector<1x16xf32>,
          %parallel_loop3A_107 = vector.shape_cast %parallel_loop3A_106 : vector<1x16xf32> to vector<16xf32>
          %parallel_loop3A_108 = arith.index_cast %parallel_loop3A_75 : i32 to index
          %parallel_loop3A_109 = arith.constant 32 : index
          %parallel_loop3A_110 = tpu.vector_load %arg12[%parallel_loop3A_108, %parallel_loop3A_109] {strides = array<i32>} : memref<40x256xf32, #tpu.memory_space<vmem>>, vector<1x16xf32>,
          %parallel_loop3A_111 = vector.shape_cast %parallel_loop3A_110 : vector<1x16xf32> to vector<16xf32>
          %parallel_loop3A_112 = arith.addf %parallel_loop3A_107, %parallel_loop3A_111 : vector<16xf32>
          %parallel_loop3A_113 = arith.index_cast %parallel_loop3A_75 : i32 to index
          %parallel_loop3A_114 = arith.constant 32 : index
          %parallel_loop3A_115 = tpu.vector_load %arg11[%parallel_loop3A_113, %parallel_loop3A_114] {strides = array<i32>} : memref<40x256xf32, #tpu.memory_space<vmem>>, vector<1x16xf32>,
          %parallel_loop3A_116 = vector.shape_cast %parallel_loop3A_115 : vector<1x16xf32> to vector<16xf32>
          %parallel_loop3A_117 = vector.shape_cast %parallel_loop3A_112 : vector<16xf32> to vector<1x16xf32>
          tpu.vector_store %arg11[%parallel_loop3A_113, %parallel_loop3A_114], %parallel_loop3A_117 {strides = array<i32>} : memref<40x256xf32, #tpu.memory_space<vmem>>, vector<1x16xf32>,
          %parallel_loop3A_118 = arith.index_cast %parallel_loop3A_75 : i32 to index
          %parallel_loop3A_119 = arith.constant 48 : index
          %parallel_loop3A_120 = tpu.vector_load %arg11[%parallel_loop3A_118, %parallel_loop3A_119] {strides = array<i32>} : memref<40x256xf32, #tpu.memory_space<vmem>>, vector<1x16xf32>,
          %parallel_loop3A_121 = vector.shape_cast %parallel_loop3A_120 : vector<1x16xf32> to vector<16xf32>
          %parallel_loop3A_122 = arith.index_cast %parallel_loop3A_75 : i32 to index
          %parallel_loop3A_123 = arith.constant 48 : index
          %parallel_loop3A_124 = tpu.vector_load %arg12[%parallel_loop3A_122, %parallel_loop3A_123] {strides = array<i32>} : memref<40x256xf32, #tpu.memory_space<vmem>>, vector<1x16xf32>,
          %parallel_loop3A_125 = vector.shape_cast %parallel_loop3A_124 : vector<1x16xf32> to vector<16xf32>
          %parallel_loop3A_126 = arith.addf %parallel_loop3A_121, %parallel_loop3A_125 : vector<16xf32>
          %parallel_loop3A_127 = arith.index_cast %parallel_loop3A_75 : i32 to index
          %parallel_loop3A_128 = arith.constant 48 : index
          %parallel_loop3A_129 = tpu.vector_load %arg11[%parallel_loop3A_127, %parallel_loop3A_128] {strides = array<i32>} : memref<40x256xf32, #tpu.memory_space<vmem>>, vector<1x16xf32>,
          %parallel_loop3A_130 = vector.shape_cast %parallel_loop3A_129 : vector<1x16xf32> to vector<16xf32>
          %parallel_loop3A_131 = vector.shape_cast %parallel_loop3A_126 : vector<16xf32> to vector<1x16xf32>
          tpu.vector_store %arg11[%parallel_loop3A_127, %parallel_loop3A_128], %parallel_loop3A_131 {strides = array<i32>} : memref<40x256xf32, #tpu.memory_space<vmem>>, vector<1x16xf32>,
          %parallel_loop3A_132 = arith.index_cast %parallel_loop3A_75 : i32 to index
          %parallel_loop3A_133 = arith.constant 64 : index
          %parallel_loop3A_134 = tpu.vector_load %arg11[%parallel_loop3A_132, %parallel_loop3A_133] {strides = array<i32>} : memref<40x256xf32, #tpu.memory_space<vmem>>, vector<1x16xf32>,
          %parallel_loop3A_135 = vector.shape_cast %parallel_loop3A_134 : vector<1x16xf32> to vector<16xf32>
          %parallel_loop3A_136 = arith.index_cast %parallel_loop3A_75 : i32 to index
          %parallel_loop3A_137 = arith.constant 64 : index
          %parallel_loop3A_138 = tpu.vector_load %arg12[%parallel_loop3A_136, %parallel_loop3A_137] {strides = array<i32>} : memref<40x256xf32, #tpu.memory_space<vmem>>, vector<1x16xf32>,
          %parallel_loop3A_139 = vector.shape_cast %parallel_loop3A_138 : vector<1x16xf32> to vector<16xf32>
          %parallel_loop3A_140 = arith.addf %parallel_loop3A_135, %parallel_loop3A_139 : vector<16xf32>
          %parallel_loop3A_141 = arith.index_cast %parallel_loop3A_75 : i32 to index
          %parallel_loop3A_142 = arith.constant 64 : index
          %parallel_loop3A_143 = tpu.vector_load %arg11[%parallel_loop3A_141, %parallel_loop3A_142] {strides = array<i32>} : memref<40x256xf32, #tpu.memory_space<vmem>>, vector<1x16xf32>,
          %parallel_loop3A_144 = vector.shape_cast %parallel_loop3A_143 : vector<1x16xf32> to vector<16xf32>
          %parallel_loop3A_145 = vector.shape_cast %parallel_loop3A_140 : vector<16xf32> to vector<1x16xf32>
          tpu.vector_store %arg11[%parallel_loop3A_141, %parallel_loop3A_142], %parallel_loop3A_145 {strides = array<i32>} : memref<40x256xf32, #tpu.memory_space<vmem>>, vector<1x16xf32>,
          %parallel_loop3A_146 = arith.index_cast %parallel_loop3A_75 : i32 to index
          %parallel_loop3A_147 = arith.constant 80 : index
          %parallel_loop3A_148 = tpu.vector_load %arg11[%parallel_loop3A_146, %parallel_loop3A_147] {strides = array<i32>} : memref<40x256xf32, #tpu.memory_space<vmem>>, vector<1x16xf32>,
          %parallel_loop3A_149 = vector.shape_cast %parallel_loop3A_148 : vector<1x16xf32> to vector<16xf32>
          %parallel_loop3A_150 = arith.index_cast %parallel_loop3A_75 : i32 to index
          %parallel_loop3A_151 = arith.constant 80 : index
          %parallel_loop3A_152 = tpu.vector_load %arg12[%parallel_loop3A_150, %parallel_loop3A_151] {strides = array<i32>} : memref<40x256xf32, #tpu.memory_space<vmem>>, vector<1x16xf32>,
          %parallel_loop3A_153 = vector.shape_cast %parallel_loop3A_152 : vector<1x16xf32> to vector<16xf32>
          %parallel_loop3A_154 = arith.addf %parallel_loop3A_149, %parallel_loop3A_153 : vector<16xf32>
          %parallel_loop3A_155 = arith.index_cast %parallel_loop3A_75 : i32 to index
          %parallel_loop3A_156 = arith.constant 80 : index
          %parallel_loop3A_157 = tpu.vector_load %arg11[%parallel_loop3A_155, %parallel_loop3A_156] {strides = array<i32>} : memref<40x256xf32, #tpu.memory_space<vmem>>, vector<1x16xf32>,
          %parallel_loop3A_158 = vector.shape_cast %parallel_loop3A_157 : vector<1x16xf32> to vector<16xf32>
          %parallel_loop3A_159 = vector.shape_cast %parallel_loop3A_154 : vector<16xf32> to vector<1x16xf32>
          tpu.vector_store %arg11[%parallel_loop3A_155, %parallel_loop3A_156], %parallel_loop3A_159 {strides = array<i32>} : memref<40x256xf32, #tpu.memory_space<vmem>>, vector<1x16xf32>,
          %parallel_loop3A_160 = arith.index_cast %parallel_loop3A_75 : i32 to index
          %parallel_loop3A_161 = arith.constant 96 : index
          %parallel_loop3A_162 = tpu.vector_load %arg11[%parallel_loop3A_160, %parallel_loop3A_161] {strides = array<i32>} : memref<40x256xf32, #tpu.memory_space<vmem>>, vector<1x16xf32>,
          %parallel_loop3A_163 = vector.shape_cast %parallel_loop3A_162 : vector<1x16xf32> to vector<16xf32>
          %parallel_loop3A_164 = arith.index_cast %parallel_loop3A_75 : i32 to index
          %parallel_loop3A_165 = arith.constant 96 : index
          %parallel_loop3A_166 = tpu.vector_load %arg12[%parallel_loop3A_164, %parallel_loop3A_165] {strides = array<i32>} : memref<40x256xf32, #tpu.memory_space<vmem>>, vector<1x16xf32>,
          %parallel_loop3A_167 = vector.shape_cast %parallel_loop3A_166 : vector<1x16xf32> to vector<16xf32>
          %parallel_loop3A_168 = arith.addf %parallel_loop3A_163, %parallel_loop3A_167 : vector<16xf32>
          %parallel_loop3A_169 = arith.index_cast %parallel_loop3A_75 : i32 to index
          %parallel_loop3A_170 = arith.constant 96 : index
          %parallel_loop3A_171 = tpu.vector_load %arg11[%parallel_loop3A_169, %parallel_loop3A_170] {strides = array<i32>} : memref<40x256xf32, #tpu.memory_space<vmem>>, vector<1x16xf32>,
          %parallel_loop3A_172 = vector.shape_cast %parallel_loop3A_171 : vector<1x16xf32> to vector<16xf32>
          %parallel_loop3A_173 = vector.shape_cast %parallel_loop3A_168 : vector<16xf32> to vector<1x16xf32>
          tpu.vector_store %arg11[%parallel_loop3A_169, %parallel_loop3A_170], %parallel_loop3A_173 {strides = array<i32>} : memref<40x256xf32, #tpu.memory_space<vmem>>, vector<1x16xf32>,
          %parallel_loop3A_174 = arith.index_cast %parallel_loop3A_75 : i32 to index
          %parallel_loop3A_175 = arith.constant 112 : index
          %parallel_loop3A_176 = tpu.vector_load %arg11[%parallel_loop3A_174, %parallel_loop3A_175] {strides = array<i32>} : memref<40x256xf32, #tpu.memory_space<vmem>>, vector<1x16xf32>,
          %parallel_loop3A_177 = vector.shape_cast %parallel_loop3A_176 : vector<1x16xf32> to vector<16xf32>
          %parallel_loop3A_178 = arith.index_cast %parallel_loop3A_75 : i32 to index
          %parallel_loop3A_179 = arith.constant 112 : index
          %parallel_loop3A_180 = tpu.vector_load %arg12[%parallel_loop3A_178, %parallel_loop3A_179] {strides = array<i32>} : memref<40x256xf32, #tpu.memory_space<vmem>>, vector<1x16xf32>,
          %parallel_loop3A_181 = vector.shape_cast %parallel_loop3A_180 : vector<1x16xf32> to vector<16xf32>
          %parallel_loop3A_182 = arith.addf %parallel_loop3A_177, %parallel_loop3A_181 : vector<16xf32>
          %parallel_loop3A_183 = arith.index_cast %parallel_loop3A_75 : i32 to index
          %parallel_loop3A_184 = arith.constant 112 : index
          %parallel_loop3A_185 = tpu.vector_load %arg11[%parallel_loop3A_183, %parallel_loop3A_184] {strides = array<i32>} : memref<40x256xf32, #tpu.memory_space<vmem>>, vector<1x16xf32>,
          %parallel_loop3A_186 = vector.shape_cast %parallel_loop3A_185 : vector<1x16xf32> to vector<16xf32>
          %parallel_loop3A_187 = vector.shape_cast %parallel_loop3A_182 : vector<16xf32> to vector<1x16xf32>
          tpu.vector_store %arg11[%parallel_loop3A_183, %parallel_loop3A_184], %parallel_loop3A_187 {strides = array<i32>} : memref<40x256xf32, #tpu.memory_space<vmem>>, vector<1x16xf32>,
          %parallel_loop3A_188 = arith.index_cast %parallel_loop3A_75 : i32 to index
          %parallel_loop3A_189 = arith.constant 128 : index
          %parallel_loop3A_190 = tpu.vector_load %arg11[%parallel_loop3A_188, %parallel_loop3A_189] {strides = array<i32>} : memref<40x256xf32, #tpu.memory_space<vmem>>, vector<1x16xf32>,
          %parallel_loop3A_191 = vector.shape_cast %parallel_loop3A_190 : vector<1x16xf32> to vector<16xf32>
          %parallel_loop3A_192 = arith.index_cast %parallel_loop3A_75 : i32 to index
          %parallel_loop3A_193 = arith.constant 128 : index
          %parallel_loop3A_194 = tpu.vector_load %arg12[%parallel_loop3A_192, %parallel_loop3A_193] {strides = array<i32>} : memref<40x256xf32, #tpu.memory_space<vmem>>, vector<1x16xf32>,
          %parallel_loop3A_195 = vector.shape_cast %parallel_loop3A_194 : vector<1x16xf32> to vector<16xf32>
          %parallel_loop3A_196 = arith.subf %parallel_loop3A_191, %parallel_loop3A_195 : vector<16xf32>
          %parallel_loop3A_197 = arith.index_cast %parallel_loop3A_75 : i32 to index
          %parallel_loop3A_198 = arith.constant 128 : index
          %parallel_loop3A_199 = tpu.vector_load %arg11[%parallel_loop3A_197, %parallel_loop3A_198] {strides = array<i32>} : memref<40x256xf32, #tpu.memory_space<vmem>>, vector<1x16xf32>,
          %parallel_loop3A_200 = vector.shape_cast %parallel_loop3A_199 : vector<1x16xf32> to vector<16xf32>
          %parallel_loop3A_201 = vector.shape_cast %parallel_loop3A_196 : vector<16xf32> to vector<1x16xf32>
          tpu.vector_store %arg11[%parallel_loop3A_197, %parallel_loop3A_198], %parallel_loop3A_201 {strides = array<i32>} : memref<40x256xf32, #tpu.memory_space<vmem>>, vector<1x16xf32>,
        } {sc.loop_unroll_factor = 4 : i64, sc.parallel_access}
        %add3A_70 = arith.addi %mul3A_2, %mul3A_59 : i32
        %dma_start3A_71 = arith.constant 0 : i32
        %dma_start3A_72 = tpu.memref_slice %arg6[%add3A_70, %dma_start3A_71] : memref<160000x256xf32, #tpu.memory_space<hbm>> -> memref<40x256xf32, #tpu.memory_space<hbm>>
        %dma_start3A_73 = arith.constant 0 : i32
        %dma_start3A_74 = tpu.memref_slice %arg6[%add3A_70, %dma_start3A_73] : memref<160000x256xf32, #tpu.memory_space<hbm>> -> memref<40x256xf32, #tpu.memory_space<hbm>>
        tpu.enqueue_dma source(%arg11 : memref<40x256xf32, #tpu.memory_space<vmem>>) target(%dma_start3A_74 : memref<40x256xf32, #tpu.memory_space<hbm>>) target_semaphore(%arg18 : memref<!tpu.dma_semaphore, #tpu.memory_space<semaphore_mem>>)
      } else {
      }
    }
    %scan3A_16 = arith.constant 63 : i32
    %add3A_17 = arith.constant 4960 : i32
    %add3A_18 = arith.addi %mul3A_2, %add3A_17 : i32
    %dma_wait3A = arith.constant 0 : i32
    %dma_wait3A_19 = tpu.memref_slice %arg6[%add3A_18, %dma_wait3A] : memref<160000x256xf32, #tpu.memory_space<hbm>> -> memref<40x256xf32, #tpu.memory_space<hbm>>
    %dma_wait3A_20 = arith.constant 0 : i32
    %dma_wait3A_21 = tpu.memref_slice %arg6[%add3A_18, %dma_wait3A_20] : memref<160000x256xf32, #tpu.memory_space<hbm>> -> memref<40x256xf32, #tpu.memory_space<hbm>>
    tpu.wait_dma2 semaphore(%arg17 : memref<!tpu.dma_semaphore, #tpu.memory_space<semaphore_mem>>) src(%arg9 : memref<40x256xf32, #tpu.memory_space<vmem>>) dst(%dma_wait3A_21 : memref<40x256xf32, #tpu.memory_space<hbm>>)
    %add3A_22 = arith.constant 4920 : i32
    %add3A_23 = arith.addi %mul3A_2, %add3A_22 : i32
    %dma_wait3A_24 = arith.constant 0 : i32
    %dma_wait3A_25 = tpu.memref_slice %arg6[%add3A_23, %dma_wait3A_24] : memref<160000x256xf32, #tpu.memory_space<hbm>> -> memref<40x256xf32, #tpu.memory_space<hbm>>
    %dma_wait3A_26 = arith.constant 0 : i32
    %dma_wait3A_27 = tpu.memref_slice %arg6[%add3A_23, %dma_wait3A_26] : memref<160000x256xf32, #tpu.memory_space<hbm>> -> memref<40x256xf32, #tpu.memory_space<hbm>>
    tpu.wait_dma2 semaphore(%arg18 : memref<!tpu.dma_semaphore, #tpu.memory_space<semaphore_mem>>) src(%arg11 : memref<40x256xf32, #tpu.memory_space<vmem>>) dst(%dma_wait3A_27 : memref<40x256xf32, #tpu.memory_space<hbm>>)
    return
  }
}

#map = affine_map<(d0, d1) -> (0, 0)>
#map1 = affine_map<(d0, d1) -> (0)>
module attributes {stable_mosaic.version = 14 : i64} {
  func.func @scatter_kernel(%arg0: i32, %arg1: i32, %arg2: memref<160000x128xf32, #tpu.memory_space<hbm>>, %arg3: memref<160000x128xf32, #tpu.memory_space<hbm>>, %arg4: memref<160000xi32, #tpu.memory_space<hbm>>, %arg5: memref<10240x128xf32, #tpu.memory_space<hbm>>, %arg6: memref<10240x128xf32, #tpu.memory_space<hbm>>, %arg7: memref<10240x128xf32, #tpu.memory_space<hbm>>, %arg8: memref<80xi32, #tpu.memory_space<vmem>>, %arg9: memref<80xi32, #tpu.memory_space<vmem>>, %arg10: memref<80x128xf32, #tpu.memory_space<vmem>>, %arg11: memref<80x128xf32, #tpu.memory_space<vmem>>, %arg12: memref<10240x128xf32, #tpu.memory_space<vmem_shared>>, %arg13: memref<!tpu.dma_semaphore, #tpu.memory_space<semaphore_mem>>, %arg14: memref<!tpu.dma_semaphore, #tpu.memory_space<semaphore_mem>>, %arg15: memref<!tpu.dma_semaphore, #tpu.memory_space<semaphore_mem>>, %arg16: memref<!tpu.dma_semaphore, #tpu.memory_space<semaphore_mem>>) attributes {dimension_semantics = [#tpu.dimension_semantics<core_parallel>, #tpu.dimension_semantics<subcore_parallel>], iteration_bounds = array<i64: 2, 16>, scalar_prefetch = 0 : i64, scratch_operands = 9 : i64, tpu.core_type = #tpu.core_type<sc_vector_subcore>, window_params = [{transform_indices = #map}, {transform_indices = #map}, {transform_indices = #map1}, {transform_indices = #map}, {transform_indices = #map}, {transform_indices = #map}]} {
    %mul3A = arith.constant 640 : i32
    %mul3A_0 = arith.muli %arg1, %mul3A : i32
    %mul3A_1 = arith.constant 10000 : i32
    %mul3A_2 = arith.muli %arg1, %mul3A_1 : i32
    %scan3A = arith.constant 0 : i32
    %scan3A_3 = arith.constant 0 : i32
    %scan3A_4 = arith.constant 8 : i32
    %scan3A_5 = arith.addi %scan3A_3, %scan3A_4 : i32
    %scan3A_6 = arith.constant 1 : i32
    scf.for %scan3A_22 = %scan3A_3 to %scan3A_5 step %scan3A_6  : i32 {
      %mul3A_23 = arith.constant 80 : i32
      %mul3A_24 = arith.muli %scan3A_22, %mul3A_23 : i32
      %add3A = arith.addi %mul3A_0, %mul3A_24 : i32
      "tpu.region"() ({
        %run_scoped3A = tpu.sem_alloc : memref<!tpu.dma_semaphore, #tpu.memory_space<semaphore_mem>>
        %dma_start3A = arith.constant 0 : i32
        %dma_start3A_25 = tpu.memref_slice %arg5[%add3A, %dma_start3A] : memref<10240x128xf32, #tpu.memory_space<hbm>> -> memref<80x128xf32, #tpu.memory_space<hbm>>
        %dma_start3A_26 = arith.constant 0 : i32
        %dma_start3A_27 = tpu.memref_slice %arg5[%add3A, %dma_start3A_26] : memref<10240x128xf32, #tpu.memory_space<hbm>> -> memref<80x128xf32, #tpu.memory_space<hbm>>
        tpu.enqueue_dma source(%dma_start3A_27 : memref<80x128xf32, #tpu.memory_space<hbm>>) target(%arg10 : memref<80x128xf32, #tpu.memory_space<vmem>>) target_semaphore(%run_scoped3A : memref<!tpu.dma_semaphore, #tpu.memory_space<semaphore_mem>>)
        %dma_wait3A = arith.constant 0 : i32
        %dma_wait3A_28 = tpu.memref_slice %arg5[%add3A, %dma_wait3A] : memref<10240x128xf32, #tpu.memory_space<hbm>> -> memref<80x128xf32, #tpu.memory_space<hbm>>
        %dma_wait3A_29 = arith.constant 0 : i32
        %dma_wait3A_30 = tpu.memref_slice %arg5[%add3A, %dma_wait3A_29] : memref<10240x128xf32, #tpu.memory_space<hbm>> -> memref<80x128xf32, #tpu.memory_space<hbm>>
        tpu.wait_dma2 semaphore(%run_scoped3A : memref<!tpu.dma_semaphore, #tpu.memory_space<semaphore_mem>>) src(%dma_wait3A_30 : memref<80x128xf32, #tpu.memory_space<hbm>>) dst(%arg10 : memref<80x128xf32, #tpu.memory_space<vmem>>)
        tpu.yield
      }) : () -> ()
      "tpu.region"() ({
        %run_scoped3A = tpu.sem_alloc : memref<!tpu.dma_semaphore, #tpu.memory_space<semaphore_mem>>
        %dma_start3A = arith.constant 0 : i32
        %dma_start3A_25 = tpu.memref_slice %arg12[%add3A, %dma_start3A] : memref<10240x128xf32, #tpu.memory_space<vmem_shared>> -> memref<80x128xf32, #tpu.memory_space<vmem_shared>>
        %dma_start3A_26 = arith.constant 0 : i32
        %dma_start3A_27 = tpu.memref_slice %arg12[%add3A, %dma_start3A_26] : memref<10240x128xf32, #tpu.memory_space<vmem_shared>> -> memref<80x128xf32, #tpu.memory_space<vmem_shared>>
        tpu.enqueue_dma source(%arg10 : memref<80x128xf32, #tpu.memory_space<vmem>>) target(%dma_start3A_27 : memref<80x128xf32, #tpu.memory_space<vmem_shared>>) target_semaphore(%run_scoped3A : memref<!tpu.dma_semaphore, #tpu.memory_space<semaphore_mem>>)
        %dma_wait3A = arith.constant 0 : i32
        %dma_wait3A_28 = tpu.memref_slice %arg12[%add3A, %dma_wait3A] : memref<10240x128xf32, #tpu.memory_space<vmem_shared>> -> memref<80x128xf32, #tpu.memory_space<vmem_shared>>
        %dma_wait3A_29 = arith.constant 0 : i32
        %dma_wait3A_30 = tpu.memref_slice %arg12[%add3A, %dma_wait3A_29] : memref<10240x128xf32, #tpu.memory_space<vmem_shared>> -> memref<80x128xf32, #tpu.memory_space<vmem_shared>>
        tpu.wait_dma2 semaphore(%run_scoped3A : memref<!tpu.dma_semaphore, #tpu.memory_space<semaphore_mem>>) src(%arg10 : memref<80x128xf32, #tpu.memory_space<vmem>>) dst(%dma_wait3A_30 : memref<80x128xf32, #tpu.memory_space<vmem_shared>>)
        tpu.yield
      }) : () -> ()
    }
    %scan3A_7 = arith.constant 8 : i32
    %barrier3A = arith.constant 0 : index
    tpu.barrier barrier_id(%barrier3A)
    %eq3A = arith.constant 0 : i32
    %eq3A_8 = arith.cmpi eq, %arg0, %eq3A : i32
    %convert_element_type3A = arith.extui %eq3A_8 : i1 to i32
    %cond3A = arith.constant 0 : i32
    %cond3A_9 = arith.cmpi ne, %convert_element_type3A, %cond3A : i32
    scf.if %cond3A_9 {
      %add3A = arith.constant 0 : i32
      %add3A_22 = arith.addi %mul3A_2, %add3A : i32
      %dma_start3A = tpu.memref_slice %arg4[%add3A_22] : memref<160000xi32, #tpu.memory_space<hbm>> -> memref<80xi32, #tpu.memory_space<hbm>>
      %dma_start3A_23 = tpu.memref_slice %arg4[%add3A_22] : memref<160000xi32, #tpu.memory_space<hbm>> -> memref<80xi32, #tpu.memory_space<hbm>>
      tpu.enqueue_dma source(%dma_start3A_23 : memref<80xi32, #tpu.memory_space<hbm>>) target(%arg8 : memref<80xi32, #tpu.memory_space<vmem>>) target_semaphore(%arg15 : memref<!tpu.dma_semaphore, #tpu.memory_space<semaphore_mem>>)
      %dma_start3A_24 = arith.constant 0 : i32
      %dma_start3A_25 = tpu.memref_slice %arg2[%add3A_22, %dma_start3A_24] : memref<160000x128xf32, #tpu.memory_space<hbm>> -> memref<80x128xf32, #tpu.memory_space<hbm>>
      %dma_start3A_26 = arith.constant 0 : i32
      %dma_start3A_27 = tpu.memref_slice %arg2[%add3A_22, %dma_start3A_26] : memref<160000x128xf32, #tpu.memory_space<hbm>> -> memref<80x128xf32, #tpu.memory_space<hbm>>
      tpu.enqueue_dma source(%dma_start3A_27 : memref<80x128xf32, #tpu.memory_space<hbm>>) target(%arg10 : memref<80x128xf32, #tpu.memory_space<vmem>>) target_semaphore(%arg13 : memref<!tpu.dma_semaphore, #tpu.memory_space<semaphore_mem>>)
      %scan3A_28 = arith.constant 0 : i32
      %scan3A_29 = arith.constant 0 : i32
      %scan3A_30 = arith.constant 63 : i32
      %scan3A_31 = arith.addi %scan3A_29, %scan3A_30 : i32
      %scan3A_32 = arith.constant 1 : i32
      scf.for %scan3A_34 = %scan3A_29 to %scan3A_31 step %scan3A_32  : i32 {
        %mul3A_35 = arith.constant 2 : i32
        %mul3A_36 = arith.muli %mul3A_35, %scan3A_34 : i32
        %add3A_37 = arith.constant 0 : i32
        %add3A_38 = arith.addi %mul3A_36, %add3A_37 : i32
        %add3A_39 = arith.constant 1 : i32
        %add3A_40 = arith.addi %add3A_38, %add3A_39 : i32
        %lt3A = arith.constant 125 : i32
        %lt3A_41 = arith.cmpi slt, %add3A_40, %lt3A : i32
        %convert_element_type3A_42 = arith.extui %lt3A_41 : i1 to i32
        %cond3A_43 = arith.constant 0 : i32
        %cond3A_44 = arith.cmpi ne, %convert_element_type3A_42, %cond3A_43 : i32
        scf.if %cond3A_44 {
          %mul3A_66 = arith.constant 80 : i32
          %mul3A_67 = arith.muli %add3A_40, %mul3A_66 : i32
          %add3A_68 = arith.addi %mul3A_2, %mul3A_67 : i32
          %dma_start3A_69 = tpu.memref_slice %arg4[%add3A_68] : memref<160000xi32, #tpu.memory_space<hbm>> -> memref<80xi32, #tpu.memory_space<hbm>>
          %dma_start3A_70 = tpu.memref_slice %arg4[%add3A_68] : memref<160000xi32, #tpu.memory_space<hbm>> -> memref<80xi32, #tpu.memory_space<hbm>>
          tpu.enqueue_dma source(%dma_start3A_70 : memref<80xi32, #tpu.memory_space<hbm>>) target(%arg9 : memref<80xi32, #tpu.memory_space<vmem>>) target_semaphore(%arg16 : memref<!tpu.dma_semaphore, #tpu.memory_space<semaphore_mem>>)
          %dma_start3A_71 = arith.constant 0 : i32
          %dma_start3A_72 = tpu.memref_slice %arg2[%add3A_68, %dma_start3A_71] : memref<160000x128xf32, #tpu.memory_space<hbm>> -> memref<80x128xf32, #tpu.memory_space<hbm>>
          %dma_start3A_73 = arith.constant 0 : i32
          %dma_start3A_74 = tpu.memref_slice %arg2[%add3A_68, %dma_start3A_73] : memref<160000x128xf32, #tpu.memory_space<hbm>> -> memref<80x128xf32, #tpu.memory_space<hbm>>
          tpu.enqueue_dma source(%dma_start3A_74 : memref<80x128xf32, #tpu.memory_space<hbm>>) target(%arg11 : memref<80x128xf32, #tpu.memory_space<vmem>>) target_semaphore(%arg14 : memref<!tpu.dma_semaphore, #tpu.memory_space<semaphore_mem>>)
        } else {
        }
        %lt3A_45 = arith.constant 125 : i32
        %lt3A_46 = arith.cmpi slt, %add3A_38, %lt3A_45 : i32
        %convert_element_type3A_47 = arith.extui %lt3A_46 : i1 to i32
        %cond3A_48 = arith.constant 0 : i32
        %cond3A_49 = arith.cmpi ne, %convert_element_type3A_47, %cond3A_48 : i32
        scf.if %cond3A_49 {
          %mul3A_66 = arith.constant 80 : i32
          %mul3A_67 = arith.muli %add3A_38, %mul3A_66 : i32
          %add3A_68 = arith.addi %mul3A_2, %mul3A_67 : i32
          %dma_wait3A = tpu.memref_slice %arg4[%add3A_68] : memref<160000xi32, #tpu.memory_space<hbm>> -> memref<80xi32, #tpu.memory_space<hbm>>
          %dma_wait3A_69 = tpu.memref_slice %arg4[%add3A_68] : memref<160000xi32, #tpu.memory_space<hbm>> -> memref<80xi32, #tpu.memory_space<hbm>>
          tpu.wait_dma2 semaphore(%arg15 : memref<!tpu.dma_semaphore, #tpu.memory_space<semaphore_mem>>) src(%dma_wait3A_69 : memref<80xi32, #tpu.memory_space<hbm>>) dst(%arg8 : memref<80xi32, #tpu.memory_space<vmem>>)
          %dma_wait3A_70 = arith.constant 0 : i32
          %dma_wait3A_71 = tpu.memref_slice %arg2[%add3A_68, %dma_wait3A_70] : memref<160000x128xf32, #tpu.memory_space<hbm>> -> memref<80x128xf32, #tpu.memory_space<hbm>>
          %dma_wait3A_72 = arith.constant 0 : i32
          %dma_wait3A_73 = tpu.memref_slice %arg2[%add3A_68, %dma_wait3A_72] : memref<160000x128xf32, #tpu.memory_space<hbm>> -> memref<80x128xf32, #tpu.memory_space<hbm>>
          tpu.wait_dma2 semaphore(%arg13 : memref<!tpu.dma_semaphore, #tpu.memory_space<semaphore_mem>>) src(%dma_wait3A_73 : memref<80x128xf32, #tpu.memory_space<hbm>>) dst(%arg10 : memref<80x128xf32, #tpu.memory_space<vmem>>)
          "tpu.region"() ({
            %run_scoped3A = tpu.sem_alloc : memref<!tpu.dma_semaphore, #tpu.memory_space<semaphore_mem>>
            %dma_start3A_74 = arith.constant 0 : i32
            %dma_start3A_75 = arith.constant 0 : i32
            %dma_start3A_76 = tpu.memref_slice %arg12[%dma_start3A_74, %dma_start3A_75] : memref<10240x128xf32, #tpu.memory_space<vmem_shared>> -> memref<10240x128xf32, #tpu.memory_space<vmem_shared>>
            tpu.enqueue_indirect_dma source(%arg10 : memref<80x128xf32, #tpu.memory_space<vmem>>) target(%dma_start3A_76 : memref<10240x128xf32, #tpu.memory_space<vmem_shared>>) offsets(%arg8 : memref<80xi32, #tpu.memory_space<vmem>>) semaphore(%run_scoped3A : memref<!tpu.dma_semaphore, #tpu.memory_space<semaphore_mem>>) {add = true}
            %dma_wait3A_77 = arith.constant 0 : i32
            %dma_wait3A_78 = arith.constant 0 : i32
            %dma_wait3A_79 = tpu.memref_slice %arg12[%dma_wait3A_77, %dma_wait3A_78] : memref<10240x128xf32, #tpu.memory_space<vmem_shared>> -> memref<10240x128xf32, #tpu.memory_space<vmem_shared>>
            tpu.wait_indirect_dma semaphore(%run_scoped3A : memref<!tpu.dma_semaphore, #tpu.memory_space<semaphore_mem>>) src(%arg10 : memref<80x128xf32, #tpu.memory_space<vmem>>) dst(%dma_wait3A_79 : memref<10240x128xf32, #tpu.memory_space<vmem_shared>>)
            tpu.yield
          }) : () -> ()
        } else {
        }
        %mul3A_50 = arith.constant 2 : i32
        %mul3A_51 = arith.muli %mul3A_50, %scan3A_34 : i32
        %add3A_52 = arith.constant 1 : i32
        %add3A_53 = arith.addi %mul3A_51, %add3A_52 : i32
        %add3A_54 = arith.constant 1 : i32
        %add3A_55 = arith.addi %add3A_53, %add3A_54 : i32
        %lt3A_56 = arith.constant 125 : i32
        %lt3A_57 = arith.cmpi slt, %add3A_55, %lt3A_56 : i32
        %convert_element_type3A_58 = arith.extui %lt3A_57 : i1 to i32
        %cond3A_59 = arith.constant 0 : i32
        %cond3A_60 = arith.cmpi ne, %convert_element_type3A_58, %cond3A_59 : i32
        scf.if %cond3A_60 {
          %mul3A_66 = arith.constant 80 : i32
          %mul3A_67 = arith.muli %add3A_55, %mul3A_66 : i32
          %add3A_68 = arith.addi %mul3A_2, %mul3A_67 : i32
          %dma_start3A_69 = tpu.memref_slice %arg4[%add3A_68] : memref<160000xi32, #tpu.memory_space<hbm>> -> memref<80xi32, #tpu.memory_space<hbm>>
          %dma_start3A_70 = tpu.memref_slice %arg4[%add3A_68] : memref<160000xi32, #tpu.memory_space<hbm>> -> memref<80xi32, #tpu.memory_space<hbm>>
          tpu.enqueue_dma source(%dma_start3A_70 : memref<80xi32, #tpu.memory_space<hbm>>) target(%arg8 : memref<80xi32, #tpu.memory_space<vmem>>) target_semaphore(%arg15 : memref<!tpu.dma_semaphore, #tpu.memory_space<semaphore_mem>>)
          %dma_start3A_71 = arith.constant 0 : i32
          %dma_start3A_72 = tpu.memref_slice %arg2[%add3A_68, %dma_start3A_71] : memref<160000x128xf32, #tpu.memory_space<hbm>> -> memref<80x128xf32, #tpu.memory_space<hbm>>
          %dma_start3A_73 = arith.constant 0 : i32
          %dma_start3A_74 = tpu.memref_slice %arg2[%add3A_68, %dma_start3A_73] : memref<160000x128xf32, #tpu.memory_space<hbm>> -> memref<80x128xf32, #tpu.memory_space<hbm>>
          tpu.enqueue_dma source(%dma_start3A_74 : memref<80x128xf32, #tpu.memory_space<hbm>>) target(%arg10 : memref<80x128xf32, #tpu.memory_space<vmem>>) target_semaphore(%arg13 : memref<!tpu.dma_semaphore, #tpu.memory_space<semaphore_mem>>)
        } else {
        }
        %lt3A_61 = arith.constant 125 : i32
        %lt3A_62 = arith.cmpi slt, %add3A_53, %lt3A_61 : i32
        %convert_element_type3A_63 = arith.extui %lt3A_62 : i1 to i32
        %cond3A_64 = arith.constant 0 : i32
        %cond3A_65 = arith.cmpi ne, %convert_element_type3A_63, %cond3A_64 : i32
        scf.if %cond3A_65 {
          %mul3A_66 = arith.constant 80 : i32
          %mul3A_67 = arith.muli %add3A_53, %mul3A_66 : i32
          %add3A_68 = arith.addi %mul3A_2, %mul3A_67 : i32
          %dma_wait3A = tpu.memref_slice %arg4[%add3A_68] : memref<160000xi32, #tpu.memory_space<hbm>> -> memref<80xi32, #tpu.memory_space<hbm>>
          %dma_wait3A_69 = tpu.memref_slice %arg4[%add3A_68] : memref<160000xi32, #tpu.memory_space<hbm>> -> memref<80xi32, #tpu.memory_space<hbm>>
          tpu.wait_dma2 semaphore(%arg16 : memref<!tpu.dma_semaphore, #tpu.memory_space<semaphore_mem>>) src(%dma_wait3A_69 : memref<80xi32, #tpu.memory_space<hbm>>) dst(%arg9 : memref<80xi32, #tpu.memory_space<vmem>>)
          %dma_wait3A_70 = arith.constant 0 : i32
          %dma_wait3A_71 = tpu.memref_slice %arg2[%add3A_68, %dma_wait3A_70] : memref<160000x128xf32, #tpu.memory_space<hbm>> -> memref<80x128xf32, #tpu.memory_space<hbm>>
          %dma_wait3A_72 = arith.constant 0 : i32
          %dma_wait3A_73 = tpu.memref_slice %arg2[%add3A_68, %dma_wait3A_72] : memref<160000x128xf32, #tpu.memory_space<hbm>> -> memref<80x128xf32, #tpu.memory_space<hbm>>
          tpu.wait_dma2 semaphore(%arg14 : memref<!tpu.dma_semaphore, #tpu.memory_space<semaphore_mem>>) src(%dma_wait3A_73 : memref<80x128xf32, #tpu.memory_space<hbm>>) dst(%arg11 : memref<80x128xf32, #tpu.memory_space<vmem>>)
          "tpu.region"() ({
            %run_scoped3A = tpu.sem_alloc : memref<!tpu.dma_semaphore, #tpu.memory_space<semaphore_mem>>
            %dma_start3A_74 = arith.constant 0 : i32
            %dma_start3A_75 = arith.constant 0 : i32
            %dma_start3A_76 = tpu.memref_slice %arg12[%dma_start3A_74, %dma_start3A_75] : memref<10240x128xf32, #tpu.memory_space<vmem_shared>> -> memref<10240x128xf32, #tpu.memory_space<vmem_shared>>
            tpu.enqueue_indirect_dma source(%arg11 : memref<80x128xf32, #tpu.memory_space<vmem>>) target(%dma_start3A_76 : memref<10240x128xf32, #tpu.memory_space<vmem_shared>>) offsets(%arg9 : memref<80xi32, #tpu.memory_space<vmem>>) semaphore(%run_scoped3A : memref<!tpu.dma_semaphore, #tpu.memory_space<semaphore_mem>>) {add = true}
            %dma_wait3A_77 = arith.constant 0 : i32
            %dma_wait3A_78 = arith.constant 0 : i32
            %dma_wait3A_79 = tpu.memref_slice %arg12[%dma_wait3A_77, %dma_wait3A_78] : memref<10240x128xf32, #tpu.memory_space<vmem_shared>> -> memref<10240x128xf32, #tpu.memory_space<vmem_shared>>
            tpu.wait_indirect_dma semaphore(%run_scoped3A : memref<!tpu.dma_semaphore, #tpu.memory_space<semaphore_mem>>) src(%arg11 : memref<80x128xf32, #tpu.memory_space<vmem>>) dst(%dma_wait3A_79 : memref<10240x128xf32, #tpu.memory_space<vmem_shared>>)
            tpu.yield
          }) : () -> ()
        } else {
        }
      }
      %scan3A_33 = arith.constant 63 : i32
    } else {
    }
    %eq3A_10 = arith.constant 1 : i32
    %eq3A_11 = arith.cmpi eq, %arg0, %eq3A_10 : i32
    %convert_element_type3A_12 = arith.extui %eq3A_11 : i1 to i32
    %cond3A_13 = arith.constant 0 : i32
    %cond3A_14 = arith.cmpi ne, %convert_element_type3A_12, %cond3A_13 : i32
    scf.if %cond3A_14 {
      %add3A = arith.constant 0 : i32
      %add3A_22 = arith.addi %mul3A_2, %add3A : i32
      %dma_start3A = tpu.memref_slice %arg4[%add3A_22] : memref<160000xi32, #tpu.memory_space<hbm>> -> memref<80xi32, #tpu.memory_space<hbm>>
      %dma_start3A_23 = tpu.memref_slice %arg4[%add3A_22] : memref<160000xi32, #tpu.memory_space<hbm>> -> memref<80xi32, #tpu.memory_space<hbm>>
      tpu.enqueue_dma source(%dma_start3A_23 : memref<80xi32, #tpu.memory_space<hbm>>) target(%arg8 : memref<80xi32, #tpu.memory_space<vmem>>) target_semaphore(%arg15 : memref<!tpu.dma_semaphore, #tpu.memory_space<semaphore_mem>>)
      %dma_start3A_24 = arith.constant 0 : i32
      %dma_start3A_25 = tpu.memref_slice %arg3[%add3A_22, %dma_start3A_24] : memref<160000x128xf32, #tpu.memory_space<hbm>> -> memref<80x128xf32, #tpu.memory_space<hbm>>
      %dma_start3A_26 = arith.constant 0 : i32
      %dma_start3A_27 = tpu.memref_slice %arg3[%add3A_22, %dma_start3A_26] : memref<160000x128xf32, #tpu.memory_space<hbm>> -> memref<80x128xf32, #tpu.memory_space<hbm>>
      tpu.enqueue_dma source(%dma_start3A_27 : memref<80x128xf32, #tpu.memory_space<hbm>>) target(%arg10 : memref<80x128xf32, #tpu.memory_space<vmem>>) target_semaphore(%arg13 : memref<!tpu.dma_semaphore, #tpu.memory_space<semaphore_mem>>)
      %scan3A_28 = arith.constant 0 : i32
      %scan3A_29 = arith.constant 0 : i32
      %scan3A_30 = arith.constant 63 : i32
      %scan3A_31 = arith.addi %scan3A_29, %scan3A_30 : i32
      %scan3A_32 = arith.constant 1 : i32
      scf.for %scan3A_34 = %scan3A_29 to %scan3A_31 step %scan3A_32  : i32 {
        %mul3A_35 = arith.constant 2 : i32
        %mul3A_36 = arith.muli %mul3A_35, %scan3A_34 : i32
        %add3A_37 = arith.constant 0 : i32
        %add3A_38 = arith.addi %mul3A_36, %add3A_37 : i32
        %add3A_39 = arith.constant 1 : i32
        %add3A_40 = arith.addi %add3A_38, %add3A_39 : i32
        %lt3A = arith.constant 125 : i32
        %lt3A_41 = arith.cmpi slt, %add3A_40, %lt3A : i32
        %convert_element_type3A_42 = arith.extui %lt3A_41 : i1 to i32
        %cond3A_43 = arith.constant 0 : i32
        %cond3A_44 = arith.cmpi ne, %convert_element_type3A_42, %cond3A_43 : i32
        scf.if %cond3A_44 {
          %mul3A_66 = arith.constant 80 : i32
          %mul3A_67 = arith.muli %add3A_40, %mul3A_66 : i32
          %add3A_68 = arith.addi %mul3A_2, %mul3A_67 : i32
          %dma_start3A_69 = tpu.memref_slice %arg4[%add3A_68] : memref<160000xi32, #tpu.memory_space<hbm>> -> memref<80xi32, #tpu.memory_space<hbm>>
          %dma_start3A_70 = tpu.memref_slice %arg4[%add3A_68] : memref<160000xi32, #tpu.memory_space<hbm>> -> memref<80xi32, #tpu.memory_space<hbm>>
          tpu.enqueue_dma source(%dma_start3A_70 : memref<80xi32, #tpu.memory_space<hbm>>) target(%arg9 : memref<80xi32, #tpu.memory_space<vmem>>) target_semaphore(%arg16 : memref<!tpu.dma_semaphore, #tpu.memory_space<semaphore_mem>>)
          %dma_start3A_71 = arith.constant 0 : i32
          %dma_start3A_72 = tpu.memref_slice %arg3[%add3A_68, %dma_start3A_71] : memref<160000x128xf32, #tpu.memory_space<hbm>> -> memref<80x128xf32, #tpu.memory_space<hbm>>
          %dma_start3A_73 = arith.constant 0 : i32
          %dma_start3A_74 = tpu.memref_slice %arg3[%add3A_68, %dma_start3A_73] : memref<160000x128xf32, #tpu.memory_space<hbm>> -> memref<80x128xf32, #tpu.memory_space<hbm>>
          tpu.enqueue_dma source(%dma_start3A_74 : memref<80x128xf32, #tpu.memory_space<hbm>>) target(%arg11 : memref<80x128xf32, #tpu.memory_space<vmem>>) target_semaphore(%arg14 : memref<!tpu.dma_semaphore, #tpu.memory_space<semaphore_mem>>)
        } else {
        }
        %lt3A_45 = arith.constant 125 : i32
        %lt3A_46 = arith.cmpi slt, %add3A_38, %lt3A_45 : i32
        %convert_element_type3A_47 = arith.extui %lt3A_46 : i1 to i32
        %cond3A_48 = arith.constant 0 : i32
        %cond3A_49 = arith.cmpi ne, %convert_element_type3A_47, %cond3A_48 : i32
        scf.if %cond3A_49 {
          %mul3A_66 = arith.constant 80 : i32
          %mul3A_67 = arith.muli %add3A_38, %mul3A_66 : i32
          %add3A_68 = arith.addi %mul3A_2, %mul3A_67 : i32
          %dma_wait3A = tpu.memref_slice %arg4[%add3A_68] : memref<160000xi32, #tpu.memory_space<hbm>> -> memref<80xi32, #tpu.memory_space<hbm>>
          %dma_wait3A_69 = tpu.memref_slice %arg4[%add3A_68] : memref<160000xi32, #tpu.memory_space<hbm>> -> memref<80xi32, #tpu.memory_space<hbm>>
          tpu.wait_dma2 semaphore(%arg15 : memref<!tpu.dma_semaphore, #tpu.memory_space<semaphore_mem>>) src(%dma_wait3A_69 : memref<80xi32, #tpu.memory_space<hbm>>) dst(%arg8 : memref<80xi32, #tpu.memory_space<vmem>>)
          %dma_wait3A_70 = arith.constant 0 : i32
          %dma_wait3A_71 = tpu.memref_slice %arg3[%add3A_68, %dma_wait3A_70] : memref<160000x128xf32, #tpu.memory_space<hbm>> -> memref<80x128xf32, #tpu.memory_space<hbm>>
          %dma_wait3A_72 = arith.constant 0 : i32
          %dma_wait3A_73 = tpu.memref_slice %arg3[%add3A_68, %dma_wait3A_72] : memref<160000x128xf32, #tpu.memory_space<hbm>> -> memref<80x128xf32, #tpu.memory_space<hbm>>
          tpu.wait_dma2 semaphore(%arg13 : memref<!tpu.dma_semaphore, #tpu.memory_space<semaphore_mem>>) src(%dma_wait3A_73 : memref<80x128xf32, #tpu.memory_space<hbm>>) dst(%arg10 : memref<80x128xf32, #tpu.memory_space<vmem>>)
          "tpu.region"() ({
            %run_scoped3A = tpu.sem_alloc : memref<!tpu.dma_semaphore, #tpu.memory_space<semaphore_mem>>
            %dma_start3A_74 = arith.constant 0 : i32
            %dma_start3A_75 = arith.constant 0 : i32
            %dma_start3A_76 = tpu.memref_slice %arg12[%dma_start3A_74, %dma_start3A_75] : memref<10240x128xf32, #tpu.memory_space<vmem_shared>> -> memref<10240x128xf32, #tpu.memory_space<vmem_shared>>
            tpu.enqueue_indirect_dma source(%arg10 : memref<80x128xf32, #tpu.memory_space<vmem>>) target(%dma_start3A_76 : memref<10240x128xf32, #tpu.memory_space<vmem_shared>>) offsets(%arg8 : memref<80xi32, #tpu.memory_space<vmem>>) semaphore(%run_scoped3A : memref<!tpu.dma_semaphore, #tpu.memory_space<semaphore_mem>>) {add = true}
            %dma_wait3A_77 = arith.constant 0 : i32
            %dma_wait3A_78 = arith.constant 0 : i32
            %dma_wait3A_79 = tpu.memref_slice %arg12[%dma_wait3A_77, %dma_wait3A_78] : memref<10240x128xf32, #tpu.memory_space<vmem_shared>> -> memref<10240x128xf32, #tpu.memory_space<vmem_shared>>
            tpu.wait_indirect_dma semaphore(%run_scoped3A : memref<!tpu.dma_semaphore, #tpu.memory_space<semaphore_mem>>) src(%arg10 : memref<80x128xf32, #tpu.memory_space<vmem>>) dst(%dma_wait3A_79 : memref<10240x128xf32, #tpu.memory_space<vmem_shared>>)
            tpu.yield
          }) : () -> ()
        } else {
        }
        %mul3A_50 = arith.constant 2 : i32
        %mul3A_51 = arith.muli %mul3A_50, %scan3A_34 : i32
        %add3A_52 = arith.constant 1 : i32
        %add3A_53 = arith.addi %mul3A_51, %add3A_52 : i32
        %add3A_54 = arith.constant 1 : i32
        %add3A_55 = arith.addi %add3A_53, %add3A_54 : i32
        %lt3A_56 = arith.constant 125 : i32
        %lt3A_57 = arith.cmpi slt, %add3A_55, %lt3A_56 : i32
        %convert_element_type3A_58 = arith.extui %lt3A_57 : i1 to i32
        %cond3A_59 = arith.constant 0 : i32
        %cond3A_60 = arith.cmpi ne, %convert_element_type3A_58, %cond3A_59 : i32
        scf.if %cond3A_60 {
          %mul3A_66 = arith.constant 80 : i32
          %mul3A_67 = arith.muli %add3A_55, %mul3A_66 : i32
          %add3A_68 = arith.addi %mul3A_2, %mul3A_67 : i32
          %dma_start3A_69 = tpu.memref_slice %arg4[%add3A_68] : memref<160000xi32, #tpu.memory_space<hbm>> -> memref<80xi32, #tpu.memory_space<hbm>>
          %dma_start3A_70 = tpu.memref_slice %arg4[%add3A_68] : memref<160000xi32, #tpu.memory_space<hbm>> -> memref<80xi32, #tpu.memory_space<hbm>>
          tpu.enqueue_dma source(%dma_start3A_70 : memref<80xi32, #tpu.memory_space<hbm>>) target(%arg8 : memref<80xi32, #tpu.memory_space<vmem>>) target_semaphore(%arg15 : memref<!tpu.dma_semaphore, #tpu.memory_space<semaphore_mem>>)
          %dma_start3A_71 = arith.constant 0 : i32
          %dma_start3A_72 = tpu.memref_slice %arg3[%add3A_68, %dma_start3A_71] : memref<160000x128xf32, #tpu.memory_space<hbm>> -> memref<80x128xf32, #tpu.memory_space<hbm>>
          %dma_start3A_73 = arith.constant 0 : i32
          %dma_start3A_74 = tpu.memref_slice %arg3[%add3A_68, %dma_start3A_73] : memref<160000x128xf32, #tpu.memory_space<hbm>> -> memref<80x128xf32, #tpu.memory_space<hbm>>
          tpu.enqueue_dma source(%dma_start3A_74 : memref<80x128xf32, #tpu.memory_space<hbm>>) target(%arg10 : memref<80x128xf32, #tpu.memory_space<vmem>>) target_semaphore(%arg13 : memref<!tpu.dma_semaphore, #tpu.memory_space<semaphore_mem>>)
        } else {
        }
        %lt3A_61 = arith.constant 125 : i32
        %lt3A_62 = arith.cmpi slt, %add3A_53, %lt3A_61 : i32
        %convert_element_type3A_63 = arith.extui %lt3A_62 : i1 to i32
        %cond3A_64 = arith.constant 0 : i32
        %cond3A_65 = arith.cmpi ne, %convert_element_type3A_63, %cond3A_64 : i32
        scf.if %cond3A_65 {
          %mul3A_66 = arith.constant 80 : i32
          %mul3A_67 = arith.muli %add3A_53, %mul3A_66 : i32
          %add3A_68 = arith.addi %mul3A_2, %mul3A_67 : i32
          %dma_wait3A = tpu.memref_slice %arg4[%add3A_68] : memref<160000xi32, #tpu.memory_space<hbm>> -> memref<80xi32, #tpu.memory_space<hbm>>
          %dma_wait3A_69 = tpu.memref_slice %arg4[%add3A_68] : memref<160000xi32, #tpu.memory_space<hbm>> -> memref<80xi32, #tpu.memory_space<hbm>>
          tpu.wait_dma2 semaphore(%arg16 : memref<!tpu.dma_semaphore, #tpu.memory_space<semaphore_mem>>) src(%dma_wait3A_69 : memref<80xi32, #tpu.memory_space<hbm>>) dst(%arg9 : memref<80xi32, #tpu.memory_space<vmem>>)
          %dma_wait3A_70 = arith.constant 0 : i32
          %dma_wait3A_71 = tpu.memref_slice %arg3[%add3A_68, %dma_wait3A_70] : memref<160000x128xf32, #tpu.memory_space<hbm>> -> memref<80x128xf32, #tpu.memory_space<hbm>>
          %dma_wait3A_72 = arith.constant 0 : i32
          %dma_wait3A_73 = tpu.memref_slice %arg3[%add3A_68, %dma_wait3A_72] : memref<160000x128xf32, #tpu.memory_space<hbm>> -> memref<80x128xf32, #tpu.memory_space<hbm>>
          tpu.wait_dma2 semaphore(%arg14 : memref<!tpu.dma_semaphore, #tpu.memory_space<semaphore_mem>>) src(%dma_wait3A_73 : memref<80x128xf32, #tpu.memory_space<hbm>>) dst(%arg11 : memref<80x128xf32, #tpu.memory_space<vmem>>)
          "tpu.region"() ({
            %run_scoped3A = tpu.sem_alloc : memref<!tpu.dma_semaphore, #tpu.memory_space<semaphore_mem>>
            %dma_start3A_74 = arith.constant 0 : i32
            %dma_start3A_75 = arith.constant 0 : i32
            %dma_start3A_76 = tpu.memref_slice %arg12[%dma_start3A_74, %dma_start3A_75] : memref<10240x128xf32, #tpu.memory_space<vmem_shared>> -> memref<10240x128xf32, #tpu.memory_space<vmem_shared>>
            tpu.enqueue_indirect_dma source(%arg11 : memref<80x128xf32, #tpu.memory_space<vmem>>) target(%dma_start3A_76 : memref<10240x128xf32, #tpu.memory_space<vmem_shared>>) offsets(%arg9 : memref<80xi32, #tpu.memory_space<vmem>>) semaphore(%run_scoped3A : memref<!tpu.dma_semaphore, #tpu.memory_space<semaphore_mem>>) {add = true}
            %dma_wait3A_77 = arith.constant 0 : i32
            %dma_wait3A_78 = arith.constant 0 : i32
            %dma_wait3A_79 = tpu.memref_slice %arg12[%dma_wait3A_77, %dma_wait3A_78] : memref<10240x128xf32, #tpu.memory_space<vmem_shared>> -> memref<10240x128xf32, #tpu.memory_space<vmem_shared>>
            tpu.wait_indirect_dma semaphore(%run_scoped3A : memref<!tpu.dma_semaphore, #tpu.memory_space<semaphore_mem>>) src(%arg11 : memref<80x128xf32, #tpu.memory_space<vmem>>) dst(%dma_wait3A_79 : memref<10240x128xf32, #tpu.memory_space<vmem_shared>>)
            tpu.yield
          }) : () -> ()
        } else {
        }
      }
      %scan3A_33 = arith.constant 63 : i32
    } else {
    }
    %barrier3A_15 = arith.constant 0 : index
    tpu.barrier barrier_id(%barrier3A_15)
    %scan3A_16 = arith.constant 0 : i32
    %scan3A_17 = arith.constant 0 : i32
    %scan3A_18 = arith.constant 8 : i32
    %scan3A_19 = arith.addi %scan3A_17, %scan3A_18 : i32
    %scan3A_20 = arith.constant 1 : i32
    scf.for %scan3A_22 = %scan3A_17 to %scan3A_19 step %scan3A_20  : i32 {
      %mul3A_23 = arith.constant 80 : i32
      %mul3A_24 = arith.muli %scan3A_22, %mul3A_23 : i32
      %add3A = arith.addi %mul3A_0, %mul3A_24 : i32
      "tpu.region"() ({
        %run_scoped3A = tpu.sem_alloc : memref<!tpu.dma_semaphore, #tpu.memory_space<semaphore_mem>>
        %dma_start3A = arith.constant 0 : i32
        %dma_start3A_35 = tpu.memref_slice %arg12[%add3A, %dma_start3A] : memref<10240x128xf32, #tpu.memory_space<vmem_shared>> -> memref<80x128xf32, #tpu.memory_space<vmem_shared>>
        %dma_start3A_36 = arith.constant 0 : i32
        %dma_start3A_37 = tpu.memref_slice %arg12[%add3A, %dma_start3A_36] : memref<10240x128xf32, #tpu.memory_space<vmem_shared>> -> memref<80x128xf32, #tpu.memory_space<vmem_shared>>
        tpu.enqueue_dma source(%dma_start3A_37 : memref<80x128xf32, #tpu.memory_space<vmem_shared>>) target(%arg10 : memref<80x128xf32, #tpu.memory_space<vmem>>) target_semaphore(%run_scoped3A : memref<!tpu.dma_semaphore, #tpu.memory_space<semaphore_mem>>)
        %dma_wait3A = arith.constant 0 : i32
        %dma_wait3A_38 = tpu.memref_slice %arg12[%add3A, %dma_wait3A] : memref<10240x128xf32, #tpu.memory_space<vmem_shared>> -> memref<80x128xf32, #tpu.memory_space<vmem_shared>>
        %dma_wait3A_39 = arith.constant 0 : i32
        %dma_wait3A_40 = tpu.memref_slice %arg12[%add3A, %dma_wait3A_39] : memref<10240x128xf32, #tpu.memory_space<vmem_shared>> -> memref<80x128xf32, #tpu.memory_space<vmem_shared>>
        tpu.wait_dma2 semaphore(%run_scoped3A : memref<!tpu.dma_semaphore, #tpu.memory_space<semaphore_mem>>) src(%dma_wait3A_40 : memref<80x128xf32, #tpu.memory_space<vmem_shared>>) dst(%arg10 : memref<80x128xf32, #tpu.memory_space<vmem>>)
        tpu.yield
      }) : () -> ()
      %eq3A_25 = arith.constant 0 : i32
      %eq3A_26 = arith.cmpi eq, %arg0, %eq3A_25 : i32
      %convert_element_type3A_27 = arith.extui %eq3A_26 : i1 to i32
      %cond3A_28 = arith.constant 0 : i32
      %cond3A_29 = arith.cmpi ne, %convert_element_type3A_27, %cond3A_28 : i32
      scf.if %cond3A_29 {
        "tpu.region"() ({
          %run_scoped3A = tpu.sem_alloc : memref<!tpu.dma_semaphore, #tpu.memory_space<semaphore_mem>>
          %dma_start3A = arith.constant 0 : i32
          %dma_start3A_35 = tpu.memref_slice %arg6[%add3A, %dma_start3A] : memref<10240x128xf32, #tpu.memory_space<hbm>> -> memref<80x128xf32, #tpu.memory_space<hbm>>
          %dma_start3A_36 = arith.constant 0 : i32
          %dma_start3A_37 = tpu.memref_slice %arg6[%add3A, %dma_start3A_36] : memref<10240x128xf32, #tpu.memory_space<hbm>> -> memref<80x128xf32, #tpu.memory_space<hbm>>
          tpu.enqueue_dma source(%arg10 : memref<80x128xf32, #tpu.memory_space<vmem>>) target(%dma_start3A_37 : memref<80x128xf32, #tpu.memory_space<hbm>>) target_semaphore(%run_scoped3A : memref<!tpu.dma_semaphore, #tpu.memory_space<semaphore_mem>>)
          %dma_wait3A = arith.constant 0 : i32
          %dma_wait3A_38 = tpu.memref_slice %arg6[%add3A, %dma_wait3A] : memref<10240x128xf32, #tpu.memory_space<hbm>> -> memref<80x128xf32, #tpu.memory_space<hbm>>
          %dma_wait3A_39 = arith.constant 0 : i32
          %dma_wait3A_40 = tpu.memref_slice %arg6[%add3A, %dma_wait3A_39] : memref<10240x128xf32, #tpu.memory_space<hbm>> -> memref<80x128xf32, #tpu.memory_space<hbm>>
          tpu.wait_dma2 semaphore(%run_scoped3A : memref<!tpu.dma_semaphore, #tpu.memory_space<semaphore_mem>>) src(%arg10 : memref<80x128xf32, #tpu.memory_space<vmem>>) dst(%dma_wait3A_40 : memref<80x128xf32, #tpu.memory_space<hbm>>)
          tpu.yield
        }) : () -> ()
      } else {
      }
      %eq3A_30 = arith.constant 1 : i32
      %eq3A_31 = arith.cmpi eq, %arg0, %eq3A_30 : i32
      %convert_element_type3A_32 = arith.extui %eq3A_31 : i1 to i32
      %cond3A_33 = arith.constant 0 : i32
      %cond3A_34 = arith.cmpi ne, %convert_element_type3A_32, %cond3A_33 : i32
      scf.if %cond3A_34 {
        "tpu.region"() ({
          %run_scoped3A = tpu.sem_alloc : memref<!tpu.dma_semaphore, #tpu.memory_space<semaphore_mem>>
          %dma_start3A = arith.constant 0 : i32
          %dma_start3A_35 = tpu.memref_slice %arg7[%add3A, %dma_start3A] : memref<10240x128xf32, #tpu.memory_space<hbm>> -> memref<80x128xf32, #tpu.memory_space<hbm>>
          %dma_start3A_36 = arith.constant 0 : i32
          %dma_start3A_37 = tpu.memref_slice %arg7[%add3A, %dma_start3A_36] : memref<10240x128xf32, #tpu.memory_space<hbm>> -> memref<80x128xf32, #tpu.memory_space<hbm>>
          tpu.enqueue_dma source(%arg10 : memref<80x128xf32, #tpu.memory_space<vmem>>) target(%dma_start3A_37 : memref<80x128xf32, #tpu.memory_space<hbm>>) target_semaphore(%run_scoped3A : memref<!tpu.dma_semaphore, #tpu.memory_space<semaphore_mem>>)
          %dma_wait3A = arith.constant 0 : i32
          %dma_wait3A_38 = tpu.memref_slice %arg7[%add3A, %dma_wait3A] : memref<10240x128xf32, #tpu.memory_space<hbm>> -> memref<80x128xf32, #tpu.memory_space<hbm>>
          %dma_wait3A_39 = arith.constant 0 : i32
          %dma_wait3A_40 = tpu.memref_slice %arg7[%add3A, %dma_wait3A_39] : memref<10240x128xf32, #tpu.memory_space<hbm>> -> memref<80x128xf32, #tpu.memory_space<hbm>>
          tpu.wait_dma2 semaphore(%run_scoped3A : memref<!tpu.dma_semaphore, #tpu.memory_space<semaphore_mem>>) src(%arg10 : memref<80x128xf32, #tpu.memory_space<vmem>>) dst(%dma_wait3A_40 : memref<80x128xf32, #tpu.memory_space<hbm>>)
          tpu.yield
        }) : () -> ()
      } else {
      }
    }
    %scan3A_21 = arith.constant 8 : i32
    return
  }
}

#map = affine_map<(d0, d1) -> (0, 0)>
#map1 = affine_map<(d0, d1) -> (0)>
module attributes {stable_mosaic.version = 14 : i64} {
  func.func @gather_kernel(%arg0: i32, %arg1: i32, %arg2: memref<10000x256xf32, #tpu.memory_space<hbm>>, %arg3: memref<10000x256xf32, #tpu.memory_space<hbm>>, %arg4: memref<160000xi32, #tpu.memory_space<hbm>>, %arg5: memref<160000xi32, #tpu.memory_space<hbm>>, %arg6: memref<160000x256xf32, #tpu.memory_space<hbm>>, %arg7: memref<5000xi32, #tpu.memory_space<vmem>>, %arg8: memref<5000xi32, #tpu.memory_space<vmem>>, %arg9: memref<40x256xf32, #tpu.memory_space<vmem>>, %arg10: memref<40x256xf32, #tpu.memory_space<vmem>>, %arg11: memref<40x256xf32, #tpu.memory_space<vmem>>, %arg12: memref<40x256xf32, #tpu.memory_space<vmem>>, %arg13: memref<!tpu.dma_semaphore, #tpu.memory_space<semaphore_mem>>, %arg14: memref<!tpu.dma_semaphore, #tpu.memory_space<semaphore_mem>>, %arg15: memref<!tpu.dma_semaphore, #tpu.memory_space<semaphore_mem>>, %arg16: memref<!tpu.dma_semaphore, #tpu.memory_space<semaphore_mem>>, %arg17: memref<!tpu.dma_semaphore, #tpu.memory_space<semaphore_mem>>, %arg18: memref<!tpu.dma_semaphore, #tpu.memory_space<semaphore_mem>>) attributes {dimension_semantics = [#tpu.dimension_semantics<core_parallel>, #tpu.dimension_semantics<subcore_parallel>], iteration_bounds = array<i64: 2, 16>, scalar_prefetch = 0 : i64, scratch_operands = 12 : i64, tpu.core_type = #tpu.core_type<sc_vector_subcore>, window_params = [{transform_indices = #map}, {transform_indices = #map}, {transform_indices = #map1}, {transform_indices = #map1}, {transform_indices = #map}]} {
    %mul3A = arith.constant 2 : i32
    %mul3A_0 = arith.muli %arg1, %mul3A : i32
    %add3A = arith.addi %mul3A_0, %arg0 : i32
    %mul3A_1 = arith.constant 5000 : i32
    %mul3A_2 = arith.muli %add3A, %mul3A_1 : i32
    "tpu.region"() ({
      %run_scoped3A = tpu.sem_alloc : memref<!tpu.dma_semaphore, #tpu.memory_space<semaphore_mem>>
      %dma_start3A_28 = tpu.memref_slice %arg4[%mul3A_2] : memref<160000xi32, #tpu.memory_space<hbm>> -> memref<5000xi32, #tpu.memory_space<hbm>>
      %dma_start3A_29 = tpu.memref_slice %arg4[%mul3A_2] : memref<160000xi32, #tpu.memory_space<hbm>> -> memref<5000xi32, #tpu.memory_space<hbm>>
      tpu.enqueue_dma source(%dma_start3A_29 : memref<5000xi32, #tpu.memory_space<hbm>>) target(%arg7 : memref<5000xi32, #tpu.memory_space<vmem>>) target_semaphore(%run_scoped3A : memref<!tpu.dma_semaphore, #tpu.memory_space<semaphore_mem>>)
      %dma_wait3A_30 = tpu.memref_slice %arg4[%mul3A_2] : memref<160000xi32, #tpu.memory_space<hbm>> -> memref<5000xi32, #tpu.memory_space<hbm>>
      %dma_wait3A_31 = tpu.memref_slice %arg4[%mul3A_2] : memref<160000xi32, #tpu.memory_space<hbm>> -> memref<5000xi32, #tpu.memory_space<hbm>>
      tpu.wait_dma2 semaphore(%run_scoped3A : memref<!tpu.dma_semaphore, #tpu.memory_space<semaphore_mem>>) src(%dma_wait3A_31 : memref<5000xi32, #tpu.memory_space<hbm>>) dst(%arg7 : memref<5000xi32, #tpu.memory_space<vmem>>)
      tpu.yield
    }) : () -> ()
    "tpu.region"() ({
      %run_scoped3A = tpu.sem_alloc : memref<!tpu.dma_semaphore, #tpu.memory_space<semaphore_mem>>
      %dma_start3A_28 = tpu.memref_slice %arg5[%mul3A_2] : memref<160000xi32, #tpu.memory_space<hbm>> -> memref<5000xi32, #tpu.memory_space<hbm>>
      %dma_start3A_29 = tpu.memref_slice %arg5[%mul3A_2] : memref<160000xi32, #tpu.memory_space<hbm>> -> memref<5000xi32, #tpu.memory_space<hbm>>
      tpu.enqueue_dma source(%dma_start3A_29 : memref<5000xi32, #tpu.memory_space<hbm>>) target(%arg8 : memref<5000xi32, #tpu.memory_space<vmem>>) target_semaphore(%run_scoped3A : memref<!tpu.dma_semaphore, #tpu.memory_space<semaphore_mem>>)
      %dma_wait3A_30 = tpu.memref_slice %arg5[%mul3A_2] : memref<160000xi32, #tpu.memory_space<hbm>> -> memref<5000xi32, #tpu.memory_space<hbm>>
      %dma_wait3A_31 = tpu.memref_slice %arg5[%mul3A_2] : memref<160000xi32, #tpu.memory_space<hbm>> -> memref<5000xi32, #tpu.memory_space<hbm>>
      tpu.wait_dma2 semaphore(%run_scoped3A : memref<!tpu.dma_semaphore, #tpu.memory_space<semaphore_mem>>) src(%dma_wait3A_31 : memref<5000xi32, #tpu.memory_space<hbm>>) dst(%arg8 : memref<5000xi32, #tpu.memory_space<vmem>>)
      tpu.yield
    }) : () -> ()
    %dma_start3A = arith.constant 0 : i32
    %dma_start3A_3 = tpu.memref_slice %arg7[%dma_start3A] : memref<5000xi32, #tpu.memory_space<vmem>> -> memref<40xi32, #tpu.memory_space<vmem>>
    %dma_start3A_4 = arith.constant 0 : i32
    %dma_start3A_5 = arith.constant 0 : i32
    %dma_start3A_6 = tpu.memref_slice %arg2[%dma_start3A_4, %dma_start3A_5] : memref<10000x256xf32, #tpu.memory_space<hbm>> -> memref<10000x256xf32, #tpu.memory_space<hbm>>
    tpu.enqueue_indirect_dma source(%dma_start3A_6 : memref<10000x256xf32, #tpu.memory_space<hbm>>) target(%arg9 : memref<40x256xf32, #tpu.memory_space<vmem>>) offsets(%dma_start3A_3 : memref<40xi32, #tpu.memory_space<vmem>>) semaphore(%arg13 : memref<!tpu.dma_semaphore, #tpu.memory_space<semaphore_mem>>)
    %dma_start3A_7 = arith.constant 0 : i32
    %dma_start3A_8 = tpu.memref_slice %arg8[%dma_start3A_7] : memref<5000xi32, #tpu.memory_space<vmem>> -> memref<40xi32, #tpu.memory_space<vmem>>
    %dma_start3A_9 = arith.constant 0 : i32
    %dma_start3A_10 = arith.constant 0 : i32
    %dma_start3A_11 = tpu.memref_slice %arg3[%dma_start3A_9, %dma_start3A_10] : memref<10000x256xf32, #tpu.memory_space<hbm>> -> memref<10000x256xf32, #tpu.memory_space<hbm>>
    tpu.enqueue_indirect_dma source(%dma_start3A_11 : memref<10000x256xf32, #tpu.memory_space<hbm>>) target(%arg10 : memref<40x256xf32, #tpu.memory_space<vmem>>) offsets(%dma_start3A_8 : memref<40xi32, #tpu.memory_space<vmem>>) semaphore(%arg14 : memref<!tpu.dma_semaphore, #tpu.memory_space<semaphore_mem>>)
    %scan3A = arith.constant 0 : i32
    %scan3A_12 = arith.constant 0 : i32
    %scan3A_13 = arith.constant 63 : i32
    %scan3A_14 = arith.addi %scan3A_12, %scan3A_13 : i32
    %scan3A_15 = arith.constant 1 : i32
    scf.for %scan3A_28 = %scan3A_12 to %scan3A_14 step %scan3A_15  : i32 {
      %mul3A_29 = arith.constant 2 : i32
      %mul3A_30 = arith.muli %mul3A_29, %scan3A_28 : i32
      %add3A_31 = arith.constant 0 : i32
      %add3A_32 = arith.addi %mul3A_30, %add3A_31 : i32
      %add3A_33 = arith.constant 1 : i32
      %add3A_34 = arith.addi %add3A_32, %add3A_33 : i32
      %lt3A = arith.constant 125 : i32
      %lt3A_35 = arith.cmpi slt, %add3A_34, %lt3A : i32
      %convert_element_type3A = arith.extui %lt3A_35 : i1 to i32
      %cond3A = arith.constant 0 : i32
      %cond3A_36 = arith.cmpi ne, %convert_element_type3A, %cond3A : i32
      scf.if %cond3A_36 {
        %ge3A = arith.constant 1 : i32
        %ge3A_58 = arith.cmpi sge, %add3A_32, %ge3A : i32
        %convert_element_type3A_59 = arith.extui %ge3A_58 : i1 to i32
        %cond3A_60 = arith.constant 0 : i32
        %cond3A_61 = arith.cmpi ne, %convert_element_type3A_59, %cond3A_60 : i32
        scf.if %cond3A_61 {
          %sub3A = arith.constant 1 : i32
          %sub3A_72 = arith.subi %add3A_32, %sub3A : i32
          %mul3A_73 = arith.constant 40 : i32
          %mul3A_74 = arith.muli %sub3A_72, %mul3A_73 : i32
          %add3A_75 = arith.addi %mul3A_2, %mul3A_74 : i32
          %dma_wait3A_76 = arith.constant 0 : i32
          %dma_wait3A_77 = tpu.memref_slice %arg6[%add3A_75, %dma_wait3A_76] : memref<160000x256xf32, #tpu.memory_space<hbm>> -> memref<40x256xf32, #tpu.memory_space<hbm>>
          %dma_wait3A_78 = arith.constant 0 : i32
          %dma_wait3A_79 = tpu.memref_slice %arg6[%add3A_75, %dma_wait3A_78] : memref<160000x256xf32, #tpu.memory_space<hbm>> -> memref<40x256xf32, #tpu.memory_space<hbm>>
          tpu.wait_dma2 semaphore(%arg18 : memref<!tpu.dma_semaphore, #tpu.memory_space<semaphore_mem>>) src(%arg11 : memref<40x256xf32, #tpu.memory_space<vmem>>) dst(%dma_wait3A_79 : memref<40x256xf32, #tpu.memory_space<hbm>>)
        } else {
        }
        %mul3A_62 = arith.constant 40 : i32
        %mul3A_63 = arith.muli %add3A_34, %mul3A_62 : i32
        %dma_start3A_64 = tpu.memref_slice %arg7[%mul3A_63] : memref<5000xi32, #tpu.memory_space<vmem>> -> memref<40xi32, #tpu.memory_space<vmem>>
        %dma_start3A_65 = arith.constant 0 : i32
        %dma_start3A_66 = arith.constant 0 : i32
        %dma_start3A_67 = tpu.memref_slice %arg2[%dma_start3A_65, %dma_start3A_66] : memref<10000x256xf32, #tpu.memory_space<hbm>> -> memref<10000x256xf32, #tpu.memory_space<hbm>>
        tpu.enqueue_indirect_dma source(%dma_start3A_67 : memref<10000x256xf32, #tpu.memory_space<hbm>>) target(%arg11 : memref<40x256xf32, #tpu.memory_space<vmem>>) offsets(%dma_start3A_64 : memref<40xi32, #tpu.memory_space<vmem>>) semaphore(%arg15 : memref<!tpu.dma_semaphore, #tpu.memory_space<semaphore_mem>>)
        %dma_start3A_68 = tpu.memref_slice %arg8[%mul3A_63] : memref<5000xi32, #tpu.memory_space<vmem>> -> memref<40xi32, #tpu.memory_space<vmem>>
        %dma_start3A_69 = arith.constant 0 : i32
        %dma_start3A_70 = arith.constant 0 : i32
        %dma_start3A_71 = tpu.memref_slice %arg3[%dma_start3A_69, %dma_start3A_70] : memref<10000x256xf32, #tpu.memory_space<hbm>> -> memref<10000x256xf32, #tpu.memory_space<hbm>>
        tpu.enqueue_indirect_dma source(%dma_start3A_71 : memref<10000x256xf32, #tpu.memory_space<hbm>>) target(%arg12 : memref<40x256xf32, #tpu.memory_space<vmem>>) offsets(%dma_start3A_68 : memref<40xi32, #tpu.memory_space<vmem>>) semaphore(%arg16 : memref<!tpu.dma_semaphore, #tpu.memory_space<semaphore_mem>>)
      } else {
      }
      %lt3A_37 = arith.constant 125 : i32
      %lt3A_38 = arith.cmpi slt, %add3A_32, %lt3A_37 : i32
      %convert_element_type3A_39 = arith.extui %lt3A_38 : i1 to i32
      %cond3A_40 = arith.constant 0 : i32
      %cond3A_41 = arith.cmpi ne, %convert_element_type3A_39, %cond3A_40 : i32
      scf.if %cond3A_41 {
        %mul3A_58 = arith.constant 40 : i32
        %mul3A_59 = arith.muli %add3A_32, %mul3A_58 : i32
        %dma_wait3A_60 = tpu.memref_slice %arg7[%mul3A_59] : memref<5000xi32, #tpu.memory_space<vmem>> -> memref<40xi32, #tpu.memory_space<vmem>>
        %dma_wait3A_61 = arith.constant 0 : i32
        %dma_wait3A_62 = arith.constant 0 : i32
        %dma_wait3A_63 = tpu.memref_slice %arg2[%dma_wait3A_61, %dma_wait3A_62] : memref<10000x256xf32, #tpu.memory_space<hbm>> -> memref<10000x256xf32, #tpu.memory_space<hbm>>
        tpu.wait_indirect_dma semaphore(%arg13 : memref<!tpu.dma_semaphore, #tpu.memory_space<semaphore_mem>>) src(%dma_wait3A_63 : memref<10000x256xf32, #tpu.memory_space<hbm>>) dst(%arg9 : memref<40x256xf32, #tpu.memory_space<vmem>>)
        %dma_wait3A_64 = tpu.memref_slice %arg8[%mul3A_59] : memref<5000xi32, #tpu.memory_space<vmem>> -> memref<40xi32, #tpu.memory_space<vmem>>
        %dma_wait3A_65 = arith.constant 0 : i32
        %dma_wait3A_66 = arith.constant 0 : i32
        %dma_wait3A_67 = tpu.memref_slice %arg3[%dma_wait3A_65, %dma_wait3A_66] : memref<10000x256xf32, #tpu.memory_space<hbm>> -> memref<10000x256xf32, #tpu.memory_space<hbm>>
        tpu.wait_indirect_dma semaphore(%arg14 : memref<!tpu.dma_semaphore, #tpu.memory_space<semaphore_mem>>) src(%dma_wait3A_67 : memref<10000x256xf32, #tpu.memory_space<hbm>>) dst(%arg10 : memref<40x256xf32, #tpu.memory_space<vmem>>)
        %parallel_loop3A = arith.constant 0 : i32
        %parallel_loop3A_68 = arith.constant 40 : i32
        %parallel_loop3A_69 = arith.constant 1 : i32
        scf.for %parallel_loop3A_75 = %parallel_loop3A to %parallel_loop3A_68 step %parallel_loop3A_69  : i32 {
          %parallel_loop3A_76 = arith.index_cast %parallel_loop3A_75 : i32 to index
          %parallel_loop3A_77 = arith.constant 0 : index
          %parallel_loop3A_78 = tpu.vector_load %arg9[%parallel_loop3A_76, %parallel_loop3A_77] {strides = array<i32>} : memref<40x256xf32, #tpu.memory_space<vmem>>, vector<1x16xf32>,
          %parallel_loop3A_79 = vector.shape_cast %parallel_loop3A_78 : vector<1x16xf32> to vector<16xf32>
          %parallel_loop3A_80 = arith.index_cast %parallel_loop3A_75 : i32 to index
          %parallel_loop3A_81 = arith.constant 0 : index
          %parallel_loop3A_82 = tpu.vector_load %arg10[%parallel_loop3A_80, %parallel_loop3A_81] {strides = array<i32>} : memref<40x256xf32, #tpu.memory_space<vmem>>, vector<1x16xf32>,
          %parallel_loop3A_83 = vector.shape_cast %parallel_loop3A_82 : vector<1x16xf32> to vector<16xf32>
          %parallel_loop3A_84 = arith.addf %parallel_loop3A_79, %parallel_loop3A_83 : vector<16xf32>
          %parallel_loop3A_85 = arith.index_cast %parallel_loop3A_75 : i32 to index
          %parallel_loop3A_86 = arith.constant 0 : index
          %parallel_loop3A_87 = tpu.vector_load %arg9[%parallel_loop3A_85, %parallel_loop3A_86] {strides = array<i32>} : memref<40x256xf32, #tpu.memory_space<vmem>>, vector<1x16xf32>,
          %parallel_loop3A_88 = vector.shape_cast %parallel_loop3A_87 : vector<1x16xf32> to vector<16xf32>
          %parallel_loop3A_89 = vector.shape_cast %parallel_loop3A_84 : vector<16xf32> to vector<1x16xf32>
          tpu.vector_store %arg9[%parallel_loop3A_85, %parallel_loop3A_86], %parallel_loop3A_89 {strides = array<i32>} : memref<40x256xf32, #tpu.memory_space<vmem>>, vector<1x16xf32>,
          %parallel_loop3A_90 = arith.index_cast %parallel_loop3A_75 : i32 to index
          %parallel_loop3A_91 = arith.constant 16 : index
          %parallel_loop3A_92 = tpu.vector_load %arg9[%parallel_loop3A_90, %parallel_loop3A_91] {strides = array<i32>} : memref<40x256xf32, #tpu.memory_space<vmem>>, vector<1x16xf32>,
          %parallel_loop3A_93 = vector.shape_cast %parallel_loop3A_92 : vector<1x16xf32> to vector<16xf32>
          %parallel_loop3A_94 = arith.index_cast %parallel_loop3A_75 : i32 to index
          %parallel_loop3A_95 = arith.constant 16 : index
          %parallel_loop3A_96 = tpu.vector_load %arg10[%parallel_loop3A_94, %parallel_loop3A_95] {strides = array<i32>} : memref<40x256xf32, #tpu.memory_space<vmem>>, vector<1x16xf32>,
          %parallel_loop3A_97 = vector.shape_cast %parallel_loop3A_96 : vector<1x16xf32> to vector<16xf32>
          %parallel_loop3A_98 = arith.addf %parallel_loop3A_93, %parallel_loop3A_97 : vector<16xf32>
          %parallel_loop3A_99 = arith.index_cast %parallel_loop3A_75 : i32 to index
          %parallel_loop3A_100 = arith.constant 16 : index
          %parallel_loop3A_101 = tpu.vector_load %arg9[%parallel_loop3A_99, %parallel_loop3A_100] {strides = array<i32>} : memref<40x256xf32, #tpu.memory_space<vmem>>, vector<1x16xf32>,
          %parallel_loop3A_102 = vector.shape_cast %parallel_loop3A_101 : vector<1x16xf32> to vector<16xf32>
          %parallel_loop3A_103 = vector.shape_cast %parallel_loop3A_98 : vector<16xf32> to vector<1x16xf32>
          tpu.vector_store %arg9[%parallel_loop3A_99, %parallel_loop3A_100], %parallel_loop3A_103 {strides = array<i32>} : memref<40x256xf32, #tpu.memory_space<vmem>>, vector<1x16xf32>,
          %parallel_loop3A_104 = arith.index_cast %parallel_loop3A_75 : i32 to index
          %parallel_loop3A_105 = arith.constant 32 : index
          %parallel_loop3A_106 = tpu.vector_load %arg9[%parallel_loop3A_104, %parallel_loop3A_105] {strides = array<i32>} : memref<40x256xf32, #tpu.memory_space<vmem>>, vector<1x16xf32>,
          %parallel_loop3A_107 = vector.shape_cast %parallel_loop3A_106 : vector<1x16xf32> to vector<16xf32>
          %parallel_loop3A_108 = arith.index_cast %parallel_loop3A_75 : i32 to index
          %parallel_loop3A_109 = arith.constant 32 : index
          %parallel_loop3A_110 = tpu.vector_load %arg10[%parallel_loop3A_108, %parallel_loop3A_109] {strides = array<i32>} : memref<40x256xf32, #tpu.memory_space<vmem>>, vector<1x16xf32>,
          %parallel_loop3A_111 = vector.shape_cast %parallel_loop3A_110 : vector<1x16xf32> to vector<16xf32>
          %parallel_loop3A_112 = arith.addf %parallel_loop3A_107, %parallel_loop3A_111 : vector<16xf32>
          %parallel_loop3A_113 = arith.index_cast %parallel_loop3A_75 : i32 to index
          %parallel_loop3A_114 = arith.constant 32 : index
          %parallel_loop3A_115 = tpu.vector_load %arg9[%parallel_loop3A_113, %parallel_loop3A_114] {strides = array<i32>} : memref<40x256xf32, #tpu.memory_space<vmem>>, vector<1x16xf32>,
          %parallel_loop3A_116 = vector.shape_cast %parallel_loop3A_115 : vector<1x16xf32> to vector<16xf32>
          %parallel_loop3A_117 = vector.shape_cast %parallel_loop3A_112 : vector<16xf32> to vector<1x16xf32>
          tpu.vector_store %arg9[%parallel_loop3A_113, %parallel_loop3A_114], %parallel_loop3A_117 {strides = array<i32>} : memref<40x256xf32, #tpu.memory_space<vmem>>, vector<1x16xf32>,
          %parallel_loop3A_118 = arith.index_cast %parallel_loop3A_75 : i32 to index
          %parallel_loop3A_119 = arith.constant 48 : index
          %parallel_loop3A_120 = tpu.vector_load %arg9[%parallel_loop3A_118, %parallel_loop3A_119] {strides = array<i32>} : memref<40x256xf32, #tpu.memory_space<vmem>>, vector<1x16xf32>,
          %parallel_loop3A_121 = vector.shape_cast %parallel_loop3A_120 : vector<1x16xf32> to vector<16xf32>
          %parallel_loop3A_122 = arith.index_cast %parallel_loop3A_75 : i32 to index
          %parallel_loop3A_123 = arith.constant 48 : index
          %parallel_loop3A_124 = tpu.vector_load %arg10[%parallel_loop3A_122, %parallel_loop3A_123] {strides = array<i32>} : memref<40x256xf32, #tpu.memory_space<vmem>>, vector<1x16xf32>,
          %parallel_loop3A_125 = vector.shape_cast %parallel_loop3A_124 : vector<1x16xf32> to vector<16xf32>
          %parallel_loop3A_126 = arith.addf %parallel_loop3A_121, %parallel_loop3A_125 : vector<16xf32>
          %parallel_loop3A_127 = arith.index_cast %parallel_loop3A_75 : i32 to index
          %parallel_loop3A_128 = arith.constant 48 : index
          %parallel_loop3A_129 = tpu.vector_load %arg9[%parallel_loop3A_127, %parallel_loop3A_128] {strides = array<i32>} : memref<40x256xf32, #tpu.memory_space<vmem>>, vector<1x16xf32>,
          %parallel_loop3A_130 = vector.shape_cast %parallel_loop3A_129 : vector<1x16xf32> to vector<16xf32>
          %parallel_loop3A_131 = vector.shape_cast %parallel_loop3A_126 : vector<16xf32> to vector<1x16xf32>
          tpu.vector_store %arg9[%parallel_loop3A_127, %parallel_loop3A_128], %parallel_loop3A_131 {strides = array<i32>} : memref<40x256xf32, #tpu.memory_space<vmem>>, vector<1x16xf32>,
          %parallel_loop3A_132 = arith.index_cast %parallel_loop3A_75 : i32 to index
          %parallel_loop3A_133 = arith.constant 64 : index
          %parallel_loop3A_134 = tpu.vector_load %arg9[%parallel_loop3A_132, %parallel_loop3A_133] {strides = array<i32>} : memref<40x256xf32, #tpu.memory_space<vmem>>, vector<1x16xf32>,
          %parallel_loop3A_135 = vector.shape_cast %parallel_loop3A_134 : vector<1x16xf32> to vector<16xf32>
          %parallel_loop3A_136 = arith.index_cast %parallel_loop3A_75 : i32 to index
          %parallel_loop3A_137 = arith.constant 64 : index
          %parallel_loop3A_138 = tpu.vector_load %arg10[%parallel_loop3A_136, %parallel_loop3A_137] {strides = array<i32>} : memref<40x256xf32, #tpu.memory_space<vmem>>, vector<1x16xf32>,
          %parallel_loop3A_139 = vector.shape_cast %parallel_loop3A_138 : vector<1x16xf32> to vector<16xf32>
          %parallel_loop3A_140 = arith.addf %parallel_loop3A_135, %parallel_loop3A_139 : vector<16xf32>
          %parallel_loop3A_141 = arith.index_cast %parallel_loop3A_75 : i32 to index
          %parallel_loop3A_142 = arith.constant 64 : index
          %parallel_loop3A_143 = tpu.vector_load %arg9[%parallel_loop3A_141, %parallel_loop3A_142] {strides = array<i32>} : memref<40x256xf32, #tpu.memory_space<vmem>>, vector<1x16xf32>,
          %parallel_loop3A_144 = vector.shape_cast %parallel_loop3A_143 : vector<1x16xf32> to vector<16xf32>
          %parallel_loop3A_145 = vector.shape_cast %parallel_loop3A_140 : vector<16xf32> to vector<1x16xf32>
          tpu.vector_store %arg9[%parallel_loop3A_141, %parallel_loop3A_142], %parallel_loop3A_145 {strides = array<i32>} : memref<40x256xf32, #tpu.memory_space<vmem>>, vector<1x16xf32>,
          %parallel_loop3A_146 = arith.index_cast %parallel_loop3A_75 : i32 to index
          %parallel_loop3A_147 = arith.constant 80 : index
          %parallel_loop3A_148 = tpu.vector_load %arg9[%parallel_loop3A_146, %parallel_loop3A_147] {strides = array<i32>} : memref<40x256xf32, #tpu.memory_space<vmem>>, vector<1x16xf32>,
          %parallel_loop3A_149 = vector.shape_cast %parallel_loop3A_148 : vector<1x16xf32> to vector<16xf32>
          %parallel_loop3A_150 = arith.index_cast %parallel_loop3A_75 : i32 to index
          %parallel_loop3A_151 = arith.constant 80 : index
          %parallel_loop3A_152 = tpu.vector_load %arg10[%parallel_loop3A_150, %parallel_loop3A_151] {strides = array<i32>} : memref<40x256xf32, #tpu.memory_space<vmem>>, vector<1x16xf32>,
          %parallel_loop3A_153 = vector.shape_cast %parallel_loop3A_152 : vector<1x16xf32> to vector<16xf32>
          %parallel_loop3A_154 = arith.addf %parallel_loop3A_149, %parallel_loop3A_153 : vector<16xf32>
          %parallel_loop3A_155 = arith.index_cast %parallel_loop3A_75 : i32 to index
          %parallel_loop3A_156 = arith.constant 80 : index
          %parallel_loop3A_157 = tpu.vector_load %arg9[%parallel_loop3A_155, %parallel_loop3A_156] {strides = array<i32>} : memref<40x256xf32, #tpu.memory_space<vmem>>, vector<1x16xf32>,
          %parallel_loop3A_158 = vector.shape_cast %parallel_loop3A_157 : vector<1x16xf32> to vector<16xf32>
          %parallel_loop3A_159 = vector.shape_cast %parallel_loop3A_154 : vector<16xf32> to vector<1x16xf32>
          tpu.vector_store %arg9[%parallel_loop3A_155, %parallel_loop3A_156], %parallel_loop3A_159 {strides = array<i32>} : memref<40x256xf32, #tpu.memory_space<vmem>>, vector<1x16xf32>,
          %parallel_loop3A_160 = arith.index_cast %parallel_loop3A_75 : i32 to index
          %parallel_loop3A_161 = arith.constant 96 : index
          %parallel_loop3A_162 = tpu.vector_load %arg9[%parallel_loop3A_160, %parallel_loop3A_161] {strides = array<i32>} : memref<40x256xf32, #tpu.memory_space<vmem>>, vector<1x16xf32>,
          %parallel_loop3A_163 = vector.shape_cast %parallel_loop3A_162 : vector<1x16xf32> to vector<16xf32>
          %parallel_loop3A_164 = arith.index_cast %parallel_loop3A_75 : i32 to index
          %parallel_loop3A_165 = arith.constant 96 : index
          %parallel_loop3A_166 = tpu.vector_load %arg10[%parallel_loop3A_164, %parallel_loop3A_165] {strides = array<i32>} : memref<40x256xf32, #tpu.memory_space<vmem>>, vector<1x16xf32>,
          %parallel_loop3A_167 = vector.shape_cast %parallel_loop3A_166 : vector<1x16xf32> to vector<16xf32>
          %parallel_loop3A_168 = arith.addf %parallel_loop3A_163, %parallel_loop3A_167 : vector<16xf32>
          %parallel_loop3A_169 = arith.index_cast %parallel_loop3A_75 : i32 to index
          %parallel_loop3A_170 = arith.constant 96 : index
          %parallel_loop3A_171 = tpu.vector_load %arg9[%parallel_loop3A_169, %parallel_loop3A_170] {strides = array<i32>} : memref<40x256xf32, #tpu.memory_space<vmem>>, vector<1x16xf32>,
          %parallel_loop3A_172 = vector.shape_cast %parallel_loop3A_171 : vector<1x16xf32> to vector<16xf32>
          %parallel_loop3A_173 = vector.shape_cast %parallel_loop3A_168 : vector<16xf32> to vector<1x16xf32>
          tpu.vector_store %arg9[%parallel_loop3A_169, %parallel_loop3A_170], %parallel_loop3A_173 {strides = array<i32>} : memref<40x256xf32, #tpu.memory_space<vmem>>, vector<1x16xf32>,
          %parallel_loop3A_174 = arith.index_cast %parallel_loop3A_75 : i32 to index
          %parallel_loop3A_175 = arith.constant 112 : index
          %parallel_loop3A_176 = tpu.vector_load %arg9[%parallel_loop3A_174, %parallel_loop3A_175] {strides = array<i32>} : memref<40x256xf32, #tpu.memory_space<vmem>>, vector<1x16xf32>,
          %parallel_loop3A_177 = vector.shape_cast %parallel_loop3A_176 : vector<1x16xf32> to vector<16xf32>
          %parallel_loop3A_178 = arith.index_cast %parallel_loop3A_75 : i32 to index
          %parallel_loop3A_179 = arith.constant 112 : index
          %parallel_loop3A_180 = tpu.vector_load %arg10[%parallel_loop3A_178, %parallel_loop3A_179] {strides = array<i32>} : memref<40x256xf32, #tpu.memory_space<vmem>>, vector<1x16xf32>,
          %parallel_loop3A_181 = vector.shape_cast %parallel_loop3A_180 : vector<1x16xf32> to vector<16xf32>
          %parallel_loop3A_182 = arith.addf %parallel_loop3A_177, %parallel_loop3A_181 : vector<16xf32>
          %parallel_loop3A_183 = arith.index_cast %parallel_loop3A_75 : i32 to index
          %parallel_loop3A_184 = arith.constant 112 : index
          %parallel_loop3A_185 = tpu.vector_load %arg9[%parallel_loop3A_183, %parallel_loop3A_184] {strides = array<i32>} : memref<40x256xf32, #tpu.memory_space<vmem>>, vector<1x16xf32>,
          %parallel_loop3A_186 = vector.shape_cast %parallel_loop3A_185 : vector<1x16xf32> to vector<16xf32>
          %parallel_loop3A_187 = vector.shape_cast %parallel_loop3A_182 : vector<16xf32> to vector<1x16xf32>
          tpu.vector_store %arg9[%parallel_loop3A_183, %parallel_loop3A_184], %parallel_loop3A_187 {strides = array<i32>} : memref<40x256xf32, #tpu.memory_space<vmem>>, vector<1x16xf32>,
          %parallel_loop3A_188 = arith.index_cast %parallel_loop3A_75 : i32 to index
          %parallel_loop3A_189 = arith.constant 128 : index
          %parallel_loop3A_190 = tpu.vector_load %arg9[%parallel_loop3A_188, %parallel_loop3A_189] {strides = array<i32>} : memref<40x256xf32, #tpu.memory_space<vmem>>, vector<1x16xf32>,
          %parallel_loop3A_191 = vector.shape_cast %parallel_loop3A_190 : vector<1x16xf32> to vector<16xf32>
          %parallel_loop3A_192 = arith.index_cast %parallel_loop3A_75 : i32 to index
          %parallel_loop3A_193 = arith.constant 128 : index
          %parallel_loop3A_194 = tpu.vector_load %arg10[%parallel_loop3A_192, %parallel_loop3A_193] {strides = array<i32>} : memref<40x256xf32, #tpu.memory_space<vmem>>, vector<1x16xf32>,
          %parallel_loop3A_195 = vector.shape_cast %parallel_loop3A_194 : vector<1x16xf32> to vector<16xf32>
          %parallel_loop3A_196 = arith.subf %parallel_loop3A_191, %parallel_loop3A_195 : vector<16xf32>
          %parallel_loop3A_197 = arith.index_cast %parallel_loop3A_75 : i32 to index
          %parallel_loop3A_198 = arith.constant 128 : index
          %parallel_loop3A_199 = tpu.vector_load %arg9[%parallel_loop3A_197, %parallel_loop3A_198] {strides = array<i32>} : memref<40x256xf32, #tpu.memory_space<vmem>>, vector<1x16xf32>,
          %parallel_loop3A_200 = vector.shape_cast %parallel_loop3A_199 : vector<1x16xf32> to vector<16xf32>
          %parallel_loop3A_201 = vector.shape_cast %parallel_loop3A_196 : vector<16xf32> to vector<1x16xf32>
          tpu.vector_store %arg9[%parallel_loop3A_197, %parallel_loop3A_198], %parallel_loop3A_201 {strides = array<i32>} : memref<40x256xf32, #tpu.memory_space<vmem>>, vector<1x16xf32>,
        } {sc.loop_unroll_factor = 4 : i64, sc.parallel_access}
        %add3A_70 = arith.addi %mul3A_2, %mul3A_59 : i32
        %dma_start3A_71 = arith.constant 0 : i32
        %dma_start3A_72 = tpu.memref_slice %arg6[%add3A_70, %dma_start3A_71] : memref<160000x256xf32, #tpu.memory_space<hbm>> -> memref<40x256xf32, #tpu.memory_space<hbm>>
        %dma_start3A_73 = arith.constant 0 : i32
        %dma_start3A_74 = tpu.memref_slice %arg6[%add3A_70, %dma_start3A_73] : memref<160000x256xf32, #tpu.memory_space<hbm>> -> memref<40x256xf32, #tpu.memory_space<hbm>>
        tpu.enqueue_dma source(%arg9 : memref<40x256xf32, #tpu.memory_space<vmem>>) target(%dma_start3A_74 : memref<40x256xf32, #tpu.memory_space<hbm>>) target_semaphore(%arg17 : memref<!tpu.dma_semaphore, #tpu.memory_space<semaphore_mem>>)
      } else {
      }
      %mul3A_42 = arith.constant 2 : i32
      %mul3A_43 = arith.muli %mul3A_42, %scan3A_28 : i32
      %add3A_44 = arith.constant 1 : i32
      %add3A_45 = arith.addi %mul3A_43, %add3A_44 : i32
      %add3A_46 = arith.constant 1 : i32
      %add3A_47 = arith.addi %add3A_45, %add3A_46 : i32
      %lt3A_48 = arith.constant 125 : i32
      %lt3A_49 = arith.cmpi slt, %add3A_47, %lt3A_48 : i32
      %convert_element_type3A_50 = arith.extui %lt3A_49 : i1 to i32
      %cond3A_51 = arith.constant 0 : i32
      %cond3A_52 = arith.cmpi ne, %convert_element_type3A_50, %cond3A_51 : i32
      scf.if %cond3A_52 {
        %ge3A = arith.constant 1 : i32
        %ge3A_58 = arith.cmpi sge, %add3A_45, %ge3A : i32
        %convert_element_type3A_59 = arith.extui %ge3A_58 : i1 to i32
        %cond3A_60 = arith.constant 0 : i32
        %cond3A_61 = arith.cmpi ne, %convert_element_type3A_59, %cond3A_60 : i32
        scf.if %cond3A_61 {
          %sub3A = arith.constant 1 : i32
          %sub3A_72 = arith.subi %add3A_45, %sub3A : i32
          %mul3A_73 = arith.constant 40 : i32
          %mul3A_74 = arith.muli %sub3A_72, %mul3A_73 : i32
          %add3A_75 = arith.addi %mul3A_2, %mul3A_74 : i32
          %dma_wait3A_76 = arith.constant 0 : i32
          %dma_wait3A_77 = tpu.memref_slice %arg6[%add3A_75, %dma_wait3A_76] : memref<160000x256xf32, #tpu.memory_space<hbm>> -> memref<40x256xf32, #tpu.memory_space<hbm>>
          %dma_wait3A_78 = arith.constant 0 : i32
          %dma_wait3A_79 = tpu.memref_slice %arg6[%add3A_75, %dma_wait3A_78] : memref<160000x256xf32, #tpu.memory_space<hbm>> -> memref<40x256xf32, #tpu.memory_space<hbm>>
          tpu.wait_dma2 semaphore(%arg17 : memref<!tpu.dma_semaphore, #tpu.memory_space<semaphore_mem>>) src(%arg9 : memref<40x256xf32, #tpu.memory_space<vmem>>) dst(%dma_wait3A_79 : memref<40x256xf32, #tpu.memory_space<hbm>>)
        } else {
        }
        %mul3A_62 = arith.constant 40 : i32
        %mul3A_63 = arith.muli %add3A_47, %mul3A_62 : i32
        %dma_start3A_64 = tpu.memref_slice %arg7[%mul3A_63] : memref<5000xi32, #tpu.memory_space<vmem>> -> memref<40xi32, #tpu.memory_space<vmem>>
        %dma_start3A_65 = arith.constant 0 : i32
        %dma_start3A_66 = arith.constant 0 : i32
        %dma_start3A_67 = tpu.memref_slice %arg2[%dma_start3A_65, %dma_start3A_66] : memref<10000x256xf32, #tpu.memory_space<hbm>> -> memref<10000x256xf32, #tpu.memory_space<hbm>>
        tpu.enqueue_indirect_dma source(%dma_start3A_67 : memref<10000x256xf32, #tpu.memory_space<hbm>>) target(%arg9 : memref<40x256xf32, #tpu.memory_space<vmem>>) offsets(%dma_start3A_64 : memref<40xi32, #tpu.memory_space<vmem>>) semaphore(%arg13 : memref<!tpu.dma_semaphore, #tpu.memory_space<semaphore_mem>>)
        %dma_start3A_68 = tpu.memref_slice %arg8[%mul3A_63] : memref<5000xi32, #tpu.memory_space<vmem>> -> memref<40xi32, #tpu.memory_space<vmem>>
        %dma_start3A_69 = arith.constant 0 : i32
        %dma_start3A_70 = arith.constant 0 : i32
        %dma_start3A_71 = tpu.memref_slice %arg3[%dma_start3A_69, %dma_start3A_70] : memref<10000x256xf32, #tpu.memory_space<hbm>> -> memref<10000x256xf32, #tpu.memory_space<hbm>>
        tpu.enqueue_indirect_dma source(%dma_start3A_71 : memref<10000x256xf32, #tpu.memory_space<hbm>>) target(%arg10 : memref<40x256xf32, #tpu.memory_space<vmem>>) offsets(%dma_start3A_68 : memref<40xi32, #tpu.memory_space<vmem>>) semaphore(%arg14 : memref<!tpu.dma_semaphore, #tpu.memory_space<semaphore_mem>>)
      } else {
      }
      %lt3A_53 = arith.constant 125 : i32
      %lt3A_54 = arith.cmpi slt, %add3A_45, %lt3A_53 : i32
      %convert_element_type3A_55 = arith.extui %lt3A_54 : i1 to i32
      %cond3A_56 = arith.constant 0 : i32
      %cond3A_57 = arith.cmpi ne, %convert_element_type3A_55, %cond3A_56 : i32
      scf.if %cond3A_57 {
        %mul3A_58 = arith.constant 40 : i32
        %mul3A_59 = arith.muli %add3A_45, %mul3A_58 : i32
        %dma_wait3A_60 = tpu.memref_slice %arg7[%mul3A_59] : memref<5000xi32, #tpu.memory_space<vmem>> -> memref<40xi32, #tpu.memory_space<vmem>>
        %dma_wait3A_61 = arith.constant 0 : i32
        %dma_wait3A_62 = arith.constant 0 : i32
        %dma_wait3A_63 = tpu.memref_slice %arg2[%dma_wait3A_61, %dma_wait3A_62] : memref<10000x256xf32, #tpu.memory_space<hbm>> -> memref<10000x256xf32, #tpu.memory_space<hbm>>
        tpu.wait_indirect_dma semaphore(%arg15 : memref<!tpu.dma_semaphore, #tpu.memory_space<semaphore_mem>>) src(%dma_wait3A_63 : memref<10000x256xf32, #tpu.memory_space<hbm>>) dst(%arg11 : memref<40x256xf32, #tpu.memory_space<vmem>>)
        %dma_wait3A_64 = tpu.memref_slice %arg8[%mul3A_59] : memref<5000xi32, #tpu.memory_space<vmem>> -> memref<40xi32, #tpu.memory_space<vmem>>
        %dma_wait3A_65 = arith.constant 0 : i32
        %dma_wait3A_66 = arith.constant 0 : i32
        %dma_wait3A_67 = tpu.memref_slice %arg3[%dma_wait3A_65, %dma_wait3A_66] : memref<10000x256xf32, #tpu.memory_space<hbm>> -> memref<10000x256xf32, #tpu.memory_space<hbm>>
        tpu.wait_indirect_dma semaphore(%arg16 : memref<!tpu.dma_semaphore, #tpu.memory_space<semaphore_mem>>) src(%dma_wait3A_67 : memref<10000x256xf32, #tpu.memory_space<hbm>>) dst(%arg12 : memref<40x256xf32, #tpu.memory_space<vmem>>)
        %parallel_loop3A = arith.constant 0 : i32
        %parallel_loop3A_68 = arith.constant 40 : i32
        %parallel_loop3A_69 = arith.constant 1 : i32
        scf.for %parallel_loop3A_75 = %parallel_loop3A to %parallel_loop3A_68 step %parallel_loop3A_69  : i32 {
          %parallel_loop3A_76 = arith.index_cast %parallel_loop3A_75 : i32 to index
          %parallel_loop3A_77 = arith.constant 0 : index
          %parallel_loop3A_78 = tpu.vector_load %arg11[%parallel_loop3A_76, %parallel_loop3A_77] {strides = array<i32>} : memref<40x256xf32, #tpu.memory_space<vmem>>, vector<1x16xf32>,
          %parallel_loop3A_79 = vector.shape_cast %parallel_loop3A_78 : vector<1x16xf32> to vector<16xf32>
          %parallel_loop3A_80 = arith.index_cast %parallel_loop3A_75 : i32 to index
          %parallel_loop3A_81 = arith.constant 0 : index
          %parallel_loop3A_82 = tpu.vector_load %arg12[%parallel_loop3A_80, %parallel_loop3A_81] {strides = array<i32>} : memref<40x256xf32, #tpu.memory_space<vmem>>, vector<1x16xf32>,
          %parallel_loop3A_83 = vector.shape_cast %parallel_loop3A_82 : vector<1x16xf32> to vector<16xf32>
          %parallel_loop3A_84 = arith.addf %parallel_loop3A_79, %parallel_loop3A_83 : vector<16xf32>
          %parallel_loop3A_85 = arith.index_cast %parallel_loop3A_75 : i32 to index
          %parallel_loop3A_86 = arith.constant 0 : index
          %parallel_loop3A_87 = tpu.vector_load %arg11[%parallel_loop3A_85, %parallel_loop3A_86] {strides = array<i32>} : memref<40x256xf32, #tpu.memory_space<vmem>>, vector<1x16xf32>,
          %parallel_loop3A_88 = vector.shape_cast %parallel_loop3A_87 : vector<1x16xf32> to vector<16xf32>
          %parallel_loop3A_89 = vector.shape_cast %parallel_loop3A_84 : vector<16xf32> to vector<1x16xf32>
          tpu.vector_store %arg11[%parallel_loop3A_85, %parallel_loop3A_86], %parallel_loop3A_89 {strides = array<i32>} : memref<40x256xf32, #tpu.memory_space<vmem>>, vector<1x16xf32>,
          %parallel_loop3A_90 = arith.index_cast %parallel_loop3A_75 : i32 to index
          %parallel_loop3A_91 = arith.constant 16 : index
          %parallel_loop3A_92 = tpu.vector_load %arg11[%parallel_loop3A_90, %parallel_loop3A_91] {strides = array<i32>} : memref<40x256xf32, #tpu.memory_space<vmem>>, vector<1x16xf32>,
          %parallel_loop3A_93 = vector.shape_cast %parallel_loop3A_92 : vector<1x16xf32> to vector<16xf32>
          %parallel_loop3A_94 = arith.index_cast %parallel_loop3A_75 : i32 to index
          %parallel_loop3A_95 = arith.constant 16 : index
          %parallel_loop3A_96 = tpu.vector_load %arg12[%parallel_loop3A_94, %parallel_loop3A_95] {strides = array<i32>} : memref<40x256xf32, #tpu.memory_space<vmem>>, vector<1x16xf32>,
          %parallel_loop3A_97 = vector.shape_cast %parallel_loop3A_96 : vector<1x16xf32> to vector<16xf32>
          %parallel_loop3A_98 = arith.addf %parallel_loop3A_93, %parallel_loop3A_97 : vector<16xf32>
          %parallel_loop3A_99 = arith.index_cast %parallel_loop3A_75 : i32 to index
          %parallel_loop3A_100 = arith.constant 16 : index
          %parallel_loop3A_101 = tpu.vector_load %arg11[%parallel_loop3A_99, %parallel_loop3A_100] {strides = array<i32>} : memref<40x256xf32, #tpu.memory_space<vmem>>, vector<1x16xf32>,
          %parallel_loop3A_102 = vector.shape_cast %parallel_loop3A_101 : vector<1x16xf32> to vector<16xf32>
          %parallel_loop3A_103 = vector.shape_cast %parallel_loop3A_98 : vector<16xf32> to vector<1x16xf32>
          tpu.vector_store %arg11[%parallel_loop3A_99, %parallel_loop3A_100], %parallel_loop3A_103 {strides = array<i32>} : memref<40x256xf32, #tpu.memory_space<vmem>>, vector<1x16xf32>,
          %parallel_loop3A_104 = arith.index_cast %parallel_loop3A_75 : i32 to index
          %parallel_loop3A_105 = arith.constant 32 : index
          %parallel_loop3A_106 = tpu.vector_load %arg11[%parallel_loop3A_104, %parallel_loop3A_105] {strides = array<i32>} : memref<40x256xf32, #tpu.memory_space<vmem>>, vector<1x16xf32>,
          %parallel_loop3A_107 = vector.shape_cast %parallel_loop3A_106 : vector<1x16xf32> to vector<16xf32>
          %parallel_loop3A_108 = arith.index_cast %parallel_loop3A_75 : i32 to index
          %parallel_loop3A_109 = arith.constant 32 : index
          %parallel_loop3A_110 = tpu.vector_load %arg12[%parallel_loop3A_108, %parallel_loop3A_109] {strides = array<i32>} : memref<40x256xf32, #tpu.memory_space<vmem>>, vector<1x16xf32>,
          %parallel_loop3A_111 = vector.shape_cast %parallel_loop3A_110 : vector<1x16xf32> to vector<16xf32>
          %parallel_loop3A_112 = arith.addf %parallel_loop3A_107, %parallel_loop3A_111 : vector<16xf32>
          %parallel_loop3A_113 = arith.index_cast %parallel_loop3A_75 : i32 to index
          %parallel_loop3A_114 = arith.constant 32 : index
          %parallel_loop3A_115 = tpu.vector_load %arg11[%parallel_loop3A_113, %parallel_loop3A_114] {strides = array<i32>} : memref<40x256xf32, #tpu.memory_space<vmem>>, vector<1x16xf32>,
          %parallel_loop3A_116 = vector.shape_cast %parallel_loop3A_115 : vector<1x16xf32> to vector<16xf32>
          %parallel_loop3A_117 = vector.shape_cast %parallel_loop3A_112 : vector<16xf32> to vector<1x16xf32>
          tpu.vector_store %arg11[%parallel_loop3A_113, %parallel_loop3A_114], %parallel_loop3A_117 {strides = array<i32>} : memref<40x256xf32, #tpu.memory_space<vmem>>, vector<1x16xf32>,
          %parallel_loop3A_118 = arith.index_cast %parallel_loop3A_75 : i32 to index
          %parallel_loop3A_119 = arith.constant 48 : index
          %parallel_loop3A_120 = tpu.vector_load %arg11[%parallel_loop3A_118, %parallel_loop3A_119] {strides = array<i32>} : memref<40x256xf32, #tpu.memory_space<vmem>>, vector<1x16xf32>,
          %parallel_loop3A_121 = vector.shape_cast %parallel_loop3A_120 : vector<1x16xf32> to vector<16xf32>
          %parallel_loop3A_122 = arith.index_cast %parallel_loop3A_75 : i32 to index
          %parallel_loop3A_123 = arith.constant 48 : index
          %parallel_loop3A_124 = tpu.vector_load %arg12[%parallel_loop3A_122, %parallel_loop3A_123] {strides = array<i32>} : memref<40x256xf32, #tpu.memory_space<vmem>>, vector<1x16xf32>,
          %parallel_loop3A_125 = vector.shape_cast %parallel_loop3A_124 : vector<1x16xf32> to vector<16xf32>
          %parallel_loop3A_126 = arith.addf %parallel_loop3A_121, %parallel_loop3A_125 : vector<16xf32>
          %parallel_loop3A_127 = arith.index_cast %parallel_loop3A_75 : i32 to index
          %parallel_loop3A_128 = arith.constant 48 : index
          %parallel_loop3A_129 = tpu.vector_load %arg11[%parallel_loop3A_127, %parallel_loop3A_128] {strides = array<i32>} : memref<40x256xf32, #tpu.memory_space<vmem>>, vector<1x16xf32>,
          %parallel_loop3A_130 = vector.shape_cast %parallel_loop3A_129 : vector<1x16xf32> to vector<16xf32>
          %parallel_loop3A_131 = vector.shape_cast %parallel_loop3A_126 : vector<16xf32> to vector<1x16xf32>
          tpu.vector_store %arg11[%parallel_loop3A_127, %parallel_loop3A_128], %parallel_loop3A_131 {strides = array<i32>} : memref<40x256xf32, #tpu.memory_space<vmem>>, vector<1x16xf32>,
          %parallel_loop3A_132 = arith.index_cast %parallel_loop3A_75 : i32 to index
          %parallel_loop3A_133 = arith.constant 64 : index
          %parallel_loop3A_134 = tpu.vector_load %arg11[%parallel_loop3A_132, %parallel_loop3A_133] {strides = array<i32>} : memref<40x256xf32, #tpu.memory_space<vmem>>, vector<1x16xf32>,
          %parallel_loop3A_135 = vector.shape_cast %parallel_loop3A_134 : vector<1x16xf32> to vector<16xf32>
          %parallel_loop3A_136 = arith.index_cast %parallel_loop3A_75 : i32 to index
          %parallel_loop3A_137 = arith.constant 64 : index
          %parallel_loop3A_138 = tpu.vector_load %arg12[%parallel_loop3A_136, %parallel_loop3A_137] {strides = array<i32>} : memref<40x256xf32, #tpu.memory_space<vmem>>, vector<1x16xf32>,
          %parallel_loop3A_139 = vector.shape_cast %parallel_loop3A_138 : vector<1x16xf32> to vector<16xf32>
          %parallel_loop3A_140 = arith.addf %parallel_loop3A_135, %parallel_loop3A_139 : vector<16xf32>
          %parallel_loop3A_141 = arith.index_cast %parallel_loop3A_75 : i32 to index
          %parallel_loop3A_142 = arith.constant 64 : index
          %parallel_loop3A_143 = tpu.vector_load %arg11[%parallel_loop3A_141, %parallel_loop3A_142] {strides = array<i32>} : memref<40x256xf32, #tpu.memory_space<vmem>>, vector<1x16xf32>,
          %parallel_loop3A_144 = vector.shape_cast %parallel_loop3A_143 : vector<1x16xf32> to vector<16xf32>
          %parallel_loop3A_145 = vector.shape_cast %parallel_loop3A_140 : vector<16xf32> to vector<1x16xf32>
          tpu.vector_store %arg11[%parallel_loop3A_141, %parallel_loop3A_142], %parallel_loop3A_145 {strides = array<i32>} : memref<40x256xf32, #tpu.memory_space<vmem>>, vector<1x16xf32>,
          %parallel_loop3A_146 = arith.index_cast %parallel_loop3A_75 : i32 to index
          %parallel_loop3A_147 = arith.constant 80 : index
          %parallel_loop3A_148 = tpu.vector_load %arg11[%parallel_loop3A_146, %parallel_loop3A_147] {strides = array<i32>} : memref<40x256xf32, #tpu.memory_space<vmem>>, vector<1x16xf32>,
          %parallel_loop3A_149 = vector.shape_cast %parallel_loop3A_148 : vector<1x16xf32> to vector<16xf32>
          %parallel_loop3A_150 = arith.index_cast %parallel_loop3A_75 : i32 to index
          %parallel_loop3A_151 = arith.constant 80 : index
          %parallel_loop3A_152 = tpu.vector_load %arg12[%parallel_loop3A_150, %parallel_loop3A_151] {strides = array<i32>} : memref<40x256xf32, #tpu.memory_space<vmem>>, vector<1x16xf32>,
          %parallel_loop3A_153 = vector.shape_cast %parallel_loop3A_152 : vector<1x16xf32> to vector<16xf32>
          %parallel_loop3A_154 = arith.addf %parallel_loop3A_149, %parallel_loop3A_153 : vector<16xf32>
          %parallel_loop3A_155 = arith.index_cast %parallel_loop3A_75 : i32 to index
          %parallel_loop3A_156 = arith.constant 80 : index
          %parallel_loop3A_157 = tpu.vector_load %arg11[%parallel_loop3A_155, %parallel_loop3A_156] {strides = array<i32>} : memref<40x256xf32, #tpu.memory_space<vmem>>, vector<1x16xf32>,
          %parallel_loop3A_158 = vector.shape_cast %parallel_loop3A_157 : vector<1x16xf32> to vector<16xf32>
          %parallel_loop3A_159 = vector.shape_cast %parallel_loop3A_154 : vector<16xf32> to vector<1x16xf32>
          tpu.vector_store %arg11[%parallel_loop3A_155, %parallel_loop3A_156], %parallel_loop3A_159 {strides = array<i32>} : memref<40x256xf32, #tpu.memory_space<vmem>>, vector<1x16xf32>,
          %parallel_loop3A_160 = arith.index_cast %parallel_loop3A_75 : i32 to index
          %parallel_loop3A_161 = arith.constant 96 : index
          %parallel_loop3A_162 = tpu.vector_load %arg11[%parallel_loop3A_160, %parallel_loop3A_161] {strides = array<i32>} : memref<40x256xf32, #tpu.memory_space<vmem>>, vector<1x16xf32>,
          %parallel_loop3A_163 = vector.shape_cast %parallel_loop3A_162 : vector<1x16xf32> to vector<16xf32>
          %parallel_loop3A_164 = arith.index_cast %parallel_loop3A_75 : i32 to index
          %parallel_loop3A_165 = arith.constant 96 : index
          %parallel_loop3A_166 = tpu.vector_load %arg12[%parallel_loop3A_164, %parallel_loop3A_165] {strides = array<i32>} : memref<40x256xf32, #tpu.memory_space<vmem>>, vector<1x16xf32>,
          %parallel_loop3A_167 = vector.shape_cast %parallel_loop3A_166 : vector<1x16xf32> to vector<16xf32>
          %parallel_loop3A_168 = arith.addf %parallel_loop3A_163, %parallel_loop3A_167 : vector<16xf32>
          %parallel_loop3A_169 = arith.index_cast %parallel_loop3A_75 : i32 to index
          %parallel_loop3A_170 = arith.constant 96 : index
          %parallel_loop3A_171 = tpu.vector_load %arg11[%parallel_loop3A_169, %parallel_loop3A_170] {strides = array<i32>} : memref<40x256xf32, #tpu.memory_space<vmem>>, vector<1x16xf32>,
          %parallel_loop3A_172 = vector.shape_cast %parallel_loop3A_171 : vector<1x16xf32> to vector<16xf32>
          %parallel_loop3A_173 = vector.shape_cast %parallel_loop3A_168 : vector<16xf32> to vector<1x16xf32>
          tpu.vector_store %arg11[%parallel_loop3A_169, %parallel_loop3A_170], %parallel_loop3A_173 {strides = array<i32>} : memref<40x256xf32, #tpu.memory_space<vmem>>, vector<1x16xf32>,
          %parallel_loop3A_174 = arith.index_cast %parallel_loop3A_75 : i32 to index
          %parallel_loop3A_175 = arith.constant 112 : index
          %parallel_loop3A_176 = tpu.vector_load %arg11[%parallel_loop3A_174, %parallel_loop3A_175] {strides = array<i32>} : memref<40x256xf32, #tpu.memory_space<vmem>>, vector<1x16xf32>,
          %parallel_loop3A_177 = vector.shape_cast %parallel_loop3A_176 : vector<1x16xf32> to vector<16xf32>
          %parallel_loop3A_178 = arith.index_cast %parallel_loop3A_75 : i32 to index
          %parallel_loop3A_179 = arith.constant 112 : index
          %parallel_loop3A_180 = tpu.vector_load %arg12[%parallel_loop3A_178, %parallel_loop3A_179] {strides = array<i32>} : memref<40x256xf32, #tpu.memory_space<vmem>>, vector<1x16xf32>,
          %parallel_loop3A_181 = vector.shape_cast %parallel_loop3A_180 : vector<1x16xf32> to vector<16xf32>
          %parallel_loop3A_182 = arith.addf %parallel_loop3A_177, %parallel_loop3A_181 : vector<16xf32>
          %parallel_loop3A_183 = arith.index_cast %parallel_loop3A_75 : i32 to index
          %parallel_loop3A_184 = arith.constant 112 : index
          %parallel_loop3A_185 = tpu.vector_load %arg11[%parallel_loop3A_183, %parallel_loop3A_184] {strides = array<i32>} : memref<40x256xf32, #tpu.memory_space<vmem>>, vector<1x16xf32>,
          %parallel_loop3A_186 = vector.shape_cast %parallel_loop3A_185 : vector<1x16xf32> to vector<16xf32>
          %parallel_loop3A_187 = vector.shape_cast %parallel_loop3A_182 : vector<16xf32> to vector<1x16xf32>
          tpu.vector_store %arg11[%parallel_loop3A_183, %parallel_loop3A_184], %parallel_loop3A_187 {strides = array<i32>} : memref<40x256xf32, #tpu.memory_space<vmem>>, vector<1x16xf32>,
          %parallel_loop3A_188 = arith.index_cast %parallel_loop3A_75 : i32 to index
          %parallel_loop3A_189 = arith.constant 128 : index
          %parallel_loop3A_190 = tpu.vector_load %arg11[%parallel_loop3A_188, %parallel_loop3A_189] {strides = array<i32>} : memref<40x256xf32, #tpu.memory_space<vmem>>, vector<1x16xf32>,
          %parallel_loop3A_191 = vector.shape_cast %parallel_loop3A_190 : vector<1x16xf32> to vector<16xf32>
          %parallel_loop3A_192 = arith.index_cast %parallel_loop3A_75 : i32 to index
          %parallel_loop3A_193 = arith.constant 128 : index
          %parallel_loop3A_194 = tpu.vector_load %arg12[%parallel_loop3A_192, %parallel_loop3A_193] {strides = array<i32>} : memref<40x256xf32, #tpu.memory_space<vmem>>, vector<1x16xf32>,
          %parallel_loop3A_195 = vector.shape_cast %parallel_loop3A_194 : vector<1x16xf32> to vector<16xf32>
          %parallel_loop3A_196 = arith.subf %parallel_loop3A_191, %parallel_loop3A_195 : vector<16xf32>
          %parallel_loop3A_197 = arith.index_cast %parallel_loop3A_75 : i32 to index
          %parallel_loop3A_198 = arith.constant 128 : index
          %parallel_loop3A_199 = tpu.vector_load %arg11[%parallel_loop3A_197, %parallel_loop3A_198] {strides = array<i32>} : memref<40x256xf32, #tpu.memory_space<vmem>>, vector<1x16xf32>,
          %parallel_loop3A_200 = vector.shape_cast %parallel_loop3A_199 : vector<1x16xf32> to vector<16xf32>
          %parallel_loop3A_201 = vector.shape_cast %parallel_loop3A_196 : vector<16xf32> to vector<1x16xf32>
          tpu.vector_store %arg11[%parallel_loop3A_197, %parallel_loop3A_198], %parallel_loop3A_201 {strides = array<i32>} : memref<40x256xf32, #tpu.memory_space<vmem>>, vector<1x16xf32>,
        } {sc.loop_unroll_factor = 4 : i64, sc.parallel_access}
        %add3A_70 = arith.addi %mul3A_2, %mul3A_59 : i32
        %dma_start3A_71 = arith.constant 0 : i32
        %dma_start3A_72 = tpu.memref_slice %arg6[%add3A_70, %dma_start3A_71] : memref<160000x256xf32, #tpu.memory_space<hbm>> -> memref<40x256xf32, #tpu.memory_space<hbm>>
        %dma_start3A_73 = arith.constant 0 : i32
        %dma_start3A_74 = tpu.memref_slice %arg6[%add3A_70, %dma_start3A_73] : memref<160000x256xf32, #tpu.memory_space<hbm>> -> memref<40x256xf32, #tpu.memory_space<hbm>>
        tpu.enqueue_dma source(%arg11 : memref<40x256xf32, #tpu.memory_space<vmem>>) target(%dma_start3A_74 : memref<40x256xf32, #tpu.memory_space<hbm>>) target_semaphore(%arg18 : memref<!tpu.dma_semaphore, #tpu.memory_space<semaphore_mem>>)
      } else {
      }
    }
    %scan3A_16 = arith.constant 63 : i32
    %add3A_17 = arith.constant 4960 : i32
    %add3A_18 = arith.addi %mul3A_2, %add3A_17 : i32
    %dma_wait3A = arith.constant 0 : i32
    %dma_wait3A_19 = tpu.memref_slice %arg6[%add3A_18, %dma_wait3A] : memref<160000x256xf32, #tpu.memory_space<hbm>> -> memref<40x256xf32, #tpu.memory_space<hbm>>
    %dma_wait3A_20 = arith.constant 0 : i32
    %dma_wait3A_21 = tpu.memref_slice %arg6[%add3A_18, %dma_wait3A_20] : memref<160000x256xf32, #tpu.memory_space<hbm>> -> memref<40x256xf32, #tpu.memory_space<hbm>>
    tpu.wait_dma2 semaphore(%arg17 : memref<!tpu.dma_semaphore, #tpu.memory_space<semaphore_mem>>) src(%arg9 : memref<40x256xf32, #tpu.memory_space<vmem>>) dst(%dma_wait3A_21 : memref<40x256xf32, #tpu.memory_space<hbm>>)
    %add3A_22 = arith.constant 4920 : i32
    %add3A_23 = arith.addi %mul3A_2, %add3A_22 : i32
    %dma_wait3A_24 = arith.constant 0 : i32
    %dma_wait3A_25 = tpu.memref_slice %arg6[%add3A_23, %dma_wait3A_24] : memref<160000x256xf32, #tpu.memory_space<hbm>> -> memref<40x256xf32, #tpu.memory_space<hbm>>
    %dma_wait3A_26 = arith.constant 0 : i32
    %dma_wait3A_27 = tpu.memref_slice %arg6[%add3A_23, %dma_wait3A_26] : memref<160000x256xf32, #tpu.memory_space<hbm>> -> memref<40x256xf32, #tpu.memory_space<hbm>>
    tpu.wait_dma2 semaphore(%arg18 : memref<!tpu.dma_semaphore, #tpu.memory_space<semaphore_mem>>) src(%arg11 : memref<40x256xf32, #tpu.memory_space<vmem>>) dst(%dma_wait3A_27 : memref<40x256xf32, #tpu.memory_space<hbm>>)
    return
  }
}

#map = affine_map<(d0, d1) -> (0, 0)>
#map1 = affine_map<(d0, d1) -> (0)>
module attributes {stable_mosaic.version = 14 : i64} {
  func.func @scatter_kernel(%arg0: i32, %arg1: i32, %arg2: memref<160000x128xf32, #tpu.memory_space<hbm>>, %arg3: memref<160000x128xf32, #tpu.memory_space<hbm>>, %arg4: memref<160000xi32, #tpu.memory_space<hbm>>, %arg5: memref<10240x128xf32, #tpu.memory_space<hbm>>, %arg6: memref<10240x128xf32, #tpu.memory_space<hbm>>, %arg7: memref<10240x128xf32, #tpu.memory_space<hbm>>, %arg8: memref<80xi32, #tpu.memory_space<vmem>>, %arg9: memref<80xi32, #tpu.memory_space<vmem>>, %arg10: memref<80x128xf32, #tpu.memory_space<vmem>>, %arg11: memref<80x128xf32, #tpu.memory_space<vmem>>, %arg12: memref<10240x128xf32, #tpu.memory_space<vmem_shared>>, %arg13: memref<!tpu.dma_semaphore, #tpu.memory_space<semaphore_mem>>, %arg14: memref<!tpu.dma_semaphore, #tpu.memory_space<semaphore_mem>>, %arg15: memref<!tpu.dma_semaphore, #tpu.memory_space<semaphore_mem>>, %arg16: memref<!tpu.dma_semaphore, #tpu.memory_space<semaphore_mem>>) attributes {dimension_semantics = [#tpu.dimension_semantics<core_parallel>, #tpu.dimension_semantics<subcore_parallel>], iteration_bounds = array<i64: 2, 16>, scalar_prefetch = 0 : i64, scratch_operands = 9 : i64, tpu.core_type = #tpu.core_type<sc_vector_subcore>, window_params = [{transform_indices = #map}, {transform_indices = #map}, {transform_indices = #map1}, {transform_indices = #map}, {transform_indices = #map}, {transform_indices = #map}]} {
    %mul3A = arith.constant 640 : i32
    %mul3A_0 = arith.muli %arg1, %mul3A : i32
    %mul3A_1 = arith.constant 10000 : i32
    %mul3A_2 = arith.muli %arg1, %mul3A_1 : i32
    %scan3A = arith.constant 0 : i32
    %scan3A_3 = arith.constant 0 : i32
    %scan3A_4 = arith.constant 8 : i32
    %scan3A_5 = arith.addi %scan3A_3, %scan3A_4 : i32
    %scan3A_6 = arith.constant 1 : i32
    scf.for %scan3A_22 = %scan3A_3 to %scan3A_5 step %scan3A_6  : i32 {
      %mul3A_23 = arith.constant 80 : i32
      %mul3A_24 = arith.muli %scan3A_22, %mul3A_23 : i32
      %add3A = arith.addi %mul3A_0, %mul3A_24 : i32
      "tpu.region"() ({
        %run_scoped3A = tpu.sem_alloc : memref<!tpu.dma_semaphore, #tpu.memory_space<semaphore_mem>>
        %dma_start3A = arith.constant 0 : i32
        %dma_start3A_25 = tpu.memref_slice %arg5[%add3A, %dma_start3A] : memref<10240x128xf32, #tpu.memory_space<hbm>> -> memref<80x128xf32, #tpu.memory_space<hbm>>
        %dma_start3A_26 = arith.constant 0 : i32
        %dma_start3A_27 = tpu.memref_slice %arg5[%add3A, %dma_start3A_26] : memref<10240x128xf32, #tpu.memory_space<hbm>> -> memref<80x128xf32, #tpu.memory_space<hbm>>
        tpu.enqueue_dma source(%dma_start3A_27 : memref<80x128xf32, #tpu.memory_space<hbm>>) target(%arg10 : memref<80x128xf32, #tpu.memory_space<vmem>>) target_semaphore(%run_scoped3A : memref<!tpu.dma_semaphore, #tpu.memory_space<semaphore_mem>>)
        %dma_wait3A = arith.constant 0 : i32
        %dma_wait3A_28 = tpu.memref_slice %arg5[%add3A, %dma_wait3A] : memref<10240x128xf32, #tpu.memory_space<hbm>> -> memref<80x128xf32, #tpu.memory_space<hbm>>
        %dma_wait3A_29 = arith.constant 0 : i32
        %dma_wait3A_30 = tpu.memref_slice %arg5[%add3A, %dma_wait3A_29] : memref<10240x128xf32, #tpu.memory_space<hbm>> -> memref<80x128xf32, #tpu.memory_space<hbm>>
        tpu.wait_dma2 semaphore(%run_scoped3A : memref<!tpu.dma_semaphore, #tpu.memory_space<semaphore_mem>>) src(%dma_wait3A_30 : memref<80x128xf32, #tpu.memory_space<hbm>>) dst(%arg10 : memref<80x128xf32, #tpu.memory_space<vmem>>)
        tpu.yield
      }) : () -> ()
      "tpu.region"() ({
        %run_scoped3A = tpu.sem_alloc : memref<!tpu.dma_semaphore, #tpu.memory_space<semaphore_mem>>
        %dma_start3A = arith.constant 0 : i32
        %dma_start3A_25 = tpu.memref_slice %arg12[%add3A, %dma_start3A] : memref<10240x128xf32, #tpu.memory_space<vmem_shared>> -> memref<80x128xf32, #tpu.memory_space<vmem_shared>>
        %dma_start3A_26 = arith.constant 0 : i32
        %dma_start3A_27 = tpu.memref_slice %arg12[%add3A, %dma_start3A_26] : memref<10240x128xf32, #tpu.memory_space<vmem_shared>> -> memref<80x128xf32, #tpu.memory_space<vmem_shared>>
        tpu.enqueue_dma source(%arg10 : memref<80x128xf32, #tpu.memory_space<vmem>>) target(%dma_start3A_27 : memref<80x128xf32, #tpu.memory_space<vmem_shared>>) target_semaphore(%run_scoped3A : memref<!tpu.dma_semaphore, #tpu.memory_space<semaphore_mem>>)
        %dma_wait3A = arith.constant 0 : i32
        %dma_wait3A_28 = tpu.memref_slice %arg12[%add3A, %dma_wait3A] : memref<10240x128xf32, #tpu.memory_space<vmem_shared>> -> memref<80x128xf32, #tpu.memory_space<vmem_shared>>
        %dma_wait3A_29 = arith.constant 0 : i32
        %dma_wait3A_30 = tpu.memref_slice %arg12[%add3A, %dma_wait3A_29] : memref<10240x128xf32, #tpu.memory_space<vmem_shared>> -> memref<80x128xf32, #tpu.memory_space<vmem_shared>>
        tpu.wait_dma2 semaphore(%run_scoped3A : memref<!tpu.dma_semaphore, #tpu.memory_space<semaphore_mem>>) src(%arg10 : memref<80x128xf32, #tpu.memory_space<vmem>>) dst(%dma_wait3A_30 : memref<80x128xf32, #tpu.memory_space<vmem_shared>>)
        tpu.yield
      }) : () -> ()
    }
    %scan3A_7 = arith.constant 8 : i32
    %barrier3A = arith.constant 0 : index
    tpu.barrier barrier_id(%barrier3A)
    %eq3A = arith.constant 0 : i32
    %eq3A_8 = arith.cmpi eq, %arg0, %eq3A : i32
    %convert_element_type3A = arith.extui %eq3A_8 : i1 to i32
    %cond3A = arith.constant 0 : i32
    %cond3A_9 = arith.cmpi ne, %convert_element_type3A, %cond3A : i32
    scf.if %cond3A_9 {
      %add3A = arith.constant 0 : i32
      %add3A_22 = arith.addi %mul3A_2, %add3A : i32
      %dma_start3A = tpu.memref_slice %arg4[%add3A_22] : memref<160000xi32, #tpu.memory_space<hbm>> -> memref<80xi32, #tpu.memory_space<hbm>>
      %dma_start3A_23 = tpu.memref_slice %arg4[%add3A_22] : memref<160000xi32, #tpu.memory_space<hbm>> -> memref<80xi32, #tpu.memory_space<hbm>>
      tpu.enqueue_dma source(%dma_start3A_23 : memref<80xi32, #tpu.memory_space<hbm>>) target(%arg8 : memref<80xi32, #tpu.memory_space<vmem>>) target_semaphore(%arg15 : memref<!tpu.dma_semaphore, #tpu.memory_space<semaphore_mem>>)
      %dma_start3A_24 = arith.constant 0 : i32
      %dma_start3A_25 = tpu.memref_slice %arg2[%add3A_22, %dma_start3A_24] : memref<160000x128xf32, #tpu.memory_space<hbm>> -> memref<80x128xf32, #tpu.memory_space<hbm>>
      %dma_start3A_26 = arith.constant 0 : i32
      %dma_start3A_27 = tpu.memref_slice %arg2[%add3A_22, %dma_start3A_26] : memref<160000x128xf32, #tpu.memory_space<hbm>> -> memref<80x128xf32, #tpu.memory_space<hbm>>
      tpu.enqueue_dma source(%dma_start3A_27 : memref<80x128xf32, #tpu.memory_space<hbm>>) target(%arg10 : memref<80x128xf32, #tpu.memory_space<vmem>>) target_semaphore(%arg13 : memref<!tpu.dma_semaphore, #tpu.memory_space<semaphore_mem>>)
      %scan3A_28 = arith.constant 0 : i32
      %scan3A_29 = arith.constant 0 : i32
      %scan3A_30 = arith.constant 63 : i32
      %scan3A_31 = arith.addi %scan3A_29, %scan3A_30 : i32
      %scan3A_32 = arith.constant 1 : i32
      scf.for %scan3A_34 = %scan3A_29 to %scan3A_31 step %scan3A_32  : i32 {
        %mul3A_35 = arith.constant 2 : i32
        %mul3A_36 = arith.muli %mul3A_35, %scan3A_34 : i32
        %add3A_37 = arith.constant 0 : i32
        %add3A_38 = arith.addi %mul3A_36, %add3A_37 : i32
        %add3A_39 = arith.constant 1 : i32
        %add3A_40 = arith.addi %add3A_38, %add3A_39 : i32
        %lt3A = arith.constant 125 : i32
        %lt3A_41 = arith.cmpi slt, %add3A_40, %lt3A : i32
        %convert_element_type3A_42 = arith.extui %lt3A_41 : i1 to i32
        %cond3A_43 = arith.constant 0 : i32
        %cond3A_44 = arith.cmpi ne, %convert_element_type3A_42, %cond3A_43 : i32
        scf.if %cond3A_44 {
          %mul3A_66 = arith.constant 80 : i32
          %mul3A_67 = arith.muli %add3A_40, %mul3A_66 : i32
          %add3A_68 = arith.addi %mul3A_2, %mul3A_67 : i32
          %dma_start3A_69 = tpu.memref_slice %arg4[%add3A_68] : memref<160000xi32, #tpu.memory_space<hbm>> -> memref<80xi32, #tpu.memory_space<hbm>>
          %dma_start3A_70 = tpu.memref_slice %arg4[%add3A_68] : memref<160000xi32, #tpu.memory_space<hbm>> -> memref<80xi32, #tpu.memory_space<hbm>>
          tpu.enqueue_dma source(%dma_start3A_70 : memref<80xi32, #tpu.memory_space<hbm>>) target(%arg9 : memref<80xi32, #tpu.memory_space<vmem>>) target_semaphore(%arg16 : memref<!tpu.dma_semaphore, #tpu.memory_space<semaphore_mem>>)
          %dma_start3A_71 = arith.constant 0 : i32
          %dma_start3A_72 = tpu.memref_slice %arg2[%add3A_68, %dma_start3A_71] : memref<160000x128xf32, #tpu.memory_space<hbm>> -> memref<80x128xf32, #tpu.memory_space<hbm>>
          %dma_start3A_73 = arith.constant 0 : i32
          %dma_start3A_74 = tpu.memref_slice %arg2[%add3A_68, %dma_start3A_73] : memref<160000x128xf32, #tpu.memory_space<hbm>> -> memref<80x128xf32, #tpu.memory_space<hbm>>
          tpu.enqueue_dma source(%dma_start3A_74 : memref<80x128xf32, #tpu.memory_space<hbm>>) target(%arg11 : memref<80x128xf32, #tpu.memory_space<vmem>>) target_semaphore(%arg14 : memref<!tpu.dma_semaphore, #tpu.memory_space<semaphore_mem>>)
        } else {
        }
        %lt3A_45 = arith.constant 125 : i32
        %lt3A_46 = arith.cmpi slt, %add3A_38, %lt3A_45 : i32
        %convert_element_type3A_47 = arith.extui %lt3A_46 : i1 to i32
        %cond3A_48 = arith.constant 0 : i32
        %cond3A_49 = arith.cmpi ne, %convert_element_type3A_47, %cond3A_48 : i32
        scf.if %cond3A_49 {
          %mul3A_66 = arith.constant 80 : i32
          %mul3A_67 = arith.muli %add3A_38, %mul3A_66 : i32
          %add3A_68 = arith.addi %mul3A_2, %mul3A_67 : i32
          %dma_wait3A = tpu.memref_slice %arg4[%add3A_68] : memref<160000xi32, #tpu.memory_space<hbm>> -> memref<80xi32, #tpu.memory_space<hbm>>
          %dma_wait3A_69 = tpu.memref_slice %arg4[%add3A_68] : memref<160000xi32, #tpu.memory_space<hbm>> -> memref<80xi32, #tpu.memory_space<hbm>>
          tpu.wait_dma2 semaphore(%arg15 : memref<!tpu.dma_semaphore, #tpu.memory_space<semaphore_mem>>) src(%dma_wait3A_69 : memref<80xi32, #tpu.memory_space<hbm>>) dst(%arg8 : memref<80xi32, #tpu.memory_space<vmem>>)
          %dma_wait3A_70 = arith.constant 0 : i32
          %dma_wait3A_71 = tpu.memref_slice %arg2[%add3A_68, %dma_wait3A_70] : memref<160000x128xf32, #tpu.memory_space<hbm>> -> memref<80x128xf32, #tpu.memory_space<hbm>>
          %dma_wait3A_72 = arith.constant 0 : i32
          %dma_wait3A_73 = tpu.memref_slice %arg2[%add3A_68, %dma_wait3A_72] : memref<160000x128xf32, #tpu.memory_space<hbm>> -> memref<80x128xf32, #tpu.memory_space<hbm>>
          tpu.wait_dma2 semaphore(%arg13 : memref<!tpu.dma_semaphore, #tpu.memory_space<semaphore_mem>>) src(%dma_wait3A_73 : memref<80x128xf32, #tpu.memory_space<hbm>>) dst(%arg10 : memref<80x128xf32, #tpu.memory_space<vmem>>)
          "tpu.region"() ({
            %run_scoped3A = tpu.sem_alloc : memref<!tpu.dma_semaphore, #tpu.memory_space<semaphore_mem>>
            %dma_start3A_74 = arith.constant 0 : i32
            %dma_start3A_75 = arith.constant 0 : i32
            %dma_start3A_76 = tpu.memref_slice %arg12[%dma_start3A_74, %dma_start3A_75] : memref<10240x128xf32, #tpu.memory_space<vmem_shared>> -> memref<10240x128xf32, #tpu.memory_space<vmem_shared>>
            tpu.enqueue_indirect_dma source(%arg10 : memref<80x128xf32, #tpu.memory_space<vmem>>) target(%dma_start3A_76 : memref<10240x128xf32, #tpu.memory_space<vmem_shared>>) offsets(%arg8 : memref<80xi32, #tpu.memory_space<vmem>>) semaphore(%run_scoped3A : memref<!tpu.dma_semaphore, #tpu.memory_space<semaphore_mem>>) {add = true}
            %dma_wait3A_77 = arith.constant 0 : i32
            %dma_wait3A_78 = arith.constant 0 : i32
            %dma_wait3A_79 = tpu.memref_slice %arg12[%dma_wait3A_77, %dma_wait3A_78] : memref<10240x128xf32, #tpu.memory_space<vmem_shared>> -> memref<10240x128xf32, #tpu.memory_space<vmem_shared>>
            tpu.wait_indirect_dma semaphore(%run_scoped3A : memref<!tpu.dma_semaphore, #tpu.memory_space<semaphore_mem>>) src(%arg10 : memref<80x128xf32, #tpu.memory_space<vmem>>) dst(%dma_wait3A_79 : memref<10240x128xf32, #tpu.memory_space<vmem_shared>>)
            tpu.yield
          }) : () -> ()
        } else {
        }
        %mul3A_50 = arith.constant 2 : i32
        %mul3A_51 = arith.muli %mul3A_50, %scan3A_34 : i32
        %add3A_52 = arith.constant 1 : i32
        %add3A_53 = arith.addi %mul3A_51, %add3A_52 : i32
        %add3A_54 = arith.constant 1 : i32
        %add3A_55 = arith.addi %add3A_53, %add3A_54 : i32
        %lt3A_56 = arith.constant 125 : i32
        %lt3A_57 = arith.cmpi slt, %add3A_55, %lt3A_56 : i32
        %convert_element_type3A_58 = arith.extui %lt3A_57 : i1 to i32
        %cond3A_59 = arith.constant 0 : i32
        %cond3A_60 = arith.cmpi ne, %convert_element_type3A_58, %cond3A_59 : i32
        scf.if %cond3A_60 {
          %mul3A_66 = arith.constant 80 : i32
          %mul3A_67 = arith.muli %add3A_55, %mul3A_66 : i32
          %add3A_68 = arith.addi %mul3A_2, %mul3A_67 : i32
          %dma_start3A_69 = tpu.memref_slice %arg4[%add3A_68] : memref<160000xi32, #tpu.memory_space<hbm>> -> memref<80xi32, #tpu.memory_space<hbm>>
          %dma_start3A_70 = tpu.memref_slice %arg4[%add3A_68] : memref<160000xi32, #tpu.memory_space<hbm>> -> memref<80xi32, #tpu.memory_space<hbm>>
          tpu.enqueue_dma source(%dma_start3A_70 : memref<80xi32, #tpu.memory_space<hbm>>) target(%arg8 : memref<80xi32, #tpu.memory_space<vmem>>) target_semaphore(%arg15 : memref<!tpu.dma_semaphore, #tpu.memory_space<semaphore_mem>>)
          %dma_start3A_71 = arith.constant 0 : i32
          %dma_start3A_72 = tpu.memref_slice %arg2[%add3A_68, %dma_start3A_71] : memref<160000x128xf32, #tpu.memory_space<hbm>> -> memref<80x128xf32, #tpu.memory_space<hbm>>
          %dma_start3A_73 = arith.constant 0 : i32
          %dma_start3A_74 = tpu.memref_slice %arg2[%add3A_68, %dma_start3A_73] : memref<160000x128xf32, #tpu.memory_space<hbm>> -> memref<80x128xf32, #tpu.memory_space<hbm>>
          tpu.enqueue_dma source(%dma_start3A_74 : memref<80x128xf32, #tpu.memory_space<hbm>>) target(%arg10 : memref<80x128xf32, #tpu.memory_space<vmem>>) target_semaphore(%arg13 : memref<!tpu.dma_semaphore, #tpu.memory_space<semaphore_mem>>)
        } else {
        }
        %lt3A_61 = arith.constant 125 : i32
        %lt3A_62 = arith.cmpi slt, %add3A_53, %lt3A_61 : i32
        %convert_element_type3A_63 = arith.extui %lt3A_62 : i1 to i32
        %cond3A_64 = arith.constant 0 : i32
        %cond3A_65 = arith.cmpi ne, %convert_element_type3A_63, %cond3A_64 : i32
        scf.if %cond3A_65 {
          %mul3A_66 = arith.constant 80 : i32
          %mul3A_67 = arith.muli %add3A_53, %mul3A_66 : i32
          %add3A_68 = arith.addi %mul3A_2, %mul3A_67 : i32
          %dma_wait3A = tpu.memref_slice %arg4[%add3A_68] : memref<160000xi32, #tpu.memory_space<hbm>> -> memref<80xi32, #tpu.memory_space<hbm>>
          %dma_wait3A_69 = tpu.memref_slice %arg4[%add3A_68] : memref<160000xi32, #tpu.memory_space<hbm>> -> memref<80xi32, #tpu.memory_space<hbm>>
          tpu.wait_dma2 semaphore(%arg16 : memref<!tpu.dma_semaphore, #tpu.memory_space<semaphore_mem>>) src(%dma_wait3A_69 : memref<80xi32, #tpu.memory_space<hbm>>) dst(%arg9 : memref<80xi32, #tpu.memory_space<vmem>>)
          %dma_wait3A_70 = arith.constant 0 : i32
          %dma_wait3A_71 = tpu.memref_slice %arg2[%add3A_68, %dma_wait3A_70] : memref<160000x128xf32, #tpu.memory_space<hbm>> -> memref<80x128xf32, #tpu.memory_space<hbm>>
          %dma_wait3A_72 = arith.constant 0 : i32
          %dma_wait3A_73 = tpu.memref_slice %arg2[%add3A_68, %dma_wait3A_72] : memref<160000x128xf32, #tpu.memory_space<hbm>> -> memref<80x128xf32, #tpu.memory_space<hbm>>
          tpu.wait_dma2 semaphore(%arg14 : memref<!tpu.dma_semaphore, #tpu.memory_space<semaphore_mem>>) src(%dma_wait3A_73 : memref<80x128xf32, #tpu.memory_space<hbm>>) dst(%arg11 : memref<80x128xf32, #tpu.memory_space<vmem>>)
          "tpu.region"() ({
            %run_scoped3A = tpu.sem_alloc : memref<!tpu.dma_semaphore, #tpu.memory_space<semaphore_mem>>
            %dma_start3A_74 = arith.constant 0 : i32
            %dma_start3A_75 = arith.constant 0 : i32
            %dma_start3A_76 = tpu.memref_slice %arg12[%dma_start3A_74, %dma_start3A_75] : memref<10240x128xf32, #tpu.memory_space<vmem_shared>> -> memref<10240x128xf32, #tpu.memory_space<vmem_shared>>
            tpu.enqueue_indirect_dma source(%arg11 : memref<80x128xf32, #tpu.memory_space<vmem>>) target(%dma_start3A_76 : memref<10240x128xf32, #tpu.memory_space<vmem_shared>>) offsets(%arg9 : memref<80xi32, #tpu.memory_space<vmem>>) semaphore(%run_scoped3A : memref<!tpu.dma_semaphore, #tpu.memory_space<semaphore_mem>>) {add = true}
            %dma_wait3A_77 = arith.constant 0 : i32
            %dma_wait3A_78 = arith.constant 0 : i32
            %dma_wait3A_79 = tpu.memref_slice %arg12[%dma_wait3A_77, %dma_wait3A_78] : memref<10240x128xf32, #tpu.memory_space<vmem_shared>> -> memref<10240x128xf32, #tpu.memory_space<vmem_shared>>
            tpu.wait_indirect_dma semaphore(%run_scoped3A : memref<!tpu.dma_semaphore, #tpu.memory_space<semaphore_mem>>) src(%arg11 : memref<80x128xf32, #tpu.memory_space<vmem>>) dst(%dma_wait3A_79 : memref<10240x128xf32, #tpu.memory_space<vmem_shared>>)
            tpu.yield
          }) : () -> ()
        } else {
        }
      }
      %scan3A_33 = arith.constant 63 : i32
    } else {
    }
    %eq3A_10 = arith.constant 1 : i32
    %eq3A_11 = arith.cmpi eq, %arg0, %eq3A_10 : i32
    %convert_element_type3A_12 = arith.extui %eq3A_11 : i1 to i32
    %cond3A_13 = arith.constant 0 : i32
    %cond3A_14 = arith.cmpi ne, %convert_element_type3A_12, %cond3A_13 : i32
    scf.if %cond3A_14 {
      %add3A = arith.constant 0 : i32
      %add3A_22 = arith.addi %mul3A_2, %add3A : i32
      %dma_start3A = tpu.memref_slice %arg4[%add3A_22] : memref<160000xi32, #tpu.memory_space<hbm>> -> memref<80xi32, #tpu.memory_space<hbm>>
      %dma_start3A_23 = tpu.memref_slice %arg4[%add3A_22] : memref<160000xi32, #tpu.memory_space<hbm>> -> memref<80xi32, #tpu.memory_space<hbm>>
      tpu.enqueue_dma source(%dma_start3A_23 : memref<80xi32, #tpu.memory_space<hbm>>) target(%arg8 : memref<80xi32, #tpu.memory_space<vmem>>) target_semaphore(%arg15 : memref<!tpu.dma_semaphore, #tpu.memory_space<semaphore_mem>>)
      %dma_start3A_24 = arith.constant 0 : i32
      %dma_start3A_25 = tpu.memref_slice %arg3[%add3A_22, %dma_start3A_24] : memref<160000x128xf32, #tpu.memory_space<hbm>> -> memref<80x128xf32, #tpu.memory_space<hbm>>
      %dma_start3A_26 = arith.constant 0 : i32
      %dma_start3A_27 = tpu.memref_slice %arg3[%add3A_22, %dma_start3A_26] : memref<160000x128xf32, #tpu.memory_space<hbm>> -> memref<80x128xf32, #tpu.memory_space<hbm>>
      tpu.enqueue_dma source(%dma_start3A_27 : memref<80x128xf32, #tpu.memory_space<hbm>>) target(%arg10 : memref<80x128xf32, #tpu.memory_space<vmem>>) target_semaphore(%arg13 : memref<!tpu.dma_semaphore, #tpu.memory_space<semaphore_mem>>)
      %scan3A_28 = arith.constant 0 : i32
      %scan3A_29 = arith.constant 0 : i32
      %scan3A_30 = arith.constant 63 : i32
      %scan3A_31 = arith.addi %scan3A_29, %scan3A_30 : i32
      %scan3A_32 = arith.constant 1 : i32
      scf.for %scan3A_34 = %scan3A_29 to %scan3A_31 step %scan3A_32  : i32 {
        %mul3A_35 = arith.constant 2 : i32
        %mul3A_36 = arith.muli %mul3A_35, %scan3A_34 : i32
        %add3A_37 = arith.constant 0 : i32
        %add3A_38 = arith.addi %mul3A_36, %add3A_37 : i32
        %add3A_39 = arith.constant 1 : i32
        %add3A_40 = arith.addi %add3A_38, %add3A_39 : i32
        %lt3A = arith.constant 125 : i32
        %lt3A_41 = arith.cmpi slt, %add3A_40, %lt3A : i32
        %convert_element_type3A_42 = arith.extui %lt3A_41 : i1 to i32
        %cond3A_43 = arith.constant 0 : i32
        %cond3A_44 = arith.cmpi ne, %convert_element_type3A_42, %cond3A_43 : i32
        scf.if %cond3A_44 {
          %mul3A_66 = arith.constant 80 : i32
          %mul3A_67 = arith.muli %add3A_40, %mul3A_66 : i32
          %add3A_68 = arith.addi %mul3A_2, %mul3A_67 : i32
          %dma_start3A_69 = tpu.memref_slice %arg4[%add3A_68] : memref<160000xi32, #tpu.memory_space<hbm>> -> memref<80xi32, #tpu.memory_space<hbm>>
          %dma_start3A_70 = tpu.memref_slice %arg4[%add3A_68] : memref<160000xi32, #tpu.memory_space<hbm>> -> memref<80xi32, #tpu.memory_space<hbm>>
          tpu.enqueue_dma source(%dma_start3A_70 : memref<80xi32, #tpu.memory_space<hbm>>) target(%arg9 : memref<80xi32, #tpu.memory_space<vmem>>) target_semaphore(%arg16 : memref<!tpu.dma_semaphore, #tpu.memory_space<semaphore_mem>>)
          %dma_start3A_71 = arith.constant 0 : i32
          %dma_start3A_72 = tpu.memref_slice %arg3[%add3A_68, %dma_start3A_71] : memref<160000x128xf32, #tpu.memory_space<hbm>> -> memref<80x128xf32, #tpu.memory_space<hbm>>
          %dma_start3A_73 = arith.constant 0 : i32
          %dma_start3A_74 = tpu.memref_slice %arg3[%add3A_68, %dma_start3A_73] : memref<160000x128xf32, #tpu.memory_space<hbm>> -> memref<80x128xf32, #tpu.memory_space<hbm>>
          tpu.enqueue_dma source(%dma_start3A_74 : memref<80x128xf32, #tpu.memory_space<hbm>>) target(%arg11 : memref<80x128xf32, #tpu.memory_space<vmem>>) target_semaphore(%arg14 : memref<!tpu.dma_semaphore, #tpu.memory_space<semaphore_mem>>)
        } else {
        }
        %lt3A_45 = arith.constant 125 : i32
        %lt3A_46 = arith.cmpi slt, %add3A_38, %lt3A_45 : i32
        %convert_element_type3A_47 = arith.extui %lt3A_46 : i1 to i32
        %cond3A_48 = arith.constant 0 : i32
        %cond3A_49 = arith.cmpi ne, %convert_element_type3A_47, %cond3A_48 : i32
        scf.if %cond3A_49 {
          %mul3A_66 = arith.constant 80 : i32
          %mul3A_67 = arith.muli %add3A_38, %mul3A_66 : i32
          %add3A_68 = arith.addi %mul3A_2, %mul3A_67 : i32
          %dma_wait3A = tpu.memref_slice %arg4[%add3A_68] : memref<160000xi32, #tpu.memory_space<hbm>> -> memref<80xi32, #tpu.memory_space<hbm>>
          %dma_wait3A_69 = tpu.memref_slice %arg4[%add3A_68] : memref<160000xi32, #tpu.memory_space<hbm>> -> memref<80xi32, #tpu.memory_space<hbm>>
          tpu.wait_dma2 semaphore(%arg15 : memref<!tpu.dma_semaphore, #tpu.memory_space<semaphore_mem>>) src(%dma_wait3A_69 : memref<80xi32, #tpu.memory_space<hbm>>) dst(%arg8 : memref<80xi32, #tpu.memory_space<vmem>>)
          %dma_wait3A_70 = arith.constant 0 : i32
          %dma_wait3A_71 = tpu.memref_slice %arg3[%add3A_68, %dma_wait3A_70] : memref<160000x128xf32, #tpu.memory_space<hbm>> -> memref<80x128xf32, #tpu.memory_space<hbm>>
          %dma_wait3A_72 = arith.constant 0 : i32
          %dma_wait3A_73 = tpu.memref_slice %arg3[%add3A_68, %dma_wait3A_72] : memref<160000x128xf32, #tpu.memory_space<hbm>> -> memref<80x128xf32, #tpu.memory_space<hbm>>
          tpu.wait_dma2 semaphore(%arg13 : memref<!tpu.dma_semaphore, #tpu.memory_space<semaphore_mem>>) src(%dma_wait3A_73 : memref<80x128xf32, #tpu.memory_space<hbm>>) dst(%arg10 : memref<80x128xf32, #tpu.memory_space<vmem>>)
          "tpu.region"() ({
            %run_scoped3A = tpu.sem_alloc : memref<!tpu.dma_semaphore, #tpu.memory_space<semaphore_mem>>
            %dma_start3A_74 = arith.constant 0 : i32
            %dma_start3A_75 = arith.constant 0 : i32
            %dma_start3A_76 = tpu.memref_slice %arg12[%dma_start3A_74, %dma_start3A_75] : memref<10240x128xf32, #tpu.memory_space<vmem_shared>> -> memref<10240x128xf32, #tpu.memory_space<vmem_shared>>
            tpu.enqueue_indirect_dma source(%arg10 : memref<80x128xf32, #tpu.memory_space<vmem>>) target(%dma_start3A_76 : memref<10240x128xf32, #tpu.memory_space<vmem_shared>>) offsets(%arg8 : memref<80xi32, #tpu.memory_space<vmem>>) semaphore(%run_scoped3A : memref<!tpu.dma_semaphore, #tpu.memory_space<semaphore_mem>>) {add = true}
            %dma_wait3A_77 = arith.constant 0 : i32
            %dma_wait3A_78 = arith.constant 0 : i32
            %dma_wait3A_79 = tpu.memref_slice %arg12[%dma_wait3A_77, %dma_wait3A_78] : memref<10240x128xf32, #tpu.memory_space<vmem_shared>> -> memref<10240x128xf32, #tpu.memory_space<vmem_shared>>
            tpu.wait_indirect_dma semaphore(%run_scoped3A : memref<!tpu.dma_semaphore, #tpu.memory_space<semaphore_mem>>) src(%arg10 : memref<80x128xf32, #tpu.memory_space<vmem>>) dst(%dma_wait3A_79 : memref<10240x128xf32, #tpu.memory_space<vmem_shared>>)
            tpu.yield
          }) : () -> ()
        } else {
        }
        %mul3A_50 = arith.constant 2 : i32
        %mul3A_51 = arith.muli %mul3A_50, %scan3A_34 : i32
        %add3A_52 = arith.constant 1 : i32
        %add3A_53 = arith.addi %mul3A_51, %add3A_52 : i32
        %add3A_54 = arith.constant 1 : i32
        %add3A_55 = arith.addi %add3A_53, %add3A_54 : i32
        %lt3A_56 = arith.constant 125 : i32
        %lt3A_57 = arith.cmpi slt, %add3A_55, %lt3A_56 : i32
        %convert_element_type3A_58 = arith.extui %lt3A_57 : i1 to i32
        %cond3A_59 = arith.constant 0 : i32
        %cond3A_60 = arith.cmpi ne, %convert_element_type3A_58, %cond3A_59 : i32
        scf.if %cond3A_60 {
          %mul3A_66 = arith.constant 80 : i32
          %mul3A_67 = arith.muli %add3A_55, %mul3A_66 : i32
          %add3A_68 = arith.addi %mul3A_2, %mul3A_67 : i32
          %dma_start3A_69 = tpu.memref_slice %arg4[%add3A_68] : memref<160000xi32, #tpu.memory_space<hbm>> -> memref<80xi32, #tpu.memory_space<hbm>>
          %dma_start3A_70 = tpu.memref_slice %arg4[%add3A_68] : memref<160000xi32, #tpu.memory_space<hbm>> -> memref<80xi32, #tpu.memory_space<hbm>>
          tpu.enqueue_dma source(%dma_start3A_70 : memref<80xi32, #tpu.memory_space<hbm>>) target(%arg8 : memref<80xi32, #tpu.memory_space<vmem>>) target_semaphore(%arg15 : memref<!tpu.dma_semaphore, #tpu.memory_space<semaphore_mem>>)
          %dma_start3A_71 = arith.constant 0 : i32
          %dma_start3A_72 = tpu.memref_slice %arg3[%add3A_68, %dma_start3A_71] : memref<160000x128xf32, #tpu.memory_space<hbm>> -> memref<80x128xf32, #tpu.memory_space<hbm>>
          %dma_start3A_73 = arith.constant 0 : i32
          %dma_start3A_74 = tpu.memref_slice %arg3[%add3A_68, %dma_start3A_73] : memref<160000x128xf32, #tpu.memory_space<hbm>> -> memref<80x128xf32, #tpu.memory_space<hbm>>
          tpu.enqueue_dma source(%dma_start3A_74 : memref<80x128xf32, #tpu.memory_space<hbm>>) target(%arg10 : memref<80x128xf32, #tpu.memory_space<vmem>>) target_semaphore(%arg13 : memref<!tpu.dma_semaphore, #tpu.memory_space<semaphore_mem>>)
        } else {
        }
        %lt3A_61 = arith.constant 125 : i32
        %lt3A_62 = arith.cmpi slt, %add3A_53, %lt3A_61 : i32
        %convert_element_type3A_63 = arith.extui %lt3A_62 : i1 to i32
        %cond3A_64 = arith.constant 0 : i32
        %cond3A_65 = arith.cmpi ne, %convert_element_type3A_63, %cond3A_64 : i32
        scf.if %cond3A_65 {
          %mul3A_66 = arith.constant 80 : i32
          %mul3A_67 = arith.muli %add3A_53, %mul3A_66 : i32
          %add3A_68 = arith.addi %mul3A_2, %mul3A_67 : i32
          %dma_wait3A = tpu.memref_slice %arg4[%add3A_68] : memref<160000xi32, #tpu.memory_space<hbm>> -> memref<80xi32, #tpu.memory_space<hbm>>
          %dma_wait3A_69 = tpu.memref_slice %arg4[%add3A_68] : memref<160000xi32, #tpu.memory_space<hbm>> -> memref<80xi32, #tpu.memory_space<hbm>>
          tpu.wait_dma2 semaphore(%arg16 : memref<!tpu.dma_semaphore, #tpu.memory_space<semaphore_mem>>) src(%dma_wait3A_69 : memref<80xi32, #tpu.memory_space<hbm>>) dst(%arg9 : memref<80xi32, #tpu.memory_space<vmem>>)
          %dma_wait3A_70 = arith.constant 0 : i32
          %dma_wait3A_71 = tpu.memref_slice %arg3[%add3A_68, %dma_wait3A_70] : memref<160000x128xf32, #tpu.memory_space<hbm>> -> memref<80x128xf32, #tpu.memory_space<hbm>>
          %dma_wait3A_72 = arith.constant 0 : i32
          %dma_wait3A_73 = tpu.memref_slice %arg3[%add3A_68, %dma_wait3A_72] : memref<160000x128xf32, #tpu.memory_space<hbm>> -> memref<80x128xf32, #tpu.memory_space<hbm>>
          tpu.wait_dma2 semaphore(%arg14 : memref<!tpu.dma_semaphore, #tpu.memory_space<semaphore_mem>>) src(%dma_wait3A_73 : memref<80x128xf32, #tpu.memory_space<hbm>>) dst(%arg11 : memref<80x128xf32, #tpu.memory_space<vmem>>)
          "tpu.region"() ({
            %run_scoped3A = tpu.sem_alloc : memref<!tpu.dma_semaphore, #tpu.memory_space<semaphore_mem>>
            %dma_start3A_74 = arith.constant 0 : i32
            %dma_start3A_75 = arith.constant 0 : i32
            %dma_start3A_76 = tpu.memref_slice %arg12[%dma_start3A_74, %dma_start3A_75] : memref<10240x128xf32, #tpu.memory_space<vmem_shared>> -> memref<10240x128xf32, #tpu.memory_space<vmem_shared>>
            tpu.enqueue_indirect_dma source(%arg11 : memref<80x128xf32, #tpu.memory_space<vmem>>) target(%dma_start3A_76 : memref<10240x128xf32, #tpu.memory_space<vmem_shared>>) offsets(%arg9 : memref<80xi32, #tpu.memory_space<vmem>>) semaphore(%run_scoped3A : memref<!tpu.dma_semaphore, #tpu.memory_space<semaphore_mem>>) {add = true}
            %dma_wait3A_77 = arith.constant 0 : i32
            %dma_wait3A_78 = arith.constant 0 : i32
            %dma_wait3A_79 = tpu.memref_slice %arg12[%dma_wait3A_77, %dma_wait3A_78] : memref<10240x128xf32, #tpu.memory_space<vmem_shared>> -> memref<10240x128xf32, #tpu.memory_space<vmem_shared>>
            tpu.wait_indirect_dma semaphore(%run_scoped3A : memref<!tpu.dma_semaphore, #tpu.memory_space<semaphore_mem>>) src(%arg11 : memref<80x128xf32, #tpu.memory_space<vmem>>) dst(%dma_wait3A_79 : memref<10240x128xf32, #tpu.memory_space<vmem_shared>>)
            tpu.yield
          }) : () -> ()
        } else {
        }
      }
      %scan3A_33 = arith.constant 63 : i32
    } else {
    }
    %barrier3A_15 = arith.constant 0 : index
    tpu.barrier barrier_id(%barrier3A_15)
    %scan3A_16 = arith.constant 0 : i32
    %scan3A_17 = arith.constant 0 : i32
    %scan3A_18 = arith.constant 8 : i32
    %scan3A_19 = arith.addi %scan3A_17, %scan3A_18 : i32
    %scan3A_20 = arith.constant 1 : i32
    scf.for %scan3A_22 = %scan3A_17 to %scan3A_19 step %scan3A_20  : i32 {
      %mul3A_23 = arith.constant 80 : i32
      %mul3A_24 = arith.muli %scan3A_22, %mul3A_23 : i32
      %add3A = arith.addi %mul3A_0, %mul3A_24 : i32
      "tpu.region"() ({
        %run_scoped3A = tpu.sem_alloc : memref<!tpu.dma_semaphore, #tpu.memory_space<semaphore_mem>>
        %dma_start3A = arith.constant 0 : i32
        %dma_start3A_35 = tpu.memref_slice %arg12[%add3A, %dma_start3A] : memref<10240x128xf32, #tpu.memory_space<vmem_shared>> -> memref<80x128xf32, #tpu.memory_space<vmem_shared>>
        %dma_start3A_36 = arith.constant 0 : i32
        %dma_start3A_37 = tpu.memref_slice %arg12[%add3A, %dma_start3A_36] : memref<10240x128xf32, #tpu.memory_space<vmem_shared>> -> memref<80x128xf32, #tpu.memory_space<vmem_shared>>
        tpu.enqueue_dma source(%dma_start3A_37 : memref<80x128xf32, #tpu.memory_space<vmem_shared>>) target(%arg10 : memref<80x128xf32, #tpu.memory_space<vmem>>) target_semaphore(%run_scoped3A : memref<!tpu.dma_semaphore, #tpu.memory_space<semaphore_mem>>)
        %dma_wait3A = arith.constant 0 : i32
        %dma_wait3A_38 = tpu.memref_slice %arg12[%add3A, %dma_wait3A] : memref<10240x128xf32, #tpu.memory_space<vmem_shared>> -> memref<80x128xf32, #tpu.memory_space<vmem_shared>>
        %dma_wait3A_39 = arith.constant 0 : i32
        %dma_wait3A_40 = tpu.memref_slice %arg12[%add3A, %dma_wait3A_39] : memref<10240x128xf32, #tpu.memory_space<vmem_shared>> -> memref<80x128xf32, #tpu.memory_space<vmem_shared>>
        tpu.wait_dma2 semaphore(%run_scoped3A : memref<!tpu.dma_semaphore, #tpu.memory_space<semaphore_mem>>) src(%dma_wait3A_40 : memref<80x128xf32, #tpu.memory_space<vmem_shared>>) dst(%arg10 : memref<80x128xf32, #tpu.memory_space<vmem>>)
        tpu.yield
      }) : () -> ()
      %eq3A_25 = arith.constant 0 : i32
      %eq3A_26 = arith.cmpi eq, %arg0, %eq3A_25 : i32
      %convert_element_type3A_27 = arith.extui %eq3A_26 : i1 to i32
      %cond3A_28 = arith.constant 0 : i32
      %cond3A_29 = arith.cmpi ne, %convert_element_type3A_27, %cond3A_28 : i32
      scf.if %cond3A_29 {
        "tpu.region"() ({
          %run_scoped3A = tpu.sem_alloc : memref<!tpu.dma_semaphore, #tpu.memory_space<semaphore_mem>>
          %dma_start3A = arith.constant 0 : i32
          %dma_start3A_35 = tpu.memref_slice %arg6[%add3A, %dma_start3A] : memref<10240x128xf32, #tpu.memory_space<hbm>> -> memref<80x128xf32, #tpu.memory_space<hbm>>
          %dma_start3A_36 = arith.constant 0 : i32
          %dma_start3A_37 = tpu.memref_slice %arg6[%add3A, %dma_start3A_36] : memref<10240x128xf32, #tpu.memory_space<hbm>> -> memref<80x128xf32, #tpu.memory_space<hbm>>
          tpu.enqueue_dma source(%arg10 : memref<80x128xf32, #tpu.memory_space<vmem>>) target(%dma_start3A_37 : memref<80x128xf32, #tpu.memory_space<hbm>>) target_semaphore(%run_scoped3A : memref<!tpu.dma_semaphore, #tpu.memory_space<semaphore_mem>>)
          %dma_wait3A = arith.constant 0 : i32
          %dma_wait3A_38 = tpu.memref_slice %arg6[%add3A, %dma_wait3A] : memref<10240x128xf32, #tpu.memory_space<hbm>> -> memref<80x128xf32, #tpu.memory_space<hbm>>
          %dma_wait3A_39 = arith.constant 0 : i32
          %dma_wait3A_40 = tpu.memref_slice %arg6[%add3A, %dma_wait3A_39] : memref<10240x128xf32, #tpu.memory_space<hbm>> -> memref<80x128xf32, #tpu.memory_space<hbm>>
          tpu.wait_dma2 semaphore(%run_scoped3A : memref<!tpu.dma_semaphore, #tpu.memory_space<semaphore_mem>>) src(%arg10 : memref<80x128xf32, #tpu.memory_space<vmem>>) dst(%dma_wait3A_40 : memref<80x128xf32, #tpu.memory_space<hbm>>)
          tpu.yield
        }) : () -> ()
      } else {
      }
      %eq3A_30 = arith.constant 1 : i32
      %eq3A_31 = arith.cmpi eq, %arg0, %eq3A_30 : i32
      %convert_element_type3A_32 = arith.extui %eq3A_31 : i1 to i32
      %cond3A_33 = arith.constant 0 : i32
      %cond3A_34 = arith.cmpi ne, %convert_element_type3A_32, %cond3A_33 : i32
      scf.if %cond3A_34 {
        "tpu.region"() ({
          %run_scoped3A = tpu.sem_alloc : memref<!tpu.dma_semaphore, #tpu.memory_space<semaphore_mem>>
          %dma_start3A = arith.constant 0 : i32
          %dma_start3A_35 = tpu.memref_slice %arg7[%add3A, %dma_start3A] : memref<10240x128xf32, #tpu.memory_space<hbm>> -> memref<80x128xf32, #tpu.memory_space<hbm>>
          %dma_start3A_36 = arith.constant 0 : i32
          %dma_start3A_37 = tpu.memref_slice %arg7[%add3A, %dma_start3A_36] : memref<10240x128xf32, #tpu.memory_space<hbm>> -> memref<80x128xf32, #tpu.memory_space<hbm>>
          tpu.enqueue_dma source(%arg10 : memref<80x128xf32, #tpu.memory_space<vmem>>) target(%dma_start3A_37 : memref<80x128xf32, #tpu.memory_space<hbm>>) target_semaphore(%run_scoped3A : memref<!tpu.dma_semaphore, #tpu.memory_space<semaphore_mem>>)
          %dma_wait3A = arith.constant 0 : i32
          %dma_wait3A_38 = tpu.memref_slice %arg7[%add3A, %dma_wait3A] : memref<10240x128xf32, #tpu.memory_space<hbm>> -> memref<80x128xf32, #tpu.memory_space<hbm>>
          %dma_wait3A_39 = arith.constant 0 : i32
          %dma_wait3A_40 = tpu.memref_slice %arg7[%add3A, %dma_wait3A_39] : memref<10240x128xf32, #tpu.memory_space<hbm>> -> memref<80x128xf32, #tpu.memory_space<hbm>>
          tpu.wait_dma2 semaphore(%run_scoped3A : memref<!tpu.dma_semaphore, #tpu.memory_space<semaphore_mem>>) src(%arg10 : memref<80x128xf32, #tpu.memory_space<vmem>>) dst(%dma_wait3A_40 : memref<80x128xf32, #tpu.memory_space<hbm>>)
          tpu.yield
        }) : () -> ()
      } else {
      }
    }
    %scan3A_21 = arith.constant 8 : i32
    return
  }
}

module attributes {stable_mosaic.version = 14 : i64} {
  func.func @_proj_body(%arg0: i32, %arg1: memref<1000x128xf32, #tpu.memory_space<vmem>>, %arg2: memref<1000x3xf32, #tpu.memory_space<vmem>>, %arg3: memref<128x128xf32, #tpu.memory_space<vmem>>, %arg4: memref<128x128xf32, #tpu.memory_space<vmem>>, %arg5: memref<1000x256xf32, #tpu.memory_space<vmem>>, %arg6: memref<1000x256xf32, #tpu.memory_space<vmem>>) attributes {dimension_semantics = [#tpu.dimension_semantics<arbitrary>], iteration_bounds = array<i64: 10>, scalar_prefetch = 0 : i64, scratch_operands = 0 : i64, tpu.core_type = #tpu.core_type<tc>, window_params = [{transform_indices = @transform_0, window_bounds = array<i64: 1000, 128>}, {transform_indices = @transform_1, window_bounds = array<i64: 1000, 3>}, {pipeline_mode = #tpu.pipeline_mode<synchronous>, transform_indices = @transform_2, window_bounds = array<i64: 128, 128>}, {pipeline_mode = #tpu.pipeline_mode<synchronous>, transform_indices = @transform_3, window_bounds = array<i64: 128, 128>}, {transform_indices = @transform_4, window_bounds = array<i64: 1000, 256>}, {transform_indices = @transform_5, window_bounds = array<i64: 1000, 256>}]} {
    %get3A = arith.constant 0 : index
    %get3A_0 = arith.constant 0 : index
    %get3A_1 = vector.load %arg1[%get3A, %get3A_0] : memref<1000x128xf32, #tpu.memory_space<vmem>>, vector<1000x128xf32>
    %get3A_2 = arith.constant 0 : index
    %get3A_3 = arith.constant 0 : index
    %get3A_4 = vector.load %arg2[%get3A_2, %get3A_3] : memref<1000x3xf32, #tpu.memory_space<vmem>>, vector<1000x3xf32>
    %jit3A = arith.constant 0 : i32
    %convert_element_type3A = arith.sitofp %jit3A : i32 to f32
    %pad3A = vector.broadcast %convert_element_type3A : f32 to vector<1000x125xf32>
    %pad3A_5 = tpu.concatenate %get3A_4, %pad3A in 1 : vector<1000x3xf32>, vector<1000x125xf32> -> vector<1000x128xf32>
    %get3A_6 = arith.constant 0 : index
    %get3A_7 = arith.constant 0 : index
    %get3A_8 = vector.load %arg3[%get3A_6, %get3A_7] : memref<128x128xf32, #tpu.memory_space<vmem>>, vector<128x128xf32>
    %dot_general3A = arith.constant dense<0.000000e+00> : vector<1000x128xf32>
    %dot_general3A_9 = tpu.matmul %get3A_1, %get3A_8, %dot_general3A {dimension_numbers = #tpu.dot_dimension_numbers<[1], [0], [0], [1], [0, 0, 1, 1], [], []>, transpose_lhs_hint = false} : vector<1000x128xf32>, vector<128x128xf32>, vector<1000x128xf32> -> vector<1000x128xf32>
    %swap3A = arith.constant 0 : index
    %swap3A_10 = arith.constant 0 : index
    %swap3A_11 = vector.load %arg5[%swap3A, %swap3A_10] : memref<1000x256xf32, #tpu.memory_space<vmem>>, vector<1000x128xf32>
    tpu.vector_store %arg5[%swap3A, %swap3A_10], %dot_general3A_9 {strides = array<i32>} : memref<1000x256xf32, #tpu.memory_space<vmem>>, vector<1000x128xf32>,
    %swap3A_12 = arith.constant 0 : index
    %swap3A_13 = arith.constant 128 : index
    %swap3A_14 = vector.load %arg5[%swap3A_12, %swap3A_13] : memref<1000x256xf32, #tpu.memory_space<vmem>>, vector<1000x128xf32>
    tpu.vector_store %arg5[%swap3A_12, %swap3A_13], %pad3A_5 {strides = array<i32>} : memref<1000x256xf32, #tpu.memory_space<vmem>>, vector<1000x128xf32>,
    %get3A_15 = arith.constant 0 : index
    %get3A_16 = arith.constant 0 : index
    %get3A_17 = vector.load %arg4[%get3A_15, %get3A_16] : memref<128x128xf32, #tpu.memory_space<vmem>>, vector<128x128xf32>
    %dot_general3A_18 = arith.constant dense<0.000000e+00> : vector<1000x128xf32>
    %dot_general3A_19 = tpu.matmul %get3A_1, %get3A_17, %dot_general3A_18 {dimension_numbers = #tpu.dot_dimension_numbers<[1], [0], [0], [1], [0, 0, 1, 1], [], []>, transpose_lhs_hint = false} : vector<1000x128xf32>, vector<128x128xf32>, vector<1000x128xf32> -> vector<1000x128xf32>
    %swap3A_20 = arith.constant 0 : index
    %swap3A_21 = arith.constant 0 : index
    %swap3A_22 = vector.load %arg6[%swap3A_20, %swap3A_21] : memref<1000x256xf32, #tpu.memory_space<vmem>>, vector<1000x128xf32>
    tpu.vector_store %arg6[%swap3A_20, %swap3A_21], %dot_general3A_19 {strides = array<i32>} : memref<1000x256xf32, #tpu.memory_space<vmem>>, vector<1000x128xf32>,
    %swap3A_23 = arith.constant 0 : index
    %swap3A_24 = arith.constant 128 : index
    %swap3A_25 = vector.load %arg6[%swap3A_23, %swap3A_24] : memref<1000x256xf32, #tpu.memory_space<vmem>>, vector<1000x128xf32>
    tpu.vector_store %arg6[%swap3A_23, %swap3A_24], %pad3A_5 {strides = array<i32>} : memref<1000x256xf32, #tpu.memory_space<vmem>>, vector<1000x128xf32>,
    return
  }
  func.func @transform_0(%arg0: i32) -> (i32, i32) {
    %c0_i32 = arith.constant 0 : i32
    %c0_i32_0 = arith.constant 0 : i32
    return %arg0, %c0_i32 : i32, i32
  }
  func.func @transform_1(%arg0: i32) -> (i32, i32) {
    %c0_i32 = arith.constant 0 : i32
    %c0_i32_0 = arith.constant 0 : i32
    return %arg0, %c0_i32 : i32, i32
  }
  func.func @transform_2(%arg0: i32) -> (i32, i32) {
    %c0_i32 = arith.constant 0 : i32
    %c0_i32_0 = arith.constant 0 : i32
    %c0_i32_1 = arith.constant 0 : i32
    return %c0_i32, %c0_i32_0 : i32, i32
  }
  func.func @transform_3(%arg0: i32) -> (i32, i32) {
    %c0_i32 = arith.constant 0 : i32
    %c0_i32_0 = arith.constant 0 : i32
    %c0_i32_1 = arith.constant 0 : i32
    return %c0_i32, %c0_i32_0 : i32, i32
  }
  func.func @transform_4(%arg0: i32) -> (i32, i32) {
    %c0_i32 = arith.constant 0 : i32
    %c0_i32_0 = arith.constant 0 : i32
    return %arg0, %c0_i32 : i32, i32
  }
  func.func @transform_5(%arg0: i32) -> (i32, i32) {
    %c0_i32 = arith.constant 0 : i32
    %c0_i32_0 = arith.constant 0 : i32
    return %arg0, %c0_i32 : i32, i32
  }
}

module attributes {stable_mosaic.version = 14 : i64} {
  func.func @_edge_body(%arg0: i32, %arg1: memref<2000x256xf32, #tpu.memory_space<vmem>>, %arg2: memref<2000x16xf32, #tpu.memory_space<vmem>>, %arg3: memref<16x128xf32, #tpu.memory_space<vmem>>, %arg4: memref<16x128xf32, #tpu.memory_space<vmem>>, %arg5: memref<1x128xf32, #tpu.memory_space<vmem>>, %arg6: memref<128x128xf32, #tpu.memory_space<vmem>>, %arg7: memref<1x128xf32, #tpu.memory_space<vmem>>, %arg8: memref<128x128xf32, #tpu.memory_space<vmem>>, %arg9: memref<1x128xf32, #tpu.memory_space<vmem>>, %arg10: memref<1x128xf32, #tpu.memory_space<vmem>>, %arg11: memref<2000x128xf32, #tpu.memory_space<vmem>>, %arg12: memref<2000x128xf32, #tpu.memory_space<vmem>>) attributes {dimension_semantics = [#tpu.dimension_semantics<arbitrary>], iteration_bounds = array<i64: 80>, scalar_prefetch = 0 : i64, scratch_operands = 0 : i64, tpu.core_type = #tpu.core_type<tc>, window_params = [{transform_indices = @transform_0, window_bounds = array<i64: 2000, 256>}, {transform_indices = @transform_1, window_bounds = array<i64: 2000, 16>}, {pipeline_mode = #tpu.pipeline_mode<synchronous>, transform_indices = @transform_2, window_bounds = array<i64: 16, 128>}, {pipeline_mode = #tpu.pipeline_mode<synchronous>, transform_indices = @transform_3, window_bounds = array<i64: 16, 128>}, {pipeline_mode = #tpu.pipeline_mode<synchronous>, transform_indices = @transform_4, window_bounds = array<i64: 1, 128>}, {pipeline_mode = #tpu.pipeline_mode<synchronous>, transform_indices = @transform_5, window_bounds = array<i64: 128, 128>}, {pipeline_mode = #tpu.pipeline_mode<synchronous>, transform_indices = @transform_6, window_bounds = array<i64: 1, 128>}, {pipeline_mode = #tpu.pipeline_mode<synchronous>, transform_indices = @transform_7, window_bounds = array<i64: 128, 128>}, {pipeline_mode = #tpu.pipeline_mode<synchronous>, transform_indices = @transform_8, window_bounds = array<i64: 1, 128>}, {pipeline_mode = #tpu.pipeline_mode<synchronous>, transform_indices = @transform_9, window_bounds = array<i64: 1, 128>}, {transform_indices = @transform_10, window_bounds = array<i64: 2000, 128>}, {transform_indices = @transform_11, window_bounds = array<i64: 2000, 128>}]} {
    %get3A = arith.constant 0 : index
    %get3A_0 = arith.constant 128 : index
    %get3A_1 = vector.load %arg1[%get3A, %get3A_0] : memref<2000x256xf32, #tpu.memory_space<vmem>>, vector<2000x16xf32>
    %get3A_2 = arith.constant 0 : index
    %get3A_3 = arith.constant 0 : index
    %get3A_4 = vector.load %arg1[%get3A_2, %get3A_3] : memref<2000x256xf32, #tpu.memory_space<vmem>>, vector<2000x128xf32>
    %mul3A = arith.mulf %get3A_1, %get3A_1 : vector<2000x16xf32>
    %get3A_5 = arith.constant 0 : index
    %get3A_6 = arith.constant 0 : index
    %get3A_7 = vector.load %arg3[%get3A_5, %get3A_6] : memref<16x128xf32, #tpu.memory_space<vmem>>, vector<16x128xf32>
    %dot_general3A = arith.constant dense<0.000000e+00> : vector<2000x128xf32>
    %dot_general3A_8 = tpu.matmul %mul3A, %get3A_7, %dot_general3A {dimension_numbers = #tpu.dot_dimension_numbers<[1], [0], [0], [1], [0, 0, 1, 1], [], []>, transpose_lhs_hint = false} : vector<2000x16xf32>, vector<16x128xf32>, vector<2000x128xf32> -> vector<2000x128xf32>
    %add3A = arith.addf %get3A_4, %dot_general3A_8 : vector<2000x128xf32>
    %get3A_9 = arith.constant 0 : index
    %get3A_10 = arith.constant 0 : index
    %get3A_11 = vector.load %arg2[%get3A_9, %get3A_10] : memref<2000x16xf32, #tpu.memory_space<vmem>>, vector<2000x16xf32>
    %get3A_12 = arith.constant 0 : index
    %get3A_13 = arith.constant 0 : index
    %get3A_14 = vector.load %arg4[%get3A_12, %get3A_13] : memref<16x128xf32, #tpu.memory_space<vmem>>, vector<16x128xf32>
    %dot_general3A_15 = arith.constant dense<0.000000e+00> : vector<2000x128xf32>
    %dot_general3A_16 = tpu.matmul %get3A_11, %get3A_14, %dot_general3A_15 {dimension_numbers = #tpu.dot_dimension_numbers<[1], [0], [0], [1], [0, 0, 1, 1], [], []>, transpose_lhs_hint = false} : vector<2000x16xf32>, vector<16x128xf32>, vector<2000x128xf32> -> vector<2000x128xf32>
    %add3A_17 = arith.addf %add3A, %dot_general3A_16 : vector<2000x128xf32>
    %get3A_18 = arith.constant 0 : index
    %get3A_19 = arith.constant 0 : index
    %get3A_20 = vector.load %arg5[%get3A_18, %get3A_19] : memref<1x128xf32, #tpu.memory_space<vmem>>, vector<1x128xf32>
    %add3A_21 = vector.broadcast %get3A_20 : vector<1x128xf32> to vector<2000x128xf32>
    %add3A_22 = arith.addf %add3A_17, %add3A_21 : vector<2000x128xf32>
    %logistic3A = arith.negf %add3A_22 : vector<2000x128xf32>
    %logistic3A_23 = math.exp %logistic3A : vector<2000x128xf32>
    %logistic3A_24 = arith.constant 1.000000e+00 : f32
    %logistic3A_25 = vector.broadcast %logistic3A_24 : f32 to vector<2000x128xf32>
    %logistic3A_26 = arith.addf %logistic3A_25, %logistic3A_23 : vector<2000x128xf32>
    %logistic3A_27 = arith.divf %logistic3A_25, %logistic3A_26 : vector<2000x128xf32>
    %mul3A_28 = arith.mulf %add3A_22, %logistic3A_27 : vector<2000x128xf32>
    %get3A_29 = arith.constant 0 : index
    %get3A_30 = arith.constant 0 : index
    %get3A_31 = vector.load %arg6[%get3A_29, %get3A_30] : memref<128x128xf32, #tpu.memory_space<vmem>>, vector<128x128xf32>
    %dot_general3A_32 = arith.constant dense<0.000000e+00> : vector<2000x128xf32>
    %dot_general3A_33 = tpu.matmul %mul3A_28, %get3A_31, %dot_general3A_32 {dimension_numbers = #tpu.dot_dimension_numbers<[1], [0], [0], [1], [0, 0, 1, 1], [], []>, transpose_lhs_hint = false} : vector<2000x128xf32>, vector<128x128xf32>, vector<2000x128xf32> -> vector<2000x128xf32>
    %get3A_34 = arith.constant 0 : index
    %get3A_35 = arith.constant 0 : index
    %get3A_36 = vector.load %arg7[%get3A_34, %get3A_35] : memref<1x128xf32, #tpu.memory_space<vmem>>, vector<1x128xf32>
    %add3A_37 = vector.broadcast %get3A_36 : vector<1x128xf32> to vector<2000x128xf32>
    %add3A_38 = arith.addf %dot_general3A_33, %add3A_37 : vector<2000x128xf32>
    %logistic3A_39 = arith.negf %add3A_38 : vector<2000x128xf32>
    %logistic3A_40 = math.exp %logistic3A_39 : vector<2000x128xf32>
    %logistic3A_41 = arith.constant 1.000000e+00 : f32
    %logistic3A_42 = vector.broadcast %logistic3A_41 : f32 to vector<2000x128xf32>
    %logistic3A_43 = arith.addf %logistic3A_42, %logistic3A_40 : vector<2000x128xf32>
    %logistic3A_44 = arith.divf %logistic3A_42, %logistic3A_43 : vector<2000x128xf32>
    %mul3A_45 = arith.mulf %add3A_38, %logistic3A_44 : vector<2000x128xf32>
    %get3A_46 = arith.constant 0 : index
    %get3A_47 = arith.constant 0 : index
    %get3A_48 = vector.load %arg8[%get3A_46, %get3A_47] : memref<128x128xf32, #tpu.memory_space<vmem>>, vector<128x128xf32>
    %dot_general3A_49 = arith.constant dense<0.000000e+00> : vector<2000x128xf32>
    %dot_general3A_50 = tpu.matmul %mul3A_45, %get3A_48, %dot_general3A_49 {dimension_numbers = #tpu.dot_dimension_numbers<[1], [0], [0], [1], [0, 0, 1, 1], [], []>, transpose_lhs_hint = false} : vector<2000x128xf32>, vector<128x128xf32>, vector<2000x128xf32> -> vector<2000x128xf32>
    %get3A_51 = arith.constant 0 : index
    %get3A_52 = arith.constant 0 : index
    %get3A_53 = vector.load %arg9[%get3A_51, %get3A_52] : memref<1x128xf32, #tpu.memory_space<vmem>>, vector<1x128xf32>
    %add3A_54 = vector.broadcast %get3A_53 : vector<1x128xf32> to vector<2000x128xf32>
    %add3A_55 = arith.addf %dot_general3A_50, %add3A_54 : vector<2000x128xf32>
    %logistic3A_56 = arith.negf %add3A_55 : vector<2000x128xf32>
    %logistic3A_57 = math.exp %logistic3A_56 : vector<2000x128xf32>
    %logistic3A_58 = arith.constant 1.000000e+00 : f32
    %logistic3A_59 = vector.broadcast %logistic3A_58 : f32 to vector<2000x128xf32>
    %logistic3A_60 = arith.addf %logistic3A_59, %logistic3A_57 : vector<2000x128xf32>
    %logistic3A_61 = arith.divf %logistic3A_59, %logistic3A_60 : vector<2000x128xf32>
    %mul3A_62 = arith.mulf %add3A_55, %logistic3A_61 : vector<2000x128xf32>
    %get3A_63 = arith.constant 0 : index
    %get3A_64 = arith.constant 0 : index
    %get3A_65 = vector.load %arg10[%get3A_63, %get3A_64] : memref<1x128xf32, #tpu.memory_space<vmem>>, vector<1x128xf32>
    %mul3A_66 = vector.broadcast %get3A_65 : vector<1x128xf32> to vector<2000x128xf32>
    %mul3A_67 = arith.mulf %mul3A_62, %mul3A_66 : vector<2000x128xf32>
    %reduce_sum3A = arith.constant dense<0.000000e+00> : vector<2000xf32>
    %reduce_sum3A_68 = vector.multi_reduction <add>, %mul3A_67, %reduce_sum3A [1] : vector<2000x128xf32> to vector<2000xf32>
    %broadcast_in_dim3A = vector.shape_cast %reduce_sum3A_68 : vector<2000xf32> to vector<2000x1xf32>
    %swap3A = arith.constant 0 : index
    %swap3A_69 = arith.constant 0 : index
    %swap3A_70 = vector.load %arg11[%swap3A, %swap3A_69] : memref<2000x128xf32, #tpu.memory_space<vmem>>, vector<2000x128xf32>
    tpu.vector_store %arg11[%swap3A, %swap3A_69], %mul3A_45 {strides = array<i32>} : memref<2000x128xf32, #tpu.memory_space<vmem>>, vector<2000x128xf32>,
    %mul3A_71 = vector.broadcast %broadcast_in_dim3A : vector<2000x1xf32> to vector<2000x16xf32>
    %mul3A_72 = arith.mulf %get3A_1, %mul3A_71 : vector<2000x16xf32>
    %jit3A = arith.constant 0 : i32
    %convert_element_type3A = arith.sitofp %jit3A : i32 to f32
    %pad3A = vector.broadcast %convert_element_type3A : f32 to vector<2000x112xf32>
    %pad3A_73 = tpu.concatenate %mul3A_72, %pad3A in 1 : vector<2000x16xf32>, vector<2000x112xf32> -> vector<2000x128xf32>
    %swap3A_74 = arith.constant 0 : index
    %swap3A_75 = arith.constant 0 : index
    %swap3A_76 = vector.load %arg12[%swap3A_74, %swap3A_75] : memref<2000x128xf32, #tpu.memory_space<vmem>>, vector<2000x128xf32>
    tpu.vector_store %arg12[%swap3A_74, %swap3A_75], %pad3A_73 {strides = array<i32>} : memref<2000x128xf32, #tpu.memory_space<vmem>>, vector<2000x128xf32>,
    return
  }
  func.func @transform_0(%arg0: i32) -> (i32, i32) {
    %c0_i32 = arith.constant 0 : i32
    %c0_i32_0 = arith.constant 0 : i32
    return %arg0, %c0_i32 : i32, i32
  }
  func.func @transform_1(%arg0: i32) -> (i32, i32) {
    %c0_i32 = arith.constant 0 : i32
    %c0_i32_0 = arith.constant 0 : i32
    return %arg0, %c0_i32 : i32, i32
  }
  func.func @transform_2(%arg0: i32) -> (i32, i32) {
    %c0_i32 = arith.constant 0 : i32
    %c0_i32_0 = arith.constant 0 : i32
    %c0_i32_1 = arith.constant 0 : i32
    return %c0_i32, %c0_i32_0 : i32, i32
  }
  func.func @transform_3(%arg0: i32) -> (i32, i32) {
    %c0_i32 = arith.constant 0 : i32
    %c0_i32_0 = arith.constant 0 : i32
    %c0_i32_1 = arith.constant 0 : i32
    return %c0_i32, %c0_i32_0 : i32, i32
  }
  func.func @transform_4(%arg0: i32) -> (i32, i32) {
    %c0_i32 = arith.constant 0 : i32
    %c0_i32_0 = arith.constant 0 : i32
    %c0_i32_1 = arith.constant 0 : i32
    return %c0_i32, %c0_i32_0 : i32, i32
  }
  func.func @transform_5(%arg0: i32) -> (i32, i32) {
    %c0_i32 = arith.constant 0 : i32
    %c0_i32_0 = arith.constant 0 : i32
    %c0_i32_1 = arith.constant 0 : i32
    return %c0_i32, %c0_i32_0 : i32, i32
  }
  func.func @transform_6(%arg0: i32) -> (i32, i32) {
    %c0_i32 = arith.constant 0 : i32
    %c0_i32_0 = arith.constant 0 : i32
    %c0_i32_1 = arith.constant 0 : i32
    return %c0_i32, %c0_i32_0 : i32, i32
  }
  func.func @transform_7(%arg0: i32) -> (i32, i32) {
    %c0_i32 = arith.constant 0 : i32
    %c0_i32_0 = arith.constant 0 : i32
    %c0_i32_1 = arith.constant 0 : i32
    return %c0_i32, %c0_i32_0 : i32, i32
  }
  func.func @transform_8(%arg0: i32) -> (i32, i32) {
    %c0_i32 = arith.constant 0 : i32
    %c0_i32_0 = arith.constant 0 : i32
    %c0_i32_1 = arith.constant 0 : i32
    return %c0_i32, %c0_i32_0 : i32, i32
  }
  func.func @transform_9(%arg0: i32) -> (i32, i32) {
    %c0_i32 = arith.constant 0 : i32
    %c0_i32_0 = arith.constant 0 : i32
    %c0_i32_1 = arith.constant 0 : i32
    return %c0_i32, %c0_i32_0 : i32, i32
  }
  func.func @transform_10(%arg0: i32) -> (i32, i32) {
    %c0_i32 = arith.constant 0 : i32
    %c0_i32_0 = arith.constant 0 : i32
    return %arg0, %c0_i32 : i32, i32
  }
  func.func @transform_11(%arg0: i32) -> (i32, i32) {
    %c0_i32 = arith.constant 0 : i32
    %c0_i32_0 = arith.constant 0 : i32
    return %arg0, %c0_i32 : i32, i32
  }
}

module attributes {stable_mosaic.version = 14 : i64} {
  func.func @_node_body(%arg0: i32, %arg1: memref<1000x128xf32, #tpu.memory_space<vmem>>, %arg2: memref<1000x3xf32, #tpu.memory_space<vmem>>, %arg3: memref<1000x128xf32, #tpu.memory_space<vmem>>, %arg4: memref<1000x128xf32, #tpu.memory_space<vmem>>, %arg5: memref<1000x128xf32, #tpu.memory_space<vmem>>, %arg6: memref<1000x128xf32, #tpu.memory_space<vmem>>, %arg7: memref<128x128xf32, #tpu.memory_space<vmem>>, %arg8: memref<128x128xf32, #tpu.memory_space<vmem>>, %arg9: memref<1x128xf32, #tpu.memory_space<vmem>>, %arg10: memref<128x128xf32, #tpu.memory_space<vmem>>, %arg11: memref<1x128xf32, #tpu.memory_space<vmem>>, %arg12: memref<1x128xf32, #tpu.memory_space<vmem>>, %arg13: memref<1x128xf32, #tpu.memory_space<vmem>>, %arg14: memref<1000x128xf32, #tpu.memory_space<vmem>>, %arg15: memref<1000x3xf32, #tpu.memory_space<vmem>>) attributes {dimension_semantics = [#tpu.dimension_semantics<arbitrary>], iteration_bounds = array<i64: 10>, scalar_prefetch = 0 : i64, scratch_operands = 0 : i64, tpu.core_type = #tpu.core_type<tc>, window_params = [{transform_indices = @transform_0, window_bounds = array<i64: 1000, 128>}, {transform_indices = @transform_1, window_bounds = array<i64: 1000, 3>}, {transform_indices = @transform_2, window_bounds = array<i64: 1000, 128>}, {transform_indices = @transform_3, window_bounds = array<i64: 1000, 128>}, {transform_indices = @transform_4, window_bounds = array<i64: 1000, 128>}, {transform_indices = @transform_5, window_bounds = array<i64: 1000, 128>}, {pipeline_mode = #tpu.pipeline_mode<synchronous>, transform_indices = @transform_6, window_bounds = array<i64: 128, 128>}, {pipeline_mode = #tpu.pipeline_mode<synchronous>, transform_indices = @transform_7, window_bounds = array<i64: 128, 128>}, {pipeline_mode = #tpu.pipeline_mode<synchronous>, transform_indices = @transform_8, window_bounds = array<i64: 1, 128>}, {pipeline_mode = #tpu.pipeline_mode<synchronous>, transform_indices = @transform_9, window_bounds = array<i64: 128, 128>}, {pipeline_mode = #tpu.pipeline_mode<synchronous>, transform_indices = @transform_10, window_bounds = array<i64: 1, 128>}, {pipeline_mode = #tpu.pipeline_mode<synchronous>, transform_indices = @transform_11, window_bounds = array<i64: 1, 128>}, {pipeline_mode = #tpu.pipeline_mode<synchronous>, transform_indices = @transform_12, window_bounds = array<i64: 1, 128>}, {transform_indices = @transform_13, window_bounds = array<i64: 1000, 128>}, {transform_indices = @transform_14, window_bounds = array<i64: 1000, 3>}]} {
    %get3A = arith.constant 0 : index
    %get3A_0 = arith.constant 0 : index
    %get3A_1 = vector.load %arg3[%get3A, %get3A_0] : memref<1000x128xf32, #tpu.memory_space<vmem>>, vector<1000x128xf32>
    %get3A_2 = arith.constant 0 : index
    %get3A_3 = arith.constant 0 : index
    %get3A_4 = vector.load %arg5[%get3A_2, %get3A_3] : memref<1000x128xf32, #tpu.memory_space<vmem>>, vector<1000x128xf32>
    %add3A = arith.addf %get3A_1, %get3A_4 : vector<1000x128xf32>
    %get3A_5 = arith.constant 0 : index
    %get3A_6 = arith.constant 0 : index
    %get3A_7 = vector.load %arg4[%get3A_5, %get3A_6] : memref<1000x128xf32, #tpu.memory_space<vmem>>, vector<1000x128xf32>
    %get3A_8 = arith.constant 0 : index
    %get3A_9 = arith.constant 0 : index
    %get3A_10 = vector.load %arg6[%get3A_8, %get3A_9] : memref<1000x128xf32, #tpu.memory_space<vmem>>, vector<1000x128xf32>
    %add3A_11 = arith.addf %get3A_7, %get3A_10 : vector<1000x128xf32>
    %slice3A = vector.extract_strided_slice %add3A_11 {offsets = [0, 0], sizes = [1000, 3], strides = [1, 1]} : vector<1000x128xf32> to vector<1000x3xf32>
    %get3A_12 = arith.constant 0 : index
    %get3A_13 = arith.constant 0 : index
    %get3A_14 = vector.load %arg2[%get3A_12, %get3A_13] : memref<1000x3xf32, #tpu.memory_space<vmem>>, vector<1000x3xf32>
    %add3A_15 = arith.addf %get3A_14, %slice3A : vector<1000x3xf32>
    %swap3A = arith.constant 0 : index
    %swap3A_16 = arith.constant 0 : index
    %swap3A_17 = vector.load %arg15[%swap3A, %swap3A_16] : memref<1000x3xf32, #tpu.memory_space<vmem>>, vector<1000x3xf32>
    tpu.vector_store %arg15[%swap3A, %swap3A_16], %add3A_15 {strides = array<i32>} : memref<1000x3xf32, #tpu.memory_space<vmem>>, vector<1000x3xf32>,
    %get3A_18 = arith.constant 0 : index
    %get3A_19 = arith.constant 0 : index
    %get3A_20 = vector.load %arg1[%get3A_18, %get3A_19] : memref<1000x128xf32, #tpu.memory_space<vmem>>, vector<1000x128xf32>
    %get3A_21 = arith.constant 0 : index
    %get3A_22 = arith.constant 0 : index
    %get3A_23 = vector.load %arg7[%get3A_21, %get3A_22] : memref<128x128xf32, #tpu.memory_space<vmem>>, vector<128x128xf32>
    %dot_general3A = arith.constant dense<0.000000e+00> : vector<1000x128xf32>
    %dot_general3A_24 = tpu.matmul %get3A_20, %get3A_23, %dot_general3A {dimension_numbers = #tpu.dot_dimension_numbers<[1], [0], [0], [1], [0, 0, 1, 1], [], []>, transpose_lhs_hint = false} : vector<1000x128xf32>, vector<128x128xf32>, vector<1000x128xf32> -> vector<1000x128xf32>
    %get3A_25 = arith.constant 0 : index
    %get3A_26 = arith.constant 0 : index
    %get3A_27 = vector.load %arg8[%get3A_25, %get3A_26] : memref<128x128xf32, #tpu.memory_space<vmem>>, vector<128x128xf32>
    %dot_general3A_28 = arith.constant dense<0.000000e+00> : vector<1000x128xf32>
    %dot_general3A_29 = tpu.matmul %add3A, %get3A_27, %dot_general3A_28 {dimension_numbers = #tpu.dot_dimension_numbers<[1], [0], [0], [1], [0, 0, 1, 1], [], []>, transpose_lhs_hint = false} : vector<1000x128xf32>, vector<128x128xf32>, vector<1000x128xf32> -> vector<1000x128xf32>
    %add3A_30 = arith.addf %dot_general3A_24, %dot_general3A_29 : vector<1000x128xf32>
    %get3A_31 = arith.constant 0 : index
    %get3A_32 = arith.constant 0 : index
    %get3A_33 = vector.load %arg9[%get3A_31, %get3A_32] : memref<1x128xf32, #tpu.memory_space<vmem>>, vector<1x128xf32>
    %add3A_34 = vector.broadcast %get3A_33 : vector<1x128xf32> to vector<1000x128xf32>
    %add3A_35 = arith.addf %add3A_30, %add3A_34 : vector<1000x128xf32>
    %logistic3A = arith.negf %add3A_35 : vector<1000x128xf32>
    %logistic3A_36 = math.exp %logistic3A : vector<1000x128xf32>
    %logistic3A_37 = arith.constant 1.000000e+00 : f32
    %logistic3A_38 = vector.broadcast %logistic3A_37 : f32 to vector<1000x128xf32>
    %logistic3A_39 = arith.addf %logistic3A_38, %logistic3A_36 : vector<1000x128xf32>
    %logistic3A_40 = arith.divf %logistic3A_38, %logistic3A_39 : vector<1000x128xf32>
    %mul3A = arith.mulf %add3A_35, %logistic3A_40 : vector<1000x128xf32>
    %get3A_41 = arith.constant 0 : index
    %get3A_42 = arith.constant 0 : index
    %get3A_43 = vector.load %arg10[%get3A_41, %get3A_42] : memref<128x128xf32, #tpu.memory_space<vmem>>, vector<128x128xf32>
    %dot_general3A_44 = arith.constant dense<0.000000e+00> : vector<1000x128xf32>
    %dot_general3A_45 = tpu.matmul %mul3A, %get3A_43, %dot_general3A_44 {dimension_numbers = #tpu.dot_dimension_numbers<[1], [0], [0], [1], [0, 0, 1, 1], [], []>, transpose_lhs_hint = false} : vector<1000x128xf32>, vector<128x128xf32>, vector<1000x128xf32> -> vector<1000x128xf32>
    %add3A_46 = arith.addf %get3A_20, %dot_general3A_45 : vector<1000x128xf32>
    %get3A_47 = arith.constant 0 : index
    %get3A_48 = arith.constant 0 : index
    %get3A_49 = vector.load %arg11[%get3A_47, %get3A_48] : memref<1x128xf32, #tpu.memory_space<vmem>>, vector<1x128xf32>
    %add3A_50 = vector.broadcast %get3A_49 : vector<1x128xf32> to vector<1000x128xf32>
    %add3A_51 = arith.addf %add3A_46, %add3A_50 : vector<1000x128xf32>
    %reduce_sum3A = arith.constant dense<0.000000e+00> : vector<1000xf32>
    %reduce_sum3A_52 = vector.multi_reduction <add>, %add3A_51, %reduce_sum3A [1] : vector<1000x128xf32> to vector<1000xf32>
    %broadcast_in_dim3A = vector.shape_cast %reduce_sum3A_52 : vector<1000xf32> to vector<1000x1xf32>
    %div3A = arith.constant 1.280000e+02 : f32
    %div3A_53 = vector.broadcast %div3A : f32 to vector<1000x1xf32>
    %div3A_54 = arith.divf %broadcast_in_dim3A, %div3A_53 : vector<1000x1xf32>
    %sub3A = vector.broadcast %div3A_54 : vector<1000x1xf32> to vector<1000x128xf32>
    %sub3A_55 = arith.subf %add3A_51, %sub3A : vector<1000x128xf32>
    %mul3A_56 = arith.mulf %sub3A_55, %sub3A_55 : vector<1000x128xf32>
    %reduce_sum3A_57 = arith.constant dense<0.000000e+00> : vector<1000xf32>
    %reduce_sum3A_58 = vector.multi_reduction <add>, %mul3A_56, %reduce_sum3A_57 [1] : vector<1000x128xf32> to vector<1000xf32>
    %broadcast_in_dim3A_59 = vector.shape_cast %reduce_sum3A_58 : vector<1000xf32> to vector<1000x1xf32>
    %div3A_60 = arith.constant 1.280000e+02 : f32
    %div3A_61 = vector.broadcast %div3A_60 : f32 to vector<1000x1xf32>
    %div3A_62 = arith.divf %broadcast_in_dim3A_59, %div3A_61 : vector<1000x1xf32>
    %add3A_63 = arith.constant 9.99999974E-6 : f32
    %add3A_64 = vector.broadcast %add3A_63 : f32 to vector<1000x1xf32>
    %add3A_65 = arith.addf %div3A_62, %add3A_64 : vector<1000x1xf32>
    %rsqrt3A = math.rsqrt %add3A_65 : vector<1000x1xf32>
    %mul3A_66 = vector.broadcast %rsqrt3A : vector<1000x1xf32> to vector<1000x128xf32>
    %mul3A_67 = arith.mulf %sub3A_55, %mul3A_66 : vector<1000x128xf32>
    %get3A_68 = arith.constant 0 : index
    %get3A_69 = arith.constant 0 : index
    %get3A_70 = vector.load %arg12[%get3A_68, %get3A_69] : memref<1x128xf32, #tpu.memory_space<vmem>>, vector<1x128xf32>
    %mul3A_71 = vector.broadcast %get3A_70 : vector<1x128xf32> to vector<1000x128xf32>
    %mul3A_72 = arith.mulf %mul3A_67, %mul3A_71 : vector<1000x128xf32>
    %get3A_73 = arith.constant 0 : index
    %get3A_74 = arith.constant 0 : index
    %get3A_75 = vector.load %arg13[%get3A_73, %get3A_74] : memref<1x128xf32, #tpu.memory_space<vmem>>, vector<1x128xf32>
    %add3A_76 = vector.broadcast %get3A_75 : vector<1x128xf32> to vector<1000x128xf32>
    %add3A_77 = arith.addf %mul3A_72, %add3A_76 : vector<1000x128xf32>
    %swap3A_78 = arith.constant 0 : index
    %swap3A_79 = arith.constant 0 : index
    %swap3A_80 = vector.load %arg14[%swap3A_78, %swap3A_79] : memref<1000x128xf32, #tpu.memory_space<vmem>>, vector<1000x128xf32>
    tpu.vector_store %arg14[%swap3A_78, %swap3A_79], %add3A_77 {strides = array<i32>} : memref<1000x128xf32, #tpu.memory_space<vmem>>, vector<1000x128xf32>,
    return
  }
  func.func @transform_0(%arg0: i32) -> (i32, i32) {
    %c0_i32 = arith.constant 0 : i32
    %c0_i32_0 = arith.constant 0 : i32
    return %arg0, %c0_i32 : i32, i32
  }
  func.func @transform_1(%arg0: i32) -> (i32, i32) {
    %c0_i32 = arith.constant 0 : i32
    %c0_i32_0 = arith.constant 0 : i32
    return %arg0, %c0_i32 : i32, i32
  }
  func.func @transform_2(%arg0: i32) -> (i32, i32) {
    %c0_i32 = arith.constant 0 : i32
    %c0_i32_0 = arith.constant 0 : i32
    return %arg0, %c0_i32 : i32, i32
  }
  func.func @transform_3(%arg0: i32) -> (i32, i32) {
    %c0_i32 = arith.constant 0 : i32
    %c0_i32_0 = arith.constant 0 : i32
    return %arg0, %c0_i32 : i32, i32
  }
  func.func @transform_4(%arg0: i32) -> (i32, i32) {
    %c0_i32 = arith.constant 0 : i32
    %c0_i32_0 = arith.constant 0 : i32
    return %arg0, %c0_i32 : i32, i32
  }
  func.func @transform_5(%arg0: i32) -> (i32, i32) {
    %c0_i32 = arith.constant 0 : i32
    %c0_i32_0 = arith.constant 0 : i32
    return %arg0, %c0_i32 : i32, i32
  }
  func.func @transform_6(%arg0: i32) -> (i32, i32) {
    %c0_i32 = arith.constant 0 : i32
    %c0_i32_0 = arith.constant 0 : i32
    %c0_i32_1 = arith.constant 0 : i32
    return %c0_i32, %c0_i32_0 : i32, i32
  }
  func.func @transform_7(%arg0: i32) -> (i32, i32) {
    %c0_i32 = arith.constant 0 : i32
    %c0_i32_0 = arith.constant 0 : i32
    %c0_i32_1 = arith.constant 0 : i32
    return %c0_i32, %c0_i32_0 : i32, i32
  }
  func.func @transform_8(%arg0: i32) -> (i32, i32) {
    %c0_i32 = arith.constant 0 : i32
    %c0_i32_0 = arith.constant 0 : i32
    %c0_i32_1 = arith.constant 0 : i32
    return %c0_i32, %c0_i32_0 : i32, i32
  }
  func.func @transform_9(%arg0: i32) -> (i32, i32) {
    %c0_i32 = arith.constant 0 : i32
    %c0_i32_0 = arith.constant 0 : i32
    %c0_i32_1 = arith.constant 0 : i32
    return %c0_i32, %c0_i32_0 : i32, i32
  }
  func.func @transform_10(%arg0: i32) -> (i32, i32) {
    %c0_i32 = arith.constant 0 : i32
    %c0_i32_0 = arith.constant 0 : i32
    %c0_i32_1 = arith.constant 0 : i32
    return %c0_i32, %c0_i32_0 : i32, i32
  }
  func.func @transform_11(%arg0: i32) -> (i32, i32) {
    %c0_i32 = arith.constant 0 : i32
    %c0_i32_0 = arith.constant 0 : i32
    %c0_i32_1 = arith.constant 0 : i32
    return %c0_i32, %c0_i32_0 : i32, i32
  }
  func.func @transform_12(%arg0: i32) -> (i32, i32) {
    %c0_i32 = arith.constant 0 : i32
    %c0_i32_0 = arith.constant 0 : i32
    %c0_i32_1 = arith.constant 0 : i32
    return %c0_i32, %c0_i32_0 : i32, i32
  }
  func.func @transform_13(%arg0: i32) -> (i32, i32) {
    %c0_i32 = arith.constant 0 : i32
    %c0_i32_0 = arith.constant 0 : i32
    return %arg0, %c0_i32 : i32, i32
  }
  func.func @transform_14(%arg0: i32) -> (i32, i32) {
    %c0_i32 = arith.constant 0 : i32
    %c0_i32_0 = arith.constant 0 : i32
    return %arg0, %c0_i32 : i32, i32
  }
}

</mosaic_0001>

<sc_bundles>
// kernel: kernel.10.cloned.1.call-start
scs
__scs_entry_jumppad:
0x0: {  	(pc) =	sbr.rel $0x88, $3  }
0x1: {  	(tag) =	ssettag $0x0;
	lr =	simm.s32 $0x1  }
0x2: {  	[smem:$0x3F90] =	sst lr;
	_ =	strace $0xD0000000  }
0x3: {  	_ = 	snop  }
0x4: {  	_ = 	snop  }
0x5: {  	_ = 	snop  }
0x6: {  	_ = 	snop  }
0x7: {  	_ = 	snop  }
__scs_overlays_trampoline_lowered:
0x8: {  	[smem:$0x3F9F] =	sst s0  }
0x9: {  	[smem:$0x3FA0] =	sst s1  }
0xa: {  	[smem:$0x3FA1] =	sst s2  }
0xb: {  	[smem:$0x3FA2] =	sst s3  }
0xc: {  	[smem:$0x3FA3] =	sst s4  }
0xd: {  	[smem:$0x3FA4] =	sst s5  }
0xe: {  	[smem:$0x3FA5] =	sst s6  }
0xf: {  	[smem:$0x3FA6] =	sst s7  }
0x10: {  	[smem:$0x3FA7] =	sst s8  }
0x11: {  	[smem:$0x3FA8] =	sst s9;
	s0 =	simm.s32 @!p0 $0x0  }
0x12: {  	s1 =	sld [smem:$0x3F8E];
	s0 =	simm.s32 @p0 $0x1  }
0x13: {  	[smem:$0x3FA9] =	sst s0;
	s0 =	simm.s32 @!p1 $0x0  }
0x14: {  	s2 =	sld [smem:$0x3F8D];
	s0 =	simm.s32 @p1 $0x1  }
0x15: {  	[smem:$0x3FAA] =	sst s0;
	s0 =	simm.s32 @!p2 $0x0  }
0x16: {  	s3 =	sld [smem:$0x3FDB];
	s0 =	simm.s32 @p2 $0x1  }
0x17: {  	s4 =	simm.s32 $0x1BF5;
	[smem:$0x3FAC] =	sst s0  }
0x18: {  	s0 =	sld [smem:$0x3F8F];
	_ =	swait.ge [sflag:s4], $0x0  }
0x19: {  	s7 =	sld [smem:$0x3F90]  }
0x1a: {  	s8 =	sadd.s32 $0xFFFFE003, lr  }
0x1b: {  	s9 =	sadd.s32 $0xFFFFFEF7, lr;
	s5 =	simm.s32 $0xFFFFFFFF;
	p2 =	slt.u32 s8, $0xFFFFF086  }
0x1c: {  	p1 =	slt.u32 s9, $0xF7A;
	s5 =	simm.s32 @!p2 $0x0  }
0x1d: {  	s5 =	simm.s32 @p1 $0x1;
	p0 =	seq.s32 s7, s2  }
0x1e: {  	s7 =	smul.u32 @!p0 $0xF7A, s2;
	p2 =	seq.s32 @!p0 s5, $0x0  }
0x1f: {  	s9 =	smul.u32 $0xF7A, s1;
	s8 =	simm.s32 @!p0 $0x1BF5;
	p2 =	por !p2, p0  }
0x20: {  	[sflag:s8] =	ssyncset.s32 @!p0 $0xFFFFF086;
	s6 =	sadd.s32 @!p0 s3, s7;
	s7 =	simm.s32 @!p0 $0x108  }
0x21: {  	s3 =	sadd.s32 s3, s9;
	s6 =	sadd.s32 @!p0 $0x88, s6;
	s7 =	simm.s32 @p2 $0x1082  }
0x22: {  	[simem:s7], [sflag:s8] =	dma.local @!p0 [hbm:s6], $0xF7A  }
0x23: {  	s9 =	sor.u32 $0xD0000000, s2;
	s6 =	simm.s32 $0x108;
	_ =	swait.ge @!p0 [sflag:s8], $0x0  }
0x24: {  	s3 =	sadd.s32 $0x88, s3;
	s6 =	simm.s32 @!p1 $0x1082;
	[sflag:s4] =	ssyncset.s32 $0xFFFFF086  }
0x25: {  	[simem:s6], [sflag:s4] =	dma.local [hbm:s3], $0xF7A  }
0x26: {  	[smem:$0x3F90] =	sst s1;
	(tag) =	ssettag s2;
	_ =	strace s9  }
0x27: {  	s1 =	sld [smem:$0x3FA0]  }
0x28: {  	s2 =	sld [smem:$0x3FA1]  }
0x29: {  	s4 =	sld [smem:$0x3FA3]  }
0x2a: {  	p0 =	seq.s32 s5, $0x0;
	s5 =	sld [smem:$0x3FA4]  }
0x2b: {  	s6 =	sld [smem:$0x3FA5]  }
0x2c: {  	s7 =	sld [smem:$0x3FA6]  }
0x2d: {  	s3 =	simm.s32 $0x108;
	s8 =	sld [smem:$0x3FA7]  }
0x2e: {  	s3 =	simm.s32 @!p0 $0x1082;
	s9 =	sld [smem:$0x3FA8]  }
0x2f: {  	lr =	sadd.s32 s0, s3;
	s0 =	sld [smem:$0x3F9F]  }
0x30: {  	s3 =	sld [smem:$0x3FA2]  }
0x31: {  	[smem:$0x3FAB] =	sst s10  }
0x32: {  	s10 =	sld [smem:$0x3FA9];
	_ =	sdelay $0x3  }
0x33: {  	p0 =	seq.s32 s10, $0x1;
	s10 =	sld [smem:$0x3FAB];
	_ =	sdelay $0x3  }
0x34: {  	[smem:$0x3FAB] =	sst s10  }
0x35: {  	s10 =	sld [smem:$0x3FAA];
	_ =	sdelay $0x3  }
0x36: {  	p1 =	seq.s32 s10, $0x1;
	s10 =	sld [smem:$0x3FAB];
	_ =	sdelay $0x3  }
0x37: {  	[smem:$0x3FAB] =	sst s10  }
0x38: {  	s10 =	sld [smem:$0x3FAC]  }
0x39: {  	_ = 	snop;
	(pc) =	sbr.ind lr, $3  }
0x3a: {  	_ = 	snop  }
0x3b: {  	_ = 	snop  }
0x3c: {  	p2 =	seq.s32 s10, $0x1;
	s10 =	sld [smem:$0x3FAB]  }
0x3d: {  	_ =	shalt  }
0x3e: {  	_ =	shalt  }
0x3f: {  	_ =	shalt  }
0x40: {  	_ =	shalt  }
0x41: {  	_ =	shalt  }
0x42: {  	_ =	shalt  }
0x43: {  	_ =	shalt  }
0x44: {  	_ =	shalt  }
0x45: {  	_ =	shalt  }
0x46: {  	_ =	shalt  }
0x47: {  	_ =	shalt  }
0x48: {  	_ =	shalt  }
0x49: {  	_ =	shalt  }
0x4a: {  	_ =	shalt  }
0x4b: {  	_ =	shalt  }
0x4c: {  	_ =	shalt  }
0x4d: {  	_ =	shalt  }
0x4e: {  	_ =	shalt  }
0x4f: {  	_ =	shalt  }
0x50: {  	_ =	shalt  }
0x51: {  	_ =	shalt  }
0x52: {  	_ =	shalt  }
0x53: {  	_ =	shalt  }
0x54: {  	_ =	shalt  }
0x55: {  	_ =	shalt  }
0x56: {  	_ =	shalt  }
0x57: {  	_ =	shalt  }
0x58: {  	_ =	shalt  }
0x59: {  	_ =	shalt  }
0x5a: {  	_ =	shalt  }
0x5b: {  	_ =	shalt  }
0x5c: {  	_ =	shalt  }
0x5d: {  	_ =	shalt  }
0x5e: {  	_ =	shalt  }
0x5f: {  	_ =	shalt  }
0x60: {  	_ =	shalt  }
0x61: {  	_ =	shalt  }
0x62: {  	_ =	shalt  }
0x63: {  	_ =	shalt  }
0x64: {  	_ =	shalt  }
0x65: {  	_ =	shalt  }
0x66: {  	_ =	shalt  }
0x67: {  	_ =	shalt  }
0x68: {  	_ =	shalt  }
0x69: {  	_ =	shalt  }
0x6a: {  	_ =	shalt  }
0x6b: {  	_ =	shalt  }
0x6c: {  	_ =	shalt  }
0x6d: {  	_ =	shalt  }
0x6e: {  	_ =	shalt  }
0x6f: {  	_ =	shalt  }
0x70: {  	_ =	shalt  }
0x71: {  	_ =	shalt  }
0x72: {  	_ =	shalt  }
0x73: {  	_ =	shalt  }
0x74: {  	_ =	shalt  }
0x75: {  	_ =	shalt  }
0x76: {  	_ =	shalt  }
0x77: {  	_ =	shalt  }
0x78: {  	_ =	shalt  }
0x79: {  	_ =	shalt  }
0x7a: {  	_ =	shalt  }
0x7b: {  	_ =	shalt  }
0x7c: {  	_ =	shalt  }
0x7d: {  	_ =	shalt  }
0x7e: {  	_ =	shalt  }
0x7f: {  	_ =	shalt  }
0x80: {  	_ =	shalt  }
0x81: {  	_ =	shalt  }
0x82: {  	_ =	shalt  }
0x83: {  	_ =	shalt  }
0x84: {  	_ =	shalt  }
0x85: {  	_ =	shalt  }
0x86: {  	_ =	shalt  }
0x87: {  	_ =	shalt  }
.Lfunc_end0:
.L_simem_size_0:
called_computation_lowered:
.L_overlay_start_0:
0x88: {  	s2 =	sld [smem:$0x3FD9]  }
0x89: {  	s3 =	sld [smem:$0x3FFE];
	_ =	sdelay $0x1  }
0x8a: {  	s1 =	srdreg.scid  }
0x8b: {  	s0 =	sand.u32 $0x1, s1  }
0x8c: {  	s17 =	sshll.u32 s0, $0xA;
	s2 =	sadd.s32 s3, s2  }
0x8d: {  	s2 =	sadd.s32 s2, s17  }
0x8e: {  	[smem:$0x3FB7] =	sst s2  }
0x8f: {  	_ = 	snop  }
0x90: {  	(tm) =	ssettm $0x1  }
0x91: {  	s18 =	sld [smem:$0x3FFB];
	_ =	sdelay $0x3  }
0x92: {  	_ =	strace s18  }
0x93: {  	s2 =	sld [smem:$0x3FFC];
	_ =	sdelay $0x3  }
0x94: {  	_ =	strace s2  }
0x95: {  	s2 =	sld [smem:$0x3FFD];
	_ =	sdelay $0x3  }
0x96: {  	_ =	strace s2  }
0x97: {  	_ =	strace $0x8FFFFFFF  }
0x98: {  	s19 =	sld [smem:$0x3FDB];
	_ =	sdelay $0x1  }
0x99: {  	s20 =	simm.s32 $_scs_section_size  }
0x9a: {  	s4 =	simm.s32 $_size__tile_overlayer_lowered;
	s5 =	simm.s32 $_tile_overlayer_lowered  }
0x9b: {  	s6 =	simm.s32 $0x1BFF;
	s21 =	sshll.u32 s5, $0x1;
	s3 =	sadd.s32 s20, s19  }
0x9c: {  	s22 =	simm.s32 $0x0;
	s4 =	sshll.u32 s4, $0x1;
	s5 =	sadd.s32 s21, s3  }
0x9d: {  	[timem:s22], [sflag:s6] =	dma.local [hbm:s5], s4  }
0x9e: {  	_ =	swait.ge [sflag:s6], s4  }
0x9f: {  	s4 =	ssub.s32 $0x0, s4;
	[sflag:s6] =	ssyncset.done $0x0  }
0xa0: {  	[sflag:s6] =	ssyncadd.s32 s4;
	_ =	sdelay $0x1  }
0xa1: {  	s23 =	simm.s32 $0x1B8B  }
0xa2: {  	_ =	swait.ge [sflag:s23], $0x1  }
0xa3: {  	[sflag:s23] =	ssyncset.done $0x0  }
0xa4: {  	[sflag:s23] =	ssyncadd.s32 $0xFFFFFFFF  }
0xa5: {  	s4 =	sld [smem:$0x0]  }
0xa6: {  	s5 =	sand.u32 $0xFFFFFFFE, s1  }
0xa7: {  	p0 =	sne.s32 s1, s5  }
0xa8: {  	s5 =	sshll.u32 @p0 s5, $0xE  }
0xa9: {  	s5 =	sadd.s32 @p0 $0x11B8D, s5;
	s6 =	sshll.u32 @p0 s4, $0x11  }
0xaa: {  	s5 =	sor.u32 @p0 s6, s5  }
0xab: {  	[sflag:s5] =	ssyncadd.remote.s32 @p0 $0x1;
	_ =	sdelay $0x1  }
0xac: {  	s5 =	simm.s32 @p0 $0x1B8D  }
0xad: {  	_ =	swait.eq @p0 [sflag:s5], $0x1  }
0xae: {  	[sflag:s5] =	ssyncadd.s32 @p0 $0xFFFFFFFF  }
0xaf: {  	s6 =	sshll.u32 @!p0 s1, $0xE  }
0xb0: {  	s6 =	sor.u32 @!p0 $0x4000, s6;
	s5 =	simm.s32 @!p0 $0x1B8D  }
0xb1: {  	s4 =	sshll.u32 @!p0 s4, $0x11;
	s6 =	sadd.s32 @!p0 $0x11B8D, s6;
	_ =	swait.eq @!p0 [sflag:s5], $0x1  }
0xb2: {  	s4 =	sor.u32 @!p0 s4, s6;
	[sflag:s5] =	ssyncadd.s32 @!p0 $0xFFFFFFFF  }
0xb3: {  	s25 =	simm.s32 $0x1B8E;
	s24 =	sld [smem:$0x3FFE];
	[sflag:s4] =	ssyncadd.remote.s32 @!p0 $0x1  }
0xb4: {  	s26 =	simm.s32 $execute0_lowered;
	[smem:$0x3FD2] =	sst s25  }
0xb5: {  	s5 =	sshll.u32 s26, $0x1;
	_ =	strace $0x80000049;
	[dreg:$0x1] =	wrdreg $0xFFFFFFFF  }
0xb6: {  	s28 =	simm.s32 $_size_execute0_lowered;
	s3 =	sadd.s32 s3, s5;
	[dreg:$0x0] =	wrdreg $0x0  }
0xb7: {  	s5 =	sshll.u32 s28, $0x1;
	[dreg:$0x2] =	wrdreg s3  }
0xb8: {  	[dreg:$0x3] =	wrdreg s5  }
0xb9: {  	[dreg:$0x4] =	wrdreg $0xC0  }
0xba: {  	_ =	task [dreg:s22], $0x5FFFF  }
0xbb: {  	[dreg:$0x1] =	wrdreg $0xFFFFFFFF  }
0xbc: {  	[dreg:$0x0] =	wrdreg $0x60  }
0xbd: {  	[dreg:$0x2] =	wrdreg s24  }
0xbe: {  	[dreg:$0x3] =	wrdreg $0x9  }
0xbf: {  	_ =	task.clear_ibuf [dreg:s22], $0x4FFFF;
	_ =	strace $0x90000049  }
0xc0: {  	s29 =	simm.s32 $0x9;
	_ =	strace $0x8000004B  }
0xc1: {  	_ =	swait.ge [sflag:s29], $0x1  }
0xc2: {  	[sflag:s29] =	ssyncadd.s32 $0xFFFFFFFF  }
0xc3: {  	_ =	strace $0x9000004B  }
0xc4: {  	_ =	sfence  }
0xc5: {  	s30 =	sld [smem:$0x0];
	_ =	sdelay $0x2  }
0xc6: {  	s31 =	sshll.u32 s1, $0xD;
	s1 =	sshrl.u32 s1, $0x2  }
0xc7: {  	s4 =	sand.u32 $0x4000, s31;
	s1 =	sadd.s32 s1, s30  }
0xc8: {  	s0 =	sor.u32 s4, s0;
	s1 =	sshll.u32 s1, $0x11  }
0xc9: {  	s0 =	sor.u32 s1, s0  }
0xca: {  	s0 =	sadd.s32 $0x8F2B, s0  }
0xcb: {  	[sflag:s0] =	ssyncadd.remote.s32 $0x1  }
0xcc: {  	_ =	sfence.sel $0xFFFF  }
0xcd: {  	[dreg:$0x0] =	wrdreg $0xFFFFFFFF;
	(pc) =	sbr.abs _section_cstart, $3  }
0xce: {  	[dreg:$0x1] =	wrdreg $0xFFFFFFFF  }
0xcf: {  	_ =	task.clear_ibuf [dreg:s22], $0x2FFFF;
	_ =	strace $0x9FFFFFFF  }
0xd0: {  	(tm) =	ssettm $0x7FFFFFFF  }
0xd1: {  	_ =	shalt  }
tec
execute0_lowered:
.L_overlay_start_1:
0x0: {  	(tag) =	ssettag $0x1  }
0x1: {  	s0 =	srdreg.scid  }
0x2: {  	s2 =	stileid.u32;
	s1 =	rddreg [dreg:$0x0]  }
0x3: {  	s12 =	simm.s32 $0x2800;
	s16 =	simm.s32 $0x4800;
	s17 =	simm.s32 $0x5000  }
0x4: {  	s18 =	simm.s32 $0x5800;
	s19 =	simm.s32 $0x6000;
	s20 =	simm.s32 $0x6800  }
0x5: {  	s21 =	simm.s32 $0x7000;
	s22 =	simm.s32 $0x7800;
	s11 =	simm.s32 $0x2  }
0x6: {  	s8 =	simm.s32 $0x4;
	s0 =	sand.u32 $0x1, s0;
	s3 =	sshll.u32 s2, $0x1  }
0x7: {  	s9 =	simm.s32 $0x5;
	s13 =	simm.s32 $0x0;
	s3 =	sor.u32 s0, s3  }
0x8: {  	s2 =	simm.s32 $0x0;
	s0 =	ssub.s32 $0x2, s0;
	s3 =	smul.u32 $0x1388, s3  }
0x9: {  	s4 =	sadd.s32 $0x5EC00, s1;
	s5 =	sadd.s32 $0x10A00, s1;
	s29 =	sshrl.u32 s0, $0x1  }
.Ltmp0:
0xa: {  	s0 =	ssub.s32 s0, s29;
	s6 =	sshrl.u32 s3, $0x3;
	(pc) =	sbr.rel .LBB2_1-.Ltmp0, $4  }
0xb: {  	[smem:$0x7FF] =	sst s2;
	s0 =	smax.u32 s0, $0x1;
	s7 =	sadd.s32 s6, s1  }
0xc: {  	v2 =	vlaneseq.u32;
	_ =	strace $0x8000004A;
	[dreg:$0x4] =	wrdreg s0;
	s30 =	sadd.s32 $0x593E00, s7  }
0xd: {  	vm0 =	vmmov $0xffff;
	v1 =	vshrl.u32 v2, $0x3;
	s6 =	sadd.s32 $0x598E00, s1;
	s31 =	sadd.s32 $0x58EE00, s7;
	[dreg:$0x2] =	wrdreg s30  }
0xe: {  	v0 =	vand.u32 $0x7, v2;
	v2 =	vor.u32 $0x8, v2;
	v1 =	vmul.u32 $0x8, v1;
	s0 =	simm.s32 $0x1;
	s7 =	simm.s32 $0x3;
	[dreg:$0x3] =	wrdreg s31  }
.LBB2_13:
0xf: {  	_ =	swait.ge [sflag:s9], $0x2800  }
0x10: {  	[sflag:s9] =	ssyncset.done $0x0  }
0x11: {  	s10 =	simm.s32 $0x6;
	[sflag:s9] =	ssyncadd.s32 $0xFFFFD800  }
0x12: {  	_ =	swait.ge [sflag:s10], $0x2800  }
0x13: {  	s13 =	rddreg [dreg:$0x5]  }
0x14: {  	s1 =	rddreg [dreg:$0x4];
	s13 =	sadd.s32 $0x1, s13  }
0x15: {  	p0 =	sne.s32 s13, s1  }
.Ltmp1:
0x16: {  	_ = 	snop;
	(pc) =	sbr.rel @!p0 .LBB2_14-.Ltmp1, $3  }
0x17: {  	_ =	sdelay $0x1  }
0x18: {  	[sflag:s10] =	ssyncset.done $0x0  }
0x19: {  	[sflag:s10] =	ssyncadd.s32 $0xFFFFD800  }
.LBB2_1:
0x1a: {  	[dreg:$0x5] =	wrdreg s13  }
0x1b: {  	s1 =	rddreg [dreg:$0x2];
	s10 =	simm.s32 $0x7  }
0x1c: {  	[tilespmem:s2], [sflag:$0x7] =	stream.linear.gather [hbm4b:s1+s2], $0x1388, $0x38;
	[tilespmem:$0xC800] =	vst v63  }
0x1d: {  	_ =	swait.ge [sflag:s10], $0x1388  }
0x1e: {  	[sflag:s10] =	ssyncset.done $0x0  }
0x1f: {  	s28 =	simm.s32 $0x1400;
	s26 =	rddreg [dreg:$0x3];
	[sflag:s10] =	ssyncadd.s32 $0xFFFFEC78  }
0x20: {  	[tilespmem:s28], [sflag:$0x7] =	stream.linear.gather [hbm4b:s26+s2], $0x1388, $0x38;
	[tilespmem:$0xC800] =	vst v63  }
0x21: {  	_ =	swait.ge [sflag:s10], $0x1388  }
0x22: {  	[sflag:s10] =	ssyncset.done $0x0  }
0x23: {  	[sflag:s10] =	ssyncadd.s32 $0xFFFFEC78  }
0x24: {  	v3 =	vld [tilespmem:$0x0];
	_ =	sdelay $0x4  }
0x25: {  	v4 =	vshll.u32 v3, $0x1  }
0x26: {  	v3 =	vand.u32 $0x7, v3;
	v4 =	vand.u32 $0xFFFFFFF0, v4  }
0x27: {  	v3 =	vor.u32 v3, v4  }
0x28: {  	v4 =	vperm.xlane v3, v0;
	_ =	sdelay $0x1  }
0x29: {  	v3 =	vperm.xlane v3, v2;
	v4 =	vadd.s32 v1, v4;
	_ =	sdelay $0x1  }
0x2a: {  	v3 =	vadd.s32 v1, v3;
	_ =	sdelay $0x2  }
0x2b: {  	[tilespmem:s12], [sflag:$0x1] =	stream.indirect_vreg.gather [hbm4b:s4+s2], $0x80, v4, vm0, $0xb8;
	[tilespmem:$0xC800] =	vst v63  }
0x2c: {  	s29 =	simm.s32 $0x3000  }
0x2d: {  	[tilespmem:s29], [sflag:$0x1] =	stream.indirect_vreg.gather [hbm4b:s4+s2], $0x80, v3, vm0, $0xb8;
	[tilespmem:$0xC800] =	vst v63  }
0x2e: {  	v3 =	vld [tilespmem:$0x10];
	_ =	sdelay $0x4  }
0x2f: {  	v59 =	vshll.u32 v3, $0x1  }
0x30: {  	v3 =	vand.u32 $0x7, v3;
	v4 =	vand.u32 $0xFFFFFFF0, v59  }
0x31: {  	v3 =	vor.u32 v3, v4  }
0x32: {  	v4 =	vperm.xlane v3, v0;
	_ =	sdelay $0x1  }
0x33: {  	v3 =	vperm.xlane v3, v2;
	v4 =	vadd.s32 v1, v4;
	_ =	sdelay $0x1  }
0x34: {  	v3 =	vadd.s32 v1, v3;
	_ =	sdelay $0x1  }
0x35: {  	s30 =	simm.s32 $0x3800  }
0x36: {  	[tilespmem:s30], [sflag:$0x1] =	stream.indirect_vreg.gather [hbm4b:s4+s2], $0x80, v4, vm0, $0xb8;
	[tilespmem:$0xC800] =	vst v63  }
0x37: {  	s31 =	simm.s32 $0x4000  }
0x38: {  	[tilespmem:s31], [sflag:$0x1] =	stream.indirect_vreg.gather [hbm4b:s4+s2], $0x80, v3, vm0, $0xb8;
	[tilespmem:$0xC800] =	vst v63  }
0x39: {  	v3 =	vld.msk [tilespmem:$0x20], $0xff;
	_ =	sdelay $0x4  }
0x3a: {  	v60 =	vshll.u32 v3, $0x1  }
0x3b: {  	v3 =	vand.u32 $0x7, v3;
	v4 =	vand.u32 $0xFFFFFFF0, v60  }
0x3c: {  	v3 =	vor.u32 v3, v4  }
0x3d: {  	v3 =	vperm.xlane v3, v0;
	_ =	sdelay $0x1  }
0x3e: {  	v3 =	vadd.s32 v1, v3;
	_ =	sdelay $0x4  }
0x3f: {  	[tilespmem:s16], [sflag:$0x1] =	stream.indirect_vreg.gather [hbm4b:s4+s2], $0x80, v3, vm0, $0xb8;
	[tilespmem:$0xC800] =	vst v63  }
0x40: {  	v3 =	vld [tilespmem:$0x1400];
	_ =	sdelay $0x4  }
0x41: {  	v61 =	vshll.u32 v3, $0x1  }
0x42: {  	v3 =	vand.u32 $0x7, v3;
	v4 =	vand.u32 $0xFFFFFFF0, v61  }
0x43: {  	v3 =	vor.u32 v3, v4  }
0x44: {  	v4 =	vperm.xlane v3, v0;
	_ =	sdelay $0x1  }
0x45: {  	v3 =	vperm.xlane v3, v2;
	v4 =	vadd.s32 v1, v4;
	_ =	sdelay $0x1  }
0x46: {  	v3 =	vadd.s32 v1, v3;
	_ =	sdelay $0x2  }
0x47: {  	[tilespmem:s17], [sflag:$0x2] =	stream.indirect_vreg.gather [hbm4b:s5+s2], $0x80, v4, vm0, $0xb8;
	[tilespmem:$0xC800] =	vst v63  }
0x48: {  	_ = 	snop  }
0x49: {  	[tilespmem:s18], [sflag:$0x2] =	stream.indirect_vreg.gather [hbm4b:s5+s2], $0x80, v3, vm0, $0xb8;
	[tilespmem:$0xC800] =	vst v63  }
0x4a: {  	v3 =	vld [tilespmem:$0x1410];
	_ =	sdelay $0x4  }
0x4b: {  	v62 =	vshll.u32 v3, $0x1  }
0x4c: {  	v3 =	vand.u32 $0x7, v3;
	v4 =	vand.u32 $0xFFFFFFF0, v62  }
0x4d: {  	v3 =	vor.u32 v3, v4  }
0x4e: {  	v4 =	vperm.xlane v3, v0;
	_ =	sdelay $0x1  }
0x4f: {  	v3 =	vperm.xlane v3, v2;
	v4 =	vadd.s32 v1, v4;
	_ =	sdelay $0x1  }
0x50: {  	v3 =	vadd.s32 v1, v3;
	_ =	sdelay $0x2  }
0x51: {  	[tilespmem:s19], [sflag:$0x2] =	stream.indirect_vreg.gather [hbm4b:s5+s2], $0x80, v4, vm0, $0xb8;
	[tilespmem:$0xC800] =	vst v63  }
0x52: {  	_ = 	snop  }
0x53: {  	[tilespmem:s20], [sflag:$0x2] =	stream.indirect_vreg.gather [hbm4b:s5+s2], $0x80, v3, vm0, $0xb8;
	[tilespmem:$0xC800] =	vst v63  }
0x54: {  	v3 =	vld.msk [tilespmem:$0x1420], $0xff;
	_ =	sdelay $0x4  }
0x55: {  	v63 =	vshll.u32 v3, $0x1  }
0x56: {  	v3 =	vand.u32 $0x7, v3;
	v4 =	vand.u32 $0xFFFFFFF0, v63  }
0x57: {  	v3 =	vor.u32 v3, v4  }
0x58: {  	v3 =	vperm.xlane v3, v0;
	_ =	sdelay $0x1  }
0x59: {  	v3 =	vadd.s32 v1, v3  }
.Ltmp2:
0x5a: {  	_ = 	snop;
	(pc) =	sbr.rel .LBB2_2-.Ltmp2, $3  }
0x5b: {  	_ =	sdelay $0x1  }
0x5c: {  	s10 =	simm.s32 $0x0  }
0x5d: {  	[tilespmem:s21], [sflag:$0x2] =	stream.indirect_vreg.gather [hbm4b:s5+s2], $0x80, v3, vm0, $0xb8;
	[tilespmem:$0xC800] =	vst v63  }
.LBB2_12:
0x5e: {  	s10 =	sadd.s32 $0x1, s10  }
0x5f: {  	p0 =	sne.s32 s10, $0x3F  }
.Ltmp3:
0x60: {  	_ = 	snop;
	(pc) =	sbr.rel @!p0 .LBB2_13-.Ltmp3, $1  }
0x61: {  	_ =	sdelay $0x3  }
.LBB2_2:
0x62: {  	s23 =	sshllo.u32 s10, $0x1  }
0x63: {  	p0 =	sgt.u32 s23, $0x7C  }
.Ltmp4:
0x64: {  	_ = 	snop;
	(pc) =	sbr.rel @p0 .LBB2_4-.Ltmp4, $1  }
0x65: {  	_ =	sdelay $0x3  }
0x66: {  	p1 =	seq.s32 s10, $0x0  }
0x67: {  	s1 =	simm.s32 @!p1 $0x6  }
0x68: {  	_ =	swait.ge @!p1 [sflag:s1], $0x2800  }
0x69: {  	s24 =	smul.u32 $0x28, s23;
	[sflag:s1] =	ssyncset.done @!p1 $0x0  }
0x6a: {  	[sflag:s1] =	ssyncadd.s32 @!p1 $0xFFFFD800  }
0x6b: {  	v3 =	vld [tilespmem:s24+$0x0];
	_ =	sdelay $0x4  }
0x6c: {  	v4 =	vshll.u32 v3, $0x1  }
0x6d: {  	v3 =	vand.u32 $0x7, v3;
	v4 =	vand.u32 $0xFFFFFFF0, v4  }
0x6e: {  	v3 =	vor.u32 v3, v4  }
0x6f: {  	v4 =	vperm.xlane v3, v0;
	_ =	sdelay $0x1  }
0x70: {  	v3 =	vperm.xlane v3, v2;
	v4 =	vadd.s32 v1, v4;
	_ =	sdelay $0x1  }
0x71: {  	v3 =	vadd.s32 v1, v3;
	_ =	sdelay $0x2  }
0x72: {  	[tilespmem:s22], [sflag:$0x3] =	stream.indirect_vreg.gather [hbm4b:s4+s2], $0x80, v4, vm0, $0xb8;
	[tilespmem:$0xC800] =	vst v63  }
0x73: {  	s13 =	simm.s32 $0x8000  }
0x74: {  	[tilespmem:s13], [sflag:$0x3] =	stream.indirect_vreg.gather [hbm4b:s4+s2], $0x80, v3, vm0, $0xb8;
	[tilespmem:$0xC800] =	vst v63  }
0x75: {  	v3 =	vld [tilespmem:s24+$0x10];
	_ =	sdelay $0x4  }
0x76: {  	v59 =	vshll.u32 v3, $0x1  }
0x77: {  	v3 =	vand.u32 $0x7, v3;
	v4 =	vand.u32 $0xFFFFFFF0, v59  }
0x78: {  	v3 =	vor.u32 v3, v4  }
0x79: {  	v4 =	vperm.xlane v3, v0;
	_ =	sdelay $0x1  }
0x7a: {  	v3 =	vperm.xlane v3, v2;
	v4 =	vadd.s32 v1, v4;
	_ =	sdelay $0x1  }
0x7b: {  	v3 =	vadd.s32 v1, v3;
	_ =	sdelay $0x1  }
0x7c: {  	s14 =	simm.s32 $0x8800  }
0x7d: {  	[tilespmem:s14], [sflag:$0x3] =	stream.indirect_vreg.gather [hbm4b:s4+s2], $0x80, v4, vm0, $0xb8;
	[tilespmem:$0xC800] =	vst v63  }
0x7e: {  	s15 =	simm.s32 $0x9000  }
0x7f: {  	[tilespmem:s15], [sflag:$0x3] =	stream.indirect_vreg.gather [hbm4b:s4+s2], $0x80, v3, vm0, $0xb8;
	[tilespmem:$0xC800] =	vst v63  }
0x80: {  	v3 =	vld.msk [tilespmem:s24+$0x20], $0xff;
	_ =	sdelay $0x4  }
0x81: {  	v60 =	vshll.u32 v3, $0x1  }
0x82: {  	v3 =	vand.u32 $0x7, v3;
	v4 =	vand.u32 $0xFFFFFFF0, v60  }
0x83: {  	v3 =	vor.u32 v3, v4  }
0x84: {  	v3 =	vperm.xlane v3, v0;
	_ =	sdelay $0x1  }
0x85: {  	v3 =	vadd.s32 v1, v3;
	_ =	sdelay $0x3  }
0x86: {  	s25 =	simm.s32 $0x9800  }
0x87: {  	[tilespmem:s25], [sflag:$0x3] =	stream.indirect_vreg.gather [hbm4b:s4+s2], $0x80, v3, vm0, $0xb8;
	[tilespmem:$0xC800] =	vst v63  }
0x88: {  	v3 =	vld [tilespmem:s24+$0x1400];
	_ =	sdelay $0x4  }
0x89: {  	v61 =	vshll.u32 v3, $0x1  }
0x8a: {  	v3 =	vand.u32 $0x7, v3;
	v4 =	vand.u32 $0xFFFFFFF0, v61  }
0x8b: {  	v3 =	vor.u32 v3, v4  }
0x8c: {  	v4 =	vperm.xlane v3, v0;
	_ =	sdelay $0x1  }
0x8d: {  	v3 =	vperm.xlane v3, v2;
	v4 =	vadd.s32 v1, v4;
	_ =	sdelay $0x1  }
0x8e: {  	v3 =	vadd.s32 v1, v3;
	_ =	sdelay $0x1  }
0x8f: {  	s26 =	simm.s32 $0xA000  }
0x90: {  	[tilespmem:s26], [sflag:$0x4] =	stream.indirect_vreg.gather [hbm4b:s5+s2], $0x80, v4, vm0, $0xb8;
	[tilespmem:$0xC800] =	vst v63  }
0x91: {  	s28 =	simm.s32 $0xA800  }
0x92: {  	[tilespmem:s28], [sflag:$0x4] =	stream.indirect_vreg.gather [hbm4b:s5+s2], $0x80, v3, vm0, $0xb8;
	[tilespmem:$0xC800] =	vst v63  }
0x93: {  	v3 =	vld [tilespmem:s24+$0x1410];
	_ =	sdelay $0x4  }
0x94: {  	v62 =	vshll.u32 v3, $0x1  }
0x95: {  	v3 =	vand.u32 $0x7, v3;
	v4 =	vand.u32 $0xFFFFFFF0, v62  }
0x96: {  	v3 =	vor.u32 v3, v4  }
0x97: {  	v4 =	vperm.xlane v3, v0;
	_ =	sdelay $0x1  }
0x98: {  	v3 =	vperm.xlane v3, v2;
	v4 =	vadd.s32 v1, v4;
	_ =	sdelay $0x1  }
0x99: {  	v3 =	vadd.s32 v1, v3;
	_ =	sdelay $0x1  }
0x9a: {  	s29 =	simm.s32 $0xB000  }
0x9b: {  	[tilespmem:s29], [sflag:$0x4] =	stream.indirect_vreg.gather [hbm4b:s5+s2], $0x80, v4, vm0, $0xb8;
	[tilespmem:$0xC800] =	vst v63  }
0x9c: {  	s30 =	simm.s32 $0xB800  }
0x9d: {  	[tilespmem:s30], [sflag:$0x4] =	stream.indirect_vreg.gather [hbm4b:s5+s2], $0x80, v3, vm0, $0xb8;
	[tilespmem:$0xC800] =	vst v63  }
0x9e: {  	v3 =	vld.msk [tilespmem:s24+$0x1420], $0xff;
	_ =	sdelay $0x4  }
0x9f: {  	v63 =	vshll.u32 v3, $0x1  }
0xa0: {  	v3 =	vand.u32 $0x7, v3;
	v4 =	vand.u32 $0xFFFFFFF0, v63  }
0xa1: {  	v3 =	vor.u32 v3, v4  }
0xa2: {  	v3 =	vperm.xlane v3, v0;
	_ =	sdelay $0x1  }
0xa3: {  	v3 =	vadd.s32 v1, v3;
	_ =	sdelay $0x3  }
0xa4: {  	s31 =	simm.s32 $0xC000  }
0xa5: {  	[tilespmem:s31], [sflag:$0x4] =	stream.indirect_vreg.gather [hbm4b:s5+s2], $0x80, v3, vm0, $0xb8;
	[tilespmem:$0xC800] =	vst v63  }
.LBB2_4:
0xa6: {  	_ =	swait.ge [sflag:s0], $0x2800  }
0xa7: {  	[sflag:s0] =	ssyncset.done $0x0  }
0xa8: {  	[sflag:s0] =	ssyncadd.s32 $0xFFFFD800  }
0xa9: {  	s1 =	simm.s32 $0x0;
	_ =	swait.ge [sflag:s11], $0x2800  }
0xaa: {  	s24 =	sand.u32 $0x3800, s1;
	s1 =	sand.u32 $0x200, s1;
	[sflag:s11] =	ssyncset.done $0x0  }
0xab: {  	s26 =	sor.u32 s1, s24;
	[sflag:s11] =	ssyncadd.s32 $0xFFFFD800  }
0xac: {  	v3 =	vld [tilespmem:s26+$0x2980]  }
0xad: {  	v4 =	vld [tilespmem:s26+$0x5180]  }
0xae: {  	v5 =	vld [tilespmem:s26+$0x2990]  }
0xaf: {  	v6 =	vld [tilespmem:s26+$0x5190]  }
0xb0: {  	v7 =	vld [tilespmem:s26+$0x29A0]  }
0xb1: {  	v8 =	vld [tilespmem:s26+$0x51A0]  }
0xb2: {  	v9 =	vld [tilespmem:s26+$0x29B0]  }
0xb3: {  	v10 =	vld [tilespmem:s26+$0x51B0]  }
0xb4: {  	v11 =	vld [tilespmem:s26+$0x29C0]  }
0xb5: {  	v12 =	vld [tilespmem:s26+$0x29D0]  }
0xb6: {  	v13 =	vld [tilespmem:s26+$0x51D0]  }
0xb7: {  	v14 =	vld [tilespmem:s26+$0x29E0]  }
0xb8: {  	v15 =	vld [tilespmem:s26+$0x51E0]  }
0xb9: {  	v59 =	vld [tilespmem:s26+$0x5030]  }
0xba: {  	v60 =	vld [tilespmem:s26+$0x2840]  }
0xbb: {  	v61 =	vld [tilespmem:s26+$0x5040]  }
0xbc: {  	v62 =	vld [tilespmem:s26+$0x2850]  }
0xbd: {  	v16 =	vld [tilespmem:s26+$0x5050]  }
0xbe: {  	v17 =	vld [tilespmem:s26+$0x2860]  }
0xbf: {  	v18 =	vld [tilespmem:s26+$0x5060]  }
0xc0: {  	v19 =	vld [tilespmem:s26+$0x2870]  }
0xc1: {  	v20 =	vld [tilespmem:s26+$0x5070]  }
0xc2: {  	v21 =	vld [tilespmem:s26+$0x2880]  }
0xc3: {  	v22 =	vld [tilespmem:s26+$0x5080]  }
0xc4: {  	v23 =	vld [tilespmem:s26+$0x2890]  }
0xc5: {  	v24 =	vld [tilespmem:s26+$0x5090]  }
0xc6: {  	v25 =	vld [tilespmem:s26+$0x28A0]  }
0xc7: {  	v26 =	vld [tilespmem:s26+$0x50A0]  }
0xc8: {  	v27 =	vld [tilespmem:s26+$0x28B0]  }
0xc9: {  	v28 =	vld [tilespmem:s26+$0x50B0]  }
0xca: {  	v29 =	vld [tilespmem:s26+$0x28C0]  }
0xcb: {  	v30 =	vld [tilespmem:s26+$0x50C0]  }
0xcc: {  	v31 =	vld [tilespmem:s26+$0x28D0]  }
0xcd: {  	v32 =	vld [tilespmem:s26+$0x50D0]  }
0xce: {  	v33 =	vld [tilespmem:s26+$0x28E0]  }
0xcf: {  	v34 =	vld [tilespmem:s26+$0x50E0]  }
0xd0: {  	v35 =	vld [tilespmem:s26+$0x28F0]  }
0xd1: {  	v36 =	vld [tilespmem:s26+$0x50F0]  }
0xd2: {  	v63 =	vld [tilespmem:s26+$0x5120]  }
0xd3: {  	v37 =	vld [tilespmem:s26+$0x2930]  }
0xd4: {  	v38 =	vld [tilespmem:s26+$0x5130]  }
0xd5: {  	v39 =	vld [tilespmem:s26+$0x2940]  }
0xd6: {  	v40 =	vld [tilespmem:s26+$0x5140]  }
0xd7: {  	v41 =	vld [tilespmem:s26+$0x2950]  }
0xd8: {  	s30 =	simm.s32 $0x200;
	s31 =	simm.s32 $0x400;
	v42 =	vld [tilespmem:s26+$0x5150]  }
0xd9: {  	s14 =	sand.u32 $0x3800, s31;
	s30 =	sand.u32 $0x200, s30;
	v43 =	vld [tilespmem:s26+$0x2960]  }
0xda: {  	s24 =	sor.u32 s30, s14;
	v44 =	vld [tilespmem:s26+$0x5160]  }
0xdb: {  	v45 =	vld [tilespmem:s24+$0x5180]  }
0xdc: {  	v46 =	vld [tilespmem:s24+$0x2990]  }
0xdd: {  	v47 =	vld [tilespmem:s24+$0x5190]  }
0xde: {  	v48 =	vld [tilespmem:s24+$0x29A0]  }
0xdf: {  	v49 =	vld [tilespmem:s24+$0x51A0]  }
0xe0: {  	v50 =	vld [tilespmem:s24+$0x29B0]  }
0xe1: {  	v51 =	vld [tilespmem:s24+$0x51B0]  }
0xe2: {  	v52 =	vld [tilespmem:s24+$0x29E0]  }
0xe3: {  	v53 =	vld [tilespmem:s24+$0x51E0]  }
0xe4: {  	v54 =	vld [tilespmem:s24+$0x29F0]  }
0xe5: {  	v55 =	vld [tilespmem:s24+$0x2800]  }
0xe6: {  	v57 =	vld [tilespmem:s24+$0x51C0]  }
0xe7: {  	v3 =	vadd.f32 v4, v3;
	v4 =	vld [tilespmem:s26+$0x29F0]  }
0xe8: {  	v5 =	vadd.f32 v6, v5;
	v6 =	vld [tilespmem:s26+$0x51F0]  }
0xe9: {  	v56 =	vadd.f32 v47, v46;
	v46 =	vld [tilespmem:s24+$0x2870]  }
0xea: {  	v58 =	vadd.f32 v51, v50;
	v50 =	vld [tilespmem:s24+$0x5070]  }
0xeb: {  	v51 =	vld [tilespmem:s24+$0x28E0]  }
0xec: {  	[tilespmem:s26+$0x2980] =	vst v3;
	v3 =	vadd.f32 v8, v7;
	v7 =	vld [tilespmem:s26+$0x51C0]  }
0xed: {  	v8 =	vld [tilespmem:s26+$0x2800]  }
0xee: {  	[tilespmem:s26+$0x2990] =	vst v5;
	v5 =	vadd.f32 v10, v9;
	v9 =	vld [tilespmem:s26+$0x5000]  }
0xef: {  	v10 =	vld [tilespmem:s26+$0x2810]  }
0xf0: {  	[tilespmem:s24+$0x2990] =	vst v56;
	v56 =	vld [tilespmem:s24+$0x2930]  }
0xf1: {  	[tilespmem:s26+$0x29A0] =	vst v3;
	v3 =	vadd.f32 v13, v12;
	v12 =	vadd.f32 v53, v52;
	v52 =	vld [tilespmem:s24+$0x2900]  }
0xf2: {  	[tilespmem:s26+$0x29B0] =	vst v5;
	v53 =	vld [tilespmem:s24+$0x5100]  }
0xf3: {  	p1 =	por $0x0, $0x0;
	s1 =	simm.s32 $0x1;
	v5 =	vadd.f32 v15, v14;
	[tilespmem:s26+$0x29D0] =	vst v3;
	v3 =	vadd.f32 v6, v4;
	v6 =	vld [tilespmem:s26+$0x5010]  }
0xf4: {  	s1 =	simm.s32 @!p1 $0x0;
	v4 =	vadd.f32 v7, v11;
	v7 =	vld [tilespmem:s26+$0x2820]  }
0xf5: {  	s1 =	sshll.u32 s1, $0x9;
	[tilespmem:s26+$0x29E0] =	vst v5;
	v11 =	vld [tilespmem:s26+$0x2830]  }
0xf6: {  	s25 =	sadd.s32 $0x0, s1;
	v8 =	vadd.f32 v9, v8;
	v9 =	vld [tilespmem:s26+$0x2900];
	[tilespmem:s26+$0x29F0] =	vst v3  }
0xf7: {  	s1 =	sadd.s32 $0x180, s25;
	v3 =	vld [tilespmem:s26+$0x5020];
	[tilespmem:s26+$0x29C0] =	vst v4  }
0xf8: {  	s1 =	sor.u32 $0x400, s1;
	[tilespmem:s26+$0x2800] =	vst v8;
	v8 =	vld [tilespmem:s26+$0x5110]  }
0xf9: {  	v4 =	vld [tilespmem:s1+$0x2800]  }
0xfa: {  	v5 =	vld [tilespmem:s1+$0x5000]  }
0xfb: {  	v6 =	vadd.f32 v6, v10;
	v10 =	vld [tilespmem:s26+$0x5100]  }
0xfc: {  	v3 =	vadd.f32 v3, v7;
	v7 =	vld [tilespmem:s26+$0x2910]  }
0xfd: {  	[tilespmem:s26+$0x2810] =	vst v6;
	v6 =	vadd.f32 v59, v11;
	v11 =	vld [tilespmem:s26+$0x2920]  }
0xfe: {  	v59 =	vld [tilespmem:s24+$0x2810]  }
0xff: {  	[tilespmem:s26+$0x2820] =	vst v3;
	v3 =	vadd.f32 v61, v60;
	v61 =	vld [tilespmem:s24+$0x5020]  }
0x100: {  	v4 =	vsub.f32 v4, v5;
	v5 =	vld [tilespmem:s24+$0x2910]  }
0x101: {  	[tilespmem:s26+$0x2830] =	vst v6;
	v9 =	vadd.f32 v10, v9;
	v10 =	vld [tilespmem:s24+$0x29C0]  }
0x102: {  	v6 =	vadd.f32 v16, v62;
	[tilespmem:s26+$0x2840] =	vst v3;
	v7 =	vadd.f32 v8, v7;
	v8 =	vld [tilespmem:s24+$0x29D0]  }
0x103: {  	v3 =	vadd.f32 v18, v17;
	[tilespmem:s26+$0x2900] =	vst v9;
	v9 =	vadd.f32 v63, v11;
	v11 =	vld [tilespmem:s24+$0x51D0]  }
0x104: {  	[tilespmem:s26+$0x2850] =	vst v6;
	v6 =	vadd.f32 v20, v19;
	v63 =	vld [tilespmem:s24+$0x5040]  }
0x105: {  	[tilespmem:s26+$0x2860] =	vst v3;
	v3 =	vadd.f32 v22, v21;
	v21 =	vld [tilespmem:s26+$0x2970]  }
0x106: {  	s28 =	sor.u32 $0x400, s25;
	[tilespmem:s26+$0x2870] =	vst v6;
	v22 =	vld [tilespmem:s26+$0x5170]  }
0x107: {  	v6 =	vadd.f32 v24, v23;
	v23 =	vld [tilespmem:s28+$0x2800]  }
0x108: {  	[tilespmem:s26+$0x2910] =	vst v7;
	v7 =	vadd.f32 v38, v37;
	v37 =	vld [tilespmem:s24+$0x5080]  }
0x109: {  	[tilespmem:s26+$0x2920] =	vst v9;
	v38 =	vld [tilespmem:s24+$0x2890]  }
0x10a: {  	v9 =	vadd.f32 v40, v39;
	v39 =	vld [tilespmem:s24+$0x5090];
	[tilespmem:s26+$0x2880] =	vst v3  }
0x10b: {  	v40 =	vld [tilespmem:s24+$0x28A0];
	[tilespmem:s26+$0x2890] =	vst v6  }
0x10c: {  	v3 =	vadd.f32 v26, v25;
	v10 =	vadd.f32 v57, v10;
	v57 =	vld [tilespmem:s24+$0x5130];
	[tilespmem:s26+$0x2930] =	vst v7  }
0x10d: {  	v6 =	vadd.f32 v28, v27;
	[tilespmem:s26+$0x2940] =	vst v9;
	v9 =	vld [tilespmem:s24+$0x51F0]  }
0x10e: {  	v7 =	vadd.f32 v42, v41;
	v41 =	vld [tilespmem:s24+$0x50A0];
	[tilespmem:s26+$0x28A0] =	vst v3  }
0x10f: {  	v42 =	vld [tilespmem:s24+$0x28B0];
	[tilespmem:s26+$0x28B0] =	vst v6  }
0x110: {  	v3 =	vadd.f32 v30, v29;
	[tilespmem:s24+$0x29C0] =	vst v10;
	v10 =	vld [tilespmem:s24+$0x5030]  }
0x111: {  	v6 =	vadd.f32 v32, v31;
	[tilespmem:s26+$0x2950] =	vst v7;
	v7 =	vadd.f32 v44, v43;
	v43 =	vld [tilespmem:s24+$0x50B0]  }
0x112: {  	[tilespmem:s26+$0x28C0] =	vst v3;
	v3 =	vadd.f32 v34, v33;
	v34 =	vld [tilespmem:s24+$0x5050]  }
0x113: {  	[tilespmem:s26+$0x28D0] =	vst v6;
	v6 =	vadd.f32 v36, v35;
	v35 =	vld [tilespmem:s24+$0x2860]  }
0x114: {  	v36 =	vld [tilespmem:s24+$0x2880]  }
0x115: {  	[tilespmem:s26+$0x2960] =	vst v7;
	v7 =	vadd.f32 v49, v48;
	v48 =	vld [tilespmem:s24+$0x28D0]  }
0x116: {  	[tilespmem:s24+$0x29B0] =	vst v58;
	v49 =	vld [tilespmem:s24+$0x50D0]  }
0x117: {  	[tilespmem:s26+$0x28F0] =	vst v6;
	v6 =	vld [tilespmem:s28+$0x5000]  }
0x118: {  	s13 =	sadd.s32 $0x80, s25;
	[tilespmem:s26+$0x28E0] =	vst v3;
	v3 =	vld [tilespmem:s24+$0x2980]  }
0x119: {  	s29 =	sor.u32 $0x400, s13;
	[tilespmem:s24+$0x29E0] =	vst v12;
	v9 =	vadd.f32 v9, v54;
	v54 =	vld [tilespmem:s24+$0x5110]  }
0x11a: {  	[tilespmem:s1+$0x2800] =	vst v4;
	v44 =	vadd.f32 v39, v38;
	v24 =	vld [tilespmem:s29+$0x2800]  }
0x11b: {  	[tilespmem:s24+$0x29A0] =	vst v7;
	v7 =	vadd.f32 v11, v8;
	v8 =	vld [tilespmem:s24+$0x5010]  }
0x11c: {  	[tilespmem:s24+$0x2890] =	vst v44;
	v11 =	vld [tilespmem:s29+$0x5000]  }
0x11d: {  	v47 =	vadd.f32 v41, v40;
	[tilespmem:s24+$0x29F0] =	vst v9;
	v9 =	vld [tilespmem:s24+$0x2830]  }
0x11e: {  	s30 =	simm.s32 $0x1;
	p1 =	por !p1, !p1;
	v58 =	vadd.f32 v43, v42;
	[tilespmem:s24+$0x29D0] =	vst v7;
	v7 =	vld [tilespmem:s24+$0x2820]  }
0x11f: {  	s30 =	simm.s32 @!p1 $0x0;
	[tilespmem:s24+$0x28A0] =	vst v47;
	v17 =	vadd.f32 v37, v36;
	v3 =	vadd.f32 v45, v3;
	v45 =	vld [tilespmem:s24+$0x28C0]  }
0x120: {  	s30 =	sshll.u32 s30, $0x9;
	[tilespmem:s24+$0x28B0] =	vst v58;
	v4 =	vsub.f32 v23, v6;
	v6 =	vld [tilespmem:s24+$0x2920]  }
0x121: {  	s30 =	sadd.s32 $0x400, s30;
	[tilespmem:s24+$0x2880] =	vst v17;
	v8 =	vadd.f32 v8, v59;
	v59 =	vld [tilespmem:s24+$0x5140]  }
0x122: {  	s31 =	sadd.s32 $0x180, s30;
	v5 =	vadd.f32 v54, v5;
	[tilespmem:s24+$0x2980] =	vst v3;
	v3 =	vld [tilespmem:s24+$0x5000]  }
0x123: {  	s31 =	sor.u32 $0x400, s31;
	v9 =	vadd.f32 v10, v9;
	v10 =	vld [tilespmem:s24+$0x5060];
	[tilespmem:s28+$0x2800] =	vst v4  }
0x124: {  	v11 =	vsub.f32 v24, v11;
	[tilespmem:s24+$0x2910] =	vst v5;
	v62 =	vld [tilespmem:s31+$0x2800]  }
0x125: {  	[tilespmem:s24+$0x2810] =	vst v8;
	v33 =	vld [tilespmem:s31+$0x5000]  }
0x126: {  	v4 =	vadd.f32 v53, v52;
	v8 =	vld [tilespmem:s24+$0x2840];
	[tilespmem:s29+$0x2800] =	vst v11  }
0x127: {  	v5 =	vld [tilespmem:s24+$0x28F0];
	v7 =	vadd.f32 v61, v7;
	[tilespmem:s24+$0x2830] =	vst v9  }
0x128: {  	s25 =	sadd.s32 $0x100, s25;
	v21 =	vadd.f32 v22, v21;
	[tilespmem:s24+$0x2900] =	vst v4;
	v60 =	vadd.f32 v3, v55;
	v55 =	vld [tilespmem:s24+$0x5120]  }
0x129: {  	s25 =	sor.u32 $0x400, s25;
	[tilespmem:s24+$0x2820] =	vst v7;
	v7 =	vld [tilespmem:s24+$0x2850]  }
0x12a: {  	v3 =	vld [tilespmem:s25+$0x2800];
	[tilespmem:s26+$0x2970] =	vst v21;
	v11 =	vsub.f32 v62, v33  }
0x12b: {  	v61 =	vld [tilespmem:s24+$0x2960];
	v8 =	vadd.f32 v63, v8;
	[tilespmem:s24+$0x2800] =	vst v60  }
0x12c: {  	v9 =	vld [tilespmem:s24+$0x50C0];
	v63 =	vadd.f32 v49, v48;
	[tilespmem:s31+$0x2800] =	vst v11  }
0x12d: {  	v4 =	vld [tilespmem:s24+$0x50E0];
	[tilespmem:s24+$0x2840] =	vst v8;
	v6 =	vadd.f32 v55, v6  }
0x12e: {  	v7 =	vadd.f32 v34, v7;
	v8 =	vld [tilespmem:s24+$0x2950];
	[tilespmem:s24+$0x28D0] =	vst v63  }
0x12f: {  	v60 =	vadd.f32 v50, v46;
	[tilespmem:s24+$0x2920] =	vst v6;
	v6 =	vld [tilespmem:s24+$0x50F0]  }
0x130: {  	[tilespmem:s24+$0x2850] =	vst v7;
	v7 =	vadd.f32 v10, v35;
	v10 =	vld [tilespmem:s24+$0x5150]  }
0x131: {  	v9 =	vadd.f32 v9, v45;
	v11 =	vld [tilespmem:s24+$0x2940];
	[tilespmem:s24+$0x2870] =	vst v60  }
0x132: {  	v62 =	vld [tilespmem:s24+$0x5160];
	[tilespmem:s24+$0x2860] =	vst v7;
	v7 =	vadd.f32 v57, v56  }
0x133: {  	[tilespmem:s24+$0x28C0] =	vst v9;
	v9 =	vadd.f32 v4, v51;
	v4 =	vld [tilespmem:s24+$0x2970]  }
0x134: {  	s1 =	sor.u32 $0x400, s30;
	[tilespmem:s24+$0x2930] =	vst v7;
	v7 =	vld [tilespmem:s24+$0x5170];
	v6 =	vadd.f32 v6, v5  }
0x135: {  	s15 =	sadd.s32 $0x80, s30;
	[tilespmem:s24+$0x28E0] =	vst v9;
	v10 =	vadd.f32 v10, v8;
	v8 =	vld [tilespmem:s1+$0x5000]  }
0x136: {  	s28 =	sadd.s32 $0x100, s30;
	s31 =	sor.u32 $0x400, s15;
	v9 =	vadd.f32 v59, v11;
	v5 =	vld [tilespmem:s1+$0x2800];
	[tilespmem:s24+$0x28F0] =	vst v6  }
0x137: {  	s30 =	sor.u32 $0x400, s28;
	[tilespmem:s24+$0x2950] =	vst v10;
	v10 =	vadd.f32 v62, v61;
	v6 =	vld [tilespmem:s31+$0x2800]  }
0x138: {  	s28 =	simm.s32 $0x400;
	s29 =	simm.s32 $0x800;
	s26 =	simm.s32 $0x4;
	[tilespmem:s24+$0x2940] =	vst v9;
	v9 =	vld [tilespmem:s31+$0x5000]  }
.LBB2_5:
0x139: {  	s13 =	sand.u32 $0x3800, s29;
	s14 =	sand.u32 $0x200, s28;
	[tilespmem:s24+$0x2960] =	vst v10;
	v4 =	vadd.f32 v7, v4;
	v7 =	vld [tilespmem:s30+$0x2800]  }
0x13a: {  	s13 =	sor.u32 s14, s13;
	v10 =	vld [tilespmem:s25+$0x5000]  }
0x13b: {  	v11 =	vld [tilespmem:s13+$0x2980];
	v5 =	vsub.f32 v5, v8;
	[tilespmem:s24+$0x2970] =	vst v4;
	s24 =	smov.u32 s13  }
0x13c: {  	v4 =	vld [tilespmem:s24+$0x5180]  }
0x13d: {  	v8 =	vld [tilespmem:s24+$0x2990];
	[tilespmem:s1+$0x2800] =	vst v5;
	v5 =	vsub.f32 v6, v9  }
0x13e: {  	v6 =	vld [tilespmem:s24+$0x5190]  }
0x13f: {  	v9 =	vld [tilespmem:s24+$0x29A0];
	[tilespmem:s31+$0x2800] =	vst v5;
	v5 =	vsub.f32 v3, v10;
	v3 =	vmov v7  }
0x140: {  	v7 =	vld [tilespmem:s24+$0x51A0]  }
0x141: {  	v10 =	vld [tilespmem:s24+$0x29B0];
	[tilespmem:s25+$0x2800] =	vst v5;
	s25 =	smov.u32 s30  }
0x142: {  	v5 =	vld [tilespmem:s24+$0x51B0]  }
0x143: {  	v12 =	vld [tilespmem:s24+$0x29C0]  }
0x144: {  	v13 =	vld [tilespmem:s24+$0x29D0]  }
0x145: {  	v14 =	vld [tilespmem:s24+$0x51D0]  }
0x146: {  	v15 =	vld [tilespmem:s24+$0x29E0]  }
0x147: {  	v16 =	vld [tilespmem:s24+$0x51E0]  }
0x148: {  	s26 =	sadd.s32 $0x4, s26;
	v4 =	vadd.f32 v4, v11;
	v11 =	vld [tilespmem:s24+$0x29F0]  }
0x149: {  	p2 =	slt.u32 s26, $0x24;
	v6 =	vadd.f32 v6, v8;
	v8 =	vld [tilespmem:s24+$0x51F0]  }
0x14a: {  	[tilespmem:s24+$0x2980] =	vst v4;
	v4 =	vadd.f32 v7, v9;
	v7 =	vld [tilespmem:s24+$0x51C0]  }
0x14b: {  	p1 =	por !p1, !p1;
	s1 =	simm.s32 $0x1;
	v5 =	vadd.f32 v5, v10;
	v9 =	vld [tilespmem:s24+$0x2800];
	[tilespmem:s24+$0x2990] =	vst v6  }
0x14c: {  	s1 =	simm.s32 @!p1 $0x0;
	v6 =	vld [tilespmem:s24+$0x5000];
	[tilespmem:s24+$0x29A0] =	vst v4;
	v4 =	vadd.f32 v14, v13  }
0x14d: {  	s1 =	sshll.u32 s1, $0x9;
	v10 =	vld [tilespmem:s24+$0x2810];
	[tilespmem:s24+$0x29B0] =	vst v5;
	v5 =	vadd.f32 v16, v15  }
0x14e: {  	s1 =	sadd.s32 s1, s29;
	v13 =	vld [tilespmem:s24+$0x5010];
	[tilespmem:s24+$0x29D0] =	vst v4;
	v4 =	vadd.f32 v8, v11  }
0x14f: {  	s13 =	sadd.s32 $0x80, s1;
	s14 =	sadd.s32 $0x100, s1;
	s15 =	sadd.s32 $0x180, s1;
	v8 =	vld [tilespmem:s24+$0x2820];
	v7 =	vadd.f32 v7, v12;
	[tilespmem:s24+$0x29E0] =	vst v5  }
0x150: {  	s31 =	sor.u32 $0x400, s13;
	s30 =	sor.u32 $0x400, s14;
	s13 =	sor.u32 $0x400, s15;
	v5 =	vld [tilespmem:s24+$0x5020];
	[tilespmem:s24+$0x29F0] =	vst v4  }
0x151: {  	s1 =	sor.u32 $0x400, s1;
	v4 =	vadd.f32 v6, v9;
	[tilespmem:s24+$0x29C0] =	vst v7;
	v6 =	vld [tilespmem:s13+$0x2800]  }
0x152: {  	v7 =	vld [tilespmem:s13+$0x5000]  }
0x153: {  	[tilespmem:s24+$0x2800] =	vst v4;
	v4 =	vadd.f32 v13, v10;
	v9 =	vld [tilespmem:s24+$0x2830]  }
0x154: {  	v10 =	vld [tilespmem:s24+$0x5030]  }
0x155: {  	[tilespmem:s24+$0x2810] =	vst v4;
	v4 =	vadd.f32 v5, v8;
	v5 =	vld [tilespmem:s24+$0x2840]  }
0x156: {  	v8 =	vld [tilespmem:s24+$0x5040]  }
0x157: {  	[tilespmem:s24+$0x2820] =	vst v4;
	v4 =	vld [tilespmem:s24+$0x2850];
	v6 =	vsub.f32 v6, v7  }
0x158: {  	v7 =	vld [tilespmem:s24+$0x5050]  }
0x159: {  	v9 =	vadd.f32 v10, v9;
	v10 =	vld [tilespmem:s24+$0x2860];
	[tilespmem:s13+$0x2800] =	vst v6  }
0x15a: {  	v6 =	vld [tilespmem:s24+$0x5060]  }
0x15b: {  	[tilespmem:s24+$0x2830] =	vst v9;
	v5 =	vadd.f32 v8, v5;
	v8 =	vld [tilespmem:s24+$0x2870]  }
0x15c: {  	v9 =	vld [tilespmem:s24+$0x5070]  }
0x15d: {  	[tilespmem:s24+$0x2840] =	vst v5;
	v4 =	vadd.f32 v7, v4;
	v5 =	vld [tilespmem:s24+$0x2880]  }
0x15e: {  	v7 =	vld [tilespmem:s24+$0x5080]  }
0x15f: {  	[tilespmem:s24+$0x2850] =	vst v4;
	v4 =	vadd.f32 v6, v10;
	v6 =	vld [tilespmem:s24+$0x2890]  }
0x160: {  	v10 =	vld [tilespmem:s24+$0x5090]  }
0x161: {  	[tilespmem:s24+$0x2860] =	vst v4;
	v4 =	vadd.f32 v9, v8;
	v8 =	vld [tilespmem:s24+$0x28A0]  }
0x162: {  	v9 =	vld [tilespmem:s24+$0x50A0]  }
0x163: {  	[tilespmem:s24+$0x2870] =	vst v4;
	v4 =	vadd.f32 v7, v5;
	v5 =	vld [tilespmem:s24+$0x28B0]  }
0x164: {  	v7 =	vld [tilespmem:s24+$0x50B0]  }
0x165: {  	[tilespmem:s24+$0x2880] =	vst v4;
	v4 =	vadd.f32 v10, v6;
	v6 =	vld [tilespmem:s24+$0x28C0]  }
0x166: {  	v10 =	vld [tilespmem:s24+$0x50C0]  }
0x167: {  	[tilespmem:s24+$0x2890] =	vst v4;
	v4 =	vadd.f32 v9, v8;
	v8 =	vld [tilespmem:s24+$0x28D0]  }
0x168: {  	v9 =	vld [tilespmem:s24+$0x50D0]  }
0x169: {  	[tilespmem:s24+$0x28A0] =	vst v4;
	v4 =	vadd.f32 v7, v5;
	v5 =	vld [tilespmem:s24+$0x28E0]  }
0x16a: {  	v7 =	vld [tilespmem:s24+$0x50E0]  }
0x16b: {  	[tilespmem:s24+$0x28B0] =	vst v4;
	v4 =	vadd.f32 v10, v6;
	v6 =	vld [tilespmem:s24+$0x28F0]  }
0x16c: {  	v10 =	vld [tilespmem:s24+$0x50F0]  }
0x16d: {  	[tilespmem:s24+$0x28C0] =	vst v4;
	v4 =	vadd.f32 v9, v8;
	v8 =	vld [tilespmem:s24+$0x2900]  }
0x16e: {  	v9 =	vld [tilespmem:s24+$0x5100]  }
0x16f: {  	[tilespmem:s24+$0x28D0] =	vst v4;
	v4 =	vadd.f32 v7, v5;
	v5 =	vld [tilespmem:s24+$0x2910]  }
0x170: {  	v7 =	vld [tilespmem:s24+$0x5110]  }
0x171: {  	[tilespmem:s24+$0x28E0] =	vst v4;
	v4 =	vadd.f32 v10, v6;
	v6 =	vld [tilespmem:s24+$0x2920]  }
0x172: {  	v10 =	vld [tilespmem:s24+$0x5120]  }
0x173: {  	[tilespmem:s24+$0x28F0] =	vst v4;
	v4 =	vadd.f32 v9, v8;
	v8 =	vld [tilespmem:s24+$0x2930]  }
0x174: {  	v9 =	vld [tilespmem:s24+$0x5130]  }
0x175: {  	[tilespmem:s24+$0x2900] =	vst v4;
	v4 =	vadd.f32 v7, v5;
	v5 =	vld [tilespmem:s24+$0x2940]  }
0x176: {  	v7 =	vld [tilespmem:s24+$0x5140]  }
0x177: {  	[tilespmem:s24+$0x2910] =	vst v4;
	v4 =	vadd.f32 v10, v6;
	v6 =	vld [tilespmem:s24+$0x2950]  }
0x178: {  	v10 =	vld [tilespmem:s24+$0x5150]  }
0x179: {  	[tilespmem:s24+$0x2920] =	vst v4;
	v4 =	vadd.f32 v9, v8;
	v9 =	vld [tilespmem:s24+$0x2960]  }
0x17a: {  	v11 =	vld [tilespmem:s24+$0x5160]  }
0x17b: {  	[tilespmem:s24+$0x2930] =	vst v4;
	v8 =	vadd.f32 v7, v5;
	v4 =	vld [tilespmem:s24+$0x2970]  }
.Ltmp5:
0x17c: {  	v7 =	vld [tilespmem:s24+$0x5170];
	(pc) =	sbr.rel @p2 .LBB2_5-.Ltmp5, $4  }
0x17d: {  	v5 =	vld [tilespmem:s1+$0x2800];
	[tilespmem:s24+$0x2940] =	vst v8;
	v10 =	vadd.f32 v10, v6  }
0x17e: {  	v8 =	vld [tilespmem:s1+$0x5000]  }
0x17f: {  	v6 =	vld [tilespmem:s31+$0x2800];
	[tilespmem:s24+$0x2950] =	vst v10;
	v10 =	vadd.f32 v11, v9  }
0x180: {  	s28 =	sadd.s32 $0x200, s28;
	s29 =	sadd.s32 $0x400, s29;
	v9 =	vld [tilespmem:s31+$0x5000]  }
0x181: {  	v4 =	vadd.f32 v7, v4  }
0x182: {  	[tilespmem:s24+$0x2960] =	vst v10;
	v63 =	vld [tilespmem:s25+$0x5000]  }
0x183: {  	v62 =	vld [tilespmem:s30+$0x2800];
	[tilespmem:s24+$0x2970] =	vst v4  }
0x184: {  	v4 =	vld [tilespmem:s30+$0x5000];
	_ =	sdelay $0x1  }
0x185: {  	v5 =	vsub.f32 v5, v8  }
0x186: {  	p1 =	seq.s32 s10, $0x3E;
	s24 =	smul.u32 $0x50, s10;
	v6 =	vsub.f32 v6, v9  }
.Ltmp6:
0x187: {  	[tilespmem:s1+$0x2800] =	vst v5;
	v3 =	vsub.f32 v3, v63;
	(pc) =	sbr.rel @p1 .LBB2_8-.Ltmp6, $4  }
0x188: {  	[tilespmem:s31+$0x2800] =	vst v6;
	s31 =	sadd.s32 s3, s24;
	v4 =	vsub.f32 v62, v4  }
0x189: {  	[tilespmem:s25+$0x2800] =	vst v3;
	s1 =	sshll.u32 s31, $0x5  }
0x18a: {  	s1 =	sadd.s32 s6, s1;
	[tilespmem:s30+$0x2800] =	vst v4  }
0x18b: {  	[hbm4b:s1+s2] =	stream.linear.scatter [tilespmem:s12], [sflag:$0x5], $0x2800, $0x38;
	[tilespmem:$0xC800] =	vst v63  }
0x18c: {  	_ =	swait.ge [sflag:s9], $0x2800  }
0x18d: {  	[sflag:s9] =	ssyncset.done $0x0  }
0x18e: {  	[sflag:s9] =	ssyncadd.s32 $0xFFFFD800  }
0x18f: {  	v3 =	vld [tilespmem:s24+$0x50];
	_ =	sdelay $0x4  }
0x190: {  	v4 =	vshll.u32 v3, $0x1  }
0x191: {  	v3 =	vand.u32 $0x7, v3;
	v4 =	vand.u32 $0xFFFFFFF0, v4  }
0x192: {  	v3 =	vor.u32 v3, v4  }
0x193: {  	v4 =	vperm.xlane v3, v0;
	_ =	sdelay $0x1  }
0x194: {  	v3 =	vperm.xlane v3, v2;
	v4 =	vadd.s32 v1, v4;
	_ =	sdelay $0x1  }
0x195: {  	v3 =	vadd.s32 v1, v3;
	_ =	sdelay $0x2  }
0x196: {  	[tilespmem:s12], [sflag:$0x1] =	stream.indirect_vreg.gather [hbm4b:s4+s2], $0x80, v4, vm0, $0xb8;
	[tilespmem:$0xC800] =	vst v63  }
0x197: {  	s1 =	simm.s32 $0x3000  }
0x198: {  	[tilespmem:s1], [sflag:$0x1] =	stream.indirect_vreg.gather [hbm4b:s4+s2], $0x80, v3, vm0, $0xb8;
	[tilespmem:$0xC800] =	vst v63  }
0x199: {  	v3 =	vld [tilespmem:s24+$0x60];
	_ =	sdelay $0x4  }
0x19a: {  	v59 =	vshll.u32 v3, $0x1  }
0x19b: {  	v3 =	vand.u32 $0x7, v3;
	v4 =	vand.u32 $0xFFFFFFF0, v59  }
0x19c: {  	v3 =	vor.u32 v3, v4  }
0x19d: {  	v4 =	vperm.xlane v3, v0;
	_ =	sdelay $0x1  }
0x19e: {  	v3 =	vperm.xlane v3, v2;
	v4 =	vadd.s32 v1, v4;
	_ =	sdelay $0x1  }
0x19f: {  	v3 =	vadd.s32 v1, v3;
	_ =	sdelay $0x1  }
0x1a0: {  	s30 =	simm.s32 $0x3800  }
0x1a1: {  	[tilespmem:s30], [sflag:$0x1] =	stream.indirect_vreg.gather [hbm4b:s4+s2], $0x80, v4, vm0, $0xb8;
	[tilespmem:$0xC800] =	vst v63  }
0x1a2: {  	s31 =	simm.s32 $0x4000  }
0x1a3: {  	[tilespmem:s31], [sflag:$0x1] =	stream.indirect_vreg.gather [hbm4b:s4+s2], $0x80, v3, vm0, $0xb8;
	[tilespmem:$0xC800] =	vst v63  }
0x1a4: {  	v3 =	vld.msk [tilespmem:s24+$0x70], $0xff;
	_ =	sdelay $0x4  }
0x1a5: {  	v60 =	vshll.u32 v3, $0x1  }
0x1a6: {  	v3 =	vand.u32 $0x7, v3;
	v4 =	vand.u32 $0xFFFFFFF0, v60  }
0x1a7: {  	v3 =	vor.u32 v3, v4  }
0x1a8: {  	v3 =	vperm.xlane v3, v0;
	_ =	sdelay $0x1  }
0x1a9: {  	v3 =	vadd.s32 v1, v3;
	_ =	sdelay $0x4  }
0x1aa: {  	[tilespmem:s16], [sflag:$0x1] =	stream.indirect_vreg.gather [hbm4b:s4+s2], $0x80, v3, vm0, $0xb8;
	[tilespmem:$0xC800] =	vst v63  }
0x1ab: {  	v3 =	vld [tilespmem:s24+$0x1450];
	_ =	sdelay $0x4  }
0x1ac: {  	v61 =	vshll.u32 v3, $0x1  }
0x1ad: {  	v3 =	vand.u32 $0x7, v3;
	v4 =	vand.u32 $0xFFFFFFF0, v61  }
0x1ae: {  	v3 =	vor.u32 v3, v4  }
0x1af: {  	v4 =	vperm.xlane v3, v0;
	_ =	sdelay $0x1  }
0x1b0: {  	v3 =	vperm.xlane v3, v2;
	v4 =	vadd.s32 v1, v4;
	_ =	sdelay $0x1  }
0x1b1: {  	v3 =	vadd.s32 v1, v3;
	_ =	sdelay $0x2  }
0x1b2: {  	[tilespmem:s17], [sflag:$0x2] =	stream.indirect_vreg.gather [hbm4b:s5+s2], $0x80, v4, vm0, $0xb8;
	[tilespmem:$0xC800] =	vst v63  }
0x1b3: {  	_ = 	snop  }
0x1b4: {  	[tilespmem:s18], [sflag:$0x2] =	stream.indirect_vreg.gather [hbm4b:s5+s2], $0x80, v3, vm0, $0xb8;
	[tilespmem:$0xC800] =	vst v63  }
0x1b5: {  	v3 =	vld [tilespmem:s24+$0x1460];
	_ =	sdelay $0x4  }
0x1b6: {  	v62 =	vshll.u32 v3, $0x1  }
0x1b7: {  	v3 =	vand.u32 $0x7, v3;
	v4 =	vand.u32 $0xFFFFFFF0, v62  }
0x1b8: {  	v3 =	vor.u32 v3, v4  }
0x1b9: {  	v4 =	vperm.xlane v3, v0;
	_ =	sdelay $0x1  }
0x1ba: {  	v3 =	vperm.xlane v3, v2;
	v4 =	vadd.s32 v1, v4;
	_ =	sdelay $0x1  }
0x1bb: {  	v3 =	vadd.s32 v1, v3;
	_ =	sdelay $0x2  }
0x1bc: {  	[tilespmem:s19], [sflag:$0x2] =	stream.indirect_vreg.gather [hbm4b:s5+s2], $0x80, v4, vm0, $0xb8;
	[tilespmem:$0xC800] =	vst v63  }
0x1bd: {  	_ = 	snop  }
0x1be: {  	[tilespmem:s20], [sflag:$0x2] =	stream.indirect_vreg.gather [hbm4b:s5+s2], $0x80, v3, vm0, $0xb8;
	[tilespmem:$0xC800] =	vst v63  }
0x1bf: {  	v3 =	vld.msk [tilespmem:s24+$0x1470], $0xff;
	_ =	sdelay $0x4  }
0x1c0: {  	v63 =	vshll.u32 v3, $0x1  }
0x1c1: {  	v3 =	vand.u32 $0x7, v3;
	v4 =	vand.u32 $0xFFFFFFF0, v63  }
0x1c2: {  	v3 =	vor.u32 v3, v4  }
0x1c3: {  	v3 =	vperm.xlane v3, v0;
	_ =	sdelay $0x1  }
0x1c4: {  	v3 =	vadd.s32 v1, v3;
	_ =	sdelay $0x4  }
0x1c5: {  	[tilespmem:s21], [sflag:$0x2] =	stream.indirect_vreg.gather [hbm4b:s5+s2], $0x80, v3, vm0, $0xb8;
	[tilespmem:$0xC800] =	vst v63  }
.LBB2_8:
.Ltmp7:
0x1c6: {  	(pc) =	sbr.rel @p0 .LBB2_12-.Ltmp7, $1  }
0x1c7: {  	_ =	sdelay $0x3  }
0x1c8: {  	_ =	swait.ge [sflag:s7], $0x2800  }
0x1c9: {  	[sflag:s7] =	ssyncset.done $0x0  }
0x1ca: {  	[sflag:s7] =	ssyncadd.s32 $0xFFFFD800  }
0x1cb: {  	s1 =	simm.s32 $0x0;
	_ =	swait.ge [sflag:s8], $0x2800  }
0x1cc: {  	s13 =	sand.u32 $0x3800, s1;
	s1 =	sand.u32 $0x200, s1;
	[sflag:s8] =	ssyncset.done $0x0  }
0x1cd: {  	s26 =	sor.u32 s1, s13;
	[sflag:s8] =	ssyncadd.s32 $0xFFFFD800  }
0x1ce: {  	v3 =	vld [tilespmem:s26+$0x7980]  }
0x1cf: {  	v4 =	vld [tilespmem:s26+$0xA180]  }
0x1d0: {  	v5 =	vld [tilespmem:s26+$0x7990]  }
0x1d1: {  	v6 =	vld [tilespmem:s26+$0xA190]  }
0x1d2: {  	v7 =	vld [tilespmem:s26+$0x79A0]  }
0x1d3: {  	v8 =	vld [tilespmem:s26+$0xA1A0]  }
0x1d4: {  	v9 =	vld [tilespmem:s26+$0x79B0]  }
0x1d5: {  	v10 =	vld [tilespmem:s26+$0xA1B0]  }
0x1d6: {  	v11 =	vld [tilespmem:s26+$0x79C0]  }
0x1d7: {  	v12 =	vld [tilespmem:s26+$0x79D0]  }
0x1d8: {  	v13 =	vld [tilespmem:s26+$0xA1D0]  }
0x1d9: {  	v14 =	vld [tilespmem:s26+$0x79E0]  }
0x1da: {  	v15 =	vld [tilespmem:s26+$0xA1E0]  }
0x1db: {  	v59 =	vld [tilespmem:s26+$0xA030]  }
0x1dc: {  	v60 =	vld [tilespmem:s26+$0x7840]  }
0x1dd: {  	v61 =	vld [tilespmem:s26+$0xA040]  }
0x1de: {  	v62 =	vld [tilespmem:s26+$0x7850]  }
0x1df: {  	v16 =	vld [tilespmem:s26+$0xA050]  }
0x1e0: {  	v17 =	vld [tilespmem:s26+$0x7860]  }
0x1e1: {  	v18 =	vld [tilespmem:s26+$0xA060]  }
0x1e2: {  	v19 =	vld [tilespmem:s26+$0x7870]  }
0x1e3: {  	v20 =	vld [tilespmem:s26+$0xA070]  }
0x1e4: {  	v21 =	vld [tilespmem:s26+$0x7880]  }
0x1e5: {  	v22 =	vld [tilespmem:s26+$0xA080]  }
0x1e6: {  	v23 =	vld [tilespmem:s26+$0x7890]  }
0x1e7: {  	v24 =	vld [tilespmem:s26+$0xA090]  }
0x1e8: {  	v25 =	vld [tilespmem:s26+$0x78A0]  }
0x1e9: {  	v26 =	vld [tilespmem:s26+$0xA0A0]  }
0x1ea: {  	v27 =	vld [tilespmem:s26+$0x78B0]  }
0x1eb: {  	v28 =	vld [tilespmem:s26+$0xA0B0]  }
0x1ec: {  	v29 =	vld [tilespmem:s26+$0x78C0]  }
0x1ed: {  	v30 =	vld [tilespmem:s26+$0xA0C0]  }
0x1ee: {  	v31 =	vld [tilespmem:s26+$0x78D0]  }
0x1ef: {  	v32 =	vld [tilespmem:s26+$0xA0D0]  }
0x1f0: {  	v33 =	vld [tilespmem:s26+$0x78E0]  }
0x1f1: {  	v34 =	vld [tilespmem:s26+$0xA0E0]  }
0x1f2: {  	v35 =	vld [tilespmem:s26+$0x78F0]  }
0x1f3: {  	v36 =	vld [tilespmem:s26+$0xA0F0]  }
0x1f4: {  	v63 =	vld [tilespmem:s26+$0xA120]  }
0x1f5: {  	v37 =	vld [tilespmem:s26+$0x7930]  }
0x1f6: {  	p0 =	por $0x0, $0x0;
	s1 =	simm.s32 $0x1;
	v38 =	vld [tilespmem:s26+$0xA130]  }
0x1f7: {  	s1 =	simm.s32 @!p0 $0x0;
	v39 =	vld [tilespmem:s26+$0x7940]  }
0x1f8: {  	s1 =	sshll.u32 s1, $0x9;
	v40 =	vld [tilespmem:s26+$0xA140]  }
0x1f9: {  	s25 =	sadd.s32 $0x0, s1;
	v41 =	vld [tilespmem:s26+$0x7950]  }
0x1fa: {  	s14 =	simm.s32 $0x200;
	s15 =	simm.s32 $0x400;
	v42 =	vld [tilespmem:s26+$0xA150];
	s24 =	sadd.s32 $0x80, s25  }
0x1fb: {  	s14 =	sand.u32 $0x200, s14;
	v43 =	vld [tilespmem:s26+$0x7960];
	s29 =	sor.u32 $0x400, s24;
	s24 =	sand.u32 $0x3800, s15  }
0x1fc: {  	v44 =	vld [tilespmem:s26+$0xA160];
	s24 =	sor.u32 s14, s24  }
0x1fd: {  	v45 =	vld [tilespmem:s24+$0xA180]  }
0x1fe: {  	v46 =	vld [tilespmem:s24+$0x7990]  }
0x1ff: {  	v47 =	vld [tilespmem:s24+$0xA190]  }
0x200: {  	v48 =	vld [tilespmem:s24+$0x79A0]  }
0x201: {  	v49 =	vld [tilespmem:s24+$0xA1A0]  }
0x202: {  	v50 =	vld [tilespmem:s24+$0x79B0]  }
0x203: {  	v51 =	vld [tilespmem:s24+$0xA1B0]  }
0x204: {  	v52 =	vld [tilespmem:s24+$0x79E0]  }
0x205: {  	v53 =	vld [tilespmem:s24+$0xA1E0]  }
0x206: {  	v54 =	vld [tilespmem:s24+$0x79F0]  }
0x207: {  	v55 =	vld [tilespmem:s24+$0x7800]  }
0x208: {  	v57 =	vld [tilespmem:s24+$0xA1C0]  }
0x209: {  	v3 =	vadd.f32 v4, v3;
	v4 =	vld [tilespmem:s26+$0x79F0]  }
0x20a: {  	v5 =	vadd.f32 v6, v5;
	v6 =	vld [tilespmem:s26+$0xA1F0]  }
0x20b: {  	[tilespmem:s26+$0x7980] =	vst v3;
	v3 =	vadd.f32 v8, v7;
	v7 =	vld [tilespmem:s26+$0xA1C0]  }
0x20c: {  	v8 =	vld [tilespmem:s26+$0x7800]  }
0x20d: {  	[tilespmem:s26+$0x7990] =	vst v5;
	v5 =	vadd.f32 v10, v9;
	v9 =	vld [tilespmem:s26+$0xA000]  }
0x20e: {  	v10 =	vld [tilespmem:s26+$0x7810]  }
0x20f: {  	v56 =	vadd.f32 v47, v46;
	v46 =	vld [tilespmem:s24+$0x7870]  }
0x210: {  	v58 =	vadd.f32 v51, v50;
	v50 =	vld [tilespmem:s24+$0xA070]  }
0x211: {  	v51 =	vld [tilespmem:s24+$0x78E0]  }
0x212: {  	[tilespmem:s26+$0x79A0] =	vst v3;
	v3 =	vadd.f32 v13, v12;
	v12 =	vadd.f32 v53, v52;
	v52 =	vld [tilespmem:s24+$0x7900]  }
0x213: {  	[tilespmem:s26+$0x79B0] =	vst v5;
	v53 =	vld [tilespmem:s24+$0xA100]  }
0x214: {  	[tilespmem:s24+$0x7990] =	vst v56;
	v56 =	vld [tilespmem:s24+$0x7930]  }
0x215: {  	v5 =	vadd.f32 v15, v14;
	[tilespmem:s26+$0x79D0] =	vst v3;
	v3 =	vadd.f32 v6, v4;
	v6 =	vld [tilespmem:s26+$0xA010]  }
0x216: {  	v4 =	vadd.f32 v7, v11;
	v7 =	vld [tilespmem:s26+$0x7820]  }
0x217: {  	[tilespmem:s26+$0x79E0] =	vst v5;
	v11 =	vld [tilespmem:s26+$0x7830]  }
0x218: {  	v8 =	vadd.f32 v9, v8;
	v9 =	vld [tilespmem:s26+$0x7900];
	[tilespmem:s26+$0x79F0] =	vst v3  }
0x219: {  	s1 =	sadd.s32 $0x180, s25;
	v3 =	vld [tilespmem:s26+$0xA020];
	[tilespmem:s26+$0x79C0] =	vst v4  }
0x21a: {  	s1 =	sor.u32 $0x400, s1;
	[tilespmem:s26+$0x7800] =	vst v8;
	v8 =	vld [tilespmem:s26+$0xA110]  }
0x21b: {  	v4 =	vld [tilespmem:s1+$0x7800]  }
0x21c: {  	v5 =	vld [tilespmem:s1+$0xA000]  }
0x21d: {  	v6 =	vadd.f32 v6, v10;
	v10 =	vld [tilespmem:s26+$0xA100]  }
0x21e: {  	v3 =	vadd.f32 v3, v7;
	v7 =	vld [tilespmem:s26+$0x7910]  }
0x21f: {  	[tilespmem:s26+$0x7810] =	vst v6;
	v6 =	vadd.f32 v59, v11;
	v11 =	vld [tilespmem:s26+$0x7920]  }
0x220: {  	v59 =	vld [tilespmem:s24+$0x7810]  }
0x221: {  	[tilespmem:s26+$0x7820] =	vst v3;
	v3 =	vadd.f32 v61, v60;
	v61 =	vld [tilespmem:s24+$0xA020]  }
0x222: {  	v4 =	vsub.f32 v4, v5;
	v5 =	vld [tilespmem:s24+$0x7910]  }
0x223: {  	[tilespmem:s26+$0x7830] =	vst v6;
	v9 =	vadd.f32 v10, v9;
	v10 =	vld [tilespmem:s24+$0x79C0]  }
0x224: {  	v6 =	vadd.f32 v16, v62;
	[tilespmem:s26+$0x7840] =	vst v3;
	v7 =	vadd.f32 v8, v7;
	v8 =	vld [tilespmem:s24+$0x79D0]  }
0x225: {  	v3 =	vadd.f32 v18, v17;
	[tilespmem:s26+$0x7900] =	vst v9;
	v9 =	vadd.f32 v63, v11;
	v11 =	vld [tilespmem:s24+$0xA1D0]  }
0x226: {  	[tilespmem:s26+$0x7850] =	vst v6;
	v6 =	vadd.f32 v20, v19;
	v63 =	vld [tilespmem:s24+$0xA040]  }
0x227: {  	[tilespmem:s26+$0x7860] =	vst v3;
	v3 =	vadd.f32 v22, v21;
	v21 =	vld [tilespmem:s26+$0x7970]  }
0x228: {  	s28 =	sor.u32 $0x400, s25;
	[tilespmem:s26+$0x7870] =	vst v6;
	v22 =	vld [tilespmem:s26+$0xA170]  }
0x229: {  	v6 =	vadd.f32 v24, v23;
	v23 =	vld [tilespmem:s28+$0x7800]  }
0x22a: {  	[tilespmem:s26+$0x7910] =	vst v7;
	v7 =	vadd.f32 v38, v37;
	v37 =	vld [tilespmem:s24+$0xA080]  }
0x22b: {  	[tilespmem:s26+$0x7920] =	vst v9;
	v38 =	vld [tilespmem:s24+$0x7890]  }
0x22c: {  	v9 =	vadd.f32 v40, v39;
	v39 =	vld [tilespmem:s24+$0xA090];
	[tilespmem:s26+$0x7880] =	vst v3  }
0x22d: {  	v40 =	vld [tilespmem:s24+$0x78A0];
	[tilespmem:s26+$0x7890] =	vst v6  }
0x22e: {  	v3 =	vadd.f32 v26, v25;
	v10 =	vadd.f32 v57, v10;
	v57 =	vld [tilespmem:s24+$0xA130];
	[tilespmem:s26+$0x7930] =	vst v7  }
0x22f: {  	v6 =	vadd.f32 v28, v27;
	[tilespmem:s26+$0x7940] =	vst v9;
	v9 =	vld [tilespmem:s24+$0xA1F0]  }
0x230: {  	v7 =	vadd.f32 v42, v41;
	v41 =	vld [tilespmem:s24+$0xA0A0];
	[tilespmem:s26+$0x78A0] =	vst v3  }
0x231: {  	v42 =	vld [tilespmem:s24+$0x78B0];
	[tilespmem:s26+$0x78B0] =	vst v6  }
0x232: {  	v3 =	vadd.f32 v30, v29;
	[tilespmem:s24+$0x79C0] =	vst v10;
	v10 =	vld [tilespmem:s24+$0xA030]  }
0x233: {  	v6 =	vadd.f32 v32, v31;
	[tilespmem:s26+$0x7950] =	vst v7;
	v7 =	vadd.f32 v44, v43;
	v43 =	vld [tilespmem:s24+$0xA0B0]  }
0x234: {  	[tilespmem:s26+$0x78C0] =	vst v3;
	v3 =	vadd.f32 v34, v33;
	v34 =	vld [tilespmem:s24+$0xA050]  }
0x235: {  	[tilespmem:s26+$0x78D0] =	vst v6;
	v6 =	vadd.f32 v36, v35;
	v35 =	vld [tilespmem:s24+$0x7860]  }
0x236: {  	v36 =	vld [tilespmem:s24+$0x7880]  }
0x237: {  	[tilespmem:s26+$0x7960] =	vst v7;
	v7 =	vadd.f32 v49, v48;
	v48 =	vld [tilespmem:s24+$0x78D0]  }
0x238: {  	[tilespmem:s24+$0x79B0] =	vst v58;
	v49 =	vld [tilespmem:s24+$0xA0D0]  }
0x239: {  	[tilespmem:s26+$0x78F0] =	vst v6;
	v6 =	vld [tilespmem:s28+$0xA000]  }
0x23a: {  	[tilespmem:s26+$0x78E0] =	vst v3;
	v3 =	vld [tilespmem:s24+$0x7980]  }
0x23b: {  	[tilespmem:s24+$0x79E0] =	vst v12;
	v9 =	vadd.f32 v9, v54;
	v54 =	vld [tilespmem:s24+$0xA110]  }
0x23c: {  	[tilespmem:s1+$0x7800] =	vst v4;
	v44 =	vadd.f32 v39, v38;
	v24 =	vld [tilespmem:s29+$0x7800]  }
0x23d: {  	[tilespmem:s24+$0x79A0] =	vst v7;
	v7 =	vadd.f32 v11, v8;
	v8 =	vld [tilespmem:s24+$0xA010]  }
0x23e: {  	[tilespmem:s24+$0x7890] =	vst v44;
	v11 =	vld [tilespmem:s29+$0xA000]  }
0x23f: {  	v47 =	vadd.f32 v41, v40;
	[tilespmem:s24+$0x79F0] =	vst v9;
	v9 =	vld [tilespmem:s24+$0x7830]  }
0x240: {  	s13 =	simm.s32 $0x1;
	p0 =	por !p0, !p0;
	v58 =	vadd.f32 v43, v42;
	[tilespmem:s24+$0x79D0] =	vst v7;
	v7 =	vld [tilespmem:s24+$0x7820]  }
0x241: {  	s13 =	simm.s32 @!p0 $0x0;
	[tilespmem:s24+$0x78A0] =	vst v47;
	v17 =	vadd.f32 v37, v36;
	v3 =	vadd.f32 v45, v3;
	v45 =	vld [tilespmem:s24+$0x78C0]  }
0x242: {  	s13 =	sshll.u32 s13, $0x9;
	[tilespmem:s24+$0x78B0] =	vst v58;
	v4 =	vsub.f32 v23, v6;
	v6 =	vld [tilespmem:s24+$0x7920]  }
0x243: {  	s30 =	sadd.s32 $0x400, s13;
	[tilespmem:s24+$0x7880] =	vst v17;
	v8 =	vadd.f32 v8, v59;
	v59 =	vld [tilespmem:s24+$0xA140]  }
0x244: {  	s13 =	sadd.s32 $0x180, s30;
	v5 =	vadd.f32 v54, v5;
	[tilespmem:s24+$0x7980] =	vst v3;
	v3 =	vld [tilespmem:s24+$0xA000]  }
0x245: {  	s13 =	sor.u32 $0x400, s13;
	v9 =	vadd.f32 v10, v9;
	v10 =	vld [tilespmem:s24+$0xA060];
	[tilespmem:s28+$0x7800] =	vst v4  }
0x246: {  	v11 =	vsub.f32 v24, v11;
	[tilespmem:s24+$0x7910] =	vst v5;
	v62 =	vld [tilespmem:s13+$0x7800]  }
0x247: {  	[tilespmem:s24+$0x7810] =	vst v8;
	v33 =	vld [tilespmem:s13+$0xA000]  }
0x248: {  	v4 =	vadd.f32 v53, v52;
	v8 =	vld [tilespmem:s24+$0x7840];
	[tilespmem:s29+$0x7800] =	vst v11  }
0x249: {  	v5 =	vld [tilespmem:s24+$0x78F0];
	v7 =	vadd.f32 v61, v7;
	[tilespmem:s24+$0x7830] =	vst v9  }
0x24a: {  	s25 =	sadd.s32 $0x100, s25;
	v21 =	vadd.f32 v22, v21;
	[tilespmem:s24+$0x7900] =	vst v4;
	v60 =	vadd.f32 v3, v55;
	v55 =	vld [tilespmem:s24+$0xA120]  }
0x24b: {  	s25 =	sor.u32 $0x400, s25;
	[tilespmem:s24+$0x7820] =	vst v7;
	v7 =	vld [tilespmem:s24+$0x7850]  }
0x24c: {  	v3 =	vld [tilespmem:s25+$0x7800];
	[tilespmem:s26+$0x7970] =	vst v21;
	v11 =	vsub.f32 v62, v33  }
0x24d: {  	v61 =	vld [tilespmem:s24+$0x7960];
	v8 =	vadd.f32 v63, v8;
	[tilespmem:s24+$0x7800] =	vst v60  }
0x24e: {  	v9 =	vld [tilespmem:s24+$0xA0C0];
	v63 =	vadd.f32 v49, v48;
	[tilespmem:s13+$0x7800] =	vst v11  }
0x24f: {  	v4 =	vld [tilespmem:s24+$0xA0E0];
	[tilespmem:s24+$0x7840] =	vst v8;
	v6 =	vadd.f32 v55, v6  }
0x250: {  	v7 =	vadd.f32 v34, v7;
	v8 =	vld [tilespmem:s24+$0x7950];
	[tilespmem:s24+$0x78D0] =	vst v63  }
0x251: {  	v60 =	vadd.f32 v50, v46;
	[tilespmem:s24+$0x7920] =	vst v6;
	v6 =	vld [tilespmem:s24+$0xA0F0]  }
0x252: {  	[tilespmem:s24+$0x7850] =	vst v7;
	v7 =	vadd.f32 v10, v35;
	v10 =	vld [tilespmem:s24+$0xA150]  }
0x253: {  	v9 =	vadd.f32 v9, v45;
	v11 =	vld [tilespmem:s24+$0x7940];
	[tilespmem:s24+$0x7870] =	vst v60  }
0x254: {  	v62 =	vld [tilespmem:s24+$0xA160];
	[tilespmem:s24+$0x7860] =	vst v7;
	v7 =	vadd.f32 v57, v56  }
0x255: {  	[tilespmem:s24+$0x78C0] =	vst v9;
	v9 =	vadd.f32 v4, v51;
	v4 =	vld [tilespmem:s24+$0x7970]  }
0x256: {  	s1 =	sor.u32 $0x400, s30;
	[tilespmem:s24+$0x7930] =	vst v7;
	v7 =	vld [tilespmem:s24+$0xA170];
	v6 =	vadd.f32 v6, v5  }
0x257: {  	s14 =	sadd.s32 $0x80, s30;
	[tilespmem:s24+$0x78E0] =	vst v9;
	v10 =	vadd.f32 v10, v8;
	v8 =	vld [tilespmem:s1+$0xA000]  }
0x258: {  	s15 =	sadd.s32 $0x100, s30;
	s31 =	sor.u32 $0x400, s14;
	v9 =	vadd.f32 v59, v11;
	v5 =	vld [tilespmem:s1+$0x7800];
	[tilespmem:s24+$0x78F0] =	vst v6  }
0x259: {  	s30 =	sor.u32 $0x400, s15;
	[tilespmem:s24+$0x7950] =	vst v10;
	v10 =	vadd.f32 v62, v61;
	v6 =	vld [tilespmem:s31+$0x7800]  }
0x25a: {  	s28 =	simm.s32 $0x400;
	s29 =	simm.s32 $0x800;
	s26 =	simm.s32 $0x4;
	[tilespmem:s24+$0x7940] =	vst v9;
	v9 =	vld [tilespmem:s31+$0xA000]  }
.LBB2_10:
0x25b: {  	s13 =	sand.u32 $0x3800, s29;
	s14 =	sand.u32 $0x200, s28;
	[tilespmem:s24+$0x7960] =	vst v10;
	v4 =	vadd.f32 v7, v4;
	v7 =	vld [tilespmem:s30+$0x7800]  }
0x25c: {  	s13 =	sor.u32 s14, s13;
	v10 =	vld [tilespmem:s25+$0xA000]  }
0x25d: {  	v11 =	vld [tilespmem:s13+$0x7980];
	v5 =	vsub.f32 v5, v8;
	[tilespmem:s24+$0x7970] =	vst v4;
	s24 =	smov.u32 s13  }
0x25e: {  	v4 =	vld [tilespmem:s24+$0xA180]  }
0x25f: {  	v8 =	vld [tilespmem:s24+$0x7990];
	[tilespmem:s1+$0x7800] =	vst v5;
	v5 =	vsub.f32 v6, v9  }
0x260: {  	v6 =	vld [tilespmem:s24+$0xA190]  }
0x261: {  	v9 =	vld [tilespmem:s24+$0x79A0];
	[tilespmem:s31+$0x7800] =	vst v5;
	v5 =	vsub.f32 v3, v10;
	v3 =	vmov v7  }
0x262: {  	v7 =	vld [tilespmem:s24+$0xA1A0]  }
0x263: {  	v10 =	vld [tilespmem:s24+$0x79B0];
	[tilespmem:s25+$0x7800] =	vst v5;
	s25 =	smov.u32 s30  }
0x264: {  	v5 =	vld [tilespmem:s24+$0xA1B0]  }
0x265: {  	v12 =	vld [tilespmem:s24+$0x79C0]  }
0x266: {  	v13 =	vld [tilespmem:s24+$0x79D0]  }
0x267: {  	v14 =	vld [tilespmem:s24+$0xA1D0]  }
0x268: {  	v15 =	vld [tilespmem:s24+$0x79E0]  }
0x269: {  	v16 =	vld [tilespmem:s24+$0xA1E0]  }
0x26a: {  	s26 =	sadd.s32 $0x4, s26;
	v4 =	vadd.f32 v4, v11;
	v11 =	vld [tilespmem:s24+$0x79F0]  }
0x26b: {  	p1 =	slt.u32 s26, $0x24;
	v6 =	vadd.f32 v6, v8;
	v8 =	vld [tilespmem:s24+$0xA1F0]  }
0x26c: {  	[tilespmem:s24+$0x7980] =	vst v4;
	v4 =	vadd.f32 v7, v9;
	v7 =	vld [tilespmem:s24+$0xA1C0]  }
0x26d: {  	p0 =	por !p0, !p0;
	s1 =	simm.s32 $0x1;
	v5 =	vadd.f32 v5, v10;
	v9 =	vld [tilespmem:s24+$0x7800];
	[tilespmem:s24+$0x7990] =	vst v6  }
0x26e: {  	s1 =	simm.s32 @!p0 $0x0;
	v6 =	vld [tilespmem:s24+$0xA000];
	[tilespmem:s24+$0x79A0] =	vst v4;
	v4 =	vadd.f32 v14, v13  }
0x26f: {  	s1 =	sshll.u32 s1, $0x9;
	v10 =	vld [tilespmem:s24+$0x7810];
	[tilespmem:s24+$0x79B0] =	vst v5;
	v5 =	vadd.f32 v16, v15  }
0x270: {  	s1 =	sadd.s32 s1, s29;
	v13 =	vld [tilespmem:s24+$0xA010];
	[tilespmem:s24+$0x79D0] =	vst v4;
	v4 =	vadd.f32 v8, v11  }
0x271: {  	s13 =	sadd.s32 $0x80, s1;
	s14 =	sadd.s32 $0x100, s1;
	s15 =	sadd.s32 $0x180, s1;
	v8 =	vld [tilespmem:s24+$0x7820];
	v7 =	vadd.f32 v7, v12;
	[tilespmem:s24+$0x79E0] =	vst v5  }
0x272: {  	s31 =	sor.u32 $0x400, s13;
	s30 =	sor.u32 $0x400, s14;
	s13 =	sor.u32 $0x400, s15;
	v5 =	vld [tilespmem:s24+$0xA020];
	[tilespmem:s24+$0x79F0] =	vst v4  }
0x273: {  	s1 =	sor.u32 $0x400, s1;
	v4 =	vadd.f32 v6, v9;
	[tilespmem:s24+$0x79C0] =	vst v7;
	v6 =	vld [tilespmem:s13+$0x7800]  }
0x274: {  	v7 =	vld [tilespmem:s13+$0xA000]  }
0x275: {  	[tilespmem:s24+$0x7800] =	vst v4;
	v4 =	vadd.f32 v13, v10;
	v9 =	vld [tilespmem:s24+$0x7830]  }
0x276: {  	v10 =	vld [tilespmem:s24+$0xA030]  }
0x277: {  	[tilespmem:s24+$0x7810] =	vst v4;
	v4 =	vadd.f32 v5, v8;
	v5 =	vld [tilespmem:s24+$0x7840]  }
0x278: {  	v8 =	vld [tilespmem:s24+$0xA040]  }
0x279: {  	[tilespmem:s24+$0x7820] =	vst v4;
	v4 =	vld [tilespmem:s24+$0x7850];
	v6 =	vsub.f32 v6, v7  }
0x27a: {  	v7 =	vld [tilespmem:s24+$0xA050]  }
0x27b: {  	v9 =	vadd.f32 v10, v9;
	v10 =	vld [tilespmem:s24+$0x7860];
	[tilespmem:s13+$0x7800] =	vst v6  }
0x27c: {  	v6 =	vld [tilespmem:s24+$0xA060]  }
0x27d: {  	[tilespmem:s24+$0x7830] =	vst v9;
	v5 =	vadd.f32 v8, v5;
	v8 =	vld [tilespmem:s24+$0x7870]  }
0x27e: {  	v9 =	vld [tilespmem:s24+$0xA070]  }
0x27f: {  	[tilespmem:s24+$0x7840] =	vst v5;
	v4 =	vadd.f32 v7, v4;
	v5 =	vld [tilespmem:s24+$0x7880]  }
0x280: {  	v7 =	vld [tilespmem:s24+$0xA080]  }
0x281: {  	[tilespmem:s24+$0x7850] =	vst v4;
	v4 =	vadd.f32 v6, v10;
	v6 =	vld [tilespmem:s24+$0x7890]  }
0x282: {  	v10 =	vld [tilespmem:s24+$0xA090]  }
0x283: {  	[tilespmem:s24+$0x7860] =	vst v4;
	v4 =	vadd.f32 v9, v8;
	v8 =	vld [tilespmem:s24+$0x78A0]  }
0x284: {  	v9 =	vld [tilespmem:s24+$0xA0A0]  }
0x285: {  	[tilespmem:s24+$0x7870] =	vst v4;
	v4 =	vadd.f32 v7, v5;
	v5 =	vld [tilespmem:s24+$0x78B0]  }
0x286: {  	v7 =	vld [tilespmem:s24+$0xA0B0]  }
0x287: {  	[tilespmem:s24+$0x7880] =	vst v4;
	v4 =	vadd.f32 v10, v6;
	v6 =	vld [tilespmem:s24+$0x78C0]  }
0x288: {  	v10 =	vld [tilespmem:s24+$0xA0C0]  }
0x289: {  	[tilespmem:s24+$0x7890] =	vst v4;
	v4 =	vadd.f32 v9, v8;
	v8 =	vld [tilespmem:s24+$0x78D0]  }
0x28a: {  	v9 =	vld [tilespmem:s24+$0xA0D0]  }
0x28b: {  	[tilespmem:s24+$0x78A0] =	vst v4;
	v4 =	vadd.f32 v7, v5;
	v5 =	vld [tilespmem:s24+$0x78E0]  }
0x28c: {  	v7 =	vld [tilespmem:s24+$0xA0E0]  }
0x28d: {  	[tilespmem:s24+$0x78B0] =	vst v4;
	v4 =	vadd.f32 v10, v6;
	v6 =	vld [tilespmem:s24+$0x78F0]  }
0x28e: {  	v10 =	vld [tilespmem:s24+$0xA0F0]  }
0x28f: {  	[tilespmem:s24+$0x78C0] =	vst v4;
	v4 =	vadd.f32 v9, v8;
	v8 =	vld [tilespmem:s24+$0x7900]  }
0x290: {  	v9 =	vld [tilespmem:s24+$0xA100]  }
0x291: {  	[tilespmem:s24+$0x78D0] =	vst v4;
	v4 =	vadd.f32 v7, v5;
	v5 =	vld [tilespmem:s24+$0x7910]  }
0x292: {  	v7 =	vld [tilespmem:s24+$0xA110]  }
0x293: {  	[tilespmem:s24+$0x78E0] =	vst v4;
	v4 =	vadd.f32 v10, v6;
	v6 =	vld [tilespmem:s24+$0x7920]  }
0x294: {  	v10 =	vld [tilespmem:s24+$0xA120]  }
0x295: {  	[tilespmem:s24+$0x78F0] =	vst v4;
	v4 =	vadd.f32 v9, v8;
	v8 =	vld [tilespmem:s24+$0x7930]  }
0x296: {  	v9 =	vld [tilespmem:s24+$0xA130]  }
0x297: {  	[tilespmem:s24+$0x7900] =	vst v4;
	v4 =	vadd.f32 v7, v5;
	v5 =	vld [tilespmem:s24+$0x7940]  }
0x298: {  	v7 =	vld [tilespmem:s24+$0xA140]  }
0x299: {  	[tilespmem:s24+$0x7910] =	vst v4;
	v4 =	vadd.f32 v10, v6;
	v6 =	vld [tilespmem:s24+$0x7950]  }
0x29a: {  	v10 =	vld [tilespmem:s24+$0xA150]  }
0x29b: {  	[tilespmem:s24+$0x7920] =	vst v4;
	v4 =	vadd.f32 v9, v8;
	v9 =	vld [tilespmem:s24+$0x7960]  }
0x29c: {  	v11 =	vld [tilespmem:s24+$0xA160]  }
0x29d: {  	[tilespmem:s24+$0x7930] =	vst v4;
	v8 =	vadd.f32 v7, v5;
	v4 =	vld [tilespmem:s24+$0x7970]  }
.Ltmp8:
0x29e: {  	v7 =	vld [tilespmem:s24+$0xA170];
	(pc) =	sbr.rel @p1 .LBB2_10-.Ltmp8, $4  }
0x29f: {  	v5 =	vld [tilespmem:s1+$0x7800];
	[tilespmem:s24+$0x7940] =	vst v8;
	v10 =	vadd.f32 v10, v6  }
0x2a0: {  	v8 =	vld [tilespmem:s1+$0xA000]  }
0x2a1: {  	v6 =	vld [tilespmem:s31+$0x7800];
	[tilespmem:s24+$0x7950] =	vst v10;
	v10 =	vadd.f32 v11, v9  }
0x2a2: {  	s28 =	sadd.s32 $0x200, s28;
	s29 =	sadd.s32 $0x400, s29;
	v9 =	vld [tilespmem:s31+$0xA000]  }
0x2a3: {  	v4 =	vadd.f32 v7, v4  }
0x2a4: {  	[tilespmem:s24+$0x7960] =	vst v10;
	v63 =	vld [tilespmem:s25+$0xA000]  }
0x2a5: {  	v62 =	vld [tilespmem:s30+$0x7800];
	[tilespmem:s24+$0x7970] =	vst v4  }
0x2a6: {  	v4 =	vld [tilespmem:s30+$0xA000];
	_ =	sdelay $0x1  }
0x2a7: {  	v5 =	vsub.f32 v5, v8  }
0x2a8: {  	s13 =	smul.u32 $0x28, s23;
	v6 =	vsub.f32 v6, v9  }
.Ltmp9:
0x2a9: {  	[tilespmem:s1+$0x7800] =	vst v5;
	v3 =	vsub.f32 v3, v63;
	(pc) =	sbr.rel .LBB2_12-.Ltmp9, $4  }
0x2aa: {  	[tilespmem:s31+$0x7800] =	vst v6;
	s31 =	sadd.s32 s3, s13;
	v4 =	vsub.f32 v62, v4  }
0x2ab: {  	[tilespmem:s25+$0x7800] =	vst v3;
	s1 =	sshll.u32 s31, $0x5  }
0x2ac: {  	s1 =	sadd.s32 s6, s1;
	[tilespmem:s30+$0x7800] =	vst v4  }
0x2ad: {  	[hbm4b:s1+s2] =	stream.linear.scatter [tilespmem:s22], [sflag:$0x6], $0x2800, $0x38;
	[tilespmem:$0xC800] =	vst v63  }
.LBB2_14:
0x2ae: {  	_ =	sfence.sel $0x180000  }
0x2af: {  	[bflag:$0x0] =	sbarrier.arrive $0xFFFF  }
0x2b0: {  	_ =	strace $0x9000004A  }
0x2b1: {  	s0 =	stileid.u32;
	[bflag:$0x2] =	sbarrier.arrive $0xFFFF  }
0x2b2: {  	p0 =	sne.s32 s0, $0x0;
	s0 =	rddreg [dreg:$0x1]  }
0x2b3: {  	s0 =	sadd.s32 @!p0 $0x100000, s0  }
0x2b4: {  	[sflag:s0] =	ssyncadd.tile.s32 @!p0 $0x1;
	_ =	shalt  }
.Lfunc_end2:
_tile_overlayer_lowered:
.L_overlay_start_2:
0x2b5: {  	(tag) =	ssettag $0x2  }
0x2b6: {  	s0 =	rddreg [dreg:$0x0];
	s2 =	stileid.u32  }
0x2b7: {  	s1 =	rddreg [dreg:$0x1];
	p0 =	sne.s32 s2, $0x0  }
0x2b8: {  	s3 =	rddreg [dreg:$0x2];
	[bflag:$0x3] =	sbarrier.arrive $0xFFFF;
	s2 =	simm.s32 @!p0 $0x1C07  }
0x2b9: {  	[timem:s3], [sflag:s2] =	dma.local @!p0 [hbm:s0], s1  }
0x2ba: {  	s0 =	simm.s32 @!p0 $0x7  }
0x2bb: {  	_ =	swait.ge @!p0 [sflag:s0], s1  }
0x2bc: {  	s1 =	ssub.s32 @!p0 $0x0, s1;
	[sflag:s0] =	ssyncset.done @!p0 $0x0  }
0x2bd: {  	[sflag:s0] =	ssyncadd.s32 @!p0 s1  }
0x2be: {  	[bflag:$0x3] =	sbarrier.arrive $0xFFFF  }
0x2bf: {  	_ =	shalt  }

// kernel: kernel.13.cloned.1.call-start
scs
__scs_entry_jumppad:
0x0: {  	(pc) =	sbr.rel $0x88, $3  }
0x1: {  	(tag) =	ssettag $0x0;
	lr =	simm.s32 $0x1  }
0x2: {  	[smem:$0x3F90] =	sst lr;
	_ =	strace $0xD0000000  }
0x3: {  	_ = 	snop  }
0x4: {  	_ = 	snop  }
0x5: {  	_ = 	snop  }
0x6: {  	_ = 	snop  }
0x7: {  	_ = 	snop  }
__scs_overlays_trampoline_lowered:
0x8: {  	[smem:$0x3F9F] =	sst s0  }
0x9: {  	[smem:$0x3FA0] =	sst s1  }
0xa: {  	[smem:$0x3FA1] =	sst s2  }
0xb: {  	[smem:$0x3FA2] =	sst s3  }
0xc: {  	[smem:$0x3FA3] =	sst s4  }
0xd: {  	[smem:$0x3FA4] =	sst s5  }
0xe: {  	[smem:$0x3FA5] =	sst s6  }
0xf: {  	[smem:$0x3FA6] =	sst s7  }
0x10: {  	[smem:$0x3FA7] =	sst s8  }
0x11: {  	[smem:$0x3FA8] =	sst s9;
	s0 =	simm.s32 @!p0 $0x0  }
0x12: {  	s1 =	sld [smem:$0x3F8E];
	s0 =	simm.s32 @p0 $0x1  }
0x13: {  	[smem:$0x3FA9] =	sst s0;
	s0 =	simm.s32 @!p1 $0x0  }
0x14: {  	s2 =	sld [smem:$0x3F8D];
	s0 =	simm.s32 @p1 $0x1  }
0x15: {  	[smem:$0x3FAA] =	sst s0;
	s0 =	simm.s32 @!p2 $0x0  }
0x16: {  	s3 =	sld [smem:$0x3FDB];
	s0 =	simm.s32 @p2 $0x1  }
0x17: {  	s4 =	simm.s32 $0x1BF5;
	[smem:$0x3FAC] =	sst s0  }
0x18: {  	s0 =	sld [smem:$0x3F8F];
	_ =	swait.ge [sflag:s4], $0x0  }
0x19: {  	s7 =	sld [smem:$0x3F90]  }
0x1a: {  	s8 =	sadd.s32 $0xFFFFE003, lr  }
0x1b: {  	s9 =	sadd.s32 $0xFFFFFEF7, lr;
	s5 =	simm.s32 $0xFFFFFFFF;
	p2 =	slt.u32 s8, $0xFFFFF086  }
0x1c: {  	p1 =	slt.u32 s9, $0xF7A;
	s5 =	simm.s32 @!p2 $0x0  }
0x1d: {  	s5 =	simm.s32 @p1 $0x1;
	p0 =	seq.s32 s7, s2  }
0x1e: {  	s7 =	smul.u32 @!p0 $0xF7A, s2;
	p2 =	seq.s32 @!p0 s5, $0x0  }
0x1f: {  	s9 =	smul.u32 $0xF7A, s1;
	s8 =	simm.s32 @!p0 $0x1BF5;
	p2 =	por !p2, p0  }
0x20: {  	[sflag:s8] =	ssyncset.s32 @!p0 $0xFFFFF086;
	s6 =	sadd.s32 @!p0 s3, s7;
	s7 =	simm.s32 @!p0 $0x108  }
0x21: {  	s3 =	sadd.s32 s3, s9;
	s6 =	sadd.s32 @!p0 $0x88, s6;
	s7 =	simm.s32 @p2 $0x1082  }
0x22: {  	[simem:s7], [sflag:s8] =	dma.local @!p0 [hbm:s6], $0xF7A  }
0x23: {  	s9 =	sor.u32 $0xD0000000, s2;
	s6 =	simm.s32 $0x108;
	_ =	swait.ge @!p0 [sflag:s8], $0x0  }
0x24: {  	s3 =	sadd.s32 $0x88, s3;
	s6 =	simm.s32 @!p1 $0x1082;
	[sflag:s4] =	ssyncset.s32 $0xFFFFF086  }
0x25: {  	[simem:s6], [sflag:s4] =	dma.local [hbm:s3], $0xF7A  }
0x26: {  	[smem:$0x3F90] =	sst s1;
	(tag) =	ssettag s2;
	_ =	strace s9  }
0x27: {  	s1 =	sld [smem:$0x3FA0]  }
0x28: {  	s2 =	sld [smem:$0x3FA1]  }
0x29: {  	s4 =	sld [smem:$0x3FA3]  }
0x2a: {  	p0 =	seq.s32 s5, $0x0;
	s5 =	sld [smem:$0x3FA4]  }
0x2b: {  	s6 =	sld [smem:$0x3FA5]  }
0x2c: {  	s7 =	sld [smem:$0x3FA6]  }
0x2d: {  	s3 =	simm.s32 $0x108;
	s8 =	sld [smem:$0x3FA7]  }
0x2e: {  	s3 =	simm.s32 @!p0 $0x1082;
	s9 =	sld [smem:$0x3FA8]  }
0x2f: {  	lr =	sadd.s32 s0, s3;
	s0 =	sld [smem:$0x3F9F]  }
0x30: {  	s3 =	sld [smem:$0x3FA2]  }
0x31: {  	[smem:$0x3FAB] =	sst s10  }
0x32: {  	s10 =	sld [smem:$0x3FA9];
	_ =	sdelay $0x3  }
0x33: {  	p0 =	seq.s32 s10, $0x1;
	s10 =	sld [smem:$0x3FAB];
	_ =	sdelay $0x3  }
0x34: {  	[smem:$0x3FAB] =	sst s10  }
0x35: {  	s10 =	sld [smem:$0x3FAA];
	_ =	sdelay $0x3  }
0x36: {  	p1 =	seq.s32 s10, $0x1;
	s10 =	sld [smem:$0x3FAB];
	_ =	sdelay $0x3  }
0x37: {  	[smem:$0x3FAB] =	sst s10  }
0x38: {  	s10 =	sld [smem:$0x3FAC]  }
0x39: {  	_ = 	snop;
	(pc) =	sbr.ind lr, $3  }
0x3a: {  	_ = 	snop  }
0x3b: {  	_ = 	snop  }
0x3c: {  	p2 =	seq.s32 s10, $0x1;
	s10 =	sld [smem:$0x3FAB]  }
0x3d: {  	_ =	shalt  }
0x3e: {  	_ =	shalt  }
0x3f: {  	_ =	shalt  }
0x40: {  	_ =	shalt  }
0x41: {  	_ =	shalt  }
0x42: {  	_ =	shalt  }
0x43: {  	_ =	shalt  }
0x44: {  	_ =	shalt  }
0x45: {  	_ =	shalt  }
0x46: {  	_ =	shalt  }
0x47: {  	_ =	shalt  }
0x48: {  	_ =	shalt  }
0x49: {  	_ =	shalt  }
0x4a: {  	_ =	shalt  }
0x4b: {  	_ =	shalt  }
0x4c: {  	_ =	shalt  }
0x4d: {  	_ =	shalt  }
0x4e: {  	_ =	shalt  }
0x4f: {  	_ =	shalt  }
0x50: {  	_ =	shalt  }
0x51: {  	_ =	shalt  }
0x52: {  	_ =	shalt  }
0x53: {  	_ =	shalt  }
0x54: {  	_ =	shalt  }
0x55: {  	_ =	shalt  }
0x56: {  	_ =	shalt  }
0x57: {  	_ =	shalt  }
0x58: {  	_ =	shalt  }
0x59: {  	_ =	shalt  }
0x5a: {  	_ =	shalt  }
0x5b: {  	_ =	shalt  }
0x5c: {  	_ =	shalt  }
0x5d: {  	_ =	shalt  }
0x5e: {  	_ =	shalt  }
0x5f: {  	_ =	shalt  }
0x60: {  	_ =	shalt  }
0x61: {  	_ =	shalt  }
0x62: {  	_ =	shalt  }
0x63: {  	_ =	shalt  }
0x64: {  	_ =	shalt  }
0x65: {  	_ =	shalt  }
0x66: {  	_ =	shalt  }
0x67: {  	_ =	shalt  }
0x68: {  	_ =	shalt  }
0x69: {  	_ =	shalt  }
0x6a: {  	_ =	shalt  }
0x6b: {  	_ =	shalt  }
0x6c: {  	_ =	shalt  }
0x6d: {  	_ =	shalt  }
0x6e: {  	_ =	shalt  }
0x6f: {  	_ =	shalt  }
0x70: {  	_ =	shalt  }
0x71: {  	_ =	shalt  }
0x72: {  	_ =	shalt  }
0x73: {  	_ =	shalt  }
0x74: {  	_ =	shalt  }
0x75: {  	_ =	shalt  }
0x76: {  	_ =	shalt  }
0x77: {  	_ =	shalt  }
0x78: {  	_ =	shalt  }
0x79: {  	_ =	shalt  }
0x7a: {  	_ =	shalt  }
0x7b: {  	_ =	shalt  }
0x7c: {  	_ =	shalt  }
0x7d: {  	_ =	shalt  }
0x7e: {  	_ =	shalt  }
0x7f: {  	_ =	shalt  }
0x80: {  	_ =	shalt  }
0x81: {  	_ =	shalt  }
0x82: {  	_ =	shalt  }
0x83: {  	_ =	shalt  }
0x84: {  	_ =	shalt  }
0x85: {  	_ =	shalt  }
0x86: {  	_ =	shalt  }
0x87: {  	_ =	shalt  }
.Lfunc_end0:
.L_simem_size_0:
called_computation.1_lowered:
.L_overlay_start_0:
0x88: {  	s2 =	sld [smem:$0x3FD9]  }
0x89: {  	s3 =	sld [smem:$0x3FFE];
	_ =	sdelay $0x1  }
0x8a: {  	s1 =	srdreg.scid  }
0x8b: {  	s0 =	sand.u32 $0x1, s1  }
0x8c: {  	s17 =	sshll.u32 s0, $0xA;
	s2 =	sadd.s32 s3, s2  }
0x8d: {  	s2 =	sadd.s32 s2, s17  }
0x8e: {  	[smem:$0x3FB7] =	sst s2  }
0x8f: {  	_ = 	snop  }
0x90: {  	(tm) =	ssettm $0x1  }
0x91: {  	s18 =	sld [smem:$0x3FFB];
	_ =	sdelay $0x3  }
0x92: {  	_ =	strace s18  }
0x93: {  	s2 =	sld [smem:$0x3FFC];
	_ =	sdelay $0x3  }
0x94: {  	_ =	strace s2  }
0x95: {  	s2 =	sld [smem:$0x3FFD];
	_ =	sdelay $0x3  }
0x96: {  	_ =	strace s2  }
0x97: {  	_ =	strace $0x8FFFFFFF  }
0x98: {  	s19 =	sld [smem:$0x3FDB];
	_ =	sdelay $0x1  }
0x99: {  	s20 =	simm.s32 $_scs_section_size  }
0x9a: {  	s4 =	simm.s32 $_size__tile_overlayer_lowered;
	s5 =	simm.s32 $_tile_overlayer_lowered  }
0x9b: {  	s6 =	simm.s32 $0x1BFF;
	s21 =	sshll.u32 s5, $0x1;
	s3 =	sadd.s32 s20, s19  }
0x9c: {  	s22 =	simm.s32 $0x0;
	s4 =	sshll.u32 s4, $0x1;
	s5 =	sadd.s32 s21, s3  }
0x9d: {  	[timem:s22], [sflag:s6] =	dma.local [hbm:s5], s4  }
0x9e: {  	_ =	swait.ge [sflag:s6], s4  }
0x9f: {  	s4 =	ssub.s32 $0x0, s4;
	[sflag:s6] =	ssyncset.done $0x0  }
0xa0: {  	[sflag:s6] =	ssyncadd.s32 s4;
	_ =	sdelay $0x1  }
0xa1: {  	s23 =	simm.s32 $0x1B8B  }
0xa2: {  	_ =	swait.ge [sflag:s23], $0x1  }
0xa3: {  	[sflag:s23] =	ssyncset.done $0x0  }
0xa4: {  	[sflag:s23] =	ssyncadd.s32 $0xFFFFFFFF  }
0xa5: {  	s4 =	sld [smem:$0x0]  }
0xa6: {  	s5 =	sand.u32 $0xFFFFFFFE, s1  }
0xa7: {  	p0 =	sne.s32 s1, s5  }
0xa8: {  	s5 =	sshll.u32 @p0 s5, $0xE  }
0xa9: {  	s5 =	sadd.s32 @p0 $0x11B8D, s5;
	s6 =	sshll.u32 @p0 s4, $0x11  }
0xaa: {  	s5 =	sor.u32 @p0 s6, s5  }
0xab: {  	[sflag:s5] =	ssyncadd.remote.s32 @p0 $0x1;
	_ =	sdelay $0x1  }
0xac: {  	s5 =	simm.s32 @p0 $0x1B8D  }
0xad: {  	_ =	swait.eq @p0 [sflag:s5], $0x1  }
0xae: {  	[sflag:s5] =	ssyncadd.s32 @p0 $0xFFFFFFFF  }
0xaf: {  	s6 =	sshll.u32 @!p0 s1, $0xE  }
0xb0: {  	s6 =	sor.u32 @!p0 $0x4000, s6;
	s5 =	simm.s32 @!p0 $0x1B8D  }
0xb1: {  	s4 =	sshll.u32 @!p0 s4, $0x11;
	s6 =	sadd.s32 @!p0 $0x11B8D, s6;
	_ =	swait.eq @!p0 [sflag:s5], $0x1  }
0xb2: {  	s4 =	sor.u32 @!p0 s4, s6;
	[sflag:s5] =	ssyncadd.s32 @!p0 $0xFFFFFFFF  }
0xb3: {  	s25 =	simm.s32 $0x1B8E;
	s24 =	sld [smem:$0x3FFE];
	[sflag:s4] =	ssyncadd.remote.s32 @!p0 $0x1  }
0xb4: {  	s26 =	simm.s32 $execute0_lowered;
	[smem:$0x3FD2] =	sst s25  }
0xb5: {  	s5 =	sshll.u32 s26, $0x1;
	_ =	strace $0x8000004F;
	[dreg:$0x1] =	wrdreg $0xFFFFFFFF  }
0xb6: {  	s28 =	simm.s32 $_size_execute0_lowered;
	s3 =	sadd.s32 s3, s5;
	[dreg:$0x0] =	wrdreg $0x0  }
0xb7: {  	s5 =	sshll.u32 s28, $0x1;
	[dreg:$0x2] =	wrdreg s3  }
0xb8: {  	[dreg:$0x3] =	wrdreg s5  }
0xb9: {  	[dreg:$0x4] =	wrdreg $0xC0  }
0xba: {  	_ =	task [dreg:s22], $0x5FFFF  }
0xbb: {  	[dreg:$0x1] =	wrdreg $0xFFFFFFFF  }
0xbc: {  	[dreg:$0x0] =	wrdreg $0x60  }
0xbd: {  	[dreg:$0x2] =	wrdreg s24  }
0xbe: {  	[dreg:$0x3] =	wrdreg $0x51000  }
0xbf: {  	[dreg:$0x4] =	wrdreg $0x9  }
0xc0: {  	_ =	task.clear_ibuf [dreg:s22], $0x5FFFF;
	_ =	strace $0x9000004F  }
0xc1: {  	s29 =	simm.s32 $0x9;
	_ =	strace $0x80000051  }
0xc2: {  	_ =	swait.ge [sflag:s29], $0x1  }
0xc3: {  	[sflag:s29] =	ssyncadd.s32 $0xFFFFFFFF  }
0xc4: {  	_ =	strace $0x90000051  }
0xc5: {  	_ =	sfence  }
0xc6: {  	s30 =	sld [smem:$0x0];
	_ =	sdelay $0x2  }
0xc7: {  	s31 =	sshll.u32 s1, $0xD;
	s1 =	sshrl.u32 s1, $0x2  }
0xc8: {  	s4 =	sand.u32 $0x4000, s31;
	s1 =	sadd.s32 s1, s30  }
0xc9: {  	s0 =	sor.u32 s4, s0;
	s1 =	sshll.u32 s1, $0x11  }
0xca: {  	s0 =	sor.u32 s1, s0  }
0xcb: {  	s0 =	sadd.s32 $0x8F2B, s0  }
0xcc: {  	[sflag:s0] =	ssyncadd.remote.s32 $0x1  }
0xcd: {  	_ =	sfence.sel $0xFFFF  }
0xce: {  	[dreg:$0x0] =	wrdreg $0xFFFFFFFF;
	(pc) =	sbr.abs _section_cstart, $3  }
0xcf: {  	[dreg:$0x1] =	wrdreg $0xFFFFFFFF  }
0xd0: {  	_ =	task.clear_ibuf [dreg:s22], $0x2FFFF;
	_ =	strace $0x9FFFFFFF  }
0xd1: {  	(tm) =	ssettm $0x7FFFFFFF  }
tec
execute0_lowered:
.L_overlay_start_1:
0x0: {  	(tag) =	ssettag $0x1  }
0x1: {  	s21 =	stileid.u32;
	s2 =	srdreg.scid  }
0x2: {  	s3 =	rddreg [dreg:$0x0];
	s0 =	smul.u32 $0x27100, s21  }
0x3: {  	s1 =	simm.s32 $0x0;
	s18 =	simm.s32 $0xB41000;
	s7 =	smul.u32 $0x280, s21  }
0x4: {  	s2 =	sand.u32 $0x1, s2;
	[smem:$0x7FF] =	sst s1;
	s19 =	smul.u32 $0x2710, s21  }
0x5: {  	s5 =	sadd.s32 $0x593E00, s3;
	s8 =	sadd.s32 $0xAC9000, s3;
	s9 =	smul.u32 $0x2800, s21  }
0x6: {  	s4 =	ssub.s32 $0x2, s2;
	p0 =	seq.s32 s2, $0x0;
	p1 =	sne.s32 s2, $0x0  }
0x7: {  	s2 =	simm.s32 $0x100;
	s0 =	sadd.s32 s0, s3;
	s6 =	sshrl.u32 s4, $0x1  }
0x8: {  	s10 =	sor.u32 $0x50, s7;
	s12 =	sadd.s32 $0xA0, s7;
	s13 =	sadd.s32 s8, s9  }
0x9: {  	s15 =	sadd.s32 $0x140, s7;
	s18 =	simm.s32 @!p0 $0xB69000;
	s30 =	sadd.s32 $0x190, s7  }
0xa: {  	s31 =	sadd.s32 $0x1E0, s7;
	s4 =	ssub.s32 s4, s6;
	s6 =	sshrl.u32 s19, $0x3  }
0xb: {  	s11 =	sshll.u32 s10, $0x4;
	[dreg:$0x3] =	wrdreg s13;
	s22 =	sshll.u32 s12, $0x4  }
0xc: {  	s17 =	sshll.u32 s15, $0x4;
	s3 =	sadd.s32 s18, s3;
	s20 =	sadd.s32 s8, s11  }
0xd: {  	s24 =	sshll.u32 s30, $0x4;
	s14 =	sadd.s32 s8, s22;
	[dreg:$0x4] =	wrdreg s20  }
0xe: {  	s25 =	sshll.u32 s31, $0x4;
	s23 =	sadd.s32 s8, s17;
	[dreg:$0x5] =	wrdreg s14  }
0xf: {  	s15 =	sshll.u32 s15, $0x7;
	s26 =	sadd.s32 s8, s25;
	[dreg:$0x7] =	wrdreg s23  }
0x10: {  	s9 =	sadd.s32 s3, s9;
	s11 =	sadd.s32 s3, s11;
	[dreg:$0x9] =	wrdreg s26  }
0x11: {  	s13 =	sadd.s32 s3, s22;
	s25 =	sadd.s32 s3, s25;
	[dreg:$0xb] =	wrdreg s9  }
0x12: {  	s14 =	sadd.s32 $0xF0, s7;
	s7 =	sadd.s32 $0x230, s7;
	[dreg:$0xc] =	wrdreg s11  }
0x13: {  	s20 =	sadd.s32 s8, s24;
	[dreg:$0xd] =	wrdreg s13;
	s23 =	sadd.s32 s3, s17  }
0x14: {  	s24 =	sadd.s32 s3, s24;
	[dreg:$0x11] =	wrdreg s25;
	s26 =	smul.u32 $0x4E2, s21  }
0x15: {  	s11 =	sshll.u32 s10, $0x7;
	s13 =	sshll.u32 s12, $0x7;
	s17 =	sshll.u32 s31, $0x7  }
0x16: {  	s10 =	simm.s32 $0x4;
	s12 =	simm.s32 $0x0;
	[dreg:$0x8] =	wrdreg s20  }
0x17: {  	s16 =	sshll.u32 s14, $0x4;
	s20 =	sshll.u32 s7, $0x4;
	[dreg:$0xf] =	wrdreg s23  }
0x18: {  	[dreg:$0x10] =	wrdreg s24;
	s19 =	sadd.s32 s8, s16;
	s8 =	sadd.s32 s8, s20  }
0x19: {  	s22 =	sadd.s32 s3, s16;
	s3 =	sadd.s32 s3, s20;
	s20 =	rddreg [dreg:$0x1]  }
0x1a: {  	s23 =	smax.u32 s4, $0x1;
	s14 =	sshll.u32 s14, $0x7;
	[dreg:$0x6] =	wrdreg s19  }
0x1b: {  	s18 =	sshll.u32 s7, $0x7;
	s4 =	simm.s32 $0x80;
	[dreg:$0xa] =	wrdreg s8  }
0x1c: {  	s7 =	simm.s32 $0x1;
	s16 =	sshll.u32 s30, $0x7;
	[dreg:$0xe] =	wrdreg s22  }
0x1d: {  	[dreg:$0x12] =	wrdreg s3;
	s19 =	sadd.s32 s5, s6;
	s8 =	smul.u32 $0x50000, s21  }
0x1e: {  	s6 =	sadd.s32 s26, s5;
	s21 =	sadd.s32 $0x121CC00, s0;
	s22 =	sadd.s32 $0x31DE00, s0  }
0x1f: {  	s25 =	sadd.s32 s11, s20;
	s26 =	sadd.s32 s13, s20;
	s28 =	sadd.s32 s14, s20  }
.Ltmp0:
0x20: {  	s29 =	sadd.s32 s15, s20;
	s30 =	sadd.s32 s16, s20;
	(pc) =	sbr.rel .LBB2_1-.Ltmp0, $4  }
0x21: {  	s31 =	sadd.s32 s17, s20;
	s16 =	sadd.s32 s18, s20;
	s3 =	simm.s32 $0x5  }
0x22: {  	s5 =	simm.s32 $0x2900;
	s11 =	simm.s32 $0x2;
	_ =	strace $0x80000050  }
0x23: {  	s0 =	sadd.s32 $0x14, s6;
	s6 =	simm.s32 $0x3;
	s9 =	sshrl.u32 s8, $0x2  }
0x24: {  	s8 =	simm.s32 $0x50;
	s24 =	sadd.s32 s9, s20;
	s9 =	simm.s32 $0x6  }
.LBB2_7:
0x25: {  	s15 =	sadd.s32 $0xFFFFFFF6, s13;
	s14 =	sadd.s32 s14, s21;
	[sflag:s3] =	ssyncadd.s32 $0xFFFFD800  }
0x26: {  	[tilespmem:s4], [sflag:$0x4] =	stream.linear.gather [hbm4b:s15+s1], $0x50, $0x38;
	[tilespmem:$0x19100] =	vst v63  }
0x27: {  	s17 =	sadd.s32 $0x500, s14  }
0x28: {  	[tilespmem:s5], [sflag:$0x2] =	stream.linear.gather [hbm4b:s17+s1], $0x2800, $0x38;
	[tilespmem:$0x19100] =	vst v63  }
0x29: {  	_ =	swait.ge [sflag:s6], $0x50  }
0x2a: {  	[sflag:s6] =	ssyncset.done $0x0  }
0x2b: {  	[sflag:s6] =	ssyncadd.s32 $0xFFFFFFB0  }
0x2c: {  	_ =	swait.ge [sflag:s7], $0x2800  }
0x2d: {  	[sflag:s7] =	ssyncset.done $0x0  }
0x2e: {  	[sflag:s7] =	ssyncadd.s32 $0xFFFFD800  }
0x2f: {  	[spmem:s20] =	stream.indirect.scatter.add.f32 [tilespmem:s2], [sflag:$0x6], $0x80, s1, s8, $0xb8;
	[tilespmem:$0x19100] =	vst v63  }
0x30: {  	_ =	swait.ge [sflag:s9], $0x2800  }
0x31: {  	[sflag:s9] =	ssyncset.done $0x0  }
0x32: {  	[sflag:s9] =	ssyncadd.s32 $0xFFFFD800  }
0x33: {  	[tilespmem:s1], [sflag:$0x3] =	stream.linear.gather [hbm4b:s13+s1], $0x50, $0x38;
	[tilespmem:$0x19100] =	vst v63  }
0x34: {  	s18 =	sadd.s32 $0xA00, s14  }
0x35: {  	[tilespmem:s2], [sflag:$0x1] =	stream.linear.gather [hbm4b:s18+s1], $0x2800, $0x38;
	[tilespmem:$0x19100] =	vst v63  }
0x36: {  	_ =	swait.ge [sflag:s10], $0x50  }
0x37: {  	[sflag:s10] =	ssyncset.done $0x0  }
0x38: {  	[sflag:s10] =	ssyncadd.s32 $0xFFFFFFB0  }
0x39: {  	_ =	swait.ge [sflag:s11], $0x2800  }
0x3a: {  	[sflag:s11] =	ssyncset.done $0x0  }
0x3b: {  	[sflag:s11] =	ssyncadd.s32 $0xFFFFD800  }
0x3c: {  	[spmem:s20] =	stream.indirect.scatter.add.f32 [tilespmem:s5], [sflag:$0x5], $0x80, s4, s8, $0xb8;
	[tilespmem:$0x19100] =	vst v63  }
0x3d: {  	_ =	swait.ge [sflag:s3], $0x2800  }
0x3e: {  	[sflag:s3] =	ssyncset.done $0x0  }
0x3f: {  	[sflag:s3] =	ssyncadd.s32 $0xFFFFD800  }
.LBB2_8:
0x40: {  	_ =	swait.ge [sflag:s6], $0x50  }
0x41: {  	[sflag:s6] =	ssyncset.done $0x0  }
0x42: {  	[sflag:s6] =	ssyncadd.s32 $0xFFFFFFB0  }
0x43: {  	_ =	swait.ge [sflag:s7], $0x2800  }
0x44: {  	[sflag:s7] =	ssyncset.done $0x0  }
0x45: {  	[sflag:s7] =	ssyncadd.s32 $0xFFFFD800  }
0x46: {  	[spmem:s20] =	stream.indirect.scatter.add.f32 [tilespmem:s2], [sflag:$0x6], $0x80, s1, s8, $0xb8;
	[tilespmem:$0x19100] =	vst v63  }
0x47: {  	_ =	swait.ge [sflag:s9], $0x2800  }
0x48: {  	[sflag:s9] =	ssyncset.done $0x0  }
0x49: {  	[sflag:s9] =	ssyncadd.s32 $0xFFFFD800  }
0x4a: {  	[bflag:$0x0] =	sbarrier.arrive $0xFFFF  }
0x4b: {  	[tilespmem:s2], [sflag:$0x6] =	stream.linear.gather [spmem:s24], $0x2800, $0x38;
	[tilespmem:$0x19100] =	vst v63  }
0x4c: {  	_ =	swait.ge [sflag:s9], $0x2800  }
0x4d: {  	s13 =	simm.s32 $0x6;
	[sflag:s9] =	ssyncset.done $0x0  }
0x4e: {  	s13 =	simm.s32 @!p0 $0x5;
	s14 =	rddreg [dreg:$0xb];
	[sflag:s9] =	ssyncadd.s32 $0xFFFFD800  }
0x4f: {  	[hbm4b:s14+s1] =	stream.linear.scatter [tilespmem:s2], [sflag:s13], $0x2800, $0x38;
	[tilespmem:$0x19100] =	vst v63  }
0x50: {  	_ =	swait.ge [sflag:s13], $0x2800  }
0x51: {  	[sflag:s13] =	ssyncset.done $0x0  }
0x52: {  	[sflag:s13] =	ssyncadd.s32 $0xFFFFD800  }
0x53: {  	[tilespmem:s2], [sflag:$0x6] =	stream.linear.gather [spmem:s25], $0x2800, $0x38;
	[tilespmem:$0x19100] =	vst v63  }
0x54: {  	_ =	swait.ge [sflag:s9], $0x2800  }
0x55: {  	[sflag:s9] =	ssyncset.done $0x0  }
0x56: {  	s18 =	rddreg [dreg:$0xc];
	[sflag:s9] =	ssyncadd.s32 $0xFFFFD800  }
0x57: {  	[hbm4b:s18+s1] =	stream.linear.scatter [tilespmem:s2], [sflag:s13], $0x2800, $0x38;
	[tilespmem:$0x19100] =	vst v63  }
0x58: {  	_ =	swait.ge [sflag:s13], $0x2800  }
0x59: {  	[sflag:s13] =	ssyncset.done $0x0  }
0x5a: {  	[sflag:s13] =	ssyncadd.s32 $0xFFFFD800  }
0x5b: {  	[tilespmem:s2], [sflag:$0x6] =	stream.linear.gather [spmem:s26], $0x2800, $0x38;
	[tilespmem:$0x19100] =	vst v63  }
0x5c: {  	_ =	swait.ge [sflag:s9], $0x2800  }
0x5d: {  	[sflag:s9] =	ssyncset.done $0x0  }
0x5e: {  	s15 =	rddreg [dreg:$0xd];
	[sflag:s9] =	ssyncadd.s32 $0xFFFFD800  }
0x5f: {  	[hbm4b:s15+s1] =	stream.linear.scatter [tilespmem:s2], [sflag:s13], $0x2800, $0x38;
	[tilespmem:$0x19100] =	vst v63  }
0x60: {  	_ =	swait.ge [sflag:s13], $0x2800  }
0x61: {  	[sflag:s13] =	ssyncset.done $0x0  }
0x62: {  	[sflag:s13] =	ssyncadd.s32 $0xFFFFD800  }
0x63: {  	[tilespmem:s2], [sflag:$0x6] =	stream.linear.gather [spmem:s28], $0x2800, $0x38;
	[tilespmem:$0x19100] =	vst v63  }
0x64: {  	_ =	swait.ge [sflag:s9], $0x2800  }
0x65: {  	[sflag:s9] =	ssyncset.done $0x0  }
0x66: {  	s17 =	rddreg [dreg:$0xe];
	[sflag:s9] =	ssyncadd.s32 $0xFFFFD800  }
0x67: {  	[hbm4b:s17+s1] =	stream.linear.scatter [tilespmem:s2], [sflag:s13], $0x2800, $0x38;
	[tilespmem:$0x19100] =	vst v63  }
0x68: {  	_ =	swait.ge [sflag:s13], $0x2800  }
0x69: {  	[sflag:s13] =	ssyncset.done $0x0  }
0x6a: {  	[sflag:s13] =	ssyncadd.s32 $0xFFFFD800  }
0x6b: {  	[tilespmem:s2], [sflag:$0x6] =	stream.linear.gather [spmem:s29], $0x2800, $0x38;
	[tilespmem:$0x19100] =	vst v63  }
0x6c: {  	_ =	swait.ge [sflag:s9], $0x2800  }
0x6d: {  	[sflag:s9] =	ssyncset.done $0x0  }
0x6e: {  	s18 =	rddreg [dreg:$0xf];
	[sflag:s9] =	ssyncadd.s32 $0xFFFFD800  }
0x6f: {  	[hbm4b:s18+s1] =	stream.linear.scatter [tilespmem:s2], [sflag:s13], $0x2800, $0x38;
	[tilespmem:$0x19100] =	vst v63  }
0x70: {  	_ =	swait.ge [sflag:s13], $0x2800  }
0x71: {  	[sflag:s13] =	ssyncset.done $0x0  }
0x72: {  	[sflag:s13] =	ssyncadd.s32 $0xFFFFD800  }
0x73: {  	[tilespmem:s2], [sflag:$0x6] =	stream.linear.gather [spmem:s30], $0x2800, $0x38;
	[tilespmem:$0x19100] =	vst v63  }
0x74: {  	_ =	swait.ge [sflag:s9], $0x2800  }
0x75: {  	[sflag:s9] =	ssyncset.done $0x0  }
0x76: {  	s15 =	rddreg [dreg:$0x10];
	[sflag:s9] =	ssyncadd.s32 $0xFFFFD800  }
0x77: {  	[hbm4b:s15+s1] =	stream.linear.scatter [tilespmem:s2], [sflag:s13], $0x2800, $0x38;
	[tilespmem:$0x19100] =	vst v63  }
0x78: {  	_ =	swait.ge [sflag:s13], $0x2800  }
0x79: {  	[sflag:s13] =	ssyncset.done $0x0  }
0x7a: {  	[sflag:s13] =	ssyncadd.s32 $0xFFFFD800  }
0x7b: {  	[tilespmem:s2], [sflag:$0x6] =	stream.linear.gather [spmem:s31], $0x2800, $0x38;
	[tilespmem:$0x19100] =	vst v63  }
0x7c: {  	_ =	swait.ge [sflag:s9], $0x2800  }
0x7d: {  	[sflag:s9] =	ssyncset.done $0x0  }
0x7e: {  	s17 =	rddreg [dreg:$0x11];
	[sflag:s9] =	ssyncadd.s32 $0xFFFFD800  }
0x7f: {  	[hbm4b:s17+s1] =	stream.linear.scatter [tilespmem:s2], [sflag:s13], $0x2800, $0x38;
	[tilespmem:$0x19100] =	vst v63  }
0x80: {  	_ =	swait.ge [sflag:s13], $0x2800  }
0x81: {  	[sflag:s13] =	ssyncset.done $0x0  }
0x82: {  	[sflag:s13] =	ssyncadd.s32 $0xFFFFD800  }
0x83: {  	[tilespmem:s2], [sflag:$0x6] =	stream.linear.gather [spmem:s16], $0x2800, $0x38;
	[tilespmem:$0x19100] =	vst v63  }
0x84: {  	s12 =	sadd.s32 $0x1, s12;
	_ =	swait.ge [sflag:s9], $0x2800  }
0x85: {  	p2 =	sne.s32 s12, s23;
	[sflag:s9] =	ssyncset.done $0x0  }
.Ltmp1:
0x86: {  	s18 =	rddreg [dreg:$0x12];
	[sflag:s9] =	ssyncadd.s32 $0xFFFFD800;
	(pc) =	sbr.rel @!p2 .LBB2_9-.Ltmp1, $4  }
0x87: {  	[hbm4b:s18+s1] =	stream.linear.scatter [tilespmem:s2], [sflag:s13], $0x2800, $0x38;
	[tilespmem:$0x19100] =	vst v63  }
0x88: {  	_ =	swait.ge [sflag:s13], $0x2800  }
0x89: {  	[sflag:s13] =	ssyncset.done $0x0  }
0x8a: {  	[sflag:s13] =	ssyncadd.s32 $0xFFFFD800  }
.LBB2_1:
0x8b: {  	s13 =	rddreg [dreg:$0x3]  }
0x8c: {  	[tilespmem:s2], [sflag:$0x5] =	stream.linear.gather [hbm4b:s13+s1], $0x2800, $0x38;
	[tilespmem:$0x19100] =	vst v63  }
0x8d: {  	_ =	swait.ge [sflag:s3], $0x2800  }
0x8e: {  	[sflag:s3] =	ssyncset.done $0x0  }
0x8f: {  	[sflag:s3] =	ssyncadd.s32 $0xFFFFD800  }
0x90: {  	[spmem:s24] =	stream.linear.scatter [tilespmem:s2], [sflag:$0x5], $0x2800, $0x38;
	[tilespmem:$0x19100] =	vst v63  }
0x91: {  	_ =	swait.ge [sflag:s3], $0x2800  }
0x92: {  	[sflag:s3] =	ssyncset.done $0x0  }
0x93: {  	s15 =	rddreg [dreg:$0x4];
	[sflag:s3] =	ssyncadd.s32 $0xFFFFD800  }
0x94: {  	[tilespmem:s2], [sflag:$0x5] =	stream.linear.gather [hbm4b:s15+s1], $0x2800, $0x38;
	[tilespmem:$0x19100] =	vst v63  }
0x95: {  	_ =	swait.ge [sflag:s3], $0x2800  }
0x96: {  	[sflag:s3] =	ssyncset.done $0x0  }
0x97: {  	[sflag:s3] =	ssyncadd.s32 $0xFFFFD800  }
0x98: {  	[spmem:s25] =	stream.linear.scatter [tilespmem:s2], [sflag:$0x5], $0x2800, $0x38;
	[tilespmem:$0x19100] =	vst v63  }
0x99: {  	_ =	swait.ge [sflag:s3], $0x2800  }
0x9a: {  	[sflag:s3] =	ssyncset.done $0x0  }
0x9b: {  	s17 =	rddreg [dreg:$0x5];
	[sflag:s3] =	ssyncadd.s32 $0xFFFFD800  }
0x9c: {  	[tilespmem:s2], [sflag:$0x5] =	stream.linear.gather [hbm4b:s17+s1], $0x2800, $0x38;
	[tilespmem:$0x19100] =	vst v63  }
0x9d: {  	_ =	swait.ge [sflag:s3], $0x2800  }
0x9e: {  	[sflag:s3] =	ssyncset.done $0x0  }
0x9f: {  	[sflag:s3] =	ssyncadd.s32 $0xFFFFD800  }
0xa0: {  	[spmem:s26] =	stream.linear.scatter [tilespmem:s2], [sflag:$0x5], $0x2800, $0x38;
	[tilespmem:$0x19100] =	vst v63  }
0xa1: {  	_ =	swait.ge [sflag:s3], $0x2800  }
0xa2: {  	[sflag:s3] =	ssyncset.done $0x0  }
0xa3: {  	s18 =	rddreg [dreg:$0x6];
	[sflag:s3] =	ssyncadd.s32 $0xFFFFD800  }
0xa4: {  	[tilespmem:s2], [sflag:$0x5] =	stream.linear.gather [hbm4b:s18+s1], $0x2800, $0x38;
	[tilespmem:$0x19100] =	vst v63  }
0xa5: {  	_ =	swait.ge [sflag:s3], $0x2800  }
0xa6: {  	[sflag:s3] =	ssyncset.done $0x0  }
0xa7: {  	[sflag:s3] =	ssyncadd.s32 $0xFFFFD800  }
0xa8: {  	[spmem:s28] =	stream.linear.scatter [tilespmem:s2], [sflag:$0x5], $0x2800, $0x38;
	[tilespmem:$0x19100] =	vst v63  }
0xa9: {  	_ =	swait.ge [sflag:s3], $0x2800  }
0xaa: {  	[sflag:s3] =	ssyncset.done $0x0  }
0xab: {  	s14 =	rddreg [dreg:$0x7];
	[sflag:s3] =	ssyncadd.s32 $0xFFFFD800  }
0xac: {  	[tilespmem:s2], [sflag:$0x5] =	stream.linear.gather [hbm4b:s14+s1], $0x2800, $0x38;
	[tilespmem:$0x19100] =	vst v63  }
0xad: {  	_ =	swait.ge [sflag:s3], $0x2800  }
0xae: {  	[sflag:s3] =	ssyncset.done $0x0  }
0xaf: {  	[sflag:s3] =	ssyncadd.s32 $0xFFFFD800  }
0xb0: {  	[spmem:s29] =	stream.linear.scatter [tilespmem:s2], [sflag:$0x5], $0x2800, $0x38;
	[tilespmem:$0x19100] =	vst v63  }
0xb1: {  	_ =	swait.ge [sflag:s3], $0x2800  }
0xb2: {  	[sflag:s3] =	ssyncset.done $0x0  }
0xb3: {  	s15 =	rddreg [dreg:$0x8];
	[sflag:s3] =	ssyncadd.s32 $0xFFFFD800  }
0xb4: {  	[tilespmem:s2], [sflag:$0x5] =	stream.linear.gather [hbm4b:s15+s1], $0x2800, $0x38;
	[tilespmem:$0x19100] =	vst v63  }
0xb5: {  	_ =	swait.ge [sflag:s3], $0x2800  }
0xb6: {  	[sflag:s3] =	ssyncset.done $0x0  }
0xb7: {  	[sflag:s3] =	ssyncadd.s32 $0xFFFFD800  }
0xb8: {  	[spmem:s30] =	stream.linear.scatter [tilespmem:s2], [sflag:$0x5], $0x2800, $0x38;
	[tilespmem:$0x19100] =	vst v63  }
0xb9: {  	_ =	swait.ge [sflag:s3], $0x2800  }
0xba: {  	[sflag:s3] =	ssyncset.done $0x0  }
0xbb: {  	s17 =	rddreg [dreg:$0x9];
	[sflag:s3] =	ssyncadd.s32 $0xFFFFD800  }
0xbc: {  	[tilespmem:s2], [sflag:$0x5] =	stream.linear.gather [hbm4b:s17+s1], $0x2800, $0x38;
	[tilespmem:$0x19100] =	vst v63  }
0xbd: {  	_ =	swait.ge [sflag:s3], $0x2800  }
0xbe: {  	[sflag:s3] =	ssyncset.done $0x0  }
0xbf: {  	[sflag:s3] =	ssyncadd.s32 $0xFFFFD800  }
0xc0: {  	[spmem:s31] =	stream.linear.scatter [tilespmem:s2], [sflag:$0x5], $0x2800, $0x38;
	[tilespmem:$0x19100] =	vst v63  }
0xc1: {  	_ =	swait.ge [sflag:s3], $0x2800  }
0xc2: {  	[sflag:s3] =	ssyncset.done $0x0  }
0xc3: {  	s18 =	rddreg [dreg:$0xa];
	[sflag:s3] =	ssyncadd.s32 $0xFFFFD800  }
0xc4: {  	[tilespmem:s2], [sflag:$0x5] =	stream.linear.gather [hbm4b:s18+s1], $0x2800, $0x38;
	[tilespmem:$0x19100] =	vst v63  }
0xc5: {  	_ =	swait.ge [sflag:s3], $0x2800  }
0xc6: {  	[sflag:s3] =	ssyncset.done $0x0  }
0xc7: {  	[sflag:s3] =	ssyncadd.s32 $0xFFFFD800  }
0xc8: {  	[spmem:s16] =	stream.linear.scatter [tilespmem:s2], [sflag:$0x5], $0x2800, $0x38;
	[tilespmem:$0x19100] =	vst v63  }
.Ltmp2:
0xc9: {  	_ =	swait.ge [sflag:s3], $0x2800;
	(pc) =	sbr.rel @p1 .LBB2_5-.Ltmp2, $4  }
0xca: {  	[sflag:s3] =	ssyncset.done $0x0  }
0xcb: {  	[sflag:s3] =	ssyncadd.s32 $0xFFFFD800  }
0xcc: {  	s13 =	simm.s32 $0x0;
	[bflag:$0x0] =	sbarrier.arrive $0xFFFF  }
0xcd: {  	[tilespmem:s1], [sflag:$0x3] =	stream.linear.gather [hbm4b:s19+s1], $0x50, $0x38;
	[tilespmem:$0x19100] =	vst v63  }
0xce: {  	[tilespmem:s2], [sflag:$0x1] =	stream.linear.gather [hbm4b:s22+s13], $0x2800, $0x38;
	[tilespmem:$0x19100] =	vst v63  }
0xcf: {  	s15 =	sadd.s32 $0xFFFFFFF6, s0;
	s14 =	sadd.s32 $0x0, s22  }
0xd0: {  	[tilespmem:s4], [sflag:$0x4] =	stream.linear.gather [hbm4b:s15+s1], $0x50, $0x38;
	[tilespmem:$0x19100] =	vst v63  }
0xd1: {  	s17 =	sadd.s32 $0x500, s14  }
0xd2: {  	[tilespmem:s5], [sflag:$0x2] =	stream.linear.gather [hbm4b:s17+s1], $0x2800, $0x38;
	[tilespmem:$0x19100] =	vst v63  }
0xd3: {  	_ =	swait.ge [sflag:s6], $0x50  }
0xd4: {  	[sflag:s6] =	ssyncset.done $0x0  }
0xd5: {  	[sflag:s6] =	ssyncadd.s32 $0xFFFFFFB0  }
0xd6: {  	_ =	swait.ge [sflag:s7], $0x2800  }
0xd7: {  	[sflag:s7] =	ssyncset.done $0x0  }
0xd8: {  	[sflag:s7] =	ssyncadd.s32 $0xFFFFD800  }
0xd9: {  	[spmem:s20] =	stream.indirect.scatter.add.f32 [tilespmem:s2], [sflag:$0x6], $0x80, s1, s8, $0xb8;
	[tilespmem:$0x19100] =	vst v63  }
0xda: {  	_ =	swait.ge [sflag:s9], $0x2800  }
0xdb: {  	[sflag:s9] =	ssyncset.done $0x0  }
0xdc: {  	[sflag:s9] =	ssyncadd.s32 $0xFFFFD800  }
0xdd: {  	[tilespmem:s1], [sflag:$0x3] =	stream.linear.gather [hbm4b:s0+s1], $0x50, $0x38;
	[tilespmem:$0x19100] =	vst v63  }
0xde: {  	s18 =	sadd.s32 $0xA00, s14  }
0xdf: {  	[tilespmem:s2], [sflag:$0x1] =	stream.linear.gather [hbm4b:s18+s1], $0x2800, $0x38;
	[tilespmem:$0x19100] =	vst v63  }
0xe0: {  	_ =	swait.ge [sflag:s10], $0x50  }
0xe1: {  	[sflag:s10] =	ssyncset.done $0x0  }
0xe2: {  	[sflag:s10] =	ssyncadd.s32 $0xFFFFFFB0  }
0xe3: {  	_ =	swait.ge [sflag:s11], $0x2800  }
0xe4: {  	[sflag:s11] =	ssyncset.done $0x0  }
0xe5: {  	[sflag:s11] =	ssyncadd.s32 $0xFFFFD800  }
0xe6: {  	[spmem:s20] =	stream.indirect.scatter.add.f32 [tilespmem:s5], [sflag:$0x5], $0x80, s4, s8, $0xb8;
	[tilespmem:$0x19100] =	vst v63  }
0xe7: {  	s13 =	sadd.s32 $0x14, s0;
	_ =	swait.ge [sflag:s3], $0x2800  }
0xe8: {  	s14 =	simm.s32 $0xA00;
	s15 =	simm.s32 $0x1400;
	[sflag:s3] =	ssyncset.done $0x0  }
.LBB2_3:
0xe9: {  	s17 =	sadd.s32 $0xFFFFFFF6, s13  }
0xea: {  	s18 =	sadd.s32 s14, s22;
	[sflag:s3] =	ssyncadd.s32 $0xFFFFD800;
	s14 =	smov.u32 s15  }
0xeb: {  	[tilespmem:s4], [sflag:$0x4] =	stream.linear.gather [hbm4b:s17+s1], $0x50, $0x38;
	[tilespmem:$0x19100] =	vst v63  }
0xec: {  	p2 =	seq.s32 s15, $0x26200;
	s15 =	sadd.s32 $0xA00, s15;
	s17 =	sadd.s32 $0x500, s18  }
0xed: {  	[tilespmem:s5], [sflag:$0x2] =	stream.linear.gather [hbm4b:s17+s1], $0x2800, $0x38;
	[tilespmem:$0x19100] =	vst v63  }
0xee: {  	_ =	swait.ge [sflag:s6], $0x50  }
0xef: {  	[sflag:s6] =	ssyncset.done $0x0  }
0xf0: {  	[sflag:s6] =	ssyncadd.s32 $0xFFFFFFB0  }
0xf1: {  	_ =	swait.ge [sflag:s7], $0x2800  }
0xf2: {  	[sflag:s7] =	ssyncset.done $0x0  }
0xf3: {  	[sflag:s7] =	ssyncadd.s32 $0xFFFFD800  }
0xf4: {  	[spmem:s20] =	stream.indirect.scatter.add.f32 [tilespmem:s2], [sflag:$0x6], $0x80, s1, s8, $0xb8;
	[tilespmem:$0x19100] =	vst v63  }
0xf5: {  	_ =	swait.ge [sflag:s9], $0x2800  }
0xf6: {  	[sflag:s9] =	ssyncset.done $0x0  }
0xf7: {  	[sflag:s9] =	ssyncadd.s32 $0xFFFFD800  }
0xf8: {  	[tilespmem:s1], [sflag:$0x3] =	stream.linear.gather [hbm4b:s13+s1], $0x50, $0x38;
	[tilespmem:$0x19100] =	vst v63  }
0xf9: {  	s17 =	sadd.s32 $0xA00, s18  }
0xfa: {  	[tilespmem:s2], [sflag:$0x1] =	stream.linear.gather [hbm4b:s17+s1], $0x2800, $0x38;
	[tilespmem:$0x19100] =	vst v63  }
0xfb: {  	_ =	swait.ge [sflag:s10], $0x50  }
0xfc: {  	[sflag:s10] =	ssyncset.done $0x0  }
0xfd: {  	[sflag:s10] =	ssyncadd.s32 $0xFFFFFFB0  }
0xfe: {  	_ =	swait.ge [sflag:s11], $0x2800  }
.Ltmp3:
0xff: {  	[sflag:s11] =	ssyncset.done $0x0;
	(pc) =	sbr.rel @!p2 .LBB2_3-.Ltmp3, $4  }
0x100: {  	[sflag:s11] =	ssyncadd.s32 $0xFFFFD800  }
0x101: {  	[spmem:s20] =	stream.indirect.scatter.add.f32 [tilespmem:s5], [sflag:$0x5], $0x80, s4, s8, $0xb8;
	[tilespmem:$0x19100] =	vst v63  }
0x102: {  	_ =	swait.ge [sflag:s3], $0x2800  }
0x103: {  	s13 =	sadd.s32 $0x14, s13;
	[sflag:s3] =	ssyncset.done $0x0  }
0x104: {  	s15 =	sadd.s32 $0xFFFFFFF6, s13;
	s14 =	sadd.s32 s14, s22;
	[sflag:s3] =	ssyncadd.s32 $0xFFFFD800  }
0x105: {  	[tilespmem:s4], [sflag:$0x4] =	stream.linear.gather [hbm4b:s15+s1], $0x50, $0x38;
	[tilespmem:$0x19100] =	vst v63  }
0x106: {  	s17 =	sadd.s32 $0x500, s14  }
0x107: {  	[tilespmem:s5], [sflag:$0x2] =	stream.linear.gather [hbm4b:s17+s1], $0x2800, $0x38;
	[tilespmem:$0x19100] =	vst v63  }
0x108: {  	_ =	swait.ge [sflag:s6], $0x50  }
0x109: {  	[sflag:s6] =	ssyncset.done $0x0  }
0x10a: {  	[sflag:s6] =	ssyncadd.s32 $0xFFFFFFB0  }
0x10b: {  	_ =	swait.ge [sflag:s7], $0x2800  }
0x10c: {  	[sflag:s7] =	ssyncset.done $0x0  }
0x10d: {  	[sflag:s7] =	ssyncadd.s32 $0xFFFFD800  }
0x10e: {  	[spmem:s20] =	stream.indirect.scatter.add.f32 [tilespmem:s2], [sflag:$0x6], $0x80, s1, s8, $0xb8;
	[tilespmem:$0x19100] =	vst v63  }
0x10f: {  	_ =	swait.ge [sflag:s9], $0x2800  }
0x110: {  	[sflag:s9] =	ssyncset.done $0x0  }
0x111: {  	[sflag:s9] =	ssyncadd.s32 $0xFFFFD800  }
0x112: {  	[tilespmem:s1], [sflag:$0x3] =	stream.linear.gather [hbm4b:s13+s1], $0x50, $0x38;
	[tilespmem:$0x19100] =	vst v63  }
0x113: {  	s18 =	sadd.s32 $0xA00, s14  }
0x114: {  	[tilespmem:s2], [sflag:$0x1] =	stream.linear.gather [hbm4b:s18+s1], $0x2800, $0x38;
	[tilespmem:$0x19100] =	vst v63  }
0x115: {  	_ =	swait.ge [sflag:s10], $0x50  }
0x116: {  	[sflag:s10] =	ssyncset.done $0x0  }
0x117: {  	[sflag:s10] =	ssyncadd.s32 $0xFFFFFFB0  }
0x118: {  	_ =	swait.ge [sflag:s11], $0x2800  }
0x119: {  	[sflag:s11] =	ssyncset.done $0x0  }
.Ltmp4:
0x11a: {  	[sflag:s11] =	ssyncadd.s32 $0xFFFFD800;
	(pc) =	sbr.rel .LBB2_8-.Ltmp4, $4  }
0x11b: {  	[spmem:s20] =	stream.indirect.scatter.add.f32 [tilespmem:s5], [sflag:$0x5], $0x80, s4, s8, $0xb8;
	[tilespmem:$0x19100] =	vst v63  }
0x11c: {  	_ =	swait.ge [sflag:s3], $0x2800  }
0x11d: {  	[sflag:s3] =	ssyncset.done $0x0  }
0x11e: {  	[sflag:s3] =	ssyncadd.s32 $0xFFFFD800  }
.LBB2_5:
0x11f: {  	[tilespmem:s2], [sflag:$0x1] =	stream.linear.gather [hbm4b:s21+s13], $0x2800, $0x38;
	[tilespmem:$0x19100] =	vst v63  }
0x120: {  	s15 =	sadd.s32 $0xFFFFFFF6, s0;
	s14 =	sadd.s32 $0x0, s21  }
0x121: {  	[tilespmem:s4], [sflag:$0x4] =	stream.linear.gather [hbm4b:s15+s1], $0x50, $0x38;
	[tilespmem:$0x19100] =	vst v63  }
0x122: {  	s17 =	sadd.s32 $0x500, s14  }
0x123: {  	[tilespmem:s5], [sflag:$0x2] =	stream.linear.gather [hbm4b:s17+s1], $0x2800, $0x38;
	[tilespmem:$0x19100] =	vst v63  }
0x124: {  	_ =	swait.ge [sflag:s6], $0x50  }
0x125: {  	[sflag:s6] =	ssyncset.done $0x0  }
0x126: {  	[sflag:s6] =	ssyncadd.s32 $0xFFFFFFB0  }
0x127: {  	_ =	swait.ge [sflag:s7], $0x2800  }
0x128: {  	[sflag:s7] =	ssyncset.done $0x0  }
0x129: {  	[sflag:s7] =	ssyncadd.s32 $0xFFFFD800  }
0x12a: {  	[spmem:s20] =	stream.indirect.scatter.add.f32 [tilespmem:s2], [sflag:$0x6], $0x80, s1, s8, $0xb8;
	[tilespmem:$0x19100] =	vst v63  }
0x12b: {  	_ =	swait.ge [sflag:s9], $0x2800  }
0x12c: {  	[sflag:s9] =	ssyncset.done $0x0  }
0x12d: {  	[sflag:s9] =	ssyncadd.s32 $0xFFFFD800  }
0x12e: {  	[tilespmem:s1], [sflag:$0x3] =	stream.linear.gather [hbm4b:s0+s1], $0x50, $0x38;
	[tilespmem:$0x19100] =	vst v63  }
0x12f: {  	s18 =	sadd.s32 $0xA00, s14  }
0x130: {  	[tilespmem:s2], [sflag:$0x1] =	stream.linear.gather [hbm4b:s18+s1], $0x2800, $0x38;
	[tilespmem:$0x19100] =	vst v63  }
0x131: {  	_ =	swait.ge [sflag:s10], $0x50  }
0x132: {  	[sflag:s10] =	ssyncset.done $0x0  }
0x133: {  	[sflag:s10] =	ssyncadd.s32 $0xFFFFFFB0  }
0x134: {  	_ =	swait.ge [sflag:s11], $0x2800  }
0x135: {  	[sflag:s11] =	ssyncset.done $0x0  }
0x136: {  	[sflag:s11] =	ssyncadd.s32 $0xFFFFD800  }
0x137: {  	[spmem:s20] =	stream.indirect.scatter.add.f32 [tilespmem:s5], [sflag:$0x5], $0x80, s4, s8, $0xb8;
	[tilespmem:$0x19100] =	vst v63  }
0x138: {  	s13 =	sadd.s32 $0x14, s0;
	_ =	swait.ge [sflag:s3], $0x2800  }
0x139: {  	s14 =	simm.s32 $0xA00;
	s15 =	simm.s32 $0x1400;
	[sflag:s3] =	ssyncset.done $0x0  }
.LBB2_6:
0x13a: {  	s17 =	sadd.s32 $0xFFFFFFF6, s13  }
0x13b: {  	s18 =	sadd.s32 s14, s21;
	[sflag:s3] =	ssyncadd.s32 $0xFFFFD800;
	s14 =	smov.u32 s15  }
0x13c: {  	[tilespmem:s4], [sflag:$0x4] =	stream.linear.gather [hbm4b:s17+s1], $0x50, $0x38;
	[tilespmem:$0x19100] =	vst v63  }
0x13d: {  	p2 =	sne.s32 s15, $0x26200;
	s15 =	sadd.s32 $0xA00, s15;
	s17 =	sadd.s32 $0x500, s18  }
0x13e: {  	[tilespmem:s5], [sflag:$0x2] =	stream.linear.gather [hbm4b:s17+s1], $0x2800, $0x38;
	[tilespmem:$0x19100] =	vst v63  }
0x13f: {  	_ =	swait.ge [sflag:s6], $0x50  }
0x140: {  	[sflag:s6] =	ssyncset.done $0x0  }
0x141: {  	[sflag:s6] =	ssyncadd.s32 $0xFFFFFFB0  }
0x142: {  	_ =	swait.ge [sflag:s7], $0x2800  }
0x143: {  	[sflag:s7] =	ssyncset.done $0x0  }
0x144: {  	[sflag:s7] =	ssyncadd.s32 $0xFFFFD800  }
0x145: {  	[spmem:s20] =	stream.indirect.scatter.add.f32 [tilespmem:s2], [sflag:$0x6], $0x80, s1, s8, $0xb8;
	[tilespmem:$0x19100] =	vst v63  }
0x146: {  	_ =	swait.ge [sflag:s9], $0x2800  }
0x147: {  	[sflag:s9] =	ssyncset.done $0x0  }
0x148: {  	[sflag:s9] =	ssyncadd.s32 $0xFFFFD800  }
0x149: {  	[tilespmem:s1], [sflag:$0x3] =	stream.linear.gather [hbm4b:s13+s1], $0x50, $0x38;
	[tilespmem:$0x19100] =	vst v63  }
0x14a: {  	s17 =	sadd.s32 $0xA00, s18  }
0x14b: {  	[tilespmem:s2], [sflag:$0x1] =	stream.linear.gather [hbm4b:s17+s1], $0x2800, $0x38;
	[tilespmem:$0x19100] =	vst v63  }
0x14c: {  	_ =	swait.ge [sflag:s10], $0x50  }
0x14d: {  	[sflag:s10] =	ssyncset.done $0x0  }
0x14e: {  	[sflag:s10] =	ssyncadd.s32 $0xFFFFFFB0  }
0x14f: {  	_ =	swait.ge [sflag:s11], $0x2800  }
.Ltmp5:
0x150: {  	[sflag:s11] =	ssyncset.done $0x0;
	(pc) =	sbr.rel @p2 .LBB2_6-.Ltmp5, $4  }
0x151: {  	[sflag:s11] =	ssyncadd.s32 $0xFFFFD800  }
0x152: {  	[spmem:s20] =	stream.indirect.scatter.add.f32 [tilespmem:s5], [sflag:$0x5], $0x80, s4, s8, $0xb8;
	[tilespmem:$0x19100] =	vst v63  }
0x153: {  	_ =	swait.ge [sflag:s3], $0x2800  }
0x154: {  	s13 =	sadd.s32 $0x14, s13;
	[sflag:s3] =	ssyncset.done $0x0  }
.Ltmp6:
0x155: {  	_ = 	snop;
	(pc) =	sbr.rel .LBB2_7-.Ltmp6, $1  }
0x156: {  	_ =	sdelay $0x3  }
.LBB2_9:
0x157: {  	_ =	sfence.sel $0x180000  }
0x158: {  	[bflag:$0x0] =	sbarrier.arrive $0xFFFF  }
0x159: {  	_ =	strace $0x90000050  }
0x15a: {  	s0 =	stileid.u32;
	[bflag:$0x2] =	sbarrier.arrive $0xFFFF  }
0x15b: {  	p0 =	sne.s32 s0, $0x0;
	s0 =	rddreg [dreg:$0x2]  }
0x15c: {  	s0 =	sadd.s32 @!p0 $0x100000, s0  }
0x15d: {  	[sflag:s0] =	ssyncadd.tile.s32 @!p0 $0x1;
	_ =	shalt  }
.Lfunc_end2:
_tile_overlayer_lowered:
.L_overlay_start_2:
0x15e: {  	(tag) =	ssettag $0x2  }
0x15f: {  	s0 =	rddreg [dreg:$0x0];
	s2 =	stileid.u32  }
0x160: {  	s1 =	rddreg [dreg:$0x1];
	p0 =	sne.s32 s2, $0x0  }
0x161: {  	s3 =	rddreg [dreg:$0x2];
	[bflag:$0x3] =	sbarrier.arrive $0xFFFF;
	s2 =	simm.s32 @!p0 $0x1C05  }
0x162: {  	[timem:s3], [sflag:s2] =	dma.local @!p0 [hbm:s0], s1  }
0x163: {  	s0 =	simm.s32 @!p0 $0x5  }
0x164: {  	_ =	swait.ge @!p0 [sflag:s0], s1  }
0x165: {  	s1 =	ssub.s32 @!p0 $0x0, s1;
	[sflag:s0] =	ssyncset.done @!p0 $0x0  }
0x166: {  	[sflag:s0] =	ssyncadd.s32 @!p0 s1  }
0x167: {  	[bflag:$0x3] =	sbarrier.arrive $0xFFFF  }
0x168: {  	_ =	shalt  }

// kernel: kernel.16.cloned.1.call-start
scs
__scs_entry_jumppad:
0x0: {  	(pc) =	sbr.rel $0x88, $3  }
0x1: {  	(tag) =	ssettag $0x0;
	lr =	simm.s32 $0x1  }
0x2: {  	[smem:$0x3F90] =	sst lr;
	_ =	strace $0xD0000000  }
0x3: {  	_ = 	snop  }
0x4: {  	_ = 	snop  }
0x5: {  	_ = 	snop  }
0x6: {  	_ = 	snop  }
0x7: {  	_ = 	snop  }
__scs_overlays_trampoline_lowered:
0x8: {  	[smem:$0x3F9F] =	sst s0  }
0x9: {  	[smem:$0x3FA0] =	sst s1  }
0xa: {  	[smem:$0x3FA1] =	sst s2  }
0xb: {  	[smem:$0x3FA2] =	sst s3  }
0xc: {  	[smem:$0x3FA3] =	sst s4  }
0xd: {  	[smem:$0x3FA4] =	sst s5  }
0xe: {  	[smem:$0x3FA5] =	sst s6  }
0xf: {  	[smem:$0x3FA6] =	sst s7  }
0x10: {  	[smem:$0x3FA7] =	sst s8  }
0x11: {  	[smem:$0x3FA8] =	sst s9;
	s0 =	simm.s32 @!p0 $0x0  }
0x12: {  	s1 =	sld [smem:$0x3F8E];
	s0 =	simm.s32 @p0 $0x1  }
0x13: {  	[smem:$0x3FA9] =	sst s0;
	s0 =	simm.s32 @!p1 $0x0  }
0x14: {  	s2 =	sld [smem:$0x3F8D];
	s0 =	simm.s32 @p1 $0x1  }
0x15: {  	[smem:$0x3FAA] =	sst s0;
	s0 =	simm.s32 @!p2 $0x0  }
0x16: {  	s3 =	sld [smem:$0x3FDB];
	s0 =	simm.s32 @p2 $0x1  }
0x17: {  	s4 =	simm.s32 $0x1BF5;
	[smem:$0x3FAC] =	sst s0  }
0x18: {  	s0 =	sld [smem:$0x3F8F];
	_ =	swait.ge [sflag:s4], $0x0  }
0x19: {  	s7 =	sld [smem:$0x3F90]  }
0x1a: {  	s8 =	sadd.s32 $0xFFFFE003, lr  }
0x1b: {  	s9 =	sadd.s32 $0xFFFFFEF7, lr;
	s5 =	simm.s32 $0xFFFFFFFF;
	p2 =	slt.u32 s8, $0xFFFFF086  }
0x1c: {  	p1 =	slt.u32 s9, $0xF7A;
	s5 =	simm.s32 @!p2 $0x0  }
0x1d: {  	s5 =	simm.s32 @p1 $0x1;
	p0 =	seq.s32 s7, s2  }
0x1e: {  	s7 =	smul.u32 @!p0 $0xF7A, s2;
	p2 =	seq.s32 @!p0 s5, $0x0  }
0x1f: {  	s9 =	smul.u32 $0xF7A, s1;
	s8 =	simm.s32 @!p0 $0x1BF5;
	p2 =	por !p2, p0  }
0x20: {  	[sflag:s8] =	ssyncset.s32 @!p0 $0xFFFFF086;
	s6 =	sadd.s32 @!p0 s3, s7;
	s7 =	simm.s32 @!p0 $0x108  }
0x21: {  	s3 =	sadd.s32 s3, s9;
	s6 =	sadd.s32 @!p0 $0x88, s6;
	s7 =	simm.s32 @p2 $0x1082  }
0x22: {  	[simem:s7], [sflag:s8] =	dma.local @!p0 [hbm:s6], $0xF7A  }
0x23: {  	s9 =	sor.u32 $0xD0000000, s2;
	s6 =	simm.s32 $0x108;
	_ =	swait.ge @!p0 [sflag:s8], $0x0  }
0x24: {  	s3 =	sadd.s32 $0x88, s3;
	s6 =	simm.s32 @!p1 $0x1082;
	[sflag:s4] =	ssyncset.s32 $0xFFFFF086  }
0x25: {  	[simem:s6], [sflag:s4] =	dma.local [hbm:s3], $0xF7A  }
0x26: {  	[smem:$0x3F90] =	sst s1;
	(tag) =	ssettag s2;
	_ =	strace s9  }
0x27: {  	s1 =	sld [smem:$0x3FA0]  }
0x28: {  	s2 =	sld [smem:$0x3FA1]  }
0x29: {  	s4 =	sld [smem:$0x3FA3]  }
0x2a: {  	p0 =	seq.s32 s5, $0x0;
	s5 =	sld [smem:$0x3FA4]  }
0x2b: {  	s6 =	sld [smem:$0x3FA5]  }
0x2c: {  	s7 =	sld [smem:$0x3FA6]  }
0x2d: {  	s3 =	simm.s32 $0x108;
	s8 =	sld [smem:$0x3FA7]  }
0x2e: {  	s3 =	simm.s32 @!p0 $0x1082;
	s9 =	sld [smem:$0x3FA8]  }
0x2f: {  	lr =	sadd.s32 s0, s3;
	s0 =	sld [smem:$0x3F9F]  }
0x30: {  	s3 =	sld [smem:$0x3FA2]  }
0x31: {  	[smem:$0x3FAB] =	sst s10  }
0x32: {  	s10 =	sld [smem:$0x3FA9];
	_ =	sdelay $0x3  }
0x33: {  	p0 =	seq.s32 s10, $0x1;
	s10 =	sld [smem:$0x3FAB];
	_ =	sdelay $0x3  }
0x34: {  	[smem:$0x3FAB] =	sst s10  }
0x35: {  	s10 =	sld [smem:$0x3FAA];
	_ =	sdelay $0x3  }
0x36: {  	p1 =	seq.s32 s10, $0x1;
	s10 =	sld [smem:$0x3FAB];
	_ =	sdelay $0x3  }
0x37: {  	[smem:$0x3FAB] =	sst s10  }
0x38: {  	s10 =	sld [smem:$0x3FAC]  }
0x39: {  	_ = 	snop;
	(pc) =	sbr.ind lr, $3  }
0x3a: {  	_ = 	snop  }
0x3b: {  	_ = 	snop  }
0x3c: {  	p2 =	seq.s32 s10, $0x1;
	s10 =	sld [smem:$0x3FAB]  }
0x3d: {  	_ =	shalt  }
0x3e: {  	_ =	shalt  }
0x3f: {  	_ =	shalt  }
0x40: {  	_ =	shalt  }
0x41: {  	_ =	shalt  }
0x42: {  	_ =	shalt  }
0x43: {  	_ =	shalt  }
0x44: {  	_ =	shalt  }
0x45: {  	_ =	shalt  }
0x46: {  	_ =	shalt  }
0x47: {  	_ =	shalt  }
0x48: {  	_ =	shalt  }
0x49: {  	_ =	shalt  }
0x4a: {  	_ =	shalt  }
0x4b: {  	_ =	shalt  }
0x4c: {  	_ =	shalt  }
0x4d: {  	_ =	shalt  }
0x4e: {  	_ =	shalt  }
0x4f: {  	_ =	shalt  }
0x50: {  	_ =	shalt  }
0x51: {  	_ =	shalt  }
0x52: {  	_ =	shalt  }
0x53: {  	_ =	shalt  }
0x54: {  	_ =	shalt  }
0x55: {  	_ =	shalt  }
0x56: {  	_ =	shalt  }
0x57: {  	_ =	shalt  }
0x58: {  	_ =	shalt  }
0x59: {  	_ =	shalt  }
0x5a: {  	_ =	shalt  }
0x5b: {  	_ =	shalt  }
0x5c: {  	_ =	shalt  }
0x5d: {  	_ =	shalt  }
0x5e: {  	_ =	shalt  }
0x5f: {  	_ =	shalt  }
0x60: {  	_ =	shalt  }
0x61: {  	_ =	shalt  }
0x62: {  	_ =	shalt  }
0x63: {  	_ =	shalt  }
0x64: {  	_ =	shalt  }
0x65: {  	_ =	shalt  }
0x66: {  	_ =	shalt  }
0x67: {  	_ =	shalt  }
0x68: {  	_ =	shalt  }
0x69: {  	_ =	shalt  }
0x6a: {  	_ =	shalt  }
0x6b: {  	_ =	shalt  }
0x6c: {  	_ =	shalt  }
0x6d: {  	_ =	shalt  }
0x6e: {  	_ =	shalt  }
0x6f: {  	_ =	shalt  }
0x70: {  	_ =	shalt  }
0x71: {  	_ =	shalt  }
0x72: {  	_ =	shalt  }
0x73: {  	_ =	shalt  }
0x74: {  	_ =	shalt  }
0x75: {  	_ =	shalt  }
0x76: {  	_ =	shalt  }
0x77: {  	_ =	shalt  }
0x78: {  	_ =	shalt  }
0x79: {  	_ =	shalt  }
0x7a: {  	_ =	shalt  }
0x7b: {  	_ =	shalt  }
0x7c: {  	_ =	shalt  }
0x7d: {  	_ =	shalt  }
0x7e: {  	_ =	shalt  }
0x7f: {  	_ =	shalt  }
0x80: {  	_ =	shalt  }
0x81: {  	_ =	shalt  }
0x82: {  	_ =	shalt  }
0x83: {  	_ =	shalt  }
0x84: {  	_ =	shalt  }
0x85: {  	_ =	shalt  }
0x86: {  	_ =	shalt  }
0x87: {  	_ =	shalt  }
.Lfunc_end0:
.L_simem_size_0:
called_computation.2_lowered:
.L_overlay_start_0:
0x88: {  	s2 =	sld [smem:$0x3FD9]  }
0x89: {  	s3 =	sld [smem:$0x3FFE];
	_ =	sdelay $0x1  }
0x8a: {  	s1 =	srdreg.scid  }
0x8b: {  	s0 =	sand.u32 $0x1, s1  }
0x8c: {  	s16 =	sshll.u32 s0, $0xA;
	s2 =	sadd.s32 s3, s2  }
0x8d: {  	s2 =	sadd.s32 s2, s16  }
0x8e: {  	[smem:$0x3FB7] =	sst s2  }
0x8f: {  	_ = 	snop  }
0x90: {  	(tm) =	ssettm $0x1  }
0x91: {  	s17 =	sld [smem:$0x3FFB];
	_ =	sdelay $0x3  }
0x92: {  	_ =	strace s17  }
0x93: {  	s2 =	sld [smem:$0x3FFC];
	_ =	sdelay $0x3  }
0x94: {  	_ =	strace s2  }
0x95: {  	s2 =	sld [smem:$0x3FFD];
	_ =	sdelay $0x3  }
0x96: {  	_ =	strace s2  }
0x97: {  	_ =	strace $0x8FFFFFFF  }
0x98: {  	s18 =	sld [smem:$0x3FDB];
	_ =	sdelay $0x1  }
0x99: {  	s19 =	simm.s32 $_scs_section_size  }
0x9a: {  	s4 =	simm.s32 $_size__tile_overlayer_lowered;
	s5 =	simm.s32 $_tile_overlayer_lowered  }
0x9b: {  	s22 =	simm.s32 $0x1BFF;
	s21 =	sshll.u32 s5, $0x1;
	s2 =	sadd.s32 s19, s18  }
0x9c: {  	s6 =	simm.s32 $0x0;
	s20 =	sshll.u32 s4, $0x1;
	s4 =	sadd.s32 s21, s2  }
0x9d: {  	[timem:s6], [sflag:s22] =	dma.local [hbm:s4], s20  }
0x9e: {  	_ =	swait.ge [sflag:s22], s20  }
0x9f: {  	s3 =	ssub.s32 $0x0, s20;
	[sflag:s22] =	ssyncset.done $0x0  }
0xa0: {  	[sflag:s22] =	ssyncadd.s32 s3;
	_ =	sdelay $0x1  }
0xa1: {  	s23 =	simm.s32 $0x1B8B  }
0xa2: {  	_ =	swait.ge [sflag:s23], $0x1  }
0xa3: {  	[sflag:s23] =	ssyncset.done $0x0  }
0xa4: {  	s25 =	simm.s32 $0x1B8E;
	s24 =	sld [smem:$0x3FFE];
	[sflag:s23] =	ssyncadd.s32 $0xFFFFFFFF  }
0xa5: {  	s26 =	simm.s32 $execute0_lowered;
	[smem:$0x3FD2] =	sst s25  }
0xa6: {  	s4 =	sshll.u32 s26, $0x1;
	_ =	strace $0x80000046;
	[dreg:$0x1] =	wrdreg $0xFFFFFFFF  }
0xa7: {  	s28 =	simm.s32 $_size_execute0_lowered;
	s2 =	sadd.s32 s2, s4;
	[dreg:$0x0] =	wrdreg $0x0  }
0xa8: {  	s4 =	sshll.u32 s28, $0x1;
	[dreg:$0x2] =	wrdreg s2  }
0xa9: {  	[dreg:$0x3] =	wrdreg s4  }
0xaa: {  	[dreg:$0x4] =	wrdreg $0xC0  }
0xab: {  	_ =	task [dreg:s6], $0x5FFFF  }
0xac: {  	[dreg:$0x1] =	wrdreg $0xFFFFFFFF  }
0xad: {  	[dreg:$0x0] =	wrdreg $0x60  }
0xae: {  	[dreg:$0x2] =	wrdreg s24  }
0xaf: {  	[dreg:$0x3] =	wrdreg $0xA  }
0xb0: {  	_ =	task.clear_ibuf [dreg:s6], $0x4FFFF;
	_ =	strace $0x90000046  }
0xb1: {  	s29 =	simm.s32 $0xA;
	_ =	strace $0x80000048  }
0xb2: {  	_ =	swait.ge [sflag:s29], $0x1  }
0xb3: {  	[sflag:s29] =	ssyncadd.s32 $0xFFFFFFFF  }
0xb4: {  	_ =	strace $0x90000048  }
0xb5: {  	_ =	sfence  }
0xb6: {  	s30 =	sld [smem:$0x0];
	_ =	sdelay $0x2  }
0xb7: {  	s31 =	sshll.u32 s1, $0xD;
	s1 =	sshrl.u32 s1, $0x2  }
0xb8: {  	s3 =	sand.u32 $0x4000, s31;
	s1 =	sadd.s32 s1, s30  }
0xb9: {  	s0 =	sor.u32 s3, s0;
	s1 =	sshll.u32 s1, $0x11  }
0xba: {  	s0 =	sor.u32 s1, s0  }
0xbb: {  	s0 =	sadd.s32 $0x8F2B, s0  }
0xbc: {  	[sflag:s0] =	ssyncadd.remote.s32 $0x1  }
0xbd: {  	_ =	sfence.sel $0xFFFF  }
0xbe: {  	[dreg:$0x0] =	wrdreg $0xFFFFFFFF;
	(pc) =	sbr.abs _section_cstart, $3  }
0xbf: {  	[dreg:$0x1] =	wrdreg $0xFFFFFFFF  }
0xc0: {  	_ =	task.clear_ibuf [dreg:s6], $0x2FFFF;
	_ =	strace $0x9FFFFFFF  }
0xc1: {  	(tm) =	ssettm $0x7FFFFFFF  }
tec
execute0_lowered:
.L_overlay_start_1:
0x0: {  	(tag) =	ssettag $0x1  }
0x1: {  	s0 =	srdreg.scid  }
0x2: {  	s2 =	stileid.u32;
	s1 =	rddreg [dreg:$0x0]  }
0x3: {  	s12 =	simm.s32 $0x2800;
	s16 =	simm.s32 $0x4800;
	s17 =	simm.s32 $0x5000  }
0x4: {  	s18 =	simm.s32 $0x5800;
	s19 =	simm.s32 $0x6000;
	s20 =	simm.s32 $0x6800  }
0x5: {  	s21 =	simm.s32 $0x7000;
	s22 =	simm.s32 $0x7800;
	s11 =	simm.s32 $0x2  }
0x6: {  	s8 =	simm.s32 $0x4;
	s0 =	sand.u32 $0x1, s0;
	s3 =	sshll.u32 s2, $0x1  }
0x7: {  	s9 =	simm.s32 $0x5;
	s13 =	simm.s32 $0x0;
	s3 =	sor.u32 s0, s3  }
0x8: {  	s2 =	simm.s32 $0x0;
	s0 =	ssub.s32 $0x2, s0;
	s3 =	smul.u32 $0x1388, s3  }
0x9: {  	s4 =	sadd.s32 $0x5EC00, s1;
	s5 =	sadd.s32 $0x10A00, s1;
	s29 =	sshrl.u32 s0, $0x1  }
.Ltmp0:
0xa: {  	s0 =	ssub.s32 s0, s29;
	s6 =	sshrl.u32 s3, $0x3;
	(pc) =	sbr.rel .LBB2_1-.Ltmp0, $4  }
0xb: {  	[smem:$0x7FF] =	sst s2;
	s0 =	smax.u32 s0, $0x1;
	s7 =	sadd.s32 s6, s1  }
0xc: {  	v2 =	vlaneseq.u32;
	_ =	strace $0x80000047;
	[dreg:$0x4] =	wrdreg s0;
	s30 =	sadd.s32 $0x6A00, s7  }
0xd: {  	vm0 =	vmmov $0xffff;
	v1 =	vshrl.u32 v2, $0x3;
	s6 =	sadd.s32 $0xACE00, s1;
	s31 =	sadd.s32 $0xBA00, s7;
	[dreg:$0x2] =	wrdreg s30  }
0xe: {  	v0 =	vand.u32 $0x7, v2;
	v2 =	vor.u32 $0x8, v2;
	v1 =	vmul.u32 $0x8, v1;
	s0 =	simm.s32 $0x1;
	s7 =	simm.s32 $0x3;
	[dreg:$0x3] =	wrdreg s31  }
.LBB2_13:
0xf: {  	_ =	swait.ge [sflag:s9], $0x2800  }
0x10: {  	[sflag:s9] =	ssyncset.done $0x0  }
0x11: {  	s10 =	simm.s32 $0x6;
	[sflag:s9] =	ssyncadd.s32 $0xFFFFD800  }
0x12: {  	_ =	swait.ge [sflag:s10], $0x2800  }
0x13: {  	s13 =	rddreg [dreg:$0x5]  }
0x14: {  	s1 =	rddreg [dreg:$0x4];
	s13 =	sadd.s32 $0x1, s13  }
0x15: {  	p0 =	sne.s32 s13, s1  }
.Ltmp1:
0x16: {  	_ = 	snop;
	(pc) =	sbr.rel @!p0 .LBB2_14-.Ltmp1, $3  }
0x17: {  	_ =	sdelay $0x1  }
0x18: {  	[sflag:s10] =	ssyncset.done $0x0  }
0x19: {  	[sflag:s10] =	ssyncadd.s32 $0xFFFFD800  }
.LBB2_1:
0x1a: {  	[dreg:$0x5] =	wrdreg s13  }
0x1b: {  	s1 =	rddreg [dreg:$0x2];
	s10 =	simm.s32 $0x7  }
0x1c: {  	[tilespmem:s2], [sflag:$0x7] =	stream.linear.gather [hbm4b:s1+s2], $0x1388, $0x38;
	[tilespmem:$0xC800] =	vst v63  }
0x1d: {  	_ =	swait.ge [sflag:s10], $0x1388  }
0x1e: {  	[sflag:s10] =	ssyncset.done $0x0  }
0x1f: {  	s28 =	simm.s32 $0x1400;
	s26 =	rddreg [dreg:$0x3];
	[sflag:s10] =	ssyncadd.s32 $0xFFFFEC78  }
0x20: {  	[tilespmem:s28], [sflag:$0x7] =	stream.linear.gather [hbm4b:s26+s2], $0x1388, $0x38;
	[tilespmem:$0xC800] =	vst v63  }
0x21: {  	_ =	swait.ge [sflag:s10], $0x1388  }
0x22: {  	[sflag:s10] =	ssyncset.done $0x0  }
0x23: {  	[sflag:s10] =	ssyncadd.s32 $0xFFFFEC78  }
0x24: {  	v3 =	vld [tilespmem:$0x0];
	_ =	sdelay $0x4  }
0x25: {  	v4 =	vshll.u32 v3, $0x1  }
0x26: {  	v3 =	vand.u32 $0x7, v3;
	v4 =	vand.u32 $0xFFFFFFF0, v4  }
0x27: {  	v3 =	vor.u32 v3, v4  }
0x28: {  	v4 =	vperm.xlane v3, v0;
	_ =	sdelay $0x1  }
0x29: {  	v3 =	vperm.xlane v3, v2;
	v4 =	vadd.s32 v1, v4;
	_ =	sdelay $0x1  }
0x2a: {  	v3 =	vadd.s32 v1, v3;
	_ =	sdelay $0x2  }
0x2b: {  	[tilespmem:s12], [sflag:$0x1] =	stream.indirect_vreg.gather [hbm4b:s4+s2], $0x80, v4, vm0, $0xb8;
	[tilespmem:$0xC800] =	vst v63  }
0x2c: {  	s29 =	simm.s32 $0x3000  }
0x2d: {  	[tilespmem:s29], [sflag:$0x1] =	stream.indirect_vreg.gather [hbm4b:s4+s2], $0x80, v3, vm0, $0xb8;
	[tilespmem:$0xC800] =	vst v63  }
0x2e: {  	v3 =	vld [tilespmem:$0x10];
	_ =	sdelay $0x4  }
0x2f: {  	v59 =	vshll.u32 v3, $0x1  }
0x30: {  	v3 =	vand.u32 $0x7, v3;
	v4 =	vand.u32 $0xFFFFFFF0, v59  }
0x31: {  	v3 =	vor.u32 v3, v4  }
0x32: {  	v4 =	vperm.xlane v3, v0;
	_ =	sdelay $0x1  }
0x33: {  	v3 =	vperm.xlane v3, v2;
	v4 =	vadd.s32 v1, v4;
	_ =	sdelay $0x1  }
0x34: {  	v3 =	vadd.s32 v1, v3;
	_ =	sdelay $0x1  }
0x35: {  	s30 =	simm.s32 $0x3800  }
0x36: {  	[tilespmem:s30], [sflag:$0x1] =	stream.indirect_vreg.gather [hbm4b:s4+s2], $0x80, v4, vm0, $0xb8;
	[tilespmem:$0xC800] =	vst v63  }
0x37: {  	s31 =	simm.s32 $0x4000  }
0x38: {  	[tilespmem:s31], [sflag:$0x1] =	stream.indirect_vreg.gather [hbm4b:s4+s2], $0x80, v3, vm0, $0xb8;
	[tilespmem:$0xC800] =	vst v63  }
0x39: {  	v3 =	vld.msk [tilespmem:$0x20], $0xff;
	_ =	sdelay $0x4  }
0x3a: {  	v60 =	vshll.u32 v3, $0x1  }
0x3b: {  	v3 =	vand.u32 $0x7, v3;
	v4 =	vand.u32 $0xFFFFFFF0, v60  }
0x3c: {  	v3 =	vor.u32 v3, v4  }
0x3d: {  	v3 =	vperm.xlane v3, v0;
	_ =	sdelay $0x1  }
0x3e: {  	v3 =	vadd.s32 v1, v3;
	_ =	sdelay $0x4  }
0x3f: {  	[tilespmem:s16], [sflag:$0x1] =	stream.indirect_vreg.gather [hbm4b:s4+s2], $0x80, v3, vm0, $0xb8;
	[tilespmem:$0xC800] =	vst v63  }
0x40: {  	v3 =	vld [tilespmem:$0x1400];
	_ =	sdelay $0x4  }
0x41: {  	v61 =	vshll.u32 v3, $0x1  }
0x42: {  	v3 =	vand.u32 $0x7, v3;
	v4 =	vand.u32 $0xFFFFFFF0, v61  }
0x43: {  	v3 =	vor.u32 v3, v4  }
0x44: {  	v4 =	vperm.xlane v3, v0;
	_ =	sdelay $0x1  }
0x45: {  	v3 =	vperm.xlane v3, v2;
	v4 =	vadd.s32 v1, v4;
	_ =	sdelay $0x1  }
0x46: {  	v3 =	vadd.s32 v1, v3;
	_ =	sdelay $0x2  }
0x47: {  	[tilespmem:s17], [sflag:$0x2] =	stream.indirect_vreg.gather [hbm4b:s5+s2], $0x80, v4, vm0, $0xb8;
	[tilespmem:$0xC800] =	vst v63  }
0x48: {  	_ = 	snop  }
0x49: {  	[tilespmem:s18], [sflag:$0x2] =	stream.indirect_vreg.gather [hbm4b:s5+s2], $0x80, v3, vm0, $0xb8;
	[tilespmem:$0xC800] =	vst v63  }
0x4a: {  	v3 =	vld [tilespmem:$0x1410];
	_ =	sdelay $0x4  }
0x4b: {  	v62 =	vshll.u32 v3, $0x1  }
0x4c: {  	v3 =	vand.u32 $0x7, v3;
	v4 =	vand.u32 $0xFFFFFFF0, v62  }
0x4d: {  	v3 =	vor.u32 v3, v4  }
0x4e: {  	v4 =	vperm.xlane v3, v0;
	_ =	sdelay $0x1  }
0x4f: {  	v3 =	vperm.xlane v3, v2;
	v4 =	vadd.s32 v1, v4;
	_ =	sdelay $0x1  }
0x50: {  	v3 =	vadd.s32 v1, v3;
	_ =	sdelay $0x2  }
0x51: {  	[tilespmem:s19], [sflag:$0x2] =	stream.indirect_vreg.gather [hbm4b:s5+s2], $0x80, v4, vm0, $0xb8;
	[tilespmem:$0xC800] =	vst v63  }
0x52: {  	_ = 	snop  }
0x53: {  	[tilespmem:s20], [sflag:$0x2] =	stream.indirect_vreg.gather [hbm4b:s5+s2], $0x80, v3, vm0, $0xb8;
	[tilespmem:$0xC800] =	vst v63  }
0x54: {  	v3 =	vld.msk [tilespmem:$0x1420], $0xff;
	_ =	sdelay $0x4  }
0x55: {  	v63 =	vshll.u32 v3, $0x1  }
0x56: {  	v3 =	vand.u32 $0x7, v3;
	v4 =	vand.u32 $0xFFFFFFF0, v63  }
0x57: {  	v3 =	vor.u32 v3, v4  }
0x58: {  	v3 =	vperm.xlane v3, v0;
	_ =	sdelay $0x1  }
0x59: {  	v3 =	vadd.s32 v1, v3  }
.Ltmp2:
0x5a: {  	_ = 	snop;
	(pc) =	sbr.rel .LBB2_2-.Ltmp2, $3  }
0x5b: {  	_ =	sdelay $0x1  }
0x5c: {  	s10 =	simm.s32 $0x0  }
0x5d: {  	[tilespmem:s21], [sflag:$0x2] =	stream.indirect_vreg.gather [hbm4b:s5+s2], $0x80, v3, vm0, $0xb8;
	[tilespmem:$0xC800] =	vst v63  }
.LBB2_12:
0x5e: {  	s10 =	sadd.s32 $0x1, s10  }
0x5f: {  	p0 =	sne.s32 s10, $0x3F  }
.Ltmp3:
0x60: {  	_ = 	snop;
	(pc) =	sbr.rel @!p0 .LBB2_13-.Ltmp3, $1  }
0x61: {  	_ =	sdelay $0x3  }
.LBB2_2:
0x62: {  	s23 =	sshllo.u32 s10, $0x1  }
0x63: {  	p0 =	sgt.u32 s23, $0x7C  }
.Ltmp4:
0x64: {  	_ = 	snop;
	(pc) =	sbr.rel @p0 .LBB2_4-.Ltmp4, $1  }
0x65: {  	_ =	sdelay $0x3  }
0x66: {  	p1 =	seq.s32 s10, $0x0  }
0x67: {  	s1 =	simm.s32 @!p1 $0x6  }
0x68: {  	_ =	swait.ge @!p1 [sflag:s1], $0x2800  }
0x69: {  	s24 =	smul.u32 $0x28, s23;
	[sflag:s1] =	ssyncset.done @!p1 $0x0  }
0x6a: {  	[sflag:s1] =	ssyncadd.s32 @!p1 $0xFFFFD800  }
0x6b: {  	v3 =	vld [tilespmem:s24+$0x0];
	_ =	sdelay $0x4  }
0x6c: {  	v4 =	vshll.u32 v3, $0x1  }
0x6d: {  	v3 =	vand.u32 $0x7, v3;
	v4 =	vand.u32 $0xFFFFFFF0, v4  }
0x6e: {  	v3 =	vor.u32 v3, v4  }
0x6f: {  	v4 =	vperm.xlane v3, v0;
	_ =	sdelay $0x1  }
0x70: {  	v3 =	vperm.xlane v3, v2;
	v4 =	vadd.s32 v1, v4;
	_ =	sdelay $0x1  }
0x71: {  	v3 =	vadd.s32 v1, v3;
	_ =	sdelay $0x2  }
0x72: {  	[tilespmem:s22], [sflag:$0x3] =	stream.indirect_vreg.gather [hbm4b:s4+s2], $0x80, v4, vm0, $0xb8;
	[tilespmem:$0xC800] =	vst v63  }
0x73: {  	s13 =	simm.s32 $0x8000  }
0x74: {  	[tilespmem:s13], [sflag:$0x3] =	stream.indirect_vreg.gather [hbm4b:s4+s2], $0x80, v3, vm0, $0xb8;
	[tilespmem:$0xC800] =	vst v63  }
0x75: {  	v3 =	vld [tilespmem:s24+$0x10];
	_ =	sdelay $0x4  }
0x76: {  	v59 =	vshll.u32 v3, $0x1  }
0x77: {  	v3 =	vand.u32 $0x7, v3;
	v4 =	vand.u32 $0xFFFFFFF0, v59  }
0x78: {  	v3 =	vor.u32 v3, v4  }
0x79: {  	v4 =	vperm.xlane v3, v0;
	_ =	sdelay $0x1  }
0x7a: {  	v3 =	vperm.xlane v3, v2;
	v4 =	vadd.s32 v1, v4;
	_ =	sdelay $0x1  }
0x7b: {  	v3 =	vadd.s32 v1, v3;
	_ =	sdelay $0x1  }
0x7c: {  	s14 =	simm.s32 $0x8800  }
0x7d: {  	[tilespmem:s14], [sflag:$0x3] =	stream.indirect_vreg.gather [hbm4b:s4+s2], $0x80, v4, vm0, $0xb8;
	[tilespmem:$0xC800] =	vst v63  }
0x7e: {  	s15 =	simm.s32 $0x9000  }
0x7f: {  	[tilespmem:s15], [sflag:$0x3] =	stream.indirect_vreg.gather [hbm4b:s4+s2], $0x80, v3, vm0, $0xb8;
	[tilespmem:$0xC800] =	vst v63  }
0x80: {  	v3 =	vld.msk [tilespmem:s24+$0x20], $0xff;
	_ =	sdelay $0x4  }
0x81: {  	v60 =	vshll.u32 v3, $0x1  }
0x82: {  	v3 =	vand.u32 $0x7, v3;
	v4 =	vand.u32 $0xFFFFFFF0, v60  }
0x83: {  	v3 =	vor.u32 v3, v4  }
0x84: {  	v3 =	vperm.xlane v3, v0;
	_ =	sdelay $0x1  }
0x85: {  	v3 =	vadd.s32 v1, v3;
	_ =	sdelay $0x3  }
0x86: {  	s25 =	simm.s32 $0x9800  }
0x87: {  	[tilespmem:s25], [sflag:$0x3] =	stream.indirect_vreg.gather [hbm4b:s4+s2], $0x80, v3, vm0, $0xb8;
	[tilespmem:$0xC800] =	vst v63  }
0x88: {  	v3 =	vld [tilespmem:s24+$0x1400];
	_ =	sdelay $0x4  }
0x89: {  	v61 =	vshll.u32 v3, $0x1  }
0x8a: {  	v3 =	vand.u32 $0x7, v3;
	v4 =	vand.u32 $0xFFFFFFF0, v61  }
0x8b: {  	v3 =	vor.u32 v3, v4  }
0x8c: {  	v4 =	vperm.xlane v3, v0;
	_ =	sdelay $0x1  }
0x8d: {  	v3 =	vperm.xlane v3, v2;
	v4 =	vadd.s32 v1, v4;
	_ =	sdelay $0x1  }
0x8e: {  	v3 =	vadd.s32 v1, v3;
	_ =	sdelay $0x1  }
0x8f: {  	s26 =	simm.s32 $0xA000  }
0x90: {  	[tilespmem:s26], [sflag:$0x4] =	stream.indirect_vreg.gather [hbm4b:s5+s2], $0x80, v4, vm0, $0xb8;
	[tilespmem:$0xC800] =	vst v63  }
0x91: {  	s28 =	simm.s32 $0xA800  }
0x92: {  	[tilespmem:s28], [sflag:$0x4] =	stream.indirect_vreg.gather [hbm4b:s5+s2], $0x80, v3, vm0, $0xb8;
	[tilespmem:$0xC800] =	vst v63  }
0x93: {  	v3 =	vld [tilespmem:s24+$0x1410];
	_ =	sdelay $0x4  }
0x94: {  	v62 =	vshll.u32 v3, $0x1  }
0x95: {  	v3 =	vand.u32 $0x7, v3;
	v4 =	vand.u32 $0xFFFFFFF0, v62  }
0x96: {  	v3 =	vor.u32 v3, v4  }
0x97: {  	v4 =	vperm.xlane v3, v0;
	_ =	sdelay $0x1  }
0x98: {  	v3 =	vperm.xlane v3, v2;
	v4 =	vadd.s32 v1, v4;
	_ =	sdelay $0x1  }
0x99: {  	v3 =	vadd.s32 v1, v3;
	_ =	sdelay $0x1  }
0x9a: {  	s29 =	simm.s32 $0xB000  }
0x9b: {  	[tilespmem:s29], [sflag:$0x4] =	stream.indirect_vreg.gather [hbm4b:s5+s2], $0x80, v4, vm0, $0xb8;
	[tilespmem:$0xC800] =	vst v63  }
0x9c: {  	s30 =	simm.s32 $0xB800  }
0x9d: {  	[tilespmem:s30], [sflag:$0x4] =	stream.indirect_vreg.gather [hbm4b:s5+s2], $0x80, v3, vm0, $0xb8;
	[tilespmem:$0xC800] =	vst v63  }
0x9e: {  	v3 =	vld.msk [tilespmem:s24+$0x1420], $0xff;
	_ =	sdelay $0x4  }
0x9f: {  	v63 =	vshll.u32 v3, $0x1  }
0xa0: {  	v3 =	vand.u32 $0x7, v3;
	v4 =	vand.u32 $0xFFFFFFF0, v63  }
0xa1: {  	v3 =	vor.u32 v3, v4  }
0xa2: {  	v3 =	vperm.xlane v3, v0;
	_ =	sdelay $0x1  }
0xa3: {  	v3 =	vadd.s32 v1, v3;
	_ =	sdelay $0x3  }
0xa4: {  	s31 =	simm.s32 $0xC000  }
0xa5: {  	[tilespmem:s31], [sflag:$0x4] =	stream.indirect_vreg.gather [hbm4b:s5+s2], $0x80, v3, vm0, $0xb8;
	[tilespmem:$0xC800] =	vst v63  }
.LBB2_4:
0xa6: {  	_ =	swait.ge [sflag:s0], $0x2800  }
0xa7: {  	[sflag:s0] =	ssyncset.done $0x0  }
0xa8: {  	[sflag:s0] =	ssyncadd.s32 $0xFFFFD800  }
0xa9: {  	s1 =	simm.s32 $0x0;
	_ =	swait.ge [sflag:s11], $0x2800  }
0xaa: {  	s24 =	sand.u32 $0x3800, s1;
	s1 =	sand.u32 $0x200, s1;
	[sflag:s11] =	ssyncset.done $0x0  }
0xab: {  	s26 =	sor.u32 s1, s24;
	[sflag:s11] =	ssyncadd.s32 $0xFFFFD800  }
0xac: {  	v3 =	vld [tilespmem:s26+$0x2980]  }
0xad: {  	v4 =	vld [tilespmem:s26+$0x5180]  }
0xae: {  	v5 =	vld [tilespmem:s26+$0x2990]  }
0xaf: {  	v6 =	vld [tilespmem:s26+$0x5190]  }
0xb0: {  	v7 =	vld [tilespmem:s26+$0x29A0]  }
0xb1: {  	v8 =	vld [tilespmem:s26+$0x51A0]  }
0xb2: {  	v9 =	vld [tilespmem:s26+$0x29B0]  }
0xb3: {  	v10 =	vld [tilespmem:s26+$0x51B0]  }
0xb4: {  	v11 =	vld [tilespmem:s26+$0x29C0]  }
0xb5: {  	v12 =	vld [tilespmem:s26+$0x29D0]  }
0xb6: {  	v13 =	vld [tilespmem:s26+$0x51D0]  }
0xb7: {  	v14 =	vld [tilespmem:s26+$0x29E0]  }
0xb8: {  	v15 =	vld [tilespmem:s26+$0x51E0]  }
0xb9: {  	v59 =	vld [tilespmem:s26+$0x5030]  }
0xba: {  	v60 =	vld [tilespmem:s26+$0x2840]  }
0xbb: {  	v61 =	vld [tilespmem:s26+$0x5040]  }
0xbc: {  	v62 =	vld [tilespmem:s26+$0x2850]  }
0xbd: {  	v16 =	vld [tilespmem:s26+$0x5050]  }
0xbe: {  	v17 =	vld [tilespmem:s26+$0x2860]  }
0xbf: {  	v18 =	vld [tilespmem:s26+$0x5060]  }
0xc0: {  	v19 =	vld [tilespmem:s26+$0x2870]  }
0xc1: {  	v20 =	vld [tilespmem:s26+$0x5070]  }
0xc2: {  	v21 =	vld [tilespmem:s26+$0x2880]  }
0xc3: {  	v22 =	vld [tilespmem:s26+$0x5080]  }
0xc4: {  	v23 =	vld [tilespmem:s26+$0x2890]  }
0xc5: {  	v24 =	vld [tilespmem:s26+$0x5090]  }
0xc6: {  	v25 =	vld [tilespmem:s26+$0x28A0]  }
0xc7: {  	v26 =	vld [tilespmem:s26+$0x50A0]  }
0xc8: {  	v27 =	vld [tilespmem:s26+$0x28B0]  }
0xc9: {  	v28 =	vld [tilespmem:s26+$0x50B0]  }
0xca: {  	v29 =	vld [tilespmem:s26+$0x28C0]  }
0xcb: {  	v30 =	vld [tilespmem:s26+$0x50C0]  }
0xcc: {  	v31 =	vld [tilespmem:s26+$0x28D0]  }
0xcd: {  	v32 =	vld [tilespmem:s26+$0x50D0]  }
0xce: {  	v33 =	vld [tilespmem:s26+$0x28E0]  }
0xcf: {  	v34 =	vld [tilespmem:s26+$0x50E0]  }
0xd0: {  	v35 =	vld [tilespmem:s26+$0x28F0]  }
0xd1: {  	v36 =	vld [tilespmem:s26+$0x50F0]  }
0xd2: {  	v63 =	vld [tilespmem:s26+$0x5120]  }
0xd3: {  	v37 =	vld [tilespmem:s26+$0x2930]  }
0xd4: {  	v38 =	vld [tilespmem:s26+$0x5130]  }
0xd5: {  	v39 =	vld [tilespmem:s26+$0x2940]  }
0xd6: {  	v40 =	vld [tilespmem:s26+$0x5140]  }
0xd7: {  	v41 =	vld [tilespmem:s26+$0x2950]  }
0xd8: {  	s30 =	simm.s32 $0x200;
	s31 =	simm.s32 $0x400;
	v42 =	vld [tilespmem:s26+$0x5150]  }
0xd9: {  	s14 =	sand.u32 $0x3800, s31;
	s30 =	sand.u32 $0x200, s30;
	v43 =	vld [tilespmem:s26+$0x2960]  }
0xda: {  	s24 =	sor.u32 s30, s14;
	v44 =	vld [tilespmem:s26+$0x5160]  }
0xdb: {  	v45 =	vld [tilespmem:s24+$0x5180]  }
0xdc: {  	v46 =	vld [tilespmem:s24+$0x2990]  }
0xdd: {  	v47 =	vld [tilespmem:s24+$0x5190]  }
0xde: {  	v48 =	vld [tilespmem:s24+$0x29A0]  }
0xdf: {  	v49 =	vld [tilespmem:s24+$0x51A0]  }
0xe0: {  	v50 =	vld [tilespmem:s24+$0x29B0]  }
0xe1: {  	v51 =	vld [tilespmem:s24+$0x51B0]  }
0xe2: {  	v52 =	vld [tilespmem:s24+$0x29E0]  }
0xe3: {  	v53 =	vld [tilespmem:s24+$0x51E0]  }
0xe4: {  	v54 =	vld [tilespmem:s24+$0x29F0]  }
0xe5: {  	v55 =	vld [tilespmem:s24+$0x2800]  }
0xe6: {  	v57 =	vld [tilespmem:s24+$0x51C0]  }
0xe7: {  	v3 =	vadd.f32 v4, v3;
	v4 =	vld [tilespmem:s26+$0x29F0]  }
0xe8: {  	v5 =	vadd.f32 v6, v5;
	v6 =	vld [tilespmem:s26+$0x51F0]  }
0xe9: {  	v56 =	vadd.f32 v47, v46;
	v46 =	vld [tilespmem:s24+$0x2870]  }
0xea: {  	v58 =	vadd.f32 v51, v50;
	v50 =	vld [tilespmem:s24+$0x5070]  }
0xeb: {  	v51 =	vld [tilespmem:s24+$0x28E0]  }
0xec: {  	[tilespmem:s26+$0x2980] =	vst v3;
	v3 =	vadd.f32 v8, v7;
	v7 =	vld [tilespmem:s26+$0x51C0]  }
0xed: {  	v8 =	vld [tilespmem:s26+$0x2800]  }
0xee: {  	[tilespmem:s26+$0x2990] =	vst v5;
	v5 =	vadd.f32 v10, v9;
	v9 =	vld [tilespmem:s26+$0x5000]  }
0xef: {  	v10 =	vld [tilespmem:s26+$0x2810]  }
0xf0: {  	[tilespmem:s24+$0x2990] =	vst v56;
	v56 =	vld [tilespmem:s24+$0x2930]  }
0xf1: {  	[tilespmem:s26+$0x29A0] =	vst v3;
	v3 =	vadd.f32 v13, v12;
	v12 =	vadd.f32 v53, v52;
	v52 =	vld [tilespmem:s24+$0x2900]  }
0xf2: {  	[tilespmem:s26+$0x29B0] =	vst v5;
	v53 =	vld [tilespmem:s24+$0x5100]  }
0xf3: {  	p1 =	por $0x0, $0x0;
	s1 =	simm.s32 $0x1;
	v5 =	vadd.f32 v15, v14;
	[tilespmem:s26+$0x29D0] =	vst v3;
	v3 =	vadd.f32 v6, v4;
	v6 =	vld [tilespmem:s26+$0x5010]  }
0xf4: {  	s1 =	simm.s32 @!p1 $0x0;
	v4 =	vadd.f32 v7, v11;
	v7 =	vld [tilespmem:s26+$0x2820]  }
0xf5: {  	s1 =	sshll.u32 s1, $0x9;
	[tilespmem:s26+$0x29E0] =	vst v5;
	v11 =	vld [tilespmem:s26+$0x2830]  }
0xf6: {  	s25 =	sadd.s32 $0x0, s1;
	v8 =	vadd.f32 v9, v8;
	v9 =	vld [tilespmem:s26+$0x2900];
	[tilespmem:s26+$0x29F0] =	vst v3  }
0xf7: {  	s1 =	sadd.s32 $0x180, s25;
	v3 =	vld [tilespmem:s26+$0x5020];
	[tilespmem:s26+$0x29C0] =	vst v4  }
0xf8: {  	s1 =	sor.u32 $0x400, s1;
	[tilespmem:s26+$0x2800] =	vst v8;
	v8 =	vld [tilespmem:s26+$0x5110]  }
0xf9: {  	v4 =	vld [tilespmem:s1+$0x2800]  }
0xfa: {  	v5 =	vld [tilespmem:s1+$0x5000]  }
0xfb: {  	v6 =	vadd.f32 v6, v10;
	v10 =	vld [tilespmem:s26+$0x5100]  }
0xfc: {  	v3 =	vadd.f32 v3, v7;
	v7 =	vld [tilespmem:s26+$0x2910]  }
0xfd: {  	[tilespmem:s26+$0x2810] =	vst v6;
	v6 =	vadd.f32 v59, v11;
	v11 =	vld [tilespmem:s26+$0x2920]  }
0xfe: {  	v59 =	vld [tilespmem:s24+$0x2810]  }
0xff: {  	[tilespmem:s26+$0x2820] =	vst v3;
	v3 =	vadd.f32 v61, v60;
	v61 =	vld [tilespmem:s24+$0x5020]  }
0x100: {  	v4 =	vsub.f32 v4, v5;
	v5 =	vld [tilespmem:s24+$0x2910]  }
0x101: {  	[tilespmem:s26+$0x2830] =	vst v6;
	v9 =	vadd.f32 v10, v9;
	v10 =	vld [tilespmem:s24+$0x29C0]  }
0x102: {  	v6 =	vadd.f32 v16, v62;
	[tilespmem:s26+$0x2840] =	vst v3;
	v7 =	vadd.f32 v8, v7;
	v8 =	vld [tilespmem:s24+$0x29D0]  }
0x103: {  	v3 =	vadd.f32 v18, v17;
	[tilespmem:s26+$0x2900] =	vst v9;
	v9 =	vadd.f32 v63, v11;
	v11 =	vld [tilespmem:s24+$0x51D0]  }
0x104: {  	[tilespmem:s26+$0x2850] =	vst v6;
	v6 =	vadd.f32 v20, v19;
	v63 =	vld [tilespmem:s24+$0x5040]  }
0x105: {  	[tilespmem:s26+$0x2860] =	vst v3;
	v3 =	vadd.f32 v22, v21;
	v21 =	vld [tilespmem:s26+$0x2970]  }
0x106: {  	s28 =	sor.u32 $0x400, s25;
	[tilespmem:s26+$0x2870] =	vst v6;
	v22 =	vld [tilespmem:s26+$0x5170]  }
0x107: {  	v6 =	vadd.f32 v24, v23;
	v23 =	vld [tilespmem:s28+$0x2800]  }
0x108: {  	[tilespmem:s26+$0x2910] =	vst v7;
	v7 =	vadd.f32 v38, v37;
	v37 =	vld [tilespmem:s24+$0x5080]  }
0x109: {  	[tilespmem:s26+$0x2920] =	vst v9;
	v38 =	vld [tilespmem:s24+$0x2890]  }
0x10a: {  	v9 =	vadd.f32 v40, v39;
	v39 =	vld [tilespmem:s24+$0x5090];
	[tilespmem:s26+$0x2880] =	vst v3  }
0x10b: {  	v40 =	vld [tilespmem:s24+$0x28A0];
	[tilespmem:s26+$0x2890] =	vst v6  }
0x10c: {  	v3 =	vadd.f32 v26, v25;
	v10 =	vadd.f32 v57, v10;
	v57 =	vld [tilespmem:s24+$0x5130];
	[tilespmem:s26+$0x2930] =	vst v7  }
0x10d: {  	v6 =	vadd.f32 v28, v27;
	[tilespmem:s26+$0x2940] =	vst v9;
	v9 =	vld [tilespmem:s24+$0x51F0]  }
0x10e: {  	v7 =	vadd.f32 v42, v41;
	v41 =	vld [tilespmem:s24+$0x50A0];
	[tilespmem:s26+$0x28A0] =	vst v3  }
0x10f: {  	v42 =	vld [tilespmem:s24+$0x28B0];
	[tilespmem:s26+$0x28B0] =	vst v6  }
0x110: {  	v3 =	vadd.f32 v30, v29;
	[tilespmem:s24+$0x29C0] =	vst v10;
	v10 =	vld [tilespmem:s24+$0x5030]  }
0x111: {  	v6 =	vadd.f32 v32, v31;
	[tilespmem:s26+$0x2950] =	vst v7;
	v7 =	vadd.f32 v44, v43;
	v43 =	vld [tilespmem:s24+$0x50B0]  }
0x112: {  	[tilespmem:s26+$0x28C0] =	vst v3;
	v3 =	vadd.f32 v34, v33;
	v34 =	vld [tilespmem:s24+$0x5050]  }
0x113: {  	[tilespmem:s26+$0x28D0] =	vst v6;
	v6 =	vadd.f32 v36, v35;
	v35 =	vld [tilespmem:s24+$0x2860]  }
0x114: {  	v36 =	vld [tilespmem:s24+$0x2880]  }
0x115: {  	[tilespmem:s26+$0x2960] =	vst v7;
	v7 =	vadd.f32 v49, v48;
	v48 =	vld [tilespmem:s24+$0x28D0]  }
0x116: {  	[tilespmem:s24+$0x29B0] =	vst v58;
	v49 =	vld [tilespmem:s24+$0x50D0]  }
0x117: {  	[tilespmem:s26+$0x28F0] =	vst v6;
	v6 =	vld [tilespmem:s28+$0x5000]  }
0x118: {  	s13 =	sadd.s32 $0x80, s25;
	[tilespmem:s26+$0x28E0] =	vst v3;
	v3 =	vld [tilespmem:s24+$0x2980]  }
0x119: {  	s29 =	sor.u32 $0x400, s13;
	[tilespmem:s24+$0x29E0] =	vst v12;
	v9 =	vadd.f32 v9, v54;
	v54 =	vld [tilespmem:s24+$0x5110]  }
0x11a: {  	[tilespmem:s1+$0x2800] =	vst v4;
	v44 =	vadd.f32 v39, v38;
	v24 =	vld [tilespmem:s29+$0x2800]  }
0x11b: {  	[tilespmem:s24+$0x29A0] =	vst v7;
	v7 =	vadd.f32 v11, v8;
	v8 =	vld [tilespmem:s24+$0x5010]  }
0x11c: {  	[tilespmem:s24+$0x2890] =	vst v44;
	v11 =	vld [tilespmem:s29+$0x5000]  }
0x11d: {  	v47 =	vadd.f32 v41, v40;
	[tilespmem:s24+$0x29F0] =	vst v9;
	v9 =	vld [tilespmem:s24+$0x2830]  }
0x11e: {  	s30 =	simm.s32 $0x1;
	p1 =	por !p1, !p1;
	v58 =	vadd.f32 v43, v42;
	[tilespmem:s24+$0x29D0] =	vst v7;
	v7 =	vld [tilespmem:s24+$0x2820]  }
0x11f: {  	s30 =	simm.s32 @!p1 $0x0;
	[tilespmem:s24+$0x28A0] =	vst v47;
	v17 =	vadd.f32 v37, v36;
	v3 =	vadd.f32 v45, v3;
	v45 =	vld [tilespmem:s24+$0x28C0]  }
0x120: {  	s30 =	sshll.u32 s30, $0x9;
	[tilespmem:s24+$0x28B0] =	vst v58;
	v4 =	vsub.f32 v23, v6;
	v6 =	vld [tilespmem:s24+$0x2920]  }
0x121: {  	s30 =	sadd.s32 $0x400, s30;
	[tilespmem:s24+$0x2880] =	vst v17;
	v8 =	vadd.f32 v8, v59;
	v59 =	vld [tilespmem:s24+$0x5140]  }
0x122: {  	s31 =	sadd.s32 $0x180, s30;
	v5 =	vadd.f32 v54, v5;
	[tilespmem:s24+$0x2980] =	vst v3;
	v3 =	vld [tilespmem:s24+$0x5000]  }
0x123: {  	s31 =	sor.u32 $0x400, s31;
	v9 =	vadd.f32 v10, v9;
	v10 =	vld [tilespmem:s24+$0x5060];
	[tilespmem:s28+$0x2800] =	vst v4  }
0x124: {  	v11 =	vsub.f32 v24, v11;
	[tilespmem:s24+$0x2910] =	vst v5;
	v62 =	vld [tilespmem:s31+$0x2800]  }
0x125: {  	[tilespmem:s24+$0x2810] =	vst v8;
	v33 =	vld [tilespmem:s31+$0x5000]  }
0x126: {  	v4 =	vadd.f32 v53, v52;
	v8 =	vld [tilespmem:s24+$0x2840];
	[tilespmem:s29+$0x2800] =	vst v11  }
0x127: {  	v5 =	vld [tilespmem:s24+$0x28F0];
	v7 =	vadd.f32 v61, v7;
	[tilespmem:s24+$0x2830] =	vst v9  }
0x128: {  	s25 =	sadd.s32 $0x100, s25;
	v21 =	vadd.f32 v22, v21;
	[tilespmem:s24+$0x2900] =	vst v4;
	v60 =	vadd.f32 v3, v55;
	v55 =	vld [tilespmem:s24+$0x5120]  }
0x129: {  	s25 =	sor.u32 $0x400, s25;
	[tilespmem:s24+$0x2820] =	vst v7;
	v7 =	vld [tilespmem:s24+$0x2850]  }
0x12a: {  	v3 =	vld [tilespmem:s25+$0x2800];
	[tilespmem:s26+$0x2970] =	vst v21;
	v11 =	vsub.f32 v62, v33  }
0x12b: {  	v61 =	vld [tilespmem:s24+$0x2960];
	v8 =	vadd.f32 v63, v8;
	[tilespmem:s24+$0x2800] =	vst v60  }
0x12c: {  	v9 =	vld [tilespmem:s24+$0x50C0];
	v63 =	vadd.f32 v49, v48;
	[tilespmem:s31+$0x2800] =	vst v11  }
0x12d: {  	v4 =	vld [tilespmem:s24+$0x50E0];
	[tilespmem:s24+$0x2840] =	vst v8;
	v6 =	vadd.f32 v55, v6  }
0x12e: {  	v7 =	vadd.f32 v34, v7;
	v8 =	vld [tilespmem:s24+$0x2950];
	[tilespmem:s24+$0x28D0] =	vst v63  }
0x12f: {  	v60 =	vadd.f32 v50, v46;
	[tilespmem:s24+$0x2920] =	vst v6;
	v6 =	vld [tilespmem:s24+$0x50F0]  }
0x130: {  	[tilespmem:s24+$0x2850] =	vst v7;
	v7 =	vadd.f32 v10, v35;
	v10 =	vld [tilespmem:s24+$0x5150]  }
0x131: {  	v9 =	vadd.f32 v9, v45;
	v11 =	vld [tilespmem:s24+$0x2940];
	[tilespmem:s24+$0x2870] =	vst v60  }
0x132: {  	v62 =	vld [tilespmem:s24+$0x5160];
	[tilespmem:s24+$0x2860] =	vst v7;
	v7 =	vadd.f32 v57, v56  }
0x133: {  	[tilespmem:s24+$0x28C0] =	vst v9;
	v9 =	vadd.f32 v4, v51;
	v4 =	vld [tilespmem:s24+$0x2970]  }
0x134: {  	s1 =	sor.u32 $0x400, s30;
	[tilespmem:s24+$0x2930] =	vst v7;
	v7 =	vld [tilespmem:s24+$0x5170];
	v6 =	vadd.f32 v6, v5  }
0x135: {  	s15 =	sadd.s32 $0x80, s30;
	[tilespmem:s24+$0x28E0] =	vst v9;
	v10 =	vadd.f32 v10, v8;
	v8 =	vld [tilespmem:s1+$0x5000]  }
0x136: {  	s28 =	sadd.s32 $0x100, s30;
	s31 =	sor.u32 $0x400, s15;
	v9 =	vadd.f32 v59, v11;
	v5 =	vld [tilespmem:s1+$0x2800];
	[tilespmem:s24+$0x28F0] =	vst v6  }
0x137: {  	s30 =	sor.u32 $0x400, s28;
	[tilespmem:s24+$0x2950] =	vst v10;
	v10 =	vadd.f32 v62, v61;
	v6 =	vld [tilespmem:s31+$0x2800]  }
0x138: {  	s28 =	simm.s32 $0x400;
	s29 =	simm.s32 $0x800;
	s26 =	simm.s32 $0x4;
	[tilespmem:s24+$0x2940] =	vst v9;
	v9 =	vld [tilespmem:s31+$0x5000]  }
.LBB2_5:
0x139: {  	s13 =	sand.u32 $0x3800, s29;
	s14 =	sand.u32 $0x200, s28;
	[tilespmem:s24+$0x2960] =	vst v10;
	v4 =	vadd.f32 v7, v4;
	v7 =	vld [tilespmem:s30+$0x2800]  }
0x13a: {  	s13 =	sor.u32 s14, s13;
	v10 =	vld [tilespmem:s25+$0x5000]  }
0x13b: {  	v11 =	vld [tilespmem:s13+$0x2980];
	v5 =	vsub.f32 v5, v8;
	[tilespmem:s24+$0x2970] =	vst v4;
	s24 =	smov.u32 s13  }
0x13c: {  	v4 =	vld [tilespmem:s24+$0x5180]  }
0x13d: {  	v8 =	vld [tilespmem:s24+$0x2990];
	[tilespmem:s1+$0x2800] =	vst v5;
	v5 =	vsub.f32 v6, v9  }
0x13e: {  	v6 =	vld [tilespmem:s24+$0x5190]  }
0x13f: {  	v9 =	vld [tilespmem:s24+$0x29A0];
	[tilespmem:s31+$0x2800] =	vst v5;
	v5 =	vsub.f32 v3, v10;
	v3 =	vmov v7  }
0x140: {  	v7 =	vld [tilespmem:s24+$0x51A0]  }
0x141: {  	v10 =	vld [tilespmem:s24+$0x29B0];
	[tilespmem:s25+$0x2800] =	vst v5;
	s25 =	smov.u32 s30  }
0x142: {  	v5 =	vld [tilespmem:s24+$0x51B0]  }
0x143: {  	v12 =	vld [tilespmem:s24+$0x29C0]  }
0x144: {  	v13 =	vld [tilespmem:s24+$0x29D0]  }
0x145: {  	v14 =	vld [tilespmem:s24+$0x51D0]  }
0x146: {  	v15 =	vld [tilespmem:s24+$0x29E0]  }
0x147: {  	v16 =	vld [tilespmem:s24+$0x51E0]  }
0x148: {  	s26 =	sadd.s32 $0x4, s26;
	v4 =	vadd.f32 v4, v11;
	v11 =	vld [tilespmem:s24+$0x29F0]  }
0x149: {  	p2 =	slt.u32 s26, $0x24;
	v6 =	vadd.f32 v6, v8;
	v8 =	vld [tilespmem:s24+$0x51F0]  }
0x14a: {  	[tilespmem:s24+$0x2980] =	vst v4;
	v4 =	vadd.f32 v7, v9;
	v7 =	vld [tilespmem:s24+$0x51C0]  }
0x14b: {  	p1 =	por !p1, !p1;
	s1 =	simm.s32 $0x1;
	v5 =	vadd.f32 v5, v10;
	v9 =	vld [tilespmem:s24+$0x2800];
	[tilespmem:s24+$0x2990] =	vst v6  }
0x14c: {  	s1 =	simm.s32 @!p1 $0x0;
	v6 =	vld [tilespmem:s24+$0x5000];
	[tilespmem:s24+$0x29A0] =	vst v4;
	v4 =	vadd.f32 v14, v13  }
0x14d: {  	s1 =	sshll.u32 s1, $0x9;
	v10 =	vld [tilespmem:s24+$0x2810];
	[tilespmem:s24+$0x29B0] =	vst v5;
	v5 =	vadd.f32 v16, v15  }
0x14e: {  	s1 =	sadd.s32 s1, s29;
	v13 =	vld [tilespmem:s24+$0x5010];
	[tilespmem:s24+$0x29D0] =	vst v4;
	v4 =	vadd.f32 v8, v11  }
0x14f: {  	s13 =	sadd.s32 $0x80, s1;
	s14 =	sadd.s32 $0x100, s1;
	s15 =	sadd.s32 $0x180, s1;
	v8 =	vld [tilespmem:s24+$0x2820];
	v7 =	vadd.f32 v7, v12;
	[tilespmem:s24+$0x29E0] =	vst v5  }
0x150: {  	s31 =	sor.u32 $0x400, s13;
	s30 =	sor.u32 $0x400, s14;
	s13 =	sor.u32 $0x400, s15;
	v5 =	vld [tilespmem:s24+$0x5020];
	[tilespmem:s24+$0x29F0] =	vst v4  }
0x151: {  	s1 =	sor.u32 $0x400, s1;
	v4 =	vadd.f32 v6, v9;
	[tilespmem:s24+$0x29C0] =	vst v7;
	v6 =	vld [tilespmem:s13+$0x2800]  }
0x152: {  	v7 =	vld [tilespmem:s13+$0x5000]  }
0x153: {  	[tilespmem:s24+$0x2800] =	vst v4;
	v4 =	vadd.f32 v13, v10;
	v9 =	vld [tilespmem:s24+$0x2830]  }
0x154: {  	v10 =	vld [tilespmem:s24+$0x5030]  }
0x155: {  	[tilespmem:s24+$0x2810] =	vst v4;
	v4 =	vadd.f32 v5, v8;
	v5 =	vld [tilespmem:s24+$0x2840]  }
0x156: {  	v8 =	vld [tilespmem:s24+$0x5040]  }
0x157: {  	[tilespmem:s24+$0x2820] =	vst v4;
	v4 =	vld [tilespmem:s24+$0x2850];
	v6 =	vsub.f32 v6, v7  }
0x158: {  	v7 =	vld [tilespmem:s24+$0x5050]  }
0x159: {  	v9 =	vadd.f32 v10, v9;
	v10 =	vld [tilespmem:s24+$0x2860];
	[tilespmem:s13+$0x2800] =	vst v6  }
0x15a: {  	v6 =	vld [tilespmem:s24+$0x5060]  }
0x15b: {  	[tilespmem:s24+$0x2830] =	vst v9;
	v5 =	vadd.f32 v8, v5;
	v8 =	vld [tilespmem:s24+$0x2870]  }
0x15c: {  	v9 =	vld [tilespmem:s24+$0x5070]  }
0x15d: {  	[tilespmem:s24+$0x2840] =	vst v5;
	v4 =	vadd.f32 v7, v4;
	v5 =	vld [tilespmem:s24+$0x2880]  }
0x15e: {  	v7 =	vld [tilespmem:s24+$0x5080]  }
0x15f: {  	[tilespmem:s24+$0x2850] =	vst v4;
	v4 =	vadd.f32 v6, v10;
	v6 =	vld [tilespmem:s24+$0x2890]  }
0x160: {  	v10 =	vld [tilespmem:s24+$0x5090]  }
0x161: {  	[tilespmem:s24+$0x2860] =	vst v4;
	v4 =	vadd.f32 v9, v8;
	v8 =	vld [tilespmem:s24+$0x28A0]  }
0x162: {  	v9 =	vld [tilespmem:s24+$0x50A0]  }
0x163: {  	[tilespmem:s24+$0x2870] =	vst v4;
	v4 =	vadd.f32 v7, v5;
	v5 =	vld [tilespmem:s24+$0x28B0]  }
0x164: {  	v7 =	vld [tilespmem:s24+$0x50B0]  }
0x165: {  	[tilespmem:s24+$0x2880] =	vst v4;
	v4 =	vadd.f32 v10, v6;
	v6 =	vld [tilespmem:s24+$0x28C0]  }
0x166: {  	v10 =	vld [tilespmem:s24+$0x50C0]  }
0x167: {  	[tilespmem:s24+$0x2890] =	vst v4;
	v4 =	vadd.f32 v9, v8;
	v8 =	vld [tilespmem:s24+$0x28D0]  }
0x168: {  	v9 =	vld [tilespmem:s24+$0x50D0]  }
0x169: {  	[tilespmem:s24+$0x28A0] =	vst v4;
	v4 =	vadd.f32 v7, v5;
	v5 =	vld [tilespmem:s24+$0x28E0]  }
0x16a: {  	v7 =	vld [tilespmem:s24+$0x50E0]  }
0x16b: {  	[tilespmem:s24+$0x28B0] =	vst v4;
	v4 =	vadd.f32 v10, v6;
	v6 =	vld [tilespmem:s24+$0x28F0]  }
0x16c: {  	v10 =	vld [tilespmem:s24+$0x50F0]  }
0x16d: {  	[tilespmem:s24+$0x28C0] =	vst v4;
	v4 =	vadd.f32 v9, v8;
	v8 =	vld [tilespmem:s24+$0x2900]  }
0x16e: {  	v9 =	vld [tilespmem:s24+$0x5100]  }
0x16f: {  	[tilespmem:s24+$0x28D0] =	vst v4;
	v4 =	vadd.f32 v7, v5;
	v5 =	vld [tilespmem:s24+$0x2910]  }
0x170: {  	v7 =	vld [tilespmem:s24+$0x5110]  }
0x171: {  	[tilespmem:s24+$0x28E0] =	vst v4;
	v4 =	vadd.f32 v10, v6;
	v6 =	vld [tilespmem:s24+$0x2920]  }
0x172: {  	v10 =	vld [tilespmem:s24+$0x5120]  }
0x173: {  	[tilespmem:s24+$0x28F0] =	vst v4;
	v4 =	vadd.f32 v9, v8;
	v8 =	vld [tilespmem:s24+$0x2930]  }
0x174: {  	v9 =	vld [tilespmem:s24+$0x5130]  }
0x175: {  	[tilespmem:s24+$0x2900] =	vst v4;
	v4 =	vadd.f32 v7, v5;
	v5 =	vld [tilespmem:s24+$0x2940]  }
0x176: {  	v7 =	vld [tilespmem:s24+$0x5140]  }
0x177: {  	[tilespmem:s24+$0x2910] =	vst v4;
	v4 =	vadd.f32 v10, v6;
	v6 =	vld [tilespmem:s24+$0x2950]  }
0x178: {  	v10 =	vld [tilespmem:s24+$0x5150]  }
0x179: {  	[tilespmem:s24+$0x2920] =	vst v4;
	v4 =	vadd.f32 v9, v8;
	v9 =	vld [tilespmem:s24+$0x2960]  }
0x17a: {  	v11 =	vld [tilespmem:s24+$0x5160]  }
0x17b: {  	[tilespmem:s24+$0x2930] =	vst v4;
	v8 =	vadd.f32 v7, v5;
	v4 =	vld [tilespmem:s24+$0x2970]  }
.Ltmp5:
0x17c: {  	v7 =	vld [tilespmem:s24+$0x5170];
	(pc) =	sbr.rel @p2 .LBB2_5-.Ltmp5, $4  }
0x17d: {  	v5 =	vld [tilespmem:s1+$0x2800];
	[tilespmem:s24+$0x2940] =	vst v8;
	v10 =	vadd.f32 v10, v6  }
0x17e: {  	v8 =	vld [tilespmem:s1+$0x5000]  }
0x17f: {  	v6 =	vld [tilespmem:s31+$0x2800];
	[tilespmem:s24+$0x2950] =	vst v10;
	v10 =	vadd.f32 v11, v9  }
0x180: {  	s28 =	sadd.s32 $0x200, s28;
	s29 =	sadd.s32 $0x400, s29;
	v9 =	vld [tilespmem:s31+$0x5000]  }
0x181: {  	v4 =	vadd.f32 v7, v4  }
0x182: {  	[tilespmem:s24+$0x2960] =	vst v10;
	v63 =	vld [tilespmem:s25+$0x5000]  }
0x183: {  	v62 =	vld [tilespmem:s30+$0x2800];
	[tilespmem:s24+$0x2970] =	vst v4  }
0x184: {  	v4 =	vld [tilespmem:s30+$0x5000];
	_ =	sdelay $0x1  }
0x185: {  	v5 =	vsub.f32 v5, v8  }
0x186: {  	p1 =	seq.s32 s10, $0x3E;
	s24 =	smul.u32 $0x50, s10;
	v6 =	vsub.f32 v6, v9  }
.Ltmp6:
0x187: {  	[tilespmem:s1+$0x2800] =	vst v5;
	v3 =	vsub.f32 v3, v63;
	(pc) =	sbr.rel @p1 .LBB2_8-.Ltmp6, $4  }
0x188: {  	[tilespmem:s31+$0x2800] =	vst v6;
	s31 =	sadd.s32 s3, s24;
	v4 =	vsub.f32 v62, v4  }
0x189: {  	[tilespmem:s25+$0x2800] =	vst v3;
	s1 =	sshll.u32 s31, $0x5  }
0x18a: {  	s1 =	sadd.s32 s6, s1;
	[tilespmem:s30+$0x2800] =	vst v4  }
0x18b: {  	[hbm4b:s1+s2] =	stream.linear.scatter [tilespmem:s12], [sflag:$0x5], $0x2800, $0x38;
	[tilespmem:$0xC800] =	vst v63  }
0x18c: {  	_ =	swait.ge [sflag:s9], $0x2800  }
0x18d: {  	[sflag:s9] =	ssyncset.done $0x0  }
0x18e: {  	[sflag:s9] =	ssyncadd.s32 $0xFFFFD800  }
0x18f: {  	v3 =	vld [tilespmem:s24+$0x50];
	_ =	sdelay $0x4  }
0x190: {  	v4 =	vshll.u32 v3, $0x1  }
0x191: {  	v3 =	vand.u32 $0x7, v3;
	v4 =	vand.u32 $0xFFFFFFF0, v4  }
0x192: {  	v3 =	vor.u32 v3, v4  }
0x193: {  	v4 =	vperm.xlane v3, v0;
	_ =	sdelay $0x1  }
0x194: {  	v3 =	vperm.xlane v3, v2;
	v4 =	vadd.s32 v1, v4;
	_ =	sdelay $0x1  }
0x195: {  	v3 =	vadd.s32 v1, v3;
	_ =	sdelay $0x2  }
0x196: {  	[tilespmem:s12], [sflag:$0x1] =	stream.indirect_vreg.gather [hbm4b:s4+s2], $0x80, v4, vm0, $0xb8;
	[tilespmem:$0xC800] =	vst v63  }
0x197: {  	s1 =	simm.s32 $0x3000  }
0x198: {  	[tilespmem:s1], [sflag:$0x1] =	stream.indirect_vreg.gather [hbm4b:s4+s2], $0x80, v3, vm0, $0xb8;
	[tilespmem:$0xC800] =	vst v63  }
0x199: {  	v3 =	vld [tilespmem:s24+$0x60];
	_ =	sdelay $0x4  }
0x19a: {  	v59 =	vshll.u32 v3, $0x1  }
0x19b: {  	v3 =	vand.u32 $0x7, v3;
	v4 =	vand.u32 $0xFFFFFFF0, v59  }
0x19c: {  	v3 =	vor.u32 v3, v4  }
0x19d: {  	v4 =	vperm.xlane v3, v0;
	_ =	sdelay $0x1  }
0x19e: {  	v3 =	vperm.xlane v3, v2;
	v4 =	vadd.s32 v1, v4;
	_ =	sdelay $0x1  }
0x19f: {  	v3 =	vadd.s32 v1, v3;
	_ =	sdelay $0x1  }
0x1a0: {  	s30 =	simm.s32 $0x3800  }
0x1a1: {  	[tilespmem:s30], [sflag:$0x1] =	stream.indirect_vreg.gather [hbm4b:s4+s2], $0x80, v4, vm0, $0xb8;
	[tilespmem:$0xC800] =	vst v63  }
0x1a2: {  	s31 =	simm.s32 $0x4000  }
0x1a3: {  	[tilespmem:s31], [sflag:$0x1] =	stream.indirect_vreg.gather [hbm4b:s4+s2], $0x80, v3, vm0, $0xb8;
	[tilespmem:$0xC800] =	vst v63  }
0x1a4: {  	v3 =	vld.msk [tilespmem:s24+$0x70], $0xff;
	_ =	sdelay $0x4  }
0x1a5: {  	v60 =	vshll.u32 v3, $0x1  }
0x1a6: {  	v3 =	vand.u32 $0x7, v3;
	v4 =	vand.u32 $0xFFFFFFF0, v60  }
0x1a7: {  	v3 =	vor.u32 v3, v4  }
0x1a8: {  	v3 =	vperm.xlane v3, v0;
	_ =	sdelay $0x1  }
0x1a9: {  	v3 =	vadd.s32 v1, v3;
	_ =	sdelay $0x4  }
0x1aa: {  	[tilespmem:s16], [sflag:$0x1] =	stream.indirect_vreg.gather [hbm4b:s4+s2], $0x80, v3, vm0, $0xb8;
	[tilespmem:$0xC800] =	vst v63  }
0x1ab: {  	v3 =	vld [tilespmem:s24+$0x1450];
	_ =	sdelay $0x4  }
0x1ac: {  	v61 =	vshll.u32 v3, $0x1  }
0x1ad: {  	v3 =	vand.u32 $0x7, v3;
	v4 =	vand.u32 $0xFFFFFFF0, v61  }
0x1ae: {  	v3 =	vor.u32 v3, v4  }
0x1af: {  	v4 =	vperm.xlane v3, v0;
	_ =	sdelay $0x1  }
0x1b0: {  	v3 =	vperm.xlane v3, v2;
	v4 =	vadd.s32 v1, v4;
	_ =	sdelay $0x1  }
0x1b1: {  	v3 =	vadd.s32 v1, v3;
	_ =	sdelay $0x2  }
0x1b2: {  	[tilespmem:s17], [sflag:$0x2] =	stream.indirect_vreg.gather [hbm4b:s5+s2], $0x80, v4, vm0, $0xb8;
	[tilespmem:$0xC800] =	vst v63  }
0x1b3: {  	_ = 	snop  }
0x1b4: {  	[tilespmem:s18], [sflag:$0x2] =	stream.indirect_vreg.gather [hbm4b:s5+s2], $0x80, v3, vm0, $0xb8;
	[tilespmem:$0xC800] =	vst v63  }
0x1b5: {  	v3 =	vld [tilespmem:s24+$0x1460];
	_ =	sdelay $0x4  }
0x1b6: {  	v62 =	vshll.u32 v3, $0x1  }
0x1b7: {  	v3 =	vand.u32 $0x7, v3;
	v4 =	vand.u32 $0xFFFFFFF0, v62  }
0x1b8: {  	v3 =	vor.u32 v3, v4  }
0x1b9: {  	v4 =	vperm.xlane v3, v0;
	_ =	sdelay $0x1  }
0x1ba: {  	v3 =	vperm.xlane v3, v2;
	v4 =	vadd.s32 v1, v4;
	_ =	sdelay $0x1  }
0x1bb: {  	v3 =	vadd.s32 v1, v3;
	_ =	sdelay $0x2  }
0x1bc: {  	[tilespmem:s19], [sflag:$0x2] =	stream.indirect_vreg.gather [hbm4b:s5+s2], $0x80, v4, vm0, $0xb8;
	[tilespmem:$0xC800] =	vst v63  }
0x1bd: {  	_ = 	snop  }
0x1be: {  	[tilespmem:s20], [sflag:$0x2] =	stream.indirect_vreg.gather [hbm4b:s5+s2], $0x80, v3, vm0, $0xb8;
	[tilespmem:$0xC800] =	vst v63  }
0x1bf: {  	v3 =	vld.msk [tilespmem:s24+$0x1470], $0xff;
	_ =	sdelay $0x4  }
0x1c0: {  	v63 =	vshll.u32 v3, $0x1  }
0x1c1: {  	v3 =	vand.u32 $0x7, v3;
	v4 =	vand.u32 $0xFFFFFFF0, v63  }
0x1c2: {  	v3 =	vor.u32 v3, v4  }
0x1c3: {  	v3 =	vperm.xlane v3, v0;
	_ =	sdelay $0x1  }
0x1c4: {  	v3 =	vadd.s32 v1, v3;
	_ =	sdelay $0x4  }
0x1c5: {  	[tilespmem:s21], [sflag:$0x2] =	stream.indirect_vreg.gather [hbm4b:s5+s2], $0x80, v3, vm0, $0xb8;
	[tilespmem:$0xC800] =	vst v63  }
.LBB2_8:
.Ltmp7:
0x1c6: {  	(pc) =	sbr.rel @p0 .LBB2_12-.Ltmp7, $1  }
0x1c7: {  	_ =	sdelay $0x3  }
0x1c8: {  	_ =	swait.ge [sflag:s7], $0x2800  }
0x1c9: {  	[sflag:s7] =	ssyncset.done $0x0  }
0x1ca: {  	[sflag:s7] =	ssyncadd.s32 $0xFFFFD800  }
0x1cb: {  	s1 =	simm.s32 $0x0;
	_ =	swait.ge [sflag:s8], $0x2800  }
0x1cc: {  	s13 =	sand.u32 $0x3800, s1;
	s1 =	sand.u32 $0x200, s1;
	[sflag:s8] =	ssyncset.done $0x0  }
0x1cd: {  	s26 =	sor.u32 s1, s13;
	[sflag:s8] =	ssyncadd.s32 $0xFFFFD800  }
0x1ce: {  	v3 =	vld [tilespmem:s26+$0x7980]  }
0x1cf: {  	v4 =	vld [tilespmem:s26+$0xA180]  }
0x1d0: {  	v5 =	vld [tilespmem:s26+$0x7990]  }
0x1d1: {  	v6 =	vld [tilespmem:s26+$0xA190]  }
0x1d2: {  	v7 =	vld [tilespmem:s26+$0x79A0]  }
0x1d3: {  	v8 =	vld [tilespmem:s26+$0xA1A0]  }
0x1d4: {  	v9 =	vld [tilespmem:s26+$0x79B0]  }
0x1d5: {  	v10 =	vld [tilespmem:s26+$0xA1B0]  }
0x1d6: {  	v11 =	vld [tilespmem:s26+$0x79C0]  }
0x1d7: {  	v12 =	vld [tilespmem:s26+$0x79D0]  }
0x1d8: {  	v13 =	vld [tilespmem:s26+$0xA1D0]  }
0x1d9: {  	v14 =	vld [tilespmem:s26+$0x79E0]  }
0x1da: {  	v15 =	vld [tilespmem:s26+$0xA1E0]  }
0x1db: {  	v59 =	vld [tilespmem:s26+$0xA030]  }
0x1dc: {  	v60 =	vld [tilespmem:s26+$0x7840]  }
0x1dd: {  	v61 =	vld [tilespmem:s26+$0xA040]  }
0x1de: {  	v62 =	vld [tilespmem:s26+$0x7850]  }
0x1df: {  	v16 =	vld [tilespmem:s26+$0xA050]  }
0x1e0: {  	v17 =	vld [tilespmem:s26+$0x7860]  }
0x1e1: {  	v18 =	vld [tilespmem:s26+$0xA060]  }
0x1e2: {  	v19 =	vld [tilespmem:s26+$0x7870]  }
0x1e3: {  	v20 =	vld [tilespmem:s26+$0xA070]  }
0x1e4: {  	v21 =	vld [tilespmem:s26+$0x7880]  }
0x1e5: {  	v22 =	vld [tilespmem:s26+$0xA080]  }
0x1e6: {  	v23 =	vld [tilespmem:s26+$0x7890]  }
0x1e7: {  	v24 =	vld [tilespmem:s26+$0xA090]  }
0x1e8: {  	v25 =	vld [tilespmem:s26+$0x78A0]  }
0x1e9: {  	v26 =	vld [tilespmem:s26+$0xA0A0]  }
0x1ea: {  	v27 =	vld [tilespmem:s26+$0x78B0]  }
0x1eb: {  	v28 =	vld [tilespmem:s26+$0xA0B0]  }
0x1ec: {  	v29 =	vld [tilespmem:s26+$0x78C0]  }
0x1ed: {  	v30 =	vld [tilespmem:s26+$0xA0C0]  }
0x1ee: {  	v31 =	vld [tilespmem:s26+$0x78D0]  }
0x1ef: {  	v32 =	vld [tilespmem:s26+$0xA0D0]  }
0x1f0: {  	v33 =	vld [tilespmem:s26+$0x78E0]  }
0x1f1: {  	v34 =	vld [tilespmem:s26+$0xA0E0]  }
0x1f2: {  	v35 =	vld [tilespmem:s26+$0x78F0]  }
0x1f3: {  	v36 =	vld [tilespmem:s26+$0xA0F0]  }
0x1f4: {  	v63 =	vld [tilespmem:s26+$0xA120]  }
0x1f5: {  	v37 =	vld [tilespmem:s26+$0x7930]  }
0x1f6: {  	p0 =	por $0x0, $0x0;
	s1 =	simm.s32 $0x1;
	v38 =	vld [tilespmem:s26+$0xA130]  }
0x1f7: {  	s1 =	simm.s32 @!p0 $0x0;
	v39 =	vld [tilespmem:s26+$0x7940]  }
0x1f8: {  	s1 =	sshll.u32 s1, $0x9;
	v40 =	vld [tilespmem:s26+$0xA140]  }
0x1f9: {  	s25 =	sadd.s32 $0x0, s1;
	v41 =	vld [tilespmem:s26+$0x7950]  }
0x1fa: {  	s14 =	simm.s32 $0x200;
	s15 =	simm.s32 $0x400;
	v42 =	vld [tilespmem:s26+$0xA150];
	s24 =	sadd.s32 $0x80, s25  }
0x1fb: {  	s14 =	sand.u32 $0x200, s14;
	v43 =	vld [tilespmem:s26+$0x7960];
	s29 =	sor.u32 $0x400, s24;
	s24 =	sand.u32 $0x3800, s15  }
0x1fc: {  	v44 =	vld [tilespmem:s26+$0xA160];
	s24 =	sor.u32 s14, s24  }
0x1fd: {  	v45 =	vld [tilespmem:s24+$0xA180]  }
0x1fe: {  	v46 =	vld [tilespmem:s24+$0x7990]  }
0x1ff: {  	v47 =	vld [tilespmem:s24+$0xA190]  }
0x200: {  	v48 =	vld [tilespmem:s24+$0x79A0]  }
0x201: {  	v49 =	vld [tilespmem:s24+$0xA1A0]  }
0x202: {  	v50 =	vld [tilespmem:s24+$0x79B0]  }
0x203: {  	v51 =	vld [tilespmem:s24+$0xA1B0]  }
0x204: {  	v52 =	vld [tilespmem:s24+$0x79E0]  }
0x205: {  	v53 =	vld [tilespmem:s24+$0xA1E0]  }
0x206: {  	v54 =	vld [tilespmem:s24+$0x79F0]  }
0x207: {  	v55 =	vld [tilespmem:s24+$0x7800]  }
0x208: {  	v57 =	vld [tilespmem:s24+$0xA1C0]  }
0x209: {  	v3 =	vadd.f32 v4, v3;
	v4 =	vld [tilespmem:s26+$0x79F0]  }
0x20a: {  	v5 =	vadd.f32 v6, v5;
	v6 =	vld [tilespmem:s26+$0xA1F0]  }
0x20b: {  	[tilespmem:s26+$0x7980] =	vst v3;
	v3 =	vadd.f32 v8, v7;
	v7 =	vld [tilespmem:s26+$0xA1C0]  }
0x20c: {  	v8 =	vld [tilespmem:s26+$0x7800]  }
0x20d: {  	[tilespmem:s26+$0x7990] =	vst v5;
	v5 =	vadd.f32 v10, v9;
	v9 =	vld [tilespmem:s26+$0xA000]  }
0x20e: {  	v10 =	vld [tilespmem:s26+$0x7810]  }
0x20f: {  	v56 =	vadd.f32 v47, v46;
	v46 =	vld [tilespmem:s24+$0x7870]  }
0x210: {  	v58 =	vadd.f32 v51, v50;
	v50 =	vld [tilespmem:s24+$0xA070]  }
0x211: {  	v51 =	vld [tilespmem:s24+$0x78E0]  }
0x212: {  	[tilespmem:s26+$0x79A0] =	vst v3;
	v3 =	vadd.f32 v13, v12;
	v12 =	vadd.f32 v53, v52;
	v52 =	vld [tilespmem:s24+$0x7900]  }
0x213: {  	[tilespmem:s26+$0x79B0] =	vst v5;
	v53 =	vld [tilespmem:s24+$0xA100]  }
0x214: {  	[tilespmem:s24+$0x7990] =	vst v56;
	v56 =	vld [tilespmem:s24+$0x7930]  }
0x215: {  	v5 =	vadd.f32 v15, v14;
	[tilespmem:s26+$0x79D0] =	vst v3;
	v3 =	vadd.f32 v6, v4;
	v6 =	vld [tilespmem:s26+$0xA010]  }
0x216: {  	v4 =	vadd.f32 v7, v11;
	v7 =	vld [tilespmem:s26+$0x7820]  }
0x217: {  	[tilespmem:s26+$0x79E0] =	vst v5;
	v11 =	vld [tilespmem:s26+$0x7830]  }
0x218: {  	v8 =	vadd.f32 v9, v8;
	v9 =	vld [tilespmem:s26+$0x7900];
	[tilespmem:s26+$0x79F0] =	vst v3  }
0x219: {  	s1 =	sadd.s32 $0x180, s25;
	v3 =	vld [tilespmem:s26+$0xA020];
	[tilespmem:s26+$0x79C0] =	vst v4  }
0x21a: {  	s1 =	sor.u32 $0x400, s1;
	[tilespmem:s26+$0x7800] =	vst v8;
	v8 =	vld [tilespmem:s26+$0xA110]  }
0x21b: {  	v4 =	vld [tilespmem:s1+$0x7800]  }
0x21c: {  	v5 =	vld [tilespmem:s1+$0xA000]  }
0x21d: {  	v6 =	vadd.f32 v6, v10;
	v10 =	vld [tilespmem:s26+$0xA100]  }
0x21e: {  	v3 =	vadd.f32 v3, v7;
	v7 =	vld [tilespmem:s26+$0x7910]  }
0x21f: {  	[tilespmem:s26+$0x7810] =	vst v6;
	v6 =	vadd.f32 v59, v11;
	v11 =	vld [tilespmem:s26+$0x7920]  }
0x220: {  	v59 =	vld [tilespmem:s24+$0x7810]  }
0x221: {  	[tilespmem:s26+$0x7820] =	vst v3;
	v3 =	vadd.f32 v61, v60;
	v61 =	vld [tilespmem:s24+$0xA020]  }
0x222: {  	v4 =	vsub.f32 v4, v5;
	v5 =	vld [tilespmem:s24+$0x7910]  }
0x223: {  	[tilespmem:s26+$0x7830] =	vst v6;
	v9 =	vadd.f32 v10, v9;
	v10 =	vld [tilespmem:s24+$0x79C0]  }
0x224: {  	v6 =	vadd.f32 v16, v62;
	[tilespmem:s26+$0x7840] =	vst v3;
	v7 =	vadd.f32 v8, v7;
	v8 =	vld [tilespmem:s24+$0x79D0]  }
0x225: {  	v3 =	vadd.f32 v18, v17;
	[tilespmem:s26+$0x7900] =	vst v9;
	v9 =	vadd.f32 v63, v11;
	v11 =	vld [tilespmem:s24+$0xA1D0]  }
0x226: {  	[tilespmem:s26+$0x7850] =	vst v6;
	v6 =	vadd.f32 v20, v19;
	v63 =	vld [tilespmem:s24+$0xA040]  }
0x227: {  	[tilespmem:s26+$0x7860] =	vst v3;
	v3 =	vadd.f32 v22, v21;
	v21 =	vld [tilespmem:s26+$0x7970]  }
0x228: {  	s28 =	sor.u32 $0x400, s25;
	[tilespmem:s26+$0x7870] =	vst v6;
	v22 =	vld [tilespmem:s26+$0xA170]  }
0x229: {  	v6 =	vadd.f32 v24, v23;
	v23 =	vld [tilespmem:s28+$0x7800]  }
0x22a: {  	[tilespmem:s26+$0x7910] =	vst v7;
	v7 =	vadd.f32 v38, v37;
	v37 =	vld [tilespmem:s24+$0xA080]  }
0x22b: {  	[tilespmem:s26+$0x7920] =	vst v9;
	v38 =	vld [tilespmem:s24+$0x7890]  }
0x22c: {  	v9 =	vadd.f32 v40, v39;
	v39 =	vld [tilespmem:s24+$0xA090];
	[tilespmem:s26+$0x7880] =	vst v3  }
0x22d: {  	v40 =	vld [tilespmem:s24+$0x78A0];
	[tilespmem:s26+$0x7890] =	vst v6  }
0x22e: {  	v3 =	vadd.f32 v26, v25;
	v10 =	vadd.f32 v57, v10;
	v57 =	vld [tilespmem:s24+$0xA130];
	[tilespmem:s26+$0x7930] =	vst v7  }
0x22f: {  	v6 =	vadd.f32 v28, v27;
	[tilespmem:s26+$0x7940] =	vst v9;
	v9 =	vld [tilespmem:s24+$0xA1F0]  }
0x230: {  	v7 =	vadd.f32 v42, v41;
	v41 =	vld [tilespmem:s24+$0xA0A0];
	[tilespmem:s26+$0x78A0] =	vst v3  }
0x231: {  	v42 =	vld [tilespmem:s24+$0x78B0];
	[tilespmem:s26+$0x78B0] =	vst v6  }
0x232: {  	v3 =	vadd.f32 v30, v29;
	[tilespmem:s24+$0x79C0] =	vst v10;
	v10 =	vld [tilespmem:s24+$0xA030]  }
0x233: {  	v6 =	vadd.f32 v32, v31;
	[tilespmem:s26+$0x7950] =	vst v7;
	v7 =	vadd.f32 v44, v43;
	v43 =	vld [tilespmem:s24+$0xA0B0]  }
0x234: {  	[tilespmem:s26+$0x78C0] =	vst v3;
	v3 =	vadd.f32 v34, v33;
	v34 =	vld [tilespmem:s24+$0xA050]  }
0x235: {  	[tilespmem:s26+$0x78D0] =	vst v6;
	v6 =	vadd.f32 v36, v35;
	v35 =	vld [tilespmem:s24+$0x7860]  }
0x236: {  	v36 =	vld [tilespmem:s24+$0x7880]  }
0x237: {  	[tilespmem:s26+$0x7960] =	vst v7;
	v7 =	vadd.f32 v49, v48;
	v48 =	vld [tilespmem:s24+$0x78D0]  }
0x238: {  	[tilespmem:s24+$0x79B0] =	vst v58;
	v49 =	vld [tilespmem:s24+$0xA0D0]  }
0x239: {  	[tilespmem:s26+$0x78F0] =	vst v6;
	v6 =	vld [tilespmem:s28+$0xA000]  }
0x23a: {  	[tilespmem:s26+$0x78E0] =	vst v3;
	v3 =	vld [tilespmem:s24+$0x7980]  }
0x23b: {  	[tilespmem:s24+$0x79E0] =	vst v12;
	v9 =	vadd.f32 v9, v54;
	v54 =	vld [tilespmem:s24+$0xA110]  }
0x23c: {  	[tilespmem:s1+$0x7800] =	vst v4;
	v44 =	vadd.f32 v39, v38;
	v24 =	vld [tilespmem:s29+$0x7800]  }
0x23d: {  	[tilespmem:s24+$0x79A0] =	vst v7;
	v7 =	vadd.f32 v11, v8;
	v8 =	vld [tilespmem:s24+$0xA010]  }
0x23e: {  	[tilespmem:s24+$0x7890] =	vst v44;
	v11 =	vld [tilespmem:s29+$0xA000]  }
0x23f: {  	v47 =	vadd.f32 v41, v40;
	[tilespmem:s24+$0x79F0] =	vst v9;
	v9 =	vld [tilespmem:s24+$0x7830]  }
0x240: {  	s13 =	simm.s32 $0x1;
	p0 =	por !p0, !p0;
	v58 =	vadd.f32 v43, v42;
	[tilespmem:s24+$0x79D0] =	vst v7;
	v7 =	vld [tilespmem:s24+$0x7820]  }
0x241: {  	s13 =	simm.s32 @!p0 $0x0;
	[tilespmem:s24+$0x78A0] =	vst v47;
	v17 =	vadd.f32 v37, v36;
	v3 =	vadd.f32 v45, v3;
	v45 =	vld [tilespmem:s24+$0x78C0]  }
0x242: {  	s13 =	sshll.u32 s13, $0x9;
	[tilespmem:s24+$0x78B0] =	vst v58;
	v4 =	vsub.f32 v23, v6;
	v6 =	vld [tilespmem:s24+$0x7920]  }
0x243: {  	s30 =	sadd.s32 $0x400, s13;
	[tilespmem:s24+$0x7880] =	vst v17;
	v8 =	vadd.f32 v8, v59;
	v59 =	vld [tilespmem:s24+$0xA140]  }
0x244: {  	s13 =	sadd.s32 $0x180, s30;
	v5 =	vadd.f32 v54, v5;
	[tilespmem:s24+$0x7980] =	vst v3;
	v3 =	vld [tilespmem:s24+$0xA000]  }
0x245: {  	s13 =	sor.u32 $0x400, s13;
	v9 =	vadd.f32 v10, v9;
	v10 =	vld [tilespmem:s24+$0xA060];
	[tilespmem:s28+$0x7800] =	vst v4  }
0x246: {  	v11 =	vsub.f32 v24, v11;
	[tilespmem:s24+$0x7910] =	vst v5;
	v62 =	vld [tilespmem:s13+$0x7800]  }
0x247: {  	[tilespmem:s24+$0x7810] =	vst v8;
	v33 =	vld [tilespmem:s13+$0xA000]  }
0x248: {  	v4 =	vadd.f32 v53, v52;
	v8 =	vld [tilespmem:s24+$0x7840];
	[tilespmem:s29+$0x7800] =	vst v11  }
0x249: {  	v5 =	vld [tilespmem:s24+$0x78F0];
	v7 =	vadd.f32 v61, v7;
	[tilespmem:s24+$0x7830] =	vst v9  }
0x24a: {  	s25 =	sadd.s32 $0x100, s25;
	v21 =	vadd.f32 v22, v21;
	[tilespmem:s24+$0x7900] =	vst v4;
	v60 =	vadd.f32 v3, v55;
	v55 =	vld [tilespmem:s24+$0xA120]  }
0x24b: {  	s25 =	sor.u32 $0x400, s25;
	[tilespmem:s24+$0x7820] =	vst v7;
	v7 =	vld [tilespmem:s24+$0x7850]  }
0x24c: {  	v3 =	vld [tilespmem:s25+$0x7800];
	[tilespmem:s26+$0x7970] =	vst v21;
	v11 =	vsub.f32 v62, v33  }
0x24d: {  	v61 =	vld [tilespmem:s24+$0x7960];
	v8 =	vadd.f32 v63, v8;
	[tilespmem:s24+$0x7800] =	vst v60  }
0x24e: {  	v9 =	vld [tilespmem:s24+$0xA0C0];
	v63 =	vadd.f32 v49, v48;
	[tilespmem:s13+$0x7800] =	vst v11  }
0x24f: {  	v4 =	vld [tilespmem:s24+$0xA0E0];
	[tilespmem:s24+$0x7840] =	vst v8;
	v6 =	vadd.f32 v55, v6  }
0x250: {  	v7 =	vadd.f32 v34, v7;
	v8 =	vld [tilespmem:s24+$0x7950];
	[tilespmem:s24+$0x78D0] =	vst v63  }
0x251: {  	v60 =	vadd.f32 v50, v46;
	[tilespmem:s24+$0x7920] =	vst v6;
	v6 =	vld [tilespmem:s24+$0xA0F0]  }
0x252: {  	[tilespmem:s24+$0x7850] =	vst v7;
	v7 =	vadd.f32 v10, v35;
	v10 =	vld [tilespmem:s24+$0xA150]  }
0x253: {  	v9 =	vadd.f32 v9, v45;
	v11 =	vld [tilespmem:s24+$0x7940];
	[tilespmem:s24+$0x7870] =	vst v60  }
0x254: {  	v62 =	vld [tilespmem:s24+$0xA160];
	[tilespmem:s24+$0x7860] =	vst v7;
	v7 =	vadd.f32 v57, v56  }
0x255: {  	[tilespmem:s24+$0x78C0] =	vst v9;
	v9 =	vadd.f32 v4, v51;
	v4 =	vld [tilespmem:s24+$0x7970]  }
0x256: {  	s1 =	sor.u32 $0x400, s30;
	[tilespmem:s24+$0x7930] =	vst v7;
	v7 =	vld [tilespmem:s24+$0xA170];
	v6 =	vadd.f32 v6, v5  }
0x257: {  	s14 =	sadd.s32 $0x80, s30;
	[tilespmem:s24+$0x78E0] =	vst v9;
	v10 =	vadd.f32 v10, v8;
	v8 =	vld [tilespmem:s1+$0xA000]  }
0x258: {  	s15 =	sadd.s32 $0x100, s30;
	s31 =	sor.u32 $0x400, s14;
	v9 =	vadd.f32 v59, v11;
	v5 =	vld [tilespmem:s1+$0x7800];
	[tilespmem:s24+$0x78F0] =	vst v6  }
0x259: {  	s30 =	sor.u32 $0x400, s15;
	[tilespmem:s24+$0x7950] =	vst v10;
	v10 =	vadd.f32 v62, v61;
	v6 =	vld [tilespmem:s31+$0x7800]  }
0x25a: {  	s28 =	simm.s32 $0x400;
	s29 =	simm.s32 $0x800;
	s26 =	simm.s32 $0x4;
	[tilespmem:s24+$0x7940] =	vst v9;
	v9 =	vld [tilespmem:s31+$0xA000]  }
.LBB2_10:
0x25b: {  	s13 =	sand.u32 $0x3800, s29;
	s14 =	sand.u32 $0x200, s28;
	[tilespmem:s24+$0x7960] =	vst v10;
	v4 =	vadd.f32 v7, v4;
	v7 =	vld [tilespmem:s30+$0x7800]  }
0x25c: {  	s13 =	sor.u32 s14, s13;
	v10 =	vld [tilespmem:s25+$0xA000]  }
0x25d: {  	v11 =	vld [tilespmem:s13+$0x7980];
	v5 =	vsub.f32 v5, v8;
	[tilespmem:s24+$0x7970] =	vst v4;
	s24 =	smov.u32 s13  }
0x25e: {  	v4 =	vld [tilespmem:s24+$0xA180]  }
0x25f: {  	v8 =	vld [tilespmem:s24+$0x7990];
	[tilespmem:s1+$0x7800] =	vst v5;
	v5 =	vsub.f32 v6, v9  }
0x260: {  	v6 =	vld [tilespmem:s24+$0xA190]  }
0x261: {  	v9 =	vld [tilespmem:s24+$0x79A0];
	[tilespmem:s31+$0x7800] =	vst v5;
	v5 =	vsub.f32 v3, v10;
	v3 =	vmov v7  }
0x262: {  	v7 =	vld [tilespmem:s24+$0xA1A0]  }
0x263: {  	v10 =	vld [tilespmem:s24+$0x79B0];
	[tilespmem:s25+$0x7800] =	vst v5;
	s25 =	smov.u32 s30  }
0x264: {  	v5 =	vld [tilespmem:s24+$0xA1B0]  }
0x265: {  	v12 =	vld [tilespmem:s24+$0x79C0]  }
0x266: {  	v13 =	vld [tilespmem:s24+$0x79D0]  }
0x267: {  	v14 =	vld [tilespmem:s24+$0xA1D0]  }
0x268: {  	v15 =	vld [tilespmem:s24+$0x79E0]  }
0x269: {  	v16 =	vld [tilespmem:s24+$0xA1E0]  }
0x26a: {  	s26 =	sadd.s32 $0x4, s26;
	v4 =	vadd.f32 v4, v11;
	v11 =	vld [tilespmem:s24+$0x79F0]  }
0x26b: {  	p1 =	slt.u32 s26, $0x24;
	v6 =	vadd.f32 v6, v8;
	v8 =	vld [tilespmem:s24+$0xA1F0]  }
0x26c: {  	[tilespmem:s24+$0x7980] =	vst v4;
	v4 =	vadd.f32 v7, v9;
	v7 =	vld [tilespmem:s24+$0xA1C0]  }
0x26d: {  	p0 =	por !p0, !p0;
	s1 =	simm.s32 $0x1;
	v5 =	vadd.f32 v5, v10;
	v9 =	vld [tilespmem:s24+$0x7800];
	[tilespmem:s24+$0x7990] =	vst v6  }
0x26e: {  	s1 =	simm.s32 @!p0 $0x0;
	v6 =	vld [tilespmem:s24+$0xA000];
	[tilespmem:s24+$0x79A0] =	vst v4;
	v4 =	vadd.f32 v14, v13  }
0x26f: {  	s1 =	sshll.u32 s1, $0x9;
	v10 =	vld [tilespmem:s24+$0x7810];
	[tilespmem:s24+$0x79B0] =	vst v5;
	v5 =	vadd.f32 v16, v15  }
0x270: {  	s1 =	sadd.s32 s1, s29;
	v13 =	vld [tilespmem:s24+$0xA010];
	[tilespmem:s24+$0x79D0] =	vst v4;
	v4 =	vadd.f32 v8, v11  }
0x271: {  	s13 =	sadd.s32 $0x80, s1;
	s14 =	sadd.s32 $0x100, s1;
	s15 =	sadd.s32 $0x180, s1;
	v8 =	vld [tilespmem:s24+$0x7820];
	v7 =	vadd.f32 v7, v12;
	[tilespmem:s24+$0x79E0] =	vst v5  }
0x272: {  	s31 =	sor.u32 $0x400, s13;
	s30 =	sor.u32 $0x400, s14;
	s13 =	sor.u32 $0x400, s15;
	v5 =	vld [tilespmem:s24+$0xA020];
	[tilespmem:s24+$0x79F0] =	vst v4  }
0x273: {  	s1 =	sor.u32 $0x400, s1;
	v4 =	vadd.f32 v6, v9;
	[tilespmem:s24+$0x79C0] =	vst v7;
	v6 =	vld [tilespmem:s13+$0x7800]  }
0x274: {  	v7 =	vld [tilespmem:s13+$0xA000]  }
0x275: {  	[tilespmem:s24+$0x7800] =	vst v4;
	v4 =	vadd.f32 v13, v10;
	v9 =	vld [tilespmem:s24+$0x7830]  }
0x276: {  	v10 =	vld [tilespmem:s24+$0xA030]  }
0x277: {  	[tilespmem:s24+$0x7810] =	vst v4;
	v4 =	vadd.f32 v5, v8;
	v5 =	vld [tilespmem:s24+$0x7840]  }
0x278: {  	v8 =	vld [tilespmem:s24+$0xA040]  }
0x279: {  	[tilespmem:s24+$0x7820] =	vst v4;
	v4 =	vld [tilespmem:s24+$0x7850];
	v6 =	vsub.f32 v6, v7  }
0x27a: {  	v7 =	vld [tilespmem:s24+$0xA050]  }
0x27b: {  	v9 =	vadd.f32 v10, v9;
	v10 =	vld [tilespmem:s24+$0x7860];
	[tilespmem:s13+$0x7800] =	vst v6  }
0x27c: {  	v6 =	vld [tilespmem:s24+$0xA060]  }
0x27d: {  	[tilespmem:s24+$0x7830] =	vst v9;
	v5 =	vadd.f32 v8, v5;
	v8 =	vld [tilespmem:s24+$0x7870]  }
0x27e: {  	v9 =	vld [tilespmem:s24+$0xA070]  }
0x27f: {  	[tilespmem:s24+$0x7840] =	vst v5;
	v4 =	vadd.f32 v7, v4;
	v5 =	vld [tilespmem:s24+$0x7880]  }
0x280: {  	v7 =	vld [tilespmem:s24+$0xA080]  }
0x281: {  	[tilespmem:s24+$0x7850] =	vst v4;
	v4 =	vadd.f32 v6, v10;
	v6 =	vld [tilespmem:s24+$0x7890]  }
0x282: {  	v10 =	vld [tilespmem:s24+$0xA090]  }
0x283: {  	[tilespmem:s24+$0x7860] =	vst v4;
	v4 =	vadd.f32 v9, v8;
	v8 =	vld [tilespmem:s24+$0x78A0]  }
0x284: {  	v9 =	vld [tilespmem:s24+$0xA0A0]  }
0x285: {  	[tilespmem:s24+$0x7870] =	vst v4;
	v4 =	vadd.f32 v7, v5;
	v5 =	vld [tilespmem:s24+$0x78B0]  }
0x286: {  	v7 =	vld [tilespmem:s24+$0xA0B0]  }
0x287: {  	[tilespmem:s24+$0x7880] =	vst v4;
	v4 =	vadd.f32 v10, v6;
	v6 =	vld [tilespmem:s24+$0x78C0]  }
0x288: {  	v10 =	vld [tilespmem:s24+$0xA0C0]  }
0x289: {  	[tilespmem:s24+$0x7890] =	vst v4;
	v4 =	vadd.f32 v9, v8;
	v8 =	vld [tilespmem:s24+$0x78D0]  }
0x28a: {  	v9 =	vld [tilespmem:s24+$0xA0D0]  }
0x28b: {  	[tilespmem:s24+$0x78A0] =	vst v4;
	v4 =	vadd.f32 v7, v5;
	v5 =	vld [tilespmem:s24+$0x78E0]  }
0x28c: {  	v7 =	vld [tilespmem:s24+$0xA0E0]  }
0x28d: {  	[tilespmem:s24+$0x78B0] =	vst v4;
	v4 =	vadd.f32 v10, v6;
	v6 =	vld [tilespmem:s24+$0x78F0]  }
0x28e: {  	v10 =	vld [tilespmem:s24+$0xA0F0]  }
0x28f: {  	[tilespmem:s24+$0x78C0] =	vst v4;
	v4 =	vadd.f32 v9, v8;
	v8 =	vld [tilespmem:s24+$0x7900]  }
0x290: {  	v9 =	vld [tilespmem:s24+$0xA100]  }
0x291: {  	[tilespmem:s24+$0x78D0] =	vst v4;
	v4 =	vadd.f32 v7, v5;
	v5 =	vld [tilespmem:s24+$0x7910]  }
0x292: {  	v7 =	vld [tilespmem:s24+$0xA110]  }
0x293: {  	[tilespmem:s24+$0x78E0] =	vst v4;
	v4 =	vadd.f32 v10, v6;
	v6 =	vld [tilespmem:s24+$0x7920]  }
0x294: {  	v10 =	vld [tilespmem:s24+$0xA120]  }
0x295: {  	[tilespmem:s24+$0x78F0] =	vst v4;
	v4 =	vadd.f32 v9, v8;
	v8 =	vld [tilespmem:s24+$0x7930]  }
0x296: {  	v9 =	vld [tilespmem:s24+$0xA130]  }
0x297: {  	[tilespmem:s24+$0x7900] =	vst v4;
	v4 =	vadd.f32 v7, v5;
	v5 =	vld [tilespmem:s24+$0x7940]  }
0x298: {  	v7 =	vld [tilespmem:s24+$0xA140]  }
0x299: {  	[tilespmem:s24+$0x7910] =	vst v4;
	v4 =	vadd.f32 v10, v6;
	v6 =	vld [tilespmem:s24+$0x7950]  }
0x29a: {  	v10 =	vld [tilespmem:s24+$0xA150]  }
0x29b: {  	[tilespmem:s24+$0x7920] =	vst v4;
	v4 =	vadd.f32 v9, v8;
	v9 =	vld [tilespmem:s24+$0x7960]  }
0x29c: {  	v11 =	vld [tilespmem:s24+$0xA160]  }
0x29d: {  	[tilespmem:s24+$0x7930] =	vst v4;
	v8 =	vadd.f32 v7, v5;
	v4 =	vld [tilespmem:s24+$0x7970]  }
.Ltmp8:
0x29e: {  	v7 =	vld [tilespmem:s24+$0xA170];
	(pc) =	sbr.rel @p1 .LBB2_10-.Ltmp8, $4  }
0x29f: {  	v5 =	vld [tilespmem:s1+$0x7800];
	[tilespmem:s24+$0x7940] =	vst v8;
	v10 =	vadd.f32 v10, v6  }
0x2a0: {  	v8 =	vld [tilespmem:s1+$0xA000]  }
0x2a1: {  	v6 =	vld [tilespmem:s31+$0x7800];
	[tilespmem:s24+$0x7950] =	vst v10;
	v10 =	vadd.f32 v11, v9  }
0x2a2: {  	s28 =	sadd.s32 $0x200, s28;
	s29 =	sadd.s32 $0x400, s29;
	v9 =	vld [tilespmem:s31+$0xA000]  }
0x2a3: {  	v4 =	vadd.f32 v7, v4  }
0x2a4: {  	[tilespmem:s24+$0x7960] =	vst v10;
	v63 =	vld [tilespmem:s25+$0xA000]  }
0x2a5: {  	v62 =	vld [tilespmem:s30+$0x7800];
	[tilespmem:s24+$0x7970] =	vst v4  }
0x2a6: {  	v4 =	vld [tilespmem:s30+$0xA000];
	_ =	sdelay $0x1  }
0x2a7: {  	v5 =	vsub.f32 v5, v8  }
0x2a8: {  	s13 =	smul.u32 $0x28, s23;
	v6 =	vsub.f32 v6, v9  }
.Ltmp9:
0x2a9: {  	[tilespmem:s1+$0x7800] =	vst v5;
	v3 =	vsub.f32 v3, v63;
	(pc) =	sbr.rel .LBB2_12-.Ltmp9, $4  }
0x2aa: {  	[tilespmem:s31+$0x7800] =	vst v6;
	s31 =	sadd.s32 s3, s13;
	v4 =	vsub.f32 v62, v4  }
0x2ab: {  	[tilespmem:s25+$0x7800] =	vst v3;
	s1 =	sshll.u32 s31, $0x5  }
0x2ac: {  	s1 =	sadd.s32 s6, s1;
	[tilespmem:s30+$0x7800] =	vst v4  }
0x2ad: {  	[hbm4b:s1+s2] =	stream.linear.scatter [tilespmem:s22], [sflag:$0x6], $0x2800, $0x38;
	[tilespmem:$0xC800] =	vst v63  }
.LBB2_14:
0x2ae: {  	_ =	sfence.sel $0x180000  }
0x2af: {  	[bflag:$0x0] =	sbarrier.arrive $0xFFFF  }
0x2b0: {  	_ =	strace $0x90000047  }
0x2b1: {  	s0 =	stileid.u32;
	[bflag:$0x2] =	sbarrier.arrive $0xFFFF  }
0x2b2: {  	p0 =	sne.s32 s0, $0x0;
	s0 =	rddreg [dreg:$0x1]  }
0x2b3: {  	s0 =	sadd.s32 @!p0 $0x100000, s0  }
0x2b4: {  	[sflag:s0] =	ssyncadd.tile.s32 @!p0 $0x1;
	_ =	shalt  }
.Lfunc_end2:
_tile_overlayer_lowered:
.L_overlay_start_2:
0x2b5: {  	(tag) =	ssettag $0x2  }
0x2b6: {  	s0 =	rddreg [dreg:$0x0];
	s2 =	stileid.u32  }
0x2b7: {  	s1 =	rddreg [dreg:$0x1];
	p0 =	sne.s32 s2, $0x0  }
0x2b8: {  	s3 =	rddreg [dreg:$0x2];
	[bflag:$0x3] =	sbarrier.arrive $0xFFFF;
	s2 =	simm.s32 @!p0 $0x1C07  }
0x2b9: {  	[timem:s3], [sflag:s2] =	dma.local @!p0 [hbm:s0], s1  }
0x2ba: {  	s0 =	simm.s32 @!p0 $0x7  }
0x2bb: {  	_ =	swait.ge @!p0 [sflag:s0], s1  }
0x2bc: {  	s1 =	ssub.s32 @!p0 $0x0, s1;
	[sflag:s0] =	ssyncset.done @!p0 $0x0  }
0x2bd: {  	[sflag:s0] =	ssyncadd.s32 @!p0 s1  }
0x2be: {  	[bflag:$0x3] =	sbarrier.arrive $0xFFFF  }
0x2bf: {  	_ =	shalt  }

// kernel: kernel.19.cloned.1.call-start
scs
__scs_entry_jumppad:
0x0: {  	(pc) =	sbr.rel $0x88, $3  }
0x1: {  	(tag) =	ssettag $0x0;
	lr =	simm.s32 $0x1  }
0x2: {  	[smem:$0x3F90] =	sst lr;
	_ =	strace $0xD0000000  }
0x3: {  	_ = 	snop  }
0x4: {  	_ = 	snop  }
0x5: {  	_ = 	snop  }
0x6: {  	_ = 	snop  }
0x7: {  	_ = 	snop  }
__scs_overlays_trampoline_lowered:
0x8: {  	[smem:$0x3F9F] =	sst s0  }
0x9: {  	[smem:$0x3FA0] =	sst s1  }
0xa: {  	[smem:$0x3FA1] =	sst s2  }
0xb: {  	[smem:$0x3FA2] =	sst s3  }
0xc: {  	[smem:$0x3FA3] =	sst s4  }
0xd: {  	[smem:$0x3FA4] =	sst s5  }
0xe: {  	[smem:$0x3FA5] =	sst s6  }
0xf: {  	[smem:$0x3FA6] =	sst s7  }
0x10: {  	[smem:$0x3FA7] =	sst s8  }
0x11: {  	[smem:$0x3FA8] =	sst s9;
	s0 =	simm.s32 @!p0 $0x0  }
0x12: {  	s1 =	sld [smem:$0x3F8E];
	s0 =	simm.s32 @p0 $0x1  }
0x13: {  	[smem:$0x3FA9] =	sst s0;
	s0 =	simm.s32 @!p1 $0x0  }
0x14: {  	s2 =	sld [smem:$0x3F8D];
	s0 =	simm.s32 @p1 $0x1  }
0x15: {  	[smem:$0x3FAA] =	sst s0;
	s0 =	simm.s32 @!p2 $0x0  }
0x16: {  	s3 =	sld [smem:$0x3FDB];
	s0 =	simm.s32 @p2 $0x1  }
0x17: {  	s4 =	simm.s32 $0x1BF5;
	[smem:$0x3FAC] =	sst s0  }
0x18: {  	s0 =	sld [smem:$0x3F8F];
	_ =	swait.ge [sflag:s4], $0x0  }
0x19: {  	s7 =	sld [smem:$0x3F90]  }
0x1a: {  	s8 =	sadd.s32 $0xFFFFE003, lr  }
0x1b: {  	s9 =	sadd.s32 $0xFFFFFEF7, lr;
	s5 =	simm.s32 $0xFFFFFFFF;
	p2 =	slt.u32 s8, $0xFFFFF086  }
0x1c: {  	p1 =	slt.u32 s9, $0xF7A;
	s5 =	simm.s32 @!p2 $0x0  }
0x1d: {  	s5 =	simm.s32 @p1 $0x1;
	p0 =	seq.s32 s7, s2  }
0x1e: {  	s7 =	smul.u32 @!p0 $0xF7A, s2;
	p2 =	seq.s32 @!p0 s5, $0x0  }
0x1f: {  	s9 =	smul.u32 $0xF7A, s1;
	s8 =	simm.s32 @!p0 $0x1BF5;
	p2 =	por !p2, p0  }
0x20: {  	[sflag:s8] =	ssyncset.s32 @!p0 $0xFFFFF086;
	s6 =	sadd.s32 @!p0 s3, s7;
	s7 =	simm.s32 @!p0 $0x108  }
0x21: {  	s3 =	sadd.s32 s3, s9;
	s6 =	sadd.s32 @!p0 $0x88, s6;
	s7 =	simm.s32 @p2 $0x1082  }
0x22: {  	[simem:s7], [sflag:s8] =	dma.local @!p0 [hbm:s6], $0xF7A  }
0x23: {  	s9 =	sor.u32 $0xD0000000, s2;
	s6 =	simm.s32 $0x108;
	_ =	swait.ge @!p0 [sflag:s8], $0x0  }
0x24: {  	s3 =	sadd.s32 $0x88, s3;
	s6 =	simm.s32 @!p1 $0x1082;
	[sflag:s4] =	ssyncset.s32 $0xFFFFF086  }
0x25: {  	[simem:s6], [sflag:s4] =	dma.local [hbm:s3], $0xF7A  }
0x26: {  	[smem:$0x3F90] =	sst s1;
	(tag) =	ssettag s2;
	_ =	strace s9  }
0x27: {  	s1 =	sld [smem:$0x3FA0]  }
0x28: {  	s2 =	sld [smem:$0x3FA1]  }
0x29: {  	s4 =	sld [smem:$0x3FA3]  }
0x2a: {  	p0 =	seq.s32 s5, $0x0;
	s5 =	sld [smem:$0x3FA4]  }
0x2b: {  	s6 =	sld [smem:$0x3FA5]  }
0x2c: {  	s7 =	sld [smem:$0x3FA6]  }
0x2d: {  	s3 =	simm.s32 $0x108;
	s8 =	sld [smem:$0x3FA7]  }
0x2e: {  	s3 =	simm.s32 @!p0 $0x1082;
	s9 =	sld [smem:$0x3FA8]  }
0x2f: {  	lr =	sadd.s32 s0, s3;
	s0 =	sld [smem:$0x3F9F]  }
0x30: {  	s3 =	sld [smem:$0x3FA2]  }
0x31: {  	[smem:$0x3FAB] =	sst s10  }
0x32: {  	s10 =	sld [smem:$0x3FA9];
	_ =	sdelay $0x3  }
0x33: {  	p0 =	seq.s32 s10, $0x1;
	s10 =	sld [smem:$0x3FAB];
	_ =	sdelay $0x3  }
0x34: {  	[smem:$0x3FAB] =	sst s10  }
0x35: {  	s10 =	sld [smem:$0x3FAA];
	_ =	sdelay $0x3  }
0x36: {  	p1 =	seq.s32 s10, $0x1;
	s10 =	sld [smem:$0x3FAB];
	_ =	sdelay $0x3  }
0x37: {  	[smem:$0x3FAB] =	sst s10  }
0x38: {  	s10 =	sld [smem:$0x3FAC]  }
0x39: {  	_ = 	snop;
	(pc) =	sbr.ind lr, $3  }
0x3a: {  	_ = 	snop  }
0x3b: {  	_ = 	snop  }
0x3c: {  	p2 =	seq.s32 s10, $0x1;
	s10 =	sld [smem:$0x3FAB]  }
0x3d: {  	_ =	shalt  }
0x3e: {  	_ =	shalt  }
0x3f: {  	_ =	shalt  }
0x40: {  	_ =	shalt  }
0x41: {  	_ =	shalt  }
0x42: {  	_ =	shalt  }
0x43: {  	_ =	shalt  }
0x44: {  	_ =	shalt  }
0x45: {  	_ =	shalt  }
0x46: {  	_ =	shalt  }
0x47: {  	_ =	shalt  }
0x48: {  	_ =	shalt  }
0x49: {  	_ =	shalt  }
0x4a: {  	_ =	shalt  }
0x4b: {  	_ =	shalt  }
0x4c: {  	_ =	shalt  }
0x4d: {  	_ =	shalt  }
0x4e: {  	_ =	shalt  }
0x4f: {  	_ =	shalt  }
0x50: {  	_ =	shalt  }
0x51: {  	_ =	shalt  }
0x52: {  	_ =	shalt  }
0x53: {  	_ =	shalt  }
0x54: {  	_ =	shalt  }
0x55: {  	_ =	shalt  }
0x56: {  	_ =	shalt  }
0x57: {  	_ =	shalt  }
0x58: {  	_ =	shalt  }
0x59: {  	_ =	shalt  }
0x5a: {  	_ =	shalt  }
0x5b: {  	_ =	shalt  }
0x5c: {  	_ =	shalt  }
0x5d: {  	_ =	shalt  }
0x5e: {  	_ =	shalt  }
0x5f: {  	_ =	shalt  }
0x60: {  	_ =	shalt  }
0x61: {  	_ =	shalt  }
0x62: {  	_ =	shalt  }
0x63: {  	_ =	shalt  }
0x64: {  	_ =	shalt  }
0x65: {  	_ =	shalt  }
0x66: {  	_ =	shalt  }
0x67: {  	_ =	shalt  }
0x68: {  	_ =	shalt  }
0x69: {  	_ =	shalt  }
0x6a: {  	_ =	shalt  }
0x6b: {  	_ =	shalt  }
0x6c: {  	_ =	shalt  }
0x6d: {  	_ =	shalt  }
0x6e: {  	_ =	shalt  }
0x6f: {  	_ =	shalt  }
0x70: {  	_ =	shalt  }
0x71: {  	_ =	shalt  }
0x72: {  	_ =	shalt  }
0x73: {  	_ =	shalt  }
0x74: {  	_ =	shalt  }
0x75: {  	_ =	shalt  }
0x76: {  	_ =	shalt  }
0x77: {  	_ =	shalt  }
0x78: {  	_ =	shalt  }
0x79: {  	_ =	shalt  }
0x7a: {  	_ =	shalt  }
0x7b: {  	_ =	shalt  }
0x7c: {  	_ =	shalt  }
0x7d: {  	_ =	shalt  }
0x7e: {  	_ =	shalt  }
0x7f: {  	_ =	shalt  }
0x80: {  	_ =	shalt  }
0x81: {  	_ =	shalt  }
0x82: {  	_ =	shalt  }
0x83: {  	_ =	shalt  }
0x84: {  	_ =	shalt  }
0x85: {  	_ =	shalt  }
0x86: {  	_ =	shalt  }
0x87: {  	_ =	shalt  }
.Lfunc_end0:
.L_simem_size_0:
called_computation.3_lowered:
.L_overlay_start_0:
0x88: {  	s2 =	sld [smem:$0x3FD9]  }
0x89: {  	s3 =	sld [smem:$0x3FFE];
	_ =	sdelay $0x1  }
0x8a: {  	s1 =	srdreg.scid  }
0x8b: {  	s0 =	sand.u32 $0x1, s1  }
0x8c: {  	s17 =	sshll.u32 s0, $0xA;
	s2 =	sadd.s32 s3, s2  }
0x8d: {  	s2 =	sadd.s32 s2, s17  }
0x8e: {  	[smem:$0x3FB7] =	sst s2  }
0x8f: {  	_ = 	snop  }
0x90: {  	(tm) =	ssettm $0x1  }
0x91: {  	s18 =	sld [smem:$0x3FFB];
	_ =	sdelay $0x3  }
0x92: {  	_ =	strace s18  }
0x93: {  	s2 =	sld [smem:$0x3FFC];
	_ =	sdelay $0x3  }
0x94: {  	_ =	strace s2  }
0x95: {  	s2 =	sld [smem:$0x3FFD];
	_ =	sdelay $0x3  }
0x96: {  	_ =	strace s2  }
0x97: {  	_ =	strace $0x8FFFFFFF  }
0x98: {  	s19 =	sld [smem:$0x3FDB];
	_ =	sdelay $0x1  }
0x99: {  	s20 =	simm.s32 $_scs_section_size  }
0x9a: {  	s4 =	simm.s32 $_size__tile_overlayer_lowered;
	s5 =	simm.s32 $_tile_overlayer_lowered  }
0x9b: {  	s6 =	simm.s32 $0x1BFF;
	s21 =	sshll.u32 s5, $0x1;
	s3 =	sadd.s32 s20, s19  }
0x9c: {  	s22 =	simm.s32 $0x0;
	s4 =	sshll.u32 s4, $0x1;
	s5 =	sadd.s32 s21, s3  }
0x9d: {  	[timem:s22], [sflag:s6] =	dma.local [hbm:s5], s4  }
0x9e: {  	_ =	swait.ge [sflag:s6], s4  }
0x9f: {  	s4 =	ssub.s32 $0x0, s4;
	[sflag:s6] =	ssyncset.done $0x0  }
0xa0: {  	[sflag:s6] =	ssyncadd.s32 s4;
	_ =	sdelay $0x1  }
0xa1: {  	s23 =	simm.s32 $0x1B8B  }
0xa2: {  	_ =	swait.ge [sflag:s23], $0x1  }
0xa3: {  	[sflag:s23] =	ssyncset.done $0x0  }
0xa4: {  	[sflag:s23] =	ssyncadd.s32 $0xFFFFFFFF  }
0xa5: {  	s4 =	sld [smem:$0x0]  }
0xa6: {  	s5 =	sand.u32 $0xFFFFFFFE, s1  }
0xa7: {  	p0 =	sne.s32 s1, s5  }
0xa8: {  	s5 =	sshll.u32 @p0 s5, $0xE  }
0xa9: {  	s5 =	sadd.s32 @p0 $0x11B8D, s5;
	s6 =	sshll.u32 @p0 s4, $0x11  }
0xaa: {  	s5 =	sor.u32 @p0 s6, s5  }
0xab: {  	[sflag:s5] =	ssyncadd.remote.s32 @p0 $0x1;
	_ =	sdelay $0x1  }
0xac: {  	s5 =	simm.s32 @p0 $0x1B8D  }
0xad: {  	_ =	swait.eq @p0 [sflag:s5], $0x1  }
0xae: {  	[sflag:s5] =	ssyncadd.s32 @p0 $0xFFFFFFFF  }
0xaf: {  	s6 =	sshll.u32 @!p0 s1, $0xE  }
0xb0: {  	s6 =	sor.u32 @!p0 $0x4000, s6;
	s5 =	simm.s32 @!p0 $0x1B8D  }
0xb1: {  	s4 =	sshll.u32 @!p0 s4, $0x11;
	s6 =	sadd.s32 @!p0 $0x11B8D, s6;
	_ =	swait.eq @!p0 [sflag:s5], $0x1  }
0xb2: {  	s4 =	sor.u32 @!p0 s4, s6;
	[sflag:s5] =	ssyncadd.s32 @!p0 $0xFFFFFFFF  }
0xb3: {  	s25 =	simm.s32 $0x1B8E;
	s24 =	sld [smem:$0x3FFE];
	[sflag:s4] =	ssyncadd.remote.s32 @!p0 $0x1  }
0xb4: {  	s26 =	simm.s32 $execute0_lowered;
	[smem:$0x3FD2] =	sst s25  }
0xb5: {  	s5 =	sshll.u32 s26, $0x1;
	_ =	strace $0x8000004C;
	[dreg:$0x1] =	wrdreg $0xFFFFFFFF  }
0xb6: {  	s28 =	simm.s32 $_size_execute0_lowered;
	s3 =	sadd.s32 s3, s5;
	[dreg:$0x0] =	wrdreg $0x0  }
0xb7: {  	s5 =	sshll.u32 s28, $0x1;
	[dreg:$0x2] =	wrdreg s3  }
0xb8: {  	[dreg:$0x3] =	wrdreg s5  }
0xb9: {  	[dreg:$0x4] =	wrdreg $0xC0  }
0xba: {  	_ =	task [dreg:s22], $0x5FFFF  }
0xbb: {  	[dreg:$0x1] =	wrdreg $0xFFFFFFFF  }
0xbc: {  	[dreg:$0x0] =	wrdreg $0x60  }
0xbd: {  	[dreg:$0x2] =	wrdreg s24  }
0xbe: {  	[dreg:$0x3] =	wrdreg $0x51000  }
0xbf: {  	[dreg:$0x4] =	wrdreg $0xA  }
0xc0: {  	_ =	task.clear_ibuf [dreg:s22], $0x5FFFF;
	_ =	strace $0x9000004C  }
0xc1: {  	s29 =	simm.s32 $0xA;
	_ =	strace $0x8000004E  }
0xc2: {  	_ =	swait.ge [sflag:s29], $0x1  }
0xc3: {  	[sflag:s29] =	ssyncadd.s32 $0xFFFFFFFF  }
0xc4: {  	_ =	strace $0x9000004E  }
0xc5: {  	_ =	sfence  }
0xc6: {  	s30 =	sld [smem:$0x0];
	_ =	sdelay $0x2  }
0xc7: {  	s31 =	sshll.u32 s1, $0xD;
	s1 =	sshrl.u32 s1, $0x2  }
0xc8: {  	s4 =	sand.u32 $0x4000, s31;
	s1 =	sadd.s32 s1, s30  }
0xc9: {  	s0 =	sor.u32 s4, s0;
	s1 =	sshll.u32 s1, $0x11  }
0xca: {  	s0 =	sor.u32 s1, s0  }
0xcb: {  	s0 =	sadd.s32 $0x8F2B, s0  }
0xcc: {  	[sflag:s0] =	ssyncadd.remote.s32 $0x1  }
0xcd: {  	_ =	sfence.sel $0xFFFF  }
0xce: {  	[dreg:$0x0] =	wrdreg $0xFFFFFFFF;
	(pc) =	sbr.abs _section_cstart, $3  }
0xcf: {  	[dreg:$0x1] =	wrdreg $0xFFFFFFFF  }
0xd0: {  	_ =	task.clear_ibuf [dreg:s22], $0x2FFFF;
	_ =	strace $0x9FFFFFFF  }
0xd1: {  	(tm) =	ssettm $0x7FFFFFFF  }
tec
execute0_lowered:
.L_overlay_start_1:
0x0: {  	(tag) =	ssettag $0x1  }
0x1: {  	s21 =	stileid.u32;
	s2 =	srdreg.scid  }
0x2: {  	s3 =	rddreg [dreg:$0x0];
	s0 =	smul.u32 $0x27100, s21  }
0x3: {  	s1 =	simm.s32 $0x0;
	s18 =	simm.s32 $0xAF1000;
	s7 =	smul.u32 $0x280, s21  }
0x4: {  	s2 =	sand.u32 $0x1, s2;
	[smem:$0x7FF] =	sst s1;
	s19 =	smul.u32 $0x2710, s21  }
0x5: {  	s5 =	sadd.s32 $0x6A00, s3;
	s8 =	sadd.s32 $0xAC9000, s3;
	s9 =	smul.u32 $0x2800, s21  }
0x6: {  	s4 =	ssub.s32 $0x2, s2;
	p0 =	seq.s32 s2, $0x0;
	p1 =	sne.s32 s2, $0x0  }
0x7: {  	s2 =	simm.s32 $0x100;
	s0 =	sadd.s32 s0, s3;
	s6 =	sshrl.u32 s4, $0x1  }
0x8: {  	s10 =	sor.u32 $0x50, s7;
	s12 =	sadd.s32 $0xA0, s7;
	s13 =	sadd.s32 s8, s9  }
0x9: {  	s15 =	sadd.s32 $0x140, s7;
	s18 =	simm.s32 @!p0 $0xB19000;
	s30 =	sadd.s32 $0x190, s7  }
0xa: {  	s31 =	sadd.s32 $0x1E0, s7;
	s4 =	ssub.s32 s4, s6;
	s6 =	sshrl.u32 s19, $0x3  }
0xb: {  	s11 =	sshll.u32 s10, $0x4;
	[dreg:$0x3] =	wrdreg s13;
	s22 =	sshll.u32 s12, $0x4  }
0xc: {  	s17 =	sshll.u32 s15, $0x4;
	s3 =	sadd.s32 s18, s3;
	s20 =	sadd.s32 s8, s11  }
0xd: {  	s24 =	sshll.u32 s30, $0x4;
	s14 =	sadd.s32 s8, s22;
	[dreg:$0x4] =	wrdreg s20  }
0xe: {  	s25 =	sshll.u32 s31, $0x4;
	s23 =	sadd.s32 s8, s17;
	[dreg:$0x5] =	wrdreg s14  }
0xf: {  	s15 =	sshll.u32 s15, $0x7;
	s26 =	sadd.s32 s8, s25;
	[dreg:$0x7] =	wrdreg s23  }
0x10: {  	s9 =	sadd.s32 s3, s9;
	s11 =	sadd.s32 s3, s11;
	[dreg:$0x9] =	wrdreg s26  }
0x11: {  	s13 =	sadd.s32 s3, s22;
	s25 =	sadd.s32 s3, s25;
	[dreg:$0xb] =	wrdreg s9  }
0x12: {  	s14 =	sadd.s32 $0xF0, s7;
	s7 =	sadd.s32 $0x230, s7;
	[dreg:$0xc] =	wrdreg s11  }
0x13: {  	s20 =	sadd.s32 s8, s24;
	[dreg:$0xd] =	wrdreg s13;
	s23 =	sadd.s32 s3, s17  }
0x14: {  	s24 =	sadd.s32 s3, s24;
	[dreg:$0x11] =	wrdreg s25;
	s26 =	smul.u32 $0x4E2, s21  }
0x15: {  	s11 =	sshll.u32 s10, $0x7;
	s13 =	sshll.u32 s12, $0x7;
	s17 =	sshll.u32 s31, $0x7  }
0x16: {  	s10 =	simm.s32 $0x4;
	s12 =	simm.s32 $0x0;
	[dreg:$0x8] =	wrdreg s20  }
0x17: {  	s16 =	sshll.u32 s14, $0x4;
	s20 =	sshll.u32 s7, $0x4;
	[dreg:$0xf] =	wrdreg s23  }
0x18: {  	[dreg:$0x10] =	wrdreg s24;
	s19 =	sadd.s32 s8, s16;
	s8 =	sadd.s32 s8, s20  }
0x19: {  	s22 =	sadd.s32 s3, s16;
	s3 =	sadd.s32 s3, s20;
	s20 =	rddreg [dreg:$0x1]  }
0x1a: {  	s23 =	smax.u32 s4, $0x1;
	s14 =	sshll.u32 s14, $0x7;
	[dreg:$0x6] =	wrdreg s19  }
0x1b: {  	s18 =	sshll.u32 s7, $0x7;
	s4 =	simm.s32 $0x80;
	[dreg:$0xa] =	wrdreg s8  }
0x1c: {  	s7 =	simm.s32 $0x1;
	s16 =	sshll.u32 s30, $0x7;
	[dreg:$0xe] =	wrdreg s22  }
0x1d: {  	[dreg:$0x12] =	wrdreg s3;
	s19 =	sadd.s32 s5, s6;
	s8 =	smul.u32 $0x50000, s21  }
0x1e: {  	s6 =	sadd.s32 s26, s5;
	s21 =	sadd.s32 $0xFABC00, s0;
	s22 =	sadd.s32 $0xD3AC00, s0  }
0x1f: {  	s25 =	sadd.s32 s11, s20;
	s26 =	sadd.s32 s13, s20;
	s28 =	sadd.s32 s14, s20  }
.Ltmp0:
0x20: {  	s29 =	sadd.s32 s15, s20;
	s30 =	sadd.s32 s16, s20;
	(pc) =	sbr.rel .LBB2_1-.Ltmp0, $4  }
0x21: {  	s31 =	sadd.s32 s17, s20;
	s16 =	sadd.s32 s18, s20;
	s3 =	simm.s32 $0x5  }
0x22: {  	s5 =	simm.s32 $0x2900;
	s11 =	simm.s32 $0x2;
	_ =	strace $0x8000004D  }
0x23: {  	s0 =	sadd.s32 $0x14, s6;
	s6 =	simm.s32 $0x3;
	s9 =	sshrl.u32 s8, $0x2  }
0x24: {  	s8 =	simm.s32 $0x50;
	s24 =	sadd.s32 s9, s20;
	s9 =	simm.s32 $0x6  }
.LBB2_7:
0x25: {  	s15 =	sadd.s32 $0xFFFFFFF6, s13;
	s14 =	sadd.s32 s14, s21;
	[sflag:s3] =	ssyncadd.s32 $0xFFFFD800  }
0x26: {  	[tilespmem:s4], [sflag:$0x4] =	stream.linear.gather [hbm4b:s15+s1], $0x50, $0x38;
	[tilespmem:$0x19100] =	vst v63  }
0x27: {  	s17 =	sadd.s32 $0x500, s14  }
0x28: {  	[tilespmem:s5], [sflag:$0x2] =	stream.linear.gather [hbm4b:s17+s1], $0x2800, $0x38;
	[tilespmem:$0x19100] =	vst v63  }
0x29: {  	_ =	swait.ge [sflag:s6], $0x50  }
0x2a: {  	[sflag:s6] =	ssyncset.done $0x0  }
0x2b: {  	[sflag:s6] =	ssyncadd.s32 $0xFFFFFFB0  }
0x2c: {  	_ =	swait.ge [sflag:s7], $0x2800  }
0x2d: {  	[sflag:s7] =	ssyncset.done $0x0  }
0x2e: {  	[sflag:s7] =	ssyncadd.s32 $0xFFFFD800  }
0x2f: {  	[spmem:s20] =	stream.indirect.scatter.add.f32 [tilespmem:s2], [sflag:$0x6], $0x80, s1, s8, $0xb8;
	[tilespmem:$0x19100] =	vst v63  }
0x30: {  	_ =	swait.ge [sflag:s9], $0x2800  }
0x31: {  	[sflag:s9] =	ssyncset.done $0x0  }
0x32: {  	[sflag:s9] =	ssyncadd.s32 $0xFFFFD800  }
0x33: {  	[tilespmem:s1], [sflag:$0x3] =	stream.linear.gather [hbm4b:s13+s1], $0x50, $0x38;
	[tilespmem:$0x19100] =	vst v63  }
0x34: {  	s18 =	sadd.s32 $0xA00, s14  }
0x35: {  	[tilespmem:s2], [sflag:$0x1] =	stream.linear.gather [hbm4b:s18+s1], $0x2800, $0x38;
	[tilespmem:$0x19100] =	vst v63  }
0x36: {  	_ =	swait.ge [sflag:s10], $0x50  }
0x37: {  	[sflag:s10] =	ssyncset.done $0x0  }
0x38: {  	[sflag:s10] =	ssyncadd.s32 $0xFFFFFFB0  }
0x39: {  	_ =	swait.ge [sflag:s11], $0x2800  }
0x3a: {  	[sflag:s11] =	ssyncset.done $0x0  }
0x3b: {  	[sflag:s11] =	ssyncadd.s32 $0xFFFFD800  }
0x3c: {  	[spmem:s20] =	stream.indirect.scatter.add.f32 [tilespmem:s5], [sflag:$0x5], $0x80, s4, s8, $0xb8;
	[tilespmem:$0x19100] =	vst v63  }
0x3d: {  	_ =	swait.ge [sflag:s3], $0x2800  }
0x3e: {  	[sflag:s3] =	ssyncset.done $0x0  }
0x3f: {  	[sflag:s3] =	ssyncadd.s32 $0xFFFFD800  }
.LBB2_8:
0x40: {  	_ =	swait.ge [sflag:s6], $0x50  }
0x41: {  	[sflag:s6] =	ssyncset.done $0x0  }
0x42: {  	[sflag:s6] =	ssyncadd.s32 $0xFFFFFFB0  }
0x43: {  	_ =	swait.ge [sflag:s7], $0x2800  }
0x44: {  	[sflag:s7] =	ssyncset.done $0x0  }
0x45: {  	[sflag:s7] =	ssyncadd.s32 $0xFFFFD800  }
0x46: {  	[spmem:s20] =	stream.indirect.scatter.add.f32 [tilespmem:s2], [sflag:$0x6], $0x80, s1, s8, $0xb8;
	[tilespmem:$0x19100] =	vst v63  }
0x47: {  	_ =	swait.ge [sflag:s9], $0x2800  }
0x48: {  	[sflag:s9] =	ssyncset.done $0x0  }
0x49: {  	[sflag:s9] =	ssyncadd.s32 $0xFFFFD800  }
0x4a: {  	[bflag:$0x0] =	sbarrier.arrive $0xFFFF  }
0x4b: {  	[tilespmem:s2], [sflag:$0x6] =	stream.linear.gather [spmem:s24], $0x2800, $0x38;
	[tilespmem:$0x19100] =	vst v63  }
0x4c: {  	_ =	swait.ge [sflag:s9], $0x2800  }
0x4d: {  	s13 =	simm.s32 $0x6;
	[sflag:s9] =	ssyncset.done $0x0  }
0x4e: {  	s13 =	simm.s32 @!p0 $0x5;
	s14 =	rddreg [dreg:$0xb];
	[sflag:s9] =	ssyncadd.s32 $0xFFFFD800  }
0x4f: {  	[hbm4b:s14+s1] =	stream.linear.scatter [tilespmem:s2], [sflag:s13], $0x2800, $0x38;
	[tilespmem:$0x19100] =	vst v63  }
0x50: {  	_ =	swait.ge [sflag:s13], $0x2800  }
0x51: {  	[sflag:s13] =	ssyncset.done $0x0  }
0x52: {  	[sflag:s13] =	ssyncadd.s32 $0xFFFFD800  }
0x53: {  	[tilespmem:s2], [sflag:$0x6] =	stream.linear.gather [spmem:s25], $0x2800, $0x38;
	[tilespmem:$0x19100] =	vst v63  }
0x54: {  	_ =	swait.ge [sflag:s9], $0x2800  }
0x55: {  	[sflag:s9] =	ssyncset.done $0x0  }
0x56: {  	s18 =	rddreg [dreg:$0xc];
	[sflag:s9] =	ssyncadd.s32 $0xFFFFD800  }
0x57: {  	[hbm4b:s18+s1] =	stream.linear.scatter [tilespmem:s2], [sflag:s13], $0x2800, $0x38;
	[tilespmem:$0x19100] =	vst v63  }
0x58: {  	_ =	swait.ge [sflag:s13], $0x2800  }
0x59: {  	[sflag:s13] =	ssyncset.done $0x0  }
0x5a: {  	[sflag:s13] =	ssyncadd.s32 $0xFFFFD800  }
0x5b: {  	[tilespmem:s2], [sflag:$0x6] =	stream.linear.gather [spmem:s26], $0x2800, $0x38;
	[tilespmem:$0x19100] =	vst v63  }
0x5c: {  	_ =	swait.ge [sflag:s9], $0x2800  }
0x5d: {  	[sflag:s9] =	ssyncset.done $0x0  }
0x5e: {  	s15 =	rddreg [dreg:$0xd];
	[sflag:s9] =	ssyncadd.s32 $0xFFFFD800  }
0x5f: {  	[hbm4b:s15+s1] =	stream.linear.scatter [tilespmem:s2], [sflag:s13], $0x2800, $0x38;
	[tilespmem:$0x19100] =	vst v63  }
0x60: {  	_ =	swait.ge [sflag:s13], $0x2800  }
0x61: {  	[sflag:s13] =	ssyncset.done $0x0  }
0x62: {  	[sflag:s13] =	ssyncadd.s32 $0xFFFFD800  }
0x63: {  	[tilespmem:s2], [sflag:$0x6] =	stream.linear.gather [spmem:s28], $0x2800, $0x38;
	[tilespmem:$0x19100] =	vst v63  }
0x64: {  	_ =	swait.ge [sflag:s9], $0x2800  }
0x65: {  	[sflag:s9] =	ssyncset.done $0x0  }
0x66: {  	s17 =	rddreg [dreg:$0xe];
	[sflag:s9] =	ssyncadd.s32 $0xFFFFD800  }
0x67: {  	[hbm4b:s17+s1] =	stream.linear.scatter [tilespmem:s2], [sflag:s13], $0x2800, $0x38;
	[tilespmem:$0x19100] =	vst v63  }
0x68: {  	_ =	swait.ge [sflag:s13], $0x2800  }
0x69: {  	[sflag:s13] =	ssyncset.done $0x0  }
0x6a: {  	[sflag:s13] =	ssyncadd.s32 $0xFFFFD800  }
0x6b: {  	[tilespmem:s2], [sflag:$0x6] =	stream.linear.gather [spmem:s29], $0x2800, $0x38;
	[tilespmem:$0x19100] =	vst v63  }
0x6c: {  	_ =	swait.ge [sflag:s9], $0x2800  }
0x6d: {  	[sflag:s9] =	ssyncset.done $0x0  }
0x6e: {  	s18 =	rddreg [dreg:$0xf];
	[sflag:s9] =	ssyncadd.s32 $0xFFFFD800  }
0x6f: {  	[hbm4b:s18+s1] =	stream.linear.scatter [tilespmem:s2], [sflag:s13], $0x2800, $0x38;
	[tilespmem:$0x19100] =	vst v63  }
0x70: {  	_ =	swait.ge [sflag:s13], $0x2800  }
0x71: {  	[sflag:s13] =	ssyncset.done $0x0  }
0x72: {  	[sflag:s13] =	ssyncadd.s32 $0xFFFFD800  }
0x73: {  	[tilespmem:s2], [sflag:$0x6] =	stream.linear.gather [spmem:s30], $0x2800, $0x38;
	[tilespmem:$0x19100] =	vst v63  }
0x74: {  	_ =	swait.ge [sflag:s9], $0x2800  }
0x75: {  	[sflag:s9] =	ssyncset.done $0x0  }
0x76: {  	s15 =	rddreg [dreg:$0x10];
	[sflag:s9] =	ssyncadd.s32 $0xFFFFD800  }
0x77: {  	[hbm4b:s15+s1] =	stream.linear.scatter [tilespmem:s2], [sflag:s13], $0x2800, $0x38;
	[tilespmem:$0x19100] =	vst v63  }
0x78: {  	_ =	swait.ge [sflag:s13], $0x2800  }
0x79: {  	[sflag:s13] =	ssyncset.done $0x0  }
0x7a: {  	[sflag:s13] =	ssyncadd.s32 $0xFFFFD800  }
0x7b: {  	[tilespmem:s2], [sflag:$0x6] =	stream.linear.gather [spmem:s31], $0x2800, $0x38;
	[tilespmem:$0x19100] =	vst v63  }
0x7c: {  	_ =	swait.ge [sflag:s9], $0x2800  }
0x7d: {  	[sflag:s9] =	ssyncset.done $0x0  }
0x7e: {  	s17 =	rddreg [dreg:$0x11];
	[sflag:s9] =	ssyncadd.s32 $0xFFFFD800  }
0x7f: {  	[hbm4b:s17+s1] =	stream.linear.scatter [tilespmem:s2], [sflag:s13], $0x2800, $0x38;
	[tilespmem:$0x19100] =	vst v63  }
0x80: {  	_ =	swait.ge [sflag:s13], $0x2800  }
0x81: {  	[sflag:s13] =	ssyncset.done $0x0  }
0x82: {  	[sflag:s13] =	ssyncadd.s32 $0xFFFFD800  }
0x83: {  	[tilespmem:s2], [sflag:$0x6] =	stream.linear.gather [spmem:s16], $0x2800, $0x38;
	[tilespmem:$0x19100] =	vst v63  }
0x84: {  	s12 =	sadd.s32 $0x1, s12;
	_ =	swait.ge [sflag:s9], $0x2800  }
0x85: {  	p2 =	sne.s32 s12, s23;
	[sflag:s9] =	ssyncset.done $0x0  }
.Ltmp1:
0x86: {  	s18 =	rddreg [dreg:$0x12];
	[sflag:s9] =	ssyncadd.s32 $0xFFFFD800;
	(pc) =	sbr.rel @!p2 .LBB2_9-.Ltmp1, $4  }
0x87: {  	[hbm4b:s18+s1] =	stream.linear.scatter [tilespmem:s2], [sflag:s13], $0x2800, $0x38;
	[tilespmem:$0x19100] =	vst v63  }
0x88: {  	_ =	swait.ge [sflag:s13], $0x2800  }
0x89: {  	[sflag:s13] =	ssyncset.done $0x0  }
0x8a: {  	[sflag:s13] =	ssyncadd.s32 $0xFFFFD800  }
.LBB2_1:
0x8b: {  	s13 =	rddreg [dreg:$0x3]  }
0x8c: {  	[tilespmem:s2], [sflag:$0x5] =	stream.linear.gather [hbm4b:s13+s1], $0x2800, $0x38;
	[tilespmem:$0x19100] =	vst v63  }
0x8d: {  	_ =	swait.ge [sflag:s3], $0x2800  }
0x8e: {  	[sflag:s3] =	ssyncset.done $0x0  }
0x8f: {  	[sflag:s3] =	ssyncadd.s32 $0xFFFFD800  }
0x90: {  	[spmem:s24] =	stream.linear.scatter [tilespmem:s2], [sflag:$0x5], $0x2800, $0x38;
	[tilespmem:$0x19100] =	vst v63  }
0x91: {  	_ =	swait.ge [sflag:s3], $0x2800  }
0x92: {  	[sflag:s3] =	ssyncset.done $0x0  }
0x93: {  	s15 =	rddreg [dreg:$0x4];
	[sflag:s3] =	ssyncadd.s32 $0xFFFFD800  }
0x94: {  	[tilespmem:s2], [sflag:$0x5] =	stream.linear.gather [hbm4b:s15+s1], $0x2800, $0x38;
	[tilespmem:$0x19100] =	vst v63  }
0x95: {  	_ =	swait.ge [sflag:s3], $0x2800  }
0x96: {  	[sflag:s3] =	ssyncset.done $0x0  }
0x97: {  	[sflag:s3] =	ssyncadd.s32 $0xFFFFD800  }
0x98: {  	[spmem:s25] =	stream.linear.scatter [tilespmem:s2], [sflag:$0x5], $0x2800, $0x38;
	[tilespmem:$0x19100] =	vst v63  }
0x99: {  	_ =	swait.ge [sflag:s3], $0x2800  }
0x9a: {  	[sflag:s3] =	ssyncset.done $0x0  }
0x9b: {  	s17 =	rddreg [dreg:$0x5];
	[sflag:s3] =	ssyncadd.s32 $0xFFFFD800  }
0x9c: {  	[tilespmem:s2], [sflag:$0x5] =	stream.linear.gather [hbm4b:s17+s1], $0x2800, $0x38;
	[tilespmem:$0x19100] =	vst v63  }
0x9d: {  	_ =	swait.ge [sflag:s3], $0x2800  }
0x9e: {  	[sflag:s3] =	ssyncset.done $0x0  }
0x9f: {  	[sflag:s3] =	ssyncadd.s32 $0xFFFFD800  }
0xa0: {  	[spmem:s26] =	stream.linear.scatter [tilespmem:s2], [sflag:$0x5], $0x2800, $0x38;
	[tilespmem:$0x19100] =	vst v63  }
0xa1: {  	_ =	swait.ge [sflag:s3], $0x2800  }
0xa2: {  	[sflag:s3] =	ssyncset.done $0x0  }
0xa3: {  	s18 =	rddreg [dreg:$0x6];
	[sflag:s3] =	ssyncadd.s32 $0xFFFFD800  }
0xa4: {  	[tilespmem:s2], [sflag:$0x5] =	stream.linear.gather [hbm4b:s18+s1], $0x2800, $0x38;
	[tilespmem:$0x19100] =	vst v63  }
0xa5: {  	_ =	swait.ge [sflag:s3], $0x2800  }
0xa6: {  	[sflag:s3] =	ssyncset.done $0x0  }
0xa7: {  	[sflag:s3] =	ssyncadd.s32 $0xFFFFD800  }
0xa8: {  	[spmem:s28] =	stream.linear.scatter [tilespmem:s2], [sflag:$0x5], $0x2800, $0x38;
	[tilespmem:$0x19100] =	vst v63  }
0xa9: {  	_ =	swait.ge [sflag:s3], $0x2800  }
0xaa: {  	[sflag:s3] =	ssyncset.done $0x0  }
0xab: {  	s14 =	rddreg [dreg:$0x7];
	[sflag:s3] =	ssyncadd.s32 $0xFFFFD800  }
0xac: {  	[tilespmem:s2], [sflag:$0x5] =	stream.linear.gather [hbm4b:s14+s1], $0x2800, $0x38;
	[tilespmem:$0x19100] =	vst v63  }
0xad: {  	_ =	swait.ge [sflag:s3], $0x2800  }
0xae: {  	[sflag:s3] =	ssyncset.done $0x0  }
0xaf: {  	[sflag:s3] =	ssyncadd.s32 $0xFFFFD800  }
0xb0: {  	[spmem:s29] =	stream.linear.scatter [tilespmem:s2], [sflag:$0x5], $0x2800, $0x38;
	[tilespmem:$0x19100] =	vst v63  }
0xb1: {  	_ =	swait.ge [sflag:s3], $0x2800  }
0xb2: {  	[sflag:s3] =	ssyncset.done $0x0  }
0xb3: {  	s15 =	rddreg [dreg:$0x8];
	[sflag:s3] =	ssyncadd.s32 $0xFFFFD800  }
0xb4: {  	[tilespmem:s2], [sflag:$0x5] =	stream.linear.gather [hbm4b:s15+s1], $0x2800, $0x38;
	[tilespmem:$0x19100] =	vst v63  }
0xb5: {  	_ =	swait.ge [sflag:s3], $0x2800  }
0xb6: {  	[sflag:s3] =	ssyncset.done $0x0  }
0xb7: {  	[sflag:s3] =	ssyncadd.s32 $0xFFFFD800  }
0xb8: {  	[spmem:s30] =	stream.linear.scatter [tilespmem:s2], [sflag:$0x5], $0x2800, $0x38;
	[tilespmem:$0x19100] =	vst v63  }
0xb9: {  	_ =	swait.ge [sflag:s3], $0x2800  }
0xba: {  	[sflag:s3] =	ssyncset.done $0x0  }
0xbb: {  	s17 =	rddreg [dreg:$0x9];
	[sflag:s3] =	ssyncadd.s32 $0xFFFFD800  }
0xbc: {  	[tilespmem:s2], [sflag:$0x5] =	stream.linear.gather [hbm4b:s17+s1], $0x2800, $0x38;
	[tilespmem:$0x19100] =	vst v63  }
0xbd: {  	_ =	swait.ge [sflag:s3], $0x2800  }
0xbe: {  	[sflag:s3] =	ssyncset.done $0x0  }
0xbf: {  	[sflag:s3] =	ssyncadd.s32 $0xFFFFD800  }
0xc0: {  	[spmem:s31] =	stream.linear.scatter [tilespmem:s2], [sflag:$0x5], $0x2800, $0x38;
	[tilespmem:$0x19100] =	vst v63  }
0xc1: {  	_ =	swait.ge [sflag:s3], $0x2800  }
0xc2: {  	[sflag:s3] =	ssyncset.done $0x0  }
0xc3: {  	s18 =	rddreg [dreg:$0xa];
	[sflag:s3] =	ssyncadd.s32 $0xFFFFD800  }
0xc4: {  	[tilespmem:s2], [sflag:$0x5] =	stream.linear.gather [hbm4b:s18+s1], $0x2800, $0x38;
	[tilespmem:$0x19100] =	vst v63  }
0xc5: {  	_ =	swait.ge [sflag:s3], $0x2800  }
0xc6: {  	[sflag:s3] =	ssyncset.done $0x0  }
0xc7: {  	[sflag:s3] =	ssyncadd.s32 $0xFFFFD800  }
0xc8: {  	[spmem:s16] =	stream.linear.scatter [tilespmem:s2], [sflag:$0x5], $0x2800, $0x38;
	[tilespmem:$0x19100] =	vst v63  }
.Ltmp2:
0xc9: {  	_ =	swait.ge [sflag:s3], $0x2800;
	(pc) =	sbr.rel @p1 .LBB2_5-.Ltmp2, $4  }
0xca: {  	[sflag:s3] =	ssyncset.done $0x0  }
0xcb: {  	[sflag:s3] =	ssyncadd.s32 $0xFFFFD800  }
0xcc: {  	s13 =	simm.s32 $0x0;
	[bflag:$0x0] =	sbarrier.arrive $0xFFFF  }
0xcd: {  	[tilespmem:s1], [sflag:$0x3] =	stream.linear.gather [hbm4b:s19+s1], $0x50, $0x38;
	[tilespmem:$0x19100] =	vst v63  }
0xce: {  	[tilespmem:s2], [sflag:$0x1] =	stream.linear.gather [hbm4b:s22+s13], $0x2800, $0x38;
	[tilespmem:$0x19100] =	vst v63  }
0xcf: {  	s15 =	sadd.s32 $0xFFFFFFF6, s0;
	s14 =	sadd.s32 $0x0, s22  }
0xd0: {  	[tilespmem:s4], [sflag:$0x4] =	stream.linear.gather [hbm4b:s15+s1], $0x50, $0x38;
	[tilespmem:$0x19100] =	vst v63  }
0xd1: {  	s17 =	sadd.s32 $0x500, s14  }
0xd2: {  	[tilespmem:s5], [sflag:$0x2] =	stream.linear.gather [hbm4b:s17+s1], $0x2800, $0x38;
	[tilespmem:$0x19100] =	vst v63  }
0xd3: {  	_ =	swait.ge [sflag:s6], $0x50  }
0xd4: {  	[sflag:s6] =	ssyncset.done $0x0  }
0xd5: {  	[sflag:s6] =	ssyncadd.s32 $0xFFFFFFB0  }
0xd6: {  	_ =	swait.ge [sflag:s7], $0x2800  }
0xd7: {  	[sflag:s7] =	ssyncset.done $0x0  }
0xd8: {  	[sflag:s7] =	ssyncadd.s32 $0xFFFFD800  }
0xd9: {  	[spmem:s20] =	stream.indirect.scatter.add.f32 [tilespmem:s2], [sflag:$0x6], $0x80, s1, s8, $0xb8;
	[tilespmem:$0x19100] =	vst v63  }
0xda: {  	_ =	swait.ge [sflag:s9], $0x2800  }
0xdb: {  	[sflag:s9] =	ssyncset.done $0x0  }
0xdc: {  	[sflag:s9] =	ssyncadd.s32 $0xFFFFD800  }
0xdd: {  	[tilespmem:s1], [sflag:$0x3] =	stream.linear.gather [hbm4b:s0+s1], $0x50, $0x38;
	[tilespmem:$0x19100] =	vst v63  }
0xde: {  	s18 =	sadd.s32 $0xA00, s14  }
0xdf: {  	[tilespmem:s2], [sflag:$0x1] =	stream.linear.gather [hbm4b:s18+s1], $0x2800, $0x38;
	[tilespmem:$0x19100] =	vst v63  }
0xe0: {  	_ =	swait.ge [sflag:s10], $0x50  }
0xe1: {  	[sflag:s10] =	ssyncset.done $0x0  }
0xe2: {  	[sflag:s10] =	ssyncadd.s32 $0xFFFFFFB0  }
0xe3: {  	_ =	swait.ge [sflag:s11], $0x2800  }
0xe4: {  	[sflag:s11] =	ssyncset.done $0x0  }
0xe5: {  	[sflag:s11] =	ssyncadd.s32 $0xFFFFD800  }
0xe6: {  	[spmem:s20] =	stream.indirect.scatter.add.f32 [tilespmem:s5], [sflag:$0x5], $0x80, s4, s8, $0xb8;
	[tilespmem:$0x19100] =	vst v63  }
0xe7: {  	s13 =	sadd.s32 $0x14, s0;
	_ =	swait.ge [sflag:s3], $0x2800  }
0xe8: {  	s14 =	simm.s32 $0xA00;
	s15 =	simm.s32 $0x1400;
	[sflag:s3] =	ssyncset.done $0x0  }
.LBB2_3:
0xe9: {  	s17 =	sadd.s32 $0xFFFFFFF6, s13  }
0xea: {  	s18 =	sadd.s32 s14, s22;
	[sflag:s3] =	ssyncadd.s32 $0xFFFFD800;
	s14 =	smov.u32 s15  }
0xeb: {  	[tilespmem:s4], [sflag:$0x4] =	stream.linear.gather [hbm4b:s17+s1], $0x50, $0x38;
	[tilespmem:$0x19100] =	vst v63  }
0xec: {  	p2 =	seq.s32 s15, $0x26200;
	s15 =	sadd.s32 $0xA00, s15;
	s17 =	sadd.s32 $0x500, s18  }
0xed: {  	[tilespmem:s5], [sflag:$0x2] =	stream.linear.gather [hbm4b:s17+s1], $0x2800, $0x38;
	[tilespmem:$0x19100] =	vst v63  }
0xee: {  	_ =	swait.ge [sflag:s6], $0x50  }
0xef: {  	[sflag:s6] =	ssyncset.done $0x0  }
0xf0: {  	[sflag:s6] =	ssyncadd.s32 $0xFFFFFFB0  }
0xf1: {  	_ =	swait.ge [sflag:s7], $0x2800  }
0xf2: {  	[sflag:s7] =	ssyncset.done $0x0  }
0xf3: {  	[sflag:s7] =	ssyncadd.s32 $0xFFFFD800  }
0xf4: {  	[spmem:s20] =	stream.indirect.scatter.add.f32 [tilespmem:s2], [sflag:$0x6], $0x80, s1, s8, $0xb8;
	[tilespmem:$0x19100] =	vst v63  }
0xf5: {  	_ =	swait.ge [sflag:s9], $0x2800  }
0xf6: {  	[sflag:s9] =	ssyncset.done $0x0  }
0xf7: {  	[sflag:s9] =	ssyncadd.s32 $0xFFFFD800  }
0xf8: {  	[tilespmem:s1], [sflag:$0x3] =	stream.linear.gather [hbm4b:s13+s1], $0x50, $0x38;
	[tilespmem:$0x19100] =	vst v63  }
0xf9: {  	s17 =	sadd.s32 $0xA00, s18  }
0xfa: {  	[tilespmem:s2], [sflag:$0x1] =	stream.linear.gather [hbm4b:s17+s1], $0x2800, $0x38;
	[tilespmem:$0x19100] =	vst v63  }
0xfb: {  	_ =	swait.ge [sflag:s10], $0x50  }
0xfc: {  	[sflag:s10] =	ssyncset.done $0x0  }
0xfd: {  	[sflag:s10] =	ssyncadd.s32 $0xFFFFFFB0  }
0xfe: {  	_ =	swait.ge [sflag:s11], $0x2800  }
.Ltmp3:
0xff: {  	[sflag:s11] =	ssyncset.done $0x0;
	(pc) =	sbr.rel @!p2 .LBB2_3-.Ltmp3, $4  }
0x100: {  	[sflag:s11] =	ssyncadd.s32 $0xFFFFD800  }
0x101: {  	[spmem:s20] =	stream.indirect.scatter.add.f32 [tilespmem:s5], [sflag:$0x5], $0x80, s4, s8, $0xb8;
	[tilespmem:$0x19100] =	vst v63  }
0x102: {  	_ =	swait.ge [sflag:s3], $0x2800  }
0x103: {  	s13 =	sadd.s32 $0x14, s13;
	[sflag:s3] =	ssyncset.done $0x0  }
0x104: {  	s15 =	sadd.s32 $0xFFFFFFF6, s13;
	s14 =	sadd.s32 s14, s22;
	[sflag:s3] =	ssyncadd.s32 $0xFFFFD800  }
0x105: {  	[tilespmem:s4], [sflag:$0x4] =	stream.linear.gather [hbm4b:s15+s1], $0x50, $0x38;
	[tilespmem:$0x19100] =	vst v63  }
0x106: {  	s17 =	sadd.s32 $0x500, s14  }
0x107: {  	[tilespmem:s5], [sflag:$0x2] =	stream.linear.gather [hbm4b:s17+s1], $0x2800, $0x38;
	[tilespmem:$0x19100] =	vst v63  }
0x108: {  	_ =	swait.ge [sflag:s6], $0x50  }
0x109: {  	[sflag:s6] =	ssyncset.done $0x0  }
0x10a: {  	[sflag:s6] =	ssyncadd.s32 $0xFFFFFFB0  }
0x10b: {  	_ =	swait.ge [sflag:s7], $0x2800  }
0x10c: {  	[sflag:s7] =	ssyncset.done $0x0  }
0x10d: {  	[sflag:s7] =	ssyncadd.s32 $0xFFFFD800  }
0x10e: {  	[spmem:s20] =	stream.indirect.scatter.add.f32 [tilespmem:s2], [sflag:$0x6], $0x80, s1, s8, $0xb8;
	[tilespmem:$0x19100] =	vst v63  }
0x10f: {  	_ =	swait.ge [sflag:s9], $0x2800  }
0x110: {  	[sflag:s9] =	ssyncset.done $0x0  }
0x111: {  	[sflag:s9] =	ssyncadd.s32 $0xFFFFD800  }
0x112: {  	[tilespmem:s1], [sflag:$0x3] =	stream.linear.gather [hbm4b:s13+s1], $0x50, $0x38;
	[tilespmem:$0x19100] =	vst v63  }
0x113: {  	s18 =	sadd.s32 $0xA00, s14  }
0x114: {  	[tilespmem:s2], [sflag:$0x1] =	stream.linear.gather [hbm4b:s18+s1], $0x2800, $0x38;
	[tilespmem:$0x19100] =	vst v63  }
0x115: {  	_ =	swait.ge [sflag:s10], $0x50  }
0x116: {  	[sflag:s10] =	ssyncset.done $0x0  }
0x117: {  	[sflag:s10] =	ssyncadd.s32 $0xFFFFFFB0  }
0x118: {  	_ =	swait.ge [sflag:s11], $0x2800  }
0x119: {  	[sflag:s11] =	ssyncset.done $0x0  }
.Ltmp4:
0x11a: {  	[sflag:s11] =	ssyncadd.s32 $0xFFFFD800;
	(pc) =	sbr.rel .LBB2_8-.Ltmp4, $4  }
0x11b: {  	[spmem:s20] =	stream.indirect.scatter.add.f32 [tilespmem:s5], [sflag:$0x5], $0x80, s4, s8, $0xb8;
	[tilespmem:$0x19100] =	vst v63  }
0x11c: {  	_ =	swait.ge [sflag:s3], $0x2800  }
0x11d: {  	[sflag:s3] =	ssyncset.done $0x0  }
0x11e: {  	[sflag:s3] =	ssyncadd.s32 $0xFFFFD800  }
.LBB2_5:
0x11f: {  	[tilespmem:s2], [sflag:$0x1] =	stream.linear.gather [hbm4b:s21+s13], $0x2800, $0x38;
	[tilespmem:$0x19100] =	vst v63  }
0x120: {  	s15 =	sadd.s32 $0xFFFFFFF6, s0;
	s14 =	sadd.s32 $0x0, s21  }
0x121: {  	[tilespmem:s4], [sflag:$0x4] =	stream.linear.gather [hbm4b:s15+s1], $0x50, $0x38;
	[tilespmem:$0x19100] =	vst v63  }
0x122: {  	s17 =	sadd.s32 $0x500, s14  }
0x123: {  	[tilespmem:s5], [sflag:$0x2] =	stream.linear.gather [hbm4b:s17+s1], $0x2800, $0x38;
	[tilespmem:$0x19100] =	vst v63  }
0x124: {  	_ =	swait.ge [sflag:s6], $0x50  }
0x125: {  	[sflag:s6] =	ssyncset.done $0x0  }
0x126: {  	[sflag:s6] =	ssyncadd.s32 $0xFFFFFFB0  }
0x127: {  	_ =	swait.ge [sflag:s7], $0x2800  }
0x128: {  	[sflag:s7] =	ssyncset.done $0x0  }
0x129: {  	[sflag:s7] =	ssyncadd.s32 $0xFFFFD800  }
0x12a: {  	[spmem:s20] =	stream.indirect.scatter.add.f32 [tilespmem:s2], [sflag:$0x6], $0x80, s1, s8, $0xb8;
	[tilespmem:$0x19100] =	vst v63  }
0x12b: {  	_ =	swait.ge [sflag:s9], $0x2800  }
0x12c: {  	[sflag:s9] =	ssyncset.done $0x0  }
0x12d: {  	[sflag:s9] =	ssyncadd.s32 $0xFFFFD800  }
0x12e: {  	[tilespmem:s1], [sflag:$0x3] =	stream.linear.gather [hbm4b:s0+s1], $0x50, $0x38;
	[tilespmem:$0x19100] =	vst v63  }
0x12f: {  	s18 =	sadd.s32 $0xA00, s14  }
0x130: {  	[tilespmem:s2], [sflag:$0x1] =	stream.linear.gather [hbm4b:s18+s1], $0x2800, $0x38;
	[tilespmem:$0x19100] =	vst v63  }
0x131: {  	_ =	swait.ge [sflag:s10], $0x50  }
0x132: {  	[sflag:s10] =	ssyncset.done $0x0  }
0x133: {  	[sflag:s10] =	ssyncadd.s32 $0xFFFFFFB0  }
0x134: {  	_ =	swait.ge [sflag:s11], $0x2800  }
0x135: {  	[sflag:s11] =	ssyncset.done $0x0  }
0x136: {  	[sflag:s11] =	ssyncadd.s32 $0xFFFFD800  }
0x137: {  	[spmem:s20] =	stream.indirect.scatter.add.f32 [tilespmem:s5], [sflag:$0x5], $0x80, s4, s8, $0xb8;
	[tilespmem:$0x19100] =	vst v63  }
0x138: {  	s13 =	sadd.s32 $0x14, s0;
	_ =	swait.ge [sflag:s3], $0x2800  }
0x139: {  	s14 =	simm.s32 $0xA00;
	s15 =	simm.s32 $0x1400;
	[sflag:s3] =	ssyncset.done $0x0  }
.LBB2_6:
0x13a: {  	s17 =	sadd.s32 $0xFFFFFFF6, s13  }
0x13b: {  	s18 =	sadd.s32 s14, s21;
	[sflag:s3] =	ssyncadd.s32 $0xFFFFD800;
	s14 =	smov.u32 s15  }
0x13c: {  	[tilespmem:s4], [sflag:$0x4] =	stream.linear.gather [hbm4b:s17+s1], $0x50, $0x38;
	[tilespmem:$0x19100] =	vst v63  }
0x13d: {  	p2 =	sne.s32 s15, $0x26200;
	s15 =	sadd.s32 $0xA00, s15;
	s17 =	sadd.s32 $0x500, s18  }
0x13e: {  	[tilespmem:s5], [sflag:$0x2] =	stream.linear.gather [hbm4b:s17+s1], $0x2800, $0x38;
	[tilespmem:$0x19100] =	vst v63  }
0x13f: {  	_ =	swait.ge [sflag:s6], $0x50  }
0x140: {  	[sflag:s6] =	ssyncset.done $0x0  }
0x141: {  	[sflag:s6] =	ssyncadd.s32 $0xFFFFFFB0  }
0x142: {  	_ =	swait.ge [sflag:s7], $0x2800  }
0x143: {  	[sflag:s7] =	ssyncset.done $0x0  }
0x144: {  	[sflag:s7] =	ssyncadd.s32 $0xFFFFD800  }
0x145: {  	[spmem:s20] =	stream.indirect.scatter.add.f32 [tilespmem:s2], [sflag:$0x6], $0x80, s1, s8, $0xb8;
	[tilespmem:$0x19100] =	vst v63  }
0x146: {  	_ =	swait.ge [sflag:s9], $0x2800  }
0x147: {  	[sflag:s9] =	ssyncset.done $0x0  }
0x148: {  	[sflag:s9] =	ssyncadd.s32 $0xFFFFD800  }
0x149: {  	[tilespmem:s1], [sflag:$0x3] =	stream.linear.gather [hbm4b:s13+s1], $0x50, $0x38;
	[tilespmem:$0x19100] =	vst v63  }
0x14a: {  	s17 =	sadd.s32 $0xA00, s18  }
0x14b: {  	[tilespmem:s2], [sflag:$0x1] =	stream.linear.gather [hbm4b:s17+s1], $0x2800, $0x38;
	[tilespmem:$0x19100] =	vst v63  }
0x14c: {  	_ =	swait.ge [sflag:s10], $0x50  }
0x14d: {  	[sflag:s10] =	ssyncset.done $0x0  }
0x14e: {  	[sflag:s10] =	ssyncadd.s32 $0xFFFFFFB0  }
0x14f: {  	_ =	swait.ge [sflag:s11], $0x2800  }
.Ltmp5:
0x150: {  	[sflag:s11] =	ssyncset.done $0x0;
	(pc) =	sbr.rel @p2 .LBB2_6-.Ltmp5, $4  }
0x151: {  	[sflag:s11] =	ssyncadd.s32 $0xFFFFD800  }
0x152: {  	[spmem:s20] =	stream.indirect.scatter.add.f32 [tilespmem:s5], [sflag:$0x5], $0x80, s4, s8, $0xb8;
	[tilespmem:$0x19100] =	vst v63  }
0x153: {  	_ =	swait.ge [sflag:s3], $0x2800  }
0x154: {  	s13 =	sadd.s32 $0x14, s13;
	[sflag:s3] =	ssyncset.done $0x0  }
.Ltmp6:
0x155: {  	_ = 	snop;
	(pc) =	sbr.rel .LBB2_7-.Ltmp6, $1  }
0x156: {  	_ =	sdelay $0x3  }
.LBB2_9:
0x157: {  	_ =	sfence.sel $0x180000  }
0x158: {  	[bflag:$0x0] =	sbarrier.arrive $0xFFFF  }
0x159: {  	_ =	strace $0x9000004D  }
0x15a: {  	s0 =	stileid.u32;
	[bflag:$0x2] =	sbarrier.arrive $0xFFFF  }
0x15b: {  	p0 =	sne.s32 s0, $0x0;
	s0 =	rddreg [dreg:$0x2]  }
0x15c: {  	s0 =	sadd.s32 @!p0 $0x100000, s0  }
0x15d: {  	[sflag:s0] =	ssyncadd.tile.s32 @!p0 $0x1;
	_ =	shalt  }
.Lfunc_end2:
_tile_overlayer_lowered:
.L_overlay_start_2:
0x15e: {  	(tag) =	ssettag $0x2  }
0x15f: {  	s0 =	rddreg [dreg:$0x0];
	s2 =	stileid.u32  }
0x160: {  	s1 =	rddreg [dreg:$0x1];
	p0 =	sne.s32 s2, $0x0  }
0x161: {  	s3 =	rddreg [dreg:$0x2];
	[bflag:$0x3] =	sbarrier.arrive $0xFFFF;
	s2 =	simm.s32 @!p0 $0x1C05  }
0x162: {  	[timem:s3], [sflag:s2] =	dma.local @!p0 [hbm:s0], s1  }
0x163: {  	s0 =	simm.s32 @!p0 $0x5  }
0x164: {  	_ =	swait.ge @!p0 [sflag:s0], s1  }
0x165: {  	s1 =	ssub.s32 @!p0 $0x0, s1;
	[sflag:s0] =	ssyncset.done @!p0 $0x0  }
0x166: {  	[sflag:s0] =	ssyncadd.s32 @!p0 s1  }
0x167: {  	[bflag:$0x3] =	sbarrier.arrive $0xFFFF  }
0x168: {  	_ =	shalt  }

</sc_bundles>
